<compile_context>
chip_gen: v7x
topology: tpu7x:2x2x1
jax: 0.10.2.dev20260603
libtpu: 0.0.44.dev20260713+nightly
codegen_flags: <defaults>
</compile_context>

<pallas_src>
import math

import jax
import jax.numpy as jnp
from jax import lax
from jax.experimental import pallas as pl
from jax.experimental.pallas import tpu as pltpu
from jax.experimental.pallas import tpu_sc as plsc

_EMB = 32
_SCALE = math.sqrt(_EMB)
_NC, _NS = 2, 16
_NW = _NC * _NS
_SUB = 8
_LANE = 128


_RBC = 4


def _conv_body(tview_hbm, tlin_hbm, vin_v, rows_v, gsem, osem):
    wid = lax.axis_index("s") * _NC + lax.axis_index("c")
    nchunks = tview_hbm.shape[1] // _RBC
    nsteps = nchunks // _NW
    rows_pc = _RBC * _LANE
    iota = lax.iota(jnp.int32, 16)

    def fire_in(t, b):
        for eg in range(4):
            pltpu.async_copy(tview_hbm.at[eg, pl.ds((wid + t * _NW) * _RBC,
                                                    _RBC)],
                             vin_v.at[b, eg], gsem)

    def wait_in(b):
        for eg in range(4):
            pltpu.make_async_copy(tview_hbm.at[eg, pl.ds(0, _RBC)],
                                  vin_v.at[b, eg], gsem).wait()

    def out_desc(t, b):
        return pltpu.make_async_copy(
            rows_v.at[b],
            tlin_hbm.at[pl.ds((wid + t * _NW) * rows_pc, rows_pc)], osem)

    def process(t, b):
        @pl.when(t >= 2)
        def _():
            out_desc(t - 2, b).wait()
        wait_in(b)

        @plsc.parallel_loop(0, _EMB * 8 * _RBC, unroll=16)
        def _(i):
            rbase = (i >> 5) * 16
            e0 = i & 31
            bvec = iota + (rbase & 127)
            evec = (iota + e0) & 31
            rr = jnp.broadcast_to(i >> 8, (16,))
            v = plsc.load_gather(vin_v.at[b],
                                 [evec >> 3, rr, evec & 7, bvec])
            plsc.store_scatter(rows_v.at[b], [iota + rbase, evec],
                               v * _SCALE)
        out_desc(t, b).start()

    fire_in(0, 0)

    @pl.loop(0, nsteps // 2)
    def _(p):
        t0 = 2 * p
        fire_in(t0 + 1, 1)
        process(t0, 0)

        @pl.when(t0 + 2 < nsteps)
        def _():
            fire_in(t0 + 2, 0)
        process(t0 + 1, 1)

    out_desc(nsteps - 2, 0).wait()
    out_desc(nsteps - 1, 1).wait()


def _body(idx_hbm, table_hbm, out_hbm, idx_v, rows_v, trans_v, gsem, osem):
    wid = lax.axis_index("s") * _NC + lax.axis_index("c")
    steps = idx_hbm.shape[0]
    iota = lax.iota(jnp.int32, 16)

    def load_idx(g, b):
        pltpu.sync_copy(idx_hbm.at[g, wid], idx_v.at[b])

    def fire_gather(b):
        for s in range(_SUB):
            pltpu.async_copy(table_hbm.at[idx_v.at[b, s]],
                             rows_v.at[b, s], gsem)

    def out_desc(g, h):
        return pltpu.make_async_copy(
            trans_v.at[h],
            out_hbm.at[pl.ds(_SUB * g + 4 * h, 4), :, wid], osem)

    def process(g, b):
        for h in range(2):
            @pl.when(g > 0)
            def _():
                out_desc(g - 1, h).wait()

            @pl.loop(0, _SUB // 2)
            def _(sl):
                s = 4 * h + sl
                pltpu.make_async_copy(table_hbm.at[idx_v.at[b, s]],
                                      rows_v.at[b, s], gsem).wait()
                rows = rows_v.at[b, s]

                @plsc.parallel_loop(0, _EMB * 8, unroll=16)
                def _(i):
                    b0 = (i >> 5) * 16
                    e0 = i & 31
                    bvec = iota + b0
                    evec = (iota + e0) & 31
                    v = plsc.load_gather(rows, [bvec, evec])
                    plsc.store_scatter(trans_v.at[h, sl],
                                       [evec >> 3, evec & 7, bvec], v)
            out_desc(g, h).start()

    load_idx(0, 0)
    fire_gather(0)

    @pl.loop(0, (steps + 1) // 2)
    def _(t):
        g0 = 2 * t
        @pl.when(g0 + 1 < steps)
        def _():
            load_idx(g0 + 1, 1)
            fire_gather(1)
        process(g0, 0)

        @pl.when(g0 + 1 < steps)
        def _():
            @pl.when(g0 + 2 < steps)
            def _():
                load_idx(g0 + 2, 0)
                fire_gather(0)
            process(g0 + 1, 1)

    out_desc(steps - 1, 0).wait()
    out_desc(steps - 1, 1).wait()


_MESH = dict(core_axis_name="c", subcore_axis_name="s",
             num_cores=_NC, num_subcores=_NS)
_PARAMS = dict(use_tc_tiling_on_sc=False, needs_layout_passes=False)


@jax.jit
def _run(tview, idx4d):
    nvp = tview.shape[1] * _LANE
    na = idx4d.shape[0]

    conv = pl.kernel(
        _conv_body,
        out_type=jax.ShapeDtypeStruct((nvp, _EMB), jnp.float32),
        mesh=plsc.VectorSubcoreMesh(**_MESH),
        compiler_params=pltpu.CompilerParams(**_PARAMS),
        scratch_types=[
            pltpu.VMEM((2, 4, _RBC, 8, _LANE), jnp.float32),
            pltpu.VMEM((2, _RBC * _LANE, _EMB), jnp.float32),
            pltpu.SemaphoreType.DMA,
            pltpu.SemaphoreType.DMA,
        ],
    )
    tlin = conv(tview)

    gather = pl.kernel(
        _body,
        out_type=jax.ShapeDtypeStruct(
            (na * _SUB, _EMB // 8, _NW, 8, _LANE), jnp.float32),
        mesh=plsc.VectorSubcoreMesh(**_MESH),
        compiler_params=pltpu.CompilerParams(**_PARAMS),
        scratch_types=[
            pltpu.VMEM((2, _SUB, _LANE), jnp.int32),
            pltpu.VMEM((2, _SUB, _LANE, _EMB), jnp.float32),
            pltpu.VMEM((2, _SUB // 2, _EMB // 8, 8, _LANE), jnp.float32),
            pltpu.SemaphoreType.DMA,
            pltpu.SemaphoreType.DMA,
        ],
    )
    return gather(idx4d, tlin)


def kernel(tokens, table):
    bsz, seq = tokens.shape
    na, nb = seq // _SUB, bsz // _LANE
    vocab = table.shape[0]
    grp = _LANE * _RBC * _NW
    nrb = (-(-vocab // grp) * grp) // _LANE
    tv = (jnp.transpose(tokens.astype(jnp.int32))
          .reshape(na, _SUB, nb, _LANE).transpose(0, 2, 1, 3))
    tpad = jnp.pad(table, ((0, nrb * _LANE - vocab), (0, 0)))
    tview = (jnp.transpose(tpad)
             .reshape(_EMB // 8, 8, nrb, _LANE).transpose(0, 2, 1, 3))
    lin = _run(tview, tv)
    return lin.transpose(2, 4, 0, 1, 3).reshape(bsz, seq, _EMB)

# --- scband reference (transcript-rebuilt; emitter-appended) ---
"""Pipeline reference for scband-kmer-embedding-1099511628234 (READ-ONLY COPY).

The authoritative reference and input builder live on the scoring server;
editing this copy changes nothing except your own understanding.
"""

import jax, jax.numpy as jnp
import numpy as np
import math

VOCAB = 1000000
EMB = 32

def setup_inputs(seed: int = 0) -> dict:
    key = jax.random.key(seed)
    k1, k2 = jax.random.split(key)
    tokens = jax.random.randint(k1, (4096, 200), 0, VOCAB, dtype=jnp.int64)
    table = jax.random.normal(k2, (VOCAB, EMB), dtype=jnp.float32)
    return {"tokens": tokens, "table": table}

def reference(tokens, table):
    # KmerEmbedding.forward: embedding lookup scaled by sqrt(emb_size)
    emb = jnp.take(table, tokens.astype(jnp.int32), axis=0)
    return emb * math.sqrt(EMB)

if __name__ == "__main__":
    import jax
    _d = setup_inputs()
    print(jax.jit(kernel)(*tuple(_d.values())))

</pallas_src>

<mosaic_0001>
#map = affine_map<(d0, d1) -> (0, 0, 0, 0)>
#map1 = affine_map<(d0, d1) -> (0, 0)>
module attributes {stable_mosaic.version = 14 : i64} {
  func.func @_conv_body(%arg0: i32, %arg1: i32, %arg2: memref<4x7936x8x128xf32, #tpu.memory_space<hbm>>, %arg3: memref<1015808x32xf32, #tpu.memory_space<hbm>>, %arg4: memref<2x4x4x8x128xf32, #tpu.memory_space<vmem>>, %arg5: memref<2x512x32xf32, #tpu.memory_space<vmem>>, %arg6: memref<!tpu.dma_semaphore, #tpu.memory_space<semaphore_mem>>, %arg7: memref<!tpu.dma_semaphore, #tpu.memory_space<semaphore_mem>>) attributes {dimension_semantics = [#tpu.dimension_semantics<core_parallel>, #tpu.dimension_semantics<subcore_parallel>], iteration_bounds = array<i64: 2, 16>, scalar_prefetch = 0 : i64, scratch_operands = 4 : i64, tpu.core_type = #tpu.core_type<sc_vector_subcore>, window_params = [{transform_indices = #map}, {transform_indices = #map1}]} {
    %mul3A = arith.constant 2 : i32
    %mul3A_0 = arith.muli %arg1, %mul3A : i32
    %add3A = arith.addi %mul3A_0, %arg0 : i32
    %iota3A = tpu.iota {dimensions = array<i32: 0>} : vector<16xi32>
    %add3A_1 = arith.constant 0 : i32
    %add3A_2 = arith.addi %add3A, %add3A_1 : i32
    %mul3A_3 = arith.constant 4 : i32
    %mul3A_4 = arith.muli %add3A_2, %mul3A_3 : i32
    %dma_start3A = arith.constant 0 : i32
    %dma_start3A_5 = arith.constant 0 : i32
    %dma_start3A_6 = arith.constant 0 : i32
    %dma_start3A_7 = arith.constant 0 : i32
    %dma_start3A_8 = arith.constant 0 : i32
    %dma_start3A_9 = arith.constant 0 : i32
    %dma_start3A_10 = tpu.memref_slice %arg4[%dma_start3A_5, %dma_start3A_6, %dma_start3A_7, %dma_start3A_8, %dma_start3A_9] : memref<2x4x4x8x128xf32, #tpu.memory_space<vmem>> -> memref<1x1x4x8x128xf32, #tpu.memory_space<vmem>>
    %dma_start3A_11 = tpu.memref_squeeze %dma_start3A_10 : memref<1x1x4x8x128xf32, #tpu.memory_space<vmem>> -> memref<4x8x128xf32, #tpu.memory_space<vmem>>
    %dma_start3A_12 = arith.constant 0 : i32
    %dma_start3A_13 = arith.constant 0 : i32
    %dma_start3A_14 = tpu.memref_slice %arg2[%dma_start3A, %mul3A_4, %dma_start3A_12, %dma_start3A_13] : memref<4x7936x8x128xf32, #tpu.memory_space<hbm>> -> memref<1x4x8x128xf32, #tpu.memory_space<hbm>>
    %dma_start3A_15 = tpu.memref_squeeze %dma_start3A_14 : memref<1x4x8x128xf32, #tpu.memory_space<hbm>> -> memref<4x8x128xf32, #tpu.memory_space<hbm>>
    %dma_start3A_16 = arith.constant 0 : i32
    %dma_start3A_17 = arith.constant 0 : i32
    %dma_start3A_18 = arith.constant 0 : i32
    %dma_start3A_19 = tpu.memref_slice %arg4[%dma_start3A_5, %dma_start3A_6, %dma_start3A_16, %dma_start3A_17, %dma_start3A_18] : memref<2x4x4x8x128xf32, #tpu.memory_space<vmem>> -> memref<1x1x4x8x128xf32, #tpu.memory_space<vmem>>
    %dma_start3A_20 = tpu.memref_squeeze %dma_start3A_19 : memref<1x1x4x8x128xf32, #tpu.memory_space<vmem>> -> memref<4x8x128xf32, #tpu.memory_space<vmem>>
    %dma_start3A_21 = arith.constant 0 : i32
    %dma_start3A_22 = arith.constant 0 : i32
    %dma_start3A_23 = tpu.memref_slice %arg2[%dma_start3A, %mul3A_4, %dma_start3A_21, %dma_start3A_22] : memref<4x7936x8x128xf32, #tpu.memory_space<hbm>> -> memref<1x4x8x128xf32, #tpu.memory_space<hbm>>
    %dma_start3A_24 = tpu.memref_squeeze %dma_start3A_23 : memref<1x4x8x128xf32, #tpu.memory_space<hbm>> -> memref<4x8x128xf32, #tpu.memory_space<hbm>>
    tpu.enqueue_dma source(%dma_start3A_24 : memref<4x8x128xf32, #tpu.memory_space<hbm>>) target(%dma_start3A_20 : memref<4x8x128xf32, #tpu.memory_space<vmem>>) target_semaphore(%arg6 : memref<!tpu.dma_semaphore, #tpu.memory_space<semaphore_mem>>)
    %add3A_25 = arith.constant 0 : i32
    %add3A_26 = arith.addi %add3A, %add3A_25 : i32
    %mul3A_27 = arith.constant 4 : i32
    %mul3A_28 = arith.muli %add3A_26, %mul3A_27 : i32
    %dma_start3A_29 = arith.constant 1 : i32
    %dma_start3A_30 = arith.constant 0 : i32
    %dma_start3A_31 = arith.constant 1 : i32
    %dma_start3A_32 = arith.constant 0 : i32
    %dma_start3A_33 = arith.constant 0 : i32
    %dma_start3A_34 = arith.constant 0 : i32
    %dma_start3A_35 = tpu.memref_slice %arg4[%dma_start3A_30, %dma_start3A_31, %dma_start3A_32, %dma_start3A_33, %dma_start3A_34] : memref<2x4x4x8x128xf32, #tpu.memory_space<vmem>> -> memref<1x1x4x8x128xf32, #tpu.memory_space<vmem>>
    %dma_start3A_36 = tpu.memref_squeeze %dma_start3A_35 : memref<1x1x4x8x128xf32, #tpu.memory_space<vmem>> -> memref<4x8x128xf32, #tpu.memory_space<vmem>>
    %dma_start3A_37 = arith.constant 0 : i32
    %dma_start3A_38 = arith.constant 0 : i32
    %dma_start3A_39 = tpu.memref_slice %arg2[%dma_start3A_29, %mul3A_28, %dma_start3A_37, %dma_start3A_38] : memref<4x7936x8x128xf32, #tpu.memory_space<hbm>> -> memref<1x4x8x128xf32, #tpu.memory_space<hbm>>
    %dma_start3A_40 = tpu.memref_squeeze %dma_start3A_39 : memref<1x4x8x128xf32, #tpu.memory_space<hbm>> -> memref<4x8x128xf32, #tpu.memory_space<hbm>>
    %dma_start3A_41 = arith.constant 0 : i32
    %dma_start3A_42 = arith.constant 0 : i32
    %dma_start3A_43 = arith.constant 0 : i32
    %dma_start3A_44 = tpu.memref_slice %arg4[%dma_start3A_30, %dma_start3A_31, %dma_start3A_41, %dma_start3A_42, %dma_start3A_43] : memref<2x4x4x8x128xf32, #tpu.memory_space<vmem>> -> memref<1x1x4x8x128xf32, #tpu.memory_space<vmem>>
    %dma_start3A_45 = tpu.memref_squeeze %dma_start3A_44 : memref<1x1x4x8x128xf32, #tpu.memory_space<vmem>> -> memref<4x8x128xf32, #tpu.memory_space<vmem>>
    %dma_start3A_46 = arith.constant 0 : i32
    %dma_start3A_47 = arith.constant 0 : i32
    %dma_start3A_48 = tpu.memref_slice %arg2[%dma_start3A_29, %mul3A_28, %dma_start3A_46, %dma_start3A_47] : memref<4x7936x8x128xf32, #tpu.memory_space<hbm>> -> memref<1x4x8x128xf32, #tpu.memory_space<hbm>>
    %dma_start3A_49 = tpu.memref_squeeze %dma_start3A_48 : memref<1x4x8x128xf32, #tpu.memory_space<hbm>> -> memref<4x8x128xf32, #tpu.memory_space<hbm>>
    tpu.enqueue_dma source(%dma_start3A_49 : memref<4x8x128xf32, #tpu.memory_space<hbm>>) target(%dma_start3A_45 : memref<4x8x128xf32, #tpu.memory_space<vmem>>) target_semaphore(%arg6 : memref<!tpu.dma_semaphore, #tpu.memory_space<semaphore_mem>>)
    %add3A_50 = arith.constant 0 : i32
    %add3A_51 = arith.addi %add3A, %add3A_50 : i32
    %mul3A_52 = arith.constant 4 : i32
    %mul3A_53 = arith.muli %add3A_51, %mul3A_52 : i32
    %dma_start3A_54 = arith.constant 2 : i32
    %dma_start3A_55 = arith.constant 0 : i32
    %dma_start3A_56 = arith.constant 2 : i32
    %dma_start3A_57 = arith.constant 0 : i32
    %dma_start3A_58 = arith.constant 0 : i32
    %dma_start3A_59 = arith.constant 0 : i32
    %dma_start3A_60 = tpu.memref_slice %arg4[%dma_start3A_55, %dma_start3A_56, %dma_start3A_57, %dma_start3A_58, %dma_start3A_59] : memref<2x4x4x8x128xf32, #tpu.memory_space<vmem>> -> memref<1x1x4x8x128xf32, #tpu.memory_space<vmem>>
    %dma_start3A_61 = tpu.memref_squeeze %dma_start3A_60 : memref<1x1x4x8x128xf32, #tpu.memory_space<vmem>> -> memref<4x8x128xf32, #tpu.memory_space<vmem>>
    %dma_start3A_62 = arith.constant 0 : i32
    %dma_start3A_63 = arith.constant 0 : i32
    %dma_start3A_64 = tpu.memref_slice %arg2[%dma_start3A_54, %mul3A_53, %dma_start3A_62, %dma_start3A_63] : memref<4x7936x8x128xf32, #tpu.memory_space<hbm>> -> memref<1x4x8x128xf32, #tpu.memory_space<hbm>>
    %dma_start3A_65 = tpu.memref_squeeze %dma_start3A_64 : memref<1x4x8x128xf32, #tpu.memory_space<hbm>> -> memref<4x8x128xf32, #tpu.memory_space<hbm>>
    %dma_start3A_66 = arith.constant 0 : i32
    %dma_start3A_67 = arith.constant 0 : i32
    %dma_start3A_68 = arith.constant 0 : i32
    %dma_start3A_69 = tpu.memref_slice %arg4[%dma_start3A_55, %dma_start3A_56, %dma_start3A_66, %dma_start3A_67, %dma_start3A_68] : memref<2x4x4x8x128xf32, #tpu.memory_space<vmem>> -> memref<1x1x4x8x128xf32, #tpu.memory_space<vmem>>
    %dma_start3A_70 = tpu.memref_squeeze %dma_start3A_69 : memref<1x1x4x8x128xf32, #tpu.memory_space<vmem>> -> memref<4x8x128xf32, #tpu.memory_space<vmem>>
    %dma_start3A_71 = arith.constant 0 : i32
    %dma_start3A_72 = arith.constant 0 : i32
    %dma_start3A_73 = tpu.memref_slice %arg2[%dma_start3A_54, %mul3A_53, %dma_start3A_71, %dma_start3A_72] : memref<4x7936x8x128xf32, #tpu.memory_space<hbm>> -> memref<1x4x8x128xf32, #tpu.memory_space<hbm>>
    %dma_start3A_74 = tpu.memref_squeeze %dma_start3A_73 : memref<1x4x8x128xf32, #tpu.memory_space<hbm>> -> memref<4x8x128xf32, #tpu.memory_space<hbm>>
    tpu.enqueue_dma source(%dma_start3A_74 : memref<4x8x128xf32, #tpu.memory_space<hbm>>) target(%dma_start3A_70 : memref<4x8x128xf32, #tpu.memory_space<vmem>>) target_semaphore(%arg6 : memref<!tpu.dma_semaphore, #tpu.memory_space<semaphore_mem>>)
    %add3A_75 = arith.constant 0 : i32
    %add3A_76 = arith.addi %add3A, %add3A_75 : i32
    %mul3A_77 = arith.constant 4 : i32
    %mul3A_78 = arith.muli %add3A_76, %mul3A_77 : i32
    %dma_start3A_79 = arith.constant 3 : i32
    %dma_start3A_80 = arith.constant 0 : i32
    %dma_start3A_81 = arith.constant 3 : i32
    %dma_start3A_82 = arith.constant 0 : i32
    %dma_start3A_83 = arith.constant 0 : i32
    %dma_start3A_84 = arith.constant 0 : i32
    %dma_start3A_85 = tpu.memref_slice %arg4[%dma_start3A_80, %dma_start3A_81, %dma_start3A_82, %dma_start3A_83, %dma_start3A_84] : memref<2x4x4x8x128xf32, #tpu.memory_space<vmem>> -> memref<1x1x4x8x128xf32, #tpu.memory_space<vmem>>
    %dma_start3A_86 = tpu.memref_squeeze %dma_start3A_85 : memref<1x1x4x8x128xf32, #tpu.memory_space<vmem>> -> memref<4x8x128xf32, #tpu.memory_space<vmem>>
    %dma_start3A_87 = arith.constant 0 : i32
    %dma_start3A_88 = arith.constant 0 : i32
    %dma_start3A_89 = tpu.memref_slice %arg2[%dma_start3A_79, %mul3A_78, %dma_start3A_87, %dma_start3A_88] : memref<4x7936x8x128xf32, #tpu.memory_space<hbm>> -> memref<1x4x8x128xf32, #tpu.memory_space<hbm>>
    %dma_start3A_90 = tpu.memref_squeeze %dma_start3A_89 : memref<1x4x8x128xf32, #tpu.memory_space<hbm>> -> memref<4x8x128xf32, #tpu.memory_space<hbm>>
    %dma_start3A_91 = arith.constant 0 : i32
    %dma_start3A_92 = arith.constant 0 : i32
    %dma_start3A_93 = arith.constant 0 : i32
    %dma_start3A_94 = tpu.memref_slice %arg4[%dma_start3A_80, %dma_start3A_81, %dma_start3A_91, %dma_start3A_92, %dma_start3A_93] : memref<2x4x4x8x128xf32, #tpu.memory_space<vmem>> -> memref<1x1x4x8x128xf32, #tpu.memory_space<vmem>>
    %dma_start3A_95 = tpu.memref_squeeze %dma_start3A_94 : memref<1x1x4x8x128xf32, #tpu.memory_space<vmem>> -> memref<4x8x128xf32, #tpu.memory_space<vmem>>
    %dma_start3A_96 = arith.constant 0 : i32
    %dma_start3A_97 = arith.constant 0 : i32
    %dma_start3A_98 = tpu.memref_slice %arg2[%dma_start3A_79, %mul3A_78, %dma_start3A_96, %dma_start3A_97] : memref<4x7936x8x128xf32, #tpu.memory_space<hbm>> -> memref<1x4x8x128xf32, #tpu.memory_space<hbm>>
    %dma_start3A_99 = tpu.memref_squeeze %dma_start3A_98 : memref<1x4x8x128xf32, #tpu.memory_space<hbm>> -> memref<4x8x128xf32, #tpu.memory_space<hbm>>
    tpu.enqueue_dma source(%dma_start3A_99 : memref<4x8x128xf32, #tpu.memory_space<hbm>>) target(%dma_start3A_95 : memref<4x8x128xf32, #tpu.memory_space<vmem>>) target_semaphore(%arg6 : memref<!tpu.dma_semaphore, #tpu.memory_space<semaphore_mem>>)
    %scan3A = arith.constant 0 : i32
    %scan3A_100 = arith.constant 31 : i32
    %scan3A_101 = arith.addi %scan3A, %scan3A_100 : i32
    %scan3A_102 = arith.constant 1 : i32
    scf.for %scan3A_137 = %scan3A to %scan3A_101 step %scan3A_102  : i32 {
      %mul3A_138 = arith.constant 1 : i32
      %mul3A_139 = arith.muli %scan3A_137, %mul3A_138 : i32
      %add3A_140 = arith.constant 0 : i32
      %add3A_141 = arith.addi %add3A_140, %mul3A_139 : i32
      %mul3A_142 = arith.constant 2 : i32
      %mul3A_143 = arith.muli %mul3A_142, %add3A_141 : i32
      %add3A_144 = arith.constant 1 : i32
      %add3A_145 = arith.addi %mul3A_143, %add3A_144 : i32
      %mul3A_146 = arith.constant 32 : i32
      %mul3A_147 = arith.muli %add3A_145, %mul3A_146 : i32
      %add3A_148 = arith.addi %add3A, %mul3A_147 : i32
      %mul3A_149 = arith.constant 4 : i32
      %mul3A_150 = arith.muli %add3A_148, %mul3A_149 : i32
      %dma_start3A_151 = arith.constant 0 : i32
      %dma_start3A_152 = arith.constant 1 : i32
      %dma_start3A_153 = arith.constant 0 : i32
      %dma_start3A_154 = arith.constant 0 : i32
      %dma_start3A_155 = arith.constant 0 : i32
      %dma_start3A_156 = arith.constant 0 : i32
      %dma_start3A_157 = tpu.memref_slice %arg4[%dma_start3A_152, %dma_start3A_153, %dma_start3A_154, %dma_start3A_155, %dma_start3A_156] : memref<2x4x4x8x128xf32, #tpu.memory_space<vmem>> -> memref<1x1x4x8x128xf32, #tpu.memory_space<vmem>>
      %dma_start3A_158 = tpu.memref_squeeze %dma_start3A_157 : memref<1x1x4x8x128xf32, #tpu.memory_space<vmem>> -> memref<4x8x128xf32, #tpu.memory_space<vmem>>
      %dma_start3A_159 = arith.constant 0 : i32
      %dma_start3A_160 = arith.constant 0 : i32
      %dma_start3A_161 = tpu.memref_slice %arg2[%dma_start3A_151, %mul3A_150, %dma_start3A_159, %dma_start3A_160] : memref<4x7936x8x128xf32, #tpu.memory_space<hbm>> -> memref<1x4x8x128xf32, #tpu.memory_space<hbm>>
      %dma_start3A_162 = tpu.memref_squeeze %dma_start3A_161 : memref<1x4x8x128xf32, #tpu.memory_space<hbm>> -> memref<4x8x128xf32, #tpu.memory_space<hbm>>
      %dma_start3A_163 = arith.constant 0 : i32
      %dma_start3A_164 = arith.constant 0 : i32
      %dma_start3A_165 = arith.constant 0 : i32
      %dma_start3A_166 = tpu.memref_slice %arg4[%dma_start3A_152, %dma_start3A_153, %dma_start3A_163, %dma_start3A_164, %dma_start3A_165] : memref<2x4x4x8x128xf32, #tpu.memory_space<vmem>> -> memref<1x1x4x8x128xf32, #tpu.memory_space<vmem>>
      %dma_start3A_167 = tpu.memref_squeeze %dma_start3A_166 : memref<1x1x4x8x128xf32, #tpu.memory_space<vmem>> -> memref<4x8x128xf32, #tpu.memory_space<vmem>>
      %dma_start3A_168 = arith.constant 0 : i32
      %dma_start3A_169 = arith.constant 0 : i32
      %dma_start3A_170 = tpu.memref_slice %arg2[%dma_start3A_151, %mul3A_150, %dma_start3A_168, %dma_start3A_169] : memref<4x7936x8x128xf32, #tpu.memory_space<hbm>> -> memref<1x4x8x128xf32, #tpu.memory_space<hbm>>
      %dma_start3A_171 = tpu.memref_squeeze %dma_start3A_170 : memref<1x4x8x128xf32, #tpu.memory_space<hbm>> -> memref<4x8x128xf32, #tpu.memory_space<hbm>>
      tpu.enqueue_dma source(%dma_start3A_171 : memref<4x8x128xf32, #tpu.memory_space<hbm>>) target(%dma_start3A_167 : memref<4x8x128xf32, #tpu.memory_space<vmem>>) target_semaphore(%arg6 : memref<!tpu.dma_semaphore, #tpu.memory_space<semaphore_mem>>)
      %mul3A_172 = arith.constant 32 : i32
      %mul3A_173 = arith.muli %add3A_145, %mul3A_172 : i32
      %add3A_174 = arith.addi %add3A, %mul3A_173 : i32
      %mul3A_175 = arith.constant 4 : i32
      %mul3A_176 = arith.muli %add3A_174, %mul3A_175 : i32
      %dma_start3A_177 = arith.constant 1 : i32
      %dma_start3A_178 = arith.constant 1 : i32
      %dma_start3A_179 = arith.constant 1 : i32
      %dma_start3A_180 = arith.constant 0 : i32
      %dma_start3A_181 = arith.constant 0 : i32
      %dma_start3A_182 = arith.constant 0 : i32
      %dma_start3A_183 = tpu.memref_slice %arg4[%dma_start3A_178, %dma_start3A_179, %dma_start3A_180, %dma_start3A_181, %dma_start3A_182] : memref<2x4x4x8x128xf32, #tpu.memory_space<vmem>> -> memref<1x1x4x8x128xf32, #tpu.memory_space<vmem>>
      %dma_start3A_184 = tpu.memref_squeeze %dma_start3A_183 : memref<1x1x4x8x128xf32, #tpu.memory_space<vmem>> -> memref<4x8x128xf32, #tpu.memory_space<vmem>>
      %dma_start3A_185 = arith.constant 0 : i32
      %dma_start3A_186 = arith.constant 0 : i32
      %dma_start3A_187 = tpu.memref_slice %arg2[%dma_start3A_177, %mul3A_176, %dma_start3A_185, %dma_start3A_186] : memref<4x7936x8x128xf32, #tpu.memory_space<hbm>> -> memref<1x4x8x128xf32, #tpu.memory_space<hbm>>
      %dma_start3A_188 = tpu.memref_squeeze %dma_start3A_187 : memref<1x4x8x128xf32, #tpu.memory_space<hbm>> -> memref<4x8x128xf32, #tpu.memory_space<hbm>>
      %dma_start3A_189 = arith.constant 0 : i32
      %dma_start3A_190 = arith.constant 0 : i32
      %dma_start3A_191 = arith.constant 0 : i32
      %dma_start3A_192 = tpu.memref_slice %arg4[%dma_start3A_178, %dma_start3A_179, %dma_start3A_189, %dma_start3A_190, %dma_start3A_191] : memref<2x4x4x8x128xf32, #tpu.memory_space<vmem>> -> memref<1x1x4x8x128xf32, #tpu.memory_space<vmem>>
      %dma_start3A_193 = tpu.memref_squeeze %dma_start3A_192 : memref<1x1x4x8x128xf32, #tpu.memory_space<vmem>> -> memref<4x8x128xf32, #tpu.memory_space<vmem>>
      %dma_start3A_194 = arith.constant 0 : i32
      %dma_start3A_195 = arith.constant 0 : i32
      %dma_start3A_196 = tpu.memref_slice %arg2[%dma_start3A_177, %mul3A_176, %dma_start3A_194, %dma_start3A_195] : memref<4x7936x8x128xf32, #tpu.memory_space<hbm>> -> memref<1x4x8x128xf32, #tpu.memory_space<hbm>>
      %dma_start3A_197 = tpu.memref_squeeze %dma_start3A_196 : memref<1x4x8x128xf32, #tpu.memory_space<hbm>> -> memref<4x8x128xf32, #tpu.memory_space<hbm>>
      tpu.enqueue_dma source(%dma_start3A_197 : memref<4x8x128xf32, #tpu.memory_space<hbm>>) target(%dma_start3A_193 : memref<4x8x128xf32, #tpu.memory_space<vmem>>) target_semaphore(%arg6 : memref<!tpu.dma_semaphore, #tpu.memory_space<semaphore_mem>>)
      %mul3A_198 = arith.constant 32 : i32
      %mul3A_199 = arith.muli %add3A_145, %mul3A_198 : i32
      %add3A_200 = arith.addi %add3A, %mul3A_199 : i32
      %mul3A_201 = arith.constant 4 : i32
      %mul3A_202 = arith.muli %add3A_200, %mul3A_201 : i32
      %dma_start3A_203 = arith.constant 2 : i32
      %dma_start3A_204 = arith.constant 1 : i32
      %dma_start3A_205 = arith.constant 2 : i32
      %dma_start3A_206 = arith.constant 0 : i32
      %dma_start3A_207 = arith.constant 0 : i32
      %dma_start3A_208 = arith.constant 0 : i32
      %dma_start3A_209 = tpu.memref_slice %arg4[%dma_start3A_204, %dma_start3A_205, %dma_start3A_206, %dma_start3A_207, %dma_start3A_208] : memref<2x4x4x8x128xf32, #tpu.memory_space<vmem>> -> memref<1x1x4x8x128xf32, #tpu.memory_space<vmem>>
      %dma_start3A_210 = tpu.memref_squeeze %dma_start3A_209 : memref<1x1x4x8x128xf32, #tpu.memory_space<vmem>> -> memref<4x8x128xf32, #tpu.memory_space<vmem>>
      %dma_start3A_211 = arith.constant 0 : i32
      %dma_start3A_212 = arith.constant 0 : i32
      %dma_start3A_213 = tpu.memref_slice %arg2[%dma_start3A_203, %mul3A_202, %dma_start3A_211, %dma_start3A_212] : memref<4x7936x8x128xf32, #tpu.memory_space<hbm>> -> memref<1x4x8x128xf32, #tpu.memory_space<hbm>>
      %dma_start3A_214 = tpu.memref_squeeze %dma_start3A_213 : memref<1x4x8x128xf32, #tpu.memory_space<hbm>> -> memref<4x8x128xf32, #tpu.memory_space<hbm>>
      %dma_start3A_215 = arith.constant 0 : i32
      %dma_start3A_216 = arith.constant 0 : i32
      %dma_start3A_217 = arith.constant 0 : i32
      %dma_start3A_218 = tpu.memref_slice %arg4[%dma_start3A_204, %dma_start3A_205, %dma_start3A_215, %dma_start3A_216, %dma_start3A_217] : memref<2x4x4x8x128xf32, #tpu.memory_space<vmem>> -> memref<1x1x4x8x128xf32, #tpu.memory_space<vmem>>
      %dma_start3A_219 = tpu.memref_squeeze %dma_start3A_218 : memref<1x1x4x8x128xf32, #tpu.memory_space<vmem>> -> memref<4x8x128xf32, #tpu.memory_space<vmem>>
      %dma_start3A_220 = arith.constant 0 : i32
      %dma_start3A_221 = arith.constant 0 : i32
      %dma_start3A_222 = tpu.memref_slice %arg2[%dma_start3A_203, %mul3A_202, %dma_start3A_220, %dma_start3A_221] : memref<4x7936x8x128xf32, #tpu.memory_space<hbm>> -> memref<1x4x8x128xf32, #tpu.memory_space<hbm>>
      %dma_start3A_223 = tpu.memref_squeeze %dma_start3A_222 : memref<1x4x8x128xf32, #tpu.memory_space<hbm>> -> memref<4x8x128xf32, #tpu.memory_space<hbm>>
      tpu.enqueue_dma source(%dma_start3A_223 : memref<4x8x128xf32, #tpu.memory_space<hbm>>) target(%dma_start3A_219 : memref<4x8x128xf32, #tpu.memory_space<vmem>>) target_semaphore(%arg6 : memref<!tpu.dma_semaphore, #tpu.memory_space<semaphore_mem>>)
      %mul3A_224 = arith.constant 32 : i32
      %mul3A_225 = arith.muli %add3A_145, %mul3A_224 : i32
      %add3A_226 = arith.addi %add3A, %mul3A_225 : i32
      %mul3A_227 = arith.constant 4 : i32
      %mul3A_228 = arith.muli %add3A_226, %mul3A_227 : i32
      %dma_start3A_229 = arith.constant 3 : i32
      %dma_start3A_230 = arith.constant 1 : i32
      %dma_start3A_231 = arith.constant 3 : i32
      %dma_start3A_232 = arith.constant 0 : i32
      %dma_start3A_233 = arith.constant 0 : i32
      %dma_start3A_234 = arith.constant 0 : i32
      %dma_start3A_235 = tpu.memref_slice %arg4[%dma_start3A_230, %dma_start3A_231, %dma_start3A_232, %dma_start3A_233, %dma_start3A_234] : memref<2x4x4x8x128xf32, #tpu.memory_space<vmem>> -> memref<1x1x4x8x128xf32, #tpu.memory_space<vmem>>
      %dma_start3A_236 = tpu.memref_squeeze %dma_start3A_235 : memref<1x1x4x8x128xf32, #tpu.memory_space<vmem>> -> memref<4x8x128xf32, #tpu.memory_space<vmem>>
      %dma_start3A_237 = arith.constant 0 : i32
      %dma_start3A_238 = arith.constant 0 : i32
      %dma_start3A_239 = tpu.memref_slice %arg2[%dma_start3A_229, %mul3A_228, %dma_start3A_237, %dma_start3A_238] : memref<4x7936x8x128xf32, #tpu.memory_space<hbm>> -> memref<1x4x8x128xf32, #tpu.memory_space<hbm>>
      %dma_start3A_240 = tpu.memref_squeeze %dma_start3A_239 : memref<1x4x8x128xf32, #tpu.memory_space<hbm>> -> memref<4x8x128xf32, #tpu.memory_space<hbm>>
      %dma_start3A_241 = arith.constant 0 : i32
      %dma_start3A_242 = arith.constant 0 : i32
      %dma_start3A_243 = arith.constant 0 : i32
      %dma_start3A_244 = tpu.memref_slice %arg4[%dma_start3A_230, %dma_start3A_231, %dma_start3A_241, %dma_start3A_242, %dma_start3A_243] : memref<2x4x4x8x128xf32, #tpu.memory_space<vmem>> -> memref<1x1x4x8x128xf32, #tpu.memory_space<vmem>>
      %dma_start3A_245 = tpu.memref_squeeze %dma_start3A_244 : memref<1x1x4x8x128xf32, #tpu.memory_space<vmem>> -> memref<4x8x128xf32, #tpu.memory_space<vmem>>
      %dma_start3A_246 = arith.constant 0 : i32
      %dma_start3A_247 = arith.constant 0 : i32
      %dma_start3A_248 = tpu.memref_slice %arg2[%dma_start3A_229, %mul3A_228, %dma_start3A_246, %dma_start3A_247] : memref<4x7936x8x128xf32, #tpu.memory_space<hbm>> -> memref<1x4x8x128xf32, #tpu.memory_space<hbm>>
      %dma_start3A_249 = tpu.memref_squeeze %dma_start3A_248 : memref<1x4x8x128xf32, #tpu.memory_space<hbm>> -> memref<4x8x128xf32, #tpu.memory_space<hbm>>
      tpu.enqueue_dma source(%dma_start3A_249 : memref<4x8x128xf32, #tpu.memory_space<hbm>>) target(%dma_start3A_245 : memref<4x8x128xf32, #tpu.memory_space<vmem>>) target_semaphore(%arg6 : memref<!tpu.dma_semaphore, #tpu.memory_space<semaphore_mem>>)
      %ge3A = arith.constant 2 : i32
      %ge3A_250 = arith.cmpi sge, %mul3A_143, %ge3A : i32
      %convert_element_type3A = arith.extui %ge3A_250 : i1 to i32
      %cond3A = arith.constant 0 : i32
      %cond3A_251 = arith.cmpi ne, %convert_element_type3A, %cond3A : i32
      scf.if %cond3A_251 {
        %sub3A = arith.constant 2 : i32
        %sub3A_490 = arith.subi %mul3A_143, %sub3A : i32
        %mul3A_491 = arith.constant 32 : i32
        %mul3A_492 = arith.muli %sub3A_490, %mul3A_491 : i32
        %add3A_493 = arith.addi %add3A, %mul3A_492 : i32
        %mul3A_494 = arith.constant 512 : i32
        %mul3A_495 = arith.muli %add3A_493, %mul3A_494 : i32
        %dma_wait3A_496 = arith.constant 0 : i32
        %dma_wait3A_497 = arith.constant 0 : i32
        %dma_wait3A_498 = arith.constant 0 : i32
        %dma_wait3A_499 = tpu.memref_slice %arg5[%dma_wait3A_496, %dma_wait3A_497, %dma_wait3A_498] : memref<2x512x32xf32, #tpu.memory_space<vmem>> -> memref<1x512x32xf32, #tpu.memory_space<vmem>>
        %dma_wait3A_500 = tpu.memref_squeeze %dma_wait3A_499 : memref<1x512x32xf32, #tpu.memory_space<vmem>> -> memref<512x32xf32, #tpu.memory_space<vmem>>
        %dma_wait3A_501 = arith.constant 0 : i32
        %dma_wait3A_502 = tpu.memref_slice %arg3[%mul3A_495, %dma_wait3A_501] : memref<1015808x32xf32, #tpu.memory_space<hbm>> -> memref<512x32xf32, #tpu.memory_space<hbm>>
        %dma_wait3A_503 = arith.constant 0 : i32
        %dma_wait3A_504 = tpu.memref_slice %arg3[%mul3A_495, %dma_wait3A_503] : memref<1015808x32xf32, #tpu.memory_space<hbm>> -> memref<512x32xf32, #tpu.memory_space<hbm>>
        %dma_wait3A_505 = arith.constant 0 : i32
        %dma_wait3A_506 = arith.constant 0 : i32
        %dma_wait3A_507 = tpu.memref_slice %arg5[%dma_wait3A_496, %dma_wait3A_505, %dma_wait3A_506] : memref<2x512x32xf32, #tpu.memory_space<vmem>> -> memref<1x512x32xf32, #tpu.memory_space<vmem>>
        %dma_wait3A_508 = tpu.memref_squeeze %dma_wait3A_507 : memref<1x512x32xf32, #tpu.memory_space<vmem>> -> memref<512x32xf32, #tpu.memory_space<vmem>>
        tpu.wait_dma2 semaphore(%arg7 : memref<!tpu.dma_semaphore, #tpu.memory_space<semaphore_mem>>) src(%dma_wait3A_508 : memref<512x32xf32, #tpu.memory_space<vmem>>) dst(%dma_wait3A_504 : memref<512x32xf32, #tpu.memory_space<hbm>>)
      } else {
      }
      %dma_wait3A_252 = arith.constant 0 : i32
      %dma_wait3A_253 = arith.constant 0 : i32
      %dma_wait3A_254 = arith.constant 0 : i32
      %dma_wait3A_255 = arith.constant 0 : i32
      %dma_wait3A_256 = arith.constant 0 : i32
      %dma_wait3A_257 = arith.constant 0 : i32
      %dma_wait3A_258 = tpu.memref_slice %arg4[%dma_wait3A_253, %dma_wait3A_254, %dma_wait3A_255, %dma_wait3A_256, %dma_wait3A_257] : memref<2x4x4x8x128xf32, #tpu.memory_space<vmem>> -> memref<1x1x4x8x128xf32, #tpu.memory_space<vmem>>
      %dma_wait3A_259 = tpu.memref_squeeze %dma_wait3A_258 : memref<1x1x4x8x128xf32, #tpu.memory_space<vmem>> -> memref<4x8x128xf32, #tpu.memory_space<vmem>>
      %dma_wait3A_260 = arith.constant 0 : i32
      %dma_wait3A_261 = arith.constant 0 : i32
      %dma_wait3A_262 = arith.constant 0 : i32
      %dma_wait3A_263 = tpu.memref_slice %arg2[%dma_wait3A_252, %dma_wait3A_260, %dma_wait3A_261, %dma_wait3A_262] : memref<4x7936x8x128xf32, #tpu.memory_space<hbm>> -> memref<1x4x8x128xf32, #tpu.memory_space<hbm>>
      %dma_wait3A_264 = tpu.memref_squeeze %dma_wait3A_263 : memref<1x4x8x128xf32, #tpu.memory_space<hbm>> -> memref<4x8x128xf32, #tpu.memory_space<hbm>>
      %dma_wait3A_265 = arith.constant 0 : i32
      %dma_wait3A_266 = arith.constant 0 : i32
      %dma_wait3A_267 = arith.constant 0 : i32
      %dma_wait3A_268 = tpu.memref_slice %arg4[%dma_wait3A_253, %dma_wait3A_254, %dma_wait3A_265, %dma_wait3A_266, %dma_wait3A_267] : memref<2x4x4x8x128xf32, #tpu.memory_space<vmem>> -> memref<1x1x4x8x128xf32, #tpu.memory_space<vmem>>
      %dma_wait3A_269 = tpu.memref_squeeze %dma_wait3A_268 : memref<1x1x4x8x128xf32, #tpu.memory_space<vmem>> -> memref<4x8x128xf32, #tpu.memory_space<vmem>>
      %dma_wait3A_270 = arith.constant 0 : i32
      %dma_wait3A_271 = arith.constant 0 : i32
      %dma_wait3A_272 = arith.constant 0 : i32
      %dma_wait3A_273 = tpu.memref_slice %arg2[%dma_wait3A_252, %dma_wait3A_270, %dma_wait3A_271, %dma_wait3A_272] : memref<4x7936x8x128xf32, #tpu.memory_space<hbm>> -> memref<1x4x8x128xf32, #tpu.memory_space<hbm>>
      %dma_wait3A_274 = tpu.memref_squeeze %dma_wait3A_273 : memref<1x4x8x128xf32, #tpu.memory_space<hbm>> -> memref<4x8x128xf32, #tpu.memory_space<hbm>>
      tpu.wait_dma2 semaphore(%arg6 : memref<!tpu.dma_semaphore, #tpu.memory_space<semaphore_mem>>) src(%dma_wait3A_274 : memref<4x8x128xf32, #tpu.memory_space<hbm>>) dst(%dma_wait3A_269 : memref<4x8x128xf32, #tpu.memory_space<vmem>>)
      %dma_wait3A_275 = arith.constant 1 : i32
      %dma_wait3A_276 = arith.constant 0 : i32
      %dma_wait3A_277 = arith.constant 1 : i32
      %dma_wait3A_278 = arith.constant 0 : i32
      %dma_wait3A_279 = arith.constant 0 : i32
      %dma_wait3A_280 = arith.constant 0 : i32
      %dma_wait3A_281 = tpu.memref_slice %arg4[%dma_wait3A_276, %dma_wait3A_277, %dma_wait3A_278, %dma_wait3A_279, %dma_wait3A_280] : memref<2x4x4x8x128xf32, #tpu.memory_space<vmem>> -> memref<1x1x4x8x128xf32, #tpu.memory_space<vmem>>
      %dma_wait3A_282 = tpu.memref_squeeze %dma_wait3A_281 : memref<1x1x4x8x128xf32, #tpu.memory_space<vmem>> -> memref<4x8x128xf32, #tpu.memory_space<vmem>>
      %dma_wait3A_283 = arith.constant 0 : i32
      %dma_wait3A_284 = arith.constant 0 : i32
      %dma_wait3A_285 = arith.constant 0 : i32
      %dma_wait3A_286 = tpu.memref_slice %arg2[%dma_wait3A_275, %dma_wait3A_283, %dma_wait3A_284, %dma_wait3A_285] : memref<4x7936x8x128xf32, #tpu.memory_space<hbm>> -> memref<1x4x8x128xf32, #tpu.memory_space<hbm>>
      %dma_wait3A_287 = tpu.memref_squeeze %dma_wait3A_286 : memref<1x4x8x128xf32, #tpu.memory_space<hbm>> -> memref<4x8x128xf32, #tpu.memory_space<hbm>>
      %dma_wait3A_288 = arith.constant 0 : i32
      %dma_wait3A_289 = arith.constant 0 : i32
      %dma_wait3A_290 = arith.constant 0 : i32
      %dma_wait3A_291 = tpu.memref_slice %arg4[%dma_wait3A_276, %dma_wait3A_277, %dma_wait3A_288, %dma_wait3A_289, %dma_wait3A_290] : memref<2x4x4x8x128xf32, #tpu.memory_space<vmem>> -> memref<1x1x4x8x128xf32, #tpu.memory_space<vmem>>
      %dma_wait3A_292 = tpu.memref_squeeze %dma_wait3A_291 : memref<1x1x4x8x128xf32, #tpu.memory_space<vmem>> -> memref<4x8x128xf32, #tpu.memory_space<vmem>>
      %dma_wait3A_293 = arith.constant 0 : i32
      %dma_wait3A_294 = arith.constant 0 : i32
      %dma_wait3A_295 = arith.constant 0 : i32
      %dma_wait3A_296 = tpu.memref_slice %arg2[%dma_wait3A_275, %dma_wait3A_293, %dma_wait3A_294, %dma_wait3A_295] : memref<4x7936x8x128xf32, #tpu.memory_space<hbm>> -> memref<1x4x8x128xf32, #tpu.memory_space<hbm>>
      %dma_wait3A_297 = tpu.memref_squeeze %dma_wait3A_296 : memref<1x4x8x128xf32, #tpu.memory_space<hbm>> -> memref<4x8x128xf32, #tpu.memory_space<hbm>>
      tpu.wait_dma2 semaphore(%arg6 : memref<!tpu.dma_semaphore, #tpu.memory_space<semaphore_mem>>) src(%dma_wait3A_297 : memref<4x8x128xf32, #tpu.memory_space<hbm>>) dst(%dma_wait3A_292 : memref<4x8x128xf32, #tpu.memory_space<vmem>>)
      %dma_wait3A_298 = arith.constant 2 : i32
      %dma_wait3A_299 = arith.constant 0 : i32
      %dma_wait3A_300 = arith.constant 2 : i32
      %dma_wait3A_301 = arith.constant 0 : i32
      %dma_wait3A_302 = arith.constant 0 : i32
      %dma_wait3A_303 = arith.constant 0 : i32
      %dma_wait3A_304 = tpu.memref_slice %arg4[%dma_wait3A_299, %dma_wait3A_300, %dma_wait3A_301, %dma_wait3A_302, %dma_wait3A_303] : memref<2x4x4x8x128xf32, #tpu.memory_space<vmem>> -> memref<1x1x4x8x128xf32, #tpu.memory_space<vmem>>
      %dma_wait3A_305 = tpu.memref_squeeze %dma_wait3A_304 : memref<1x1x4x8x128xf32, #tpu.memory_space<vmem>> -> memref<4x8x128xf32, #tpu.memory_space<vmem>>
      %dma_wait3A_306 = arith.constant 0 : i32
      %dma_wait3A_307 = arith.constant 0 : i32
      %dma_wait3A_308 = arith.constant 0 : i32
      %dma_wait3A_309 = tpu.memref_slice %arg2[%dma_wait3A_298, %dma_wait3A_306, %dma_wait3A_307, %dma_wait3A_308] : memref<4x7936x8x128xf32, #tpu.memory_space<hbm>> -> memref<1x4x8x128xf32, #tpu.memory_space<hbm>>
      %dma_wait3A_310 = tpu.memref_squeeze %dma_wait3A_309 : memref<1x4x8x128xf32, #tpu.memory_space<hbm>> -> memref<4x8x128xf32, #tpu.memory_space<hbm>>
      %dma_wait3A_311 = arith.constant 0 : i32
      %dma_wait3A_312 = arith.constant 0 : i32
      %dma_wait3A_313 = arith.constant 0 : i32
      %dma_wait3A_314 = tpu.memref_slice %arg4[%dma_wait3A_299, %dma_wait3A_300, %dma_wait3A_311, %dma_wait3A_312, %dma_wait3A_313] : memref<2x4x4x8x128xf32, #tpu.memory_space<vmem>> -> memref<1x1x4x8x128xf32, #tpu.memory_space<vmem>>
      %dma_wait3A_315 = tpu.memref_squeeze %dma_wait3A_314 : memref<1x1x4x8x128xf32, #tpu.memory_space<vmem>> -> memref<4x8x128xf32, #tpu.memory_space<vmem>>
      %dma_wait3A_316 = arith.constant 0 : i32
      %dma_wait3A_317 = arith.constant 0 : i32
      %dma_wait3A_318 = arith.constant 0 : i32
      %dma_wait3A_319 = tpu.memref_slice %arg2[%dma_wait3A_298, %dma_wait3A_316, %dma_wait3A_317, %dma_wait3A_318] : memref<4x7936x8x128xf32, #tpu.memory_space<hbm>> -> memref<1x4x8x128xf32, #tpu.memory_space<hbm>>
      %dma_wait3A_320 = tpu.memref_squeeze %dma_wait3A_319 : memref<1x4x8x128xf32, #tpu.memory_space<hbm>> -> memref<4x8x128xf32, #tpu.memory_space<hbm>>
      tpu.wait_dma2 semaphore(%arg6 : memref<!tpu.dma_semaphore, #tpu.memory_space<semaphore_mem>>) src(%dma_wait3A_320 : memref<4x8x128xf32, #tpu.memory_space<hbm>>) dst(%dma_wait3A_315 : memref<4x8x128xf32, #tpu.memory_space<vmem>>)
      %dma_wait3A_321 = arith.constant 3 : i32
      %dma_wait3A_322 = arith.constant 0 : i32
      %dma_wait3A_323 = arith.constant 3 : i32
      %dma_wait3A_324 = arith.constant 0 : i32
      %dma_wait3A_325 = arith.constant 0 : i32
      %dma_wait3A_326 = arith.constant 0 : i32
      %dma_wait3A_327 = tpu.memref_slice %arg4[%dma_wait3A_322, %dma_wait3A_323, %dma_wait3A_324, %dma_wait3A_325, %dma_wait3A_326] : memref<2x4x4x8x128xf32, #tpu.memory_space<vmem>> -> memref<1x1x4x8x128xf32, #tpu.memory_space<vmem>>
      %dma_wait3A_328 = tpu.memref_squeeze %dma_wait3A_327 : memref<1x1x4x8x128xf32, #tpu.memory_space<vmem>> -> memref<4x8x128xf32, #tpu.memory_space<vmem>>
      %dma_wait3A_329 = arith.constant 0 : i32
      %dma_wait3A_330 = arith.constant 0 : i32
      %dma_wait3A_331 = arith.constant 0 : i32
      %dma_wait3A_332 = tpu.memref_slice %arg2[%dma_wait3A_321, %dma_wait3A_329, %dma_wait3A_330, %dma_wait3A_331] : memref<4x7936x8x128xf32, #tpu.memory_space<hbm>> -> memref<1x4x8x128xf32, #tpu.memory_space<hbm>>
      %dma_wait3A_333 = tpu.memref_squeeze %dma_wait3A_332 : memref<1x4x8x128xf32, #tpu.memory_space<hbm>> -> memref<4x8x128xf32, #tpu.memory_space<hbm>>
      %dma_wait3A_334 = arith.constant 0 : i32
      %dma_wait3A_335 = arith.constant 0 : i32
      %dma_wait3A_336 = arith.constant 0 : i32
      %dma_wait3A_337 = tpu.memref_slice %arg4[%dma_wait3A_322, %dma_wait3A_323, %dma_wait3A_334, %dma_wait3A_335, %dma_wait3A_336] : memref<2x4x4x8x128xf32, #tpu.memory_space<vmem>> -> memref<1x1x4x8x128xf32, #tpu.memory_space<vmem>>
      %dma_wait3A_338 = tpu.memref_squeeze %dma_wait3A_337 : memref<1x1x4x8x128xf32, #tpu.memory_space<vmem>> -> memref<4x8x128xf32, #tpu.memory_space<vmem>>
      %dma_wait3A_339 = arith.constant 0 : i32
      %dma_wait3A_340 = arith.constant 0 : i32
      %dma_wait3A_341 = arith.constant 0 : i32
      %dma_wait3A_342 = tpu.memref_slice %arg2[%dma_wait3A_321, %dma_wait3A_339, %dma_wait3A_340, %dma_wait3A_341] : memref<4x7936x8x128xf32, #tpu.memory_space<hbm>> -> memref<1x4x8x128xf32, #tpu.memory_space<hbm>>
      %dma_wait3A_343 = tpu.memref_squeeze %dma_wait3A_342 : memref<1x4x8x128xf32, #tpu.memory_space<hbm>> -> memref<4x8x128xf32, #tpu.memory_space<hbm>>
      tpu.wait_dma2 semaphore(%arg6 : memref<!tpu.dma_semaphore, #tpu.memory_space<semaphore_mem>>) src(%dma_wait3A_343 : memref<4x8x128xf32, #tpu.memory_space<hbm>>) dst(%dma_wait3A_338 : memref<4x8x128xf32, #tpu.memory_space<vmem>>)
      %parallel_loop3A = arith.constant 0 : i32
      %parallel_loop3A_344 = arith.constant 1024 : i32
      %parallel_loop3A_345 = arith.constant 1 : i32
      scf.for %parallel_loop3A_490 = %parallel_loop3A to %parallel_loop3A_344 step %parallel_loop3A_345  : i32 {
        %parallel_loop3A_491 = arith.constant 5 : i32
        %parallel_loop3A_492 = arith.shrsi %parallel_loop3A_490, %parallel_loop3A_491 : i32
        %parallel_loop3A_493 = arith.constant 16 : i32
        %parallel_loop3A_494 = arith.muli %parallel_loop3A_492, %parallel_loop3A_493 : i32
        %parallel_loop3A_495 = arith.constant 31 : i32
        %parallel_loop3A_496 = arith.andi %parallel_loop3A_490, %parallel_loop3A_495 : i32
        %parallel_loop3A_497 = arith.constant 127 : i32
        %parallel_loop3A_498 = arith.andi %parallel_loop3A_494, %parallel_loop3A_497 : i32
        %parallel_loop3A_499 = vector.broadcast %parallel_loop3A_498 : i32 to vector<16xi32>
        %parallel_loop3A_500 = arith.addi %iota3A, %parallel_loop3A_499 : vector<16xi32>
        %parallel_loop3A_501 = vector.broadcast %parallel_loop3A_496 : i32 to vector<16xi32>
        %parallel_loop3A_502 = arith.addi %iota3A, %parallel_loop3A_501 : vector<16xi32>
        %parallel_loop3A_503 = arith.constant 31 : i32
        %parallel_loop3A_504 = vector.broadcast %parallel_loop3A_503 : i32 to vector<16xi32>
        %parallel_loop3A_505 = arith.andi %parallel_loop3A_502, %parallel_loop3A_504 : vector<16xi32>
        %parallel_loop3A_506 = arith.constant 8 : i32
        %parallel_loop3A_507 = arith.shrsi %parallel_loop3A_490, %parallel_loop3A_506 : i32
        %parallel_loop3A_508 = vector.broadcast %parallel_loop3A_507 : i32 to vector<16xi32>
        %parallel_loop3A_509 = arith.constant 3 : i32
        %parallel_loop3A_510 = vector.broadcast %parallel_loop3A_509 : i32 to vector<16xi32>
        %parallel_loop3A_511 = arith.shrsi %parallel_loop3A_505, %parallel_loop3A_510 : vector<16xi32>
        %parallel_loop3A_512 = arith.constant 7 : i32
        %parallel_loop3A_513 = vector.broadcast %parallel_loop3A_512 : i32 to vector<16xi32>
        %parallel_loop3A_514 = arith.andi %parallel_loop3A_505, %parallel_loop3A_513 : vector<16xi32>
        %parallel_loop3A_515 = arith.constant 0 : i32
        %parallel_loop3A_516 = arith.constant 0 : i32
        %parallel_loop3A_517 = arith.constant 0 : i32
        %parallel_loop3A_518 = arith.constant 0 : i32
        %parallel_loop3A_519 = arith.constant 0 : i32
        %parallel_loop3A_520 = tpu.memref_slice %arg4[%parallel_loop3A_515, %parallel_loop3A_516, %parallel_loop3A_517, %parallel_loop3A_518, %parallel_loop3A_519] : memref<2x4x4x8x128xf32, #tpu.memory_space<vmem>> -> memref<1x4x4x8x128xf32, #tpu.memory_space<vmem>>
        %parallel_loop3A_521 = tpu.memref_squeeze %parallel_loop3A_520 : memref<1x4x4x8x128xf32, #tpu.memory_space<vmem>> -> memref<4x4x8x128xf32, #tpu.memory_space<vmem>>
        %parallel_loop3A_522 = tpu.vector_load_idx %parallel_loop3A_521[%parallel_loop3A_511, %parallel_loop3A_508, %parallel_loop3A_514, %parallel_loop3A_500] : memref<4x4x8x128xf32, #tpu.memory_space<vmem>>[vector<16xi32>, vector<16xi32>, vector<16xi32>, vector<16xi32>], vector<16xf32>,
        %parallel_loop3A_523 = vector.broadcast %parallel_loop3A_494 : i32 to vector<16xi32>
        %parallel_loop3A_524 = arith.addi %iota3A, %parallel_loop3A_523 : vector<16xi32>
        %parallel_loop3A_525 = arith.constant 5.65685415 : f32
        %parallel_loop3A_526 = vector.broadcast %parallel_loop3A_525 : f32 to vector<16xf32>
        %parallel_loop3A_527 = arith.mulf %parallel_loop3A_522, %parallel_loop3A_526 : vector<16xf32>
        %parallel_loop3A_528 = arith.constant 0 : i32
        %parallel_loop3A_529 = arith.constant 0 : i32
        %parallel_loop3A_530 = arith.constant 0 : i32
        %parallel_loop3A_531 = tpu.memref_slice %arg5[%parallel_loop3A_528, %parallel_loop3A_529, %parallel_loop3A_530] : memref<2x512x32xf32, #tpu.memory_space<vmem>> -> memref<1x512x32xf32, #tpu.memory_space<vmem>>
        %parallel_loop3A_532 = tpu.memref_squeeze %parallel_loop3A_531 : memref<1x512x32xf32, #tpu.memory_space<vmem>> -> memref<512x32xf32, #tpu.memory_space<vmem>>
        tpu.vector_store_idx %parallel_loop3A_532[%parallel_loop3A_524, %parallel_loop3A_505], %parallel_loop3A_527 : memref<512x32xf32, #tpu.memory_space<vmem>>[vector<16xi32>, vector<16xi32>], vector<16xf32>,
      } {sc.loop_unroll_factor = 16 : i64, sc.parallel_access}
      %mul3A_346 = arith.constant 32 : i32
      %mul3A_347 = arith.muli %mul3A_143, %mul3A_346 : i32
      %add3A_348 = arith.addi %add3A, %mul3A_347 : i32
      %mul3A_349 = arith.constant 512 : i32
      %mul3A_350 = arith.muli %add3A_348, %mul3A_349 : i32
      %dma_start3A_351 = arith.constant 0 : i32
      %dma_start3A_352 = arith.constant 0 : i32
      %dma_start3A_353 = arith.constant 0 : i32
      %dma_start3A_354 = tpu.memref_slice %arg5[%dma_start3A_351, %dma_start3A_352, %dma_start3A_353] : memref<2x512x32xf32, #tpu.memory_space<vmem>> -> memref<1x512x32xf32, #tpu.memory_space<vmem>>
      %dma_start3A_355 = tpu.memref_squeeze %dma_start3A_354 : memref<1x512x32xf32, #tpu.memory_space<vmem>> -> memref<512x32xf32, #tpu.memory_space<vmem>>
      %dma_start3A_356 = arith.constant 0 : i32
      %dma_start3A_357 = tpu.memref_slice %arg3[%mul3A_350, %dma_start3A_356] : memref<1015808x32xf32, #tpu.memory_space<hbm>> -> memref<512x32xf32, #tpu.memory_space<hbm>>
      %dma_start3A_358 = arith.constant 0 : i32
      %dma_start3A_359 = tpu.memref_slice %arg3[%mul3A_350, %dma_start3A_358] : memref<1015808x32xf32, #tpu.memory_space<hbm>> -> memref<512x32xf32, #tpu.memory_space<hbm>>
      %dma_start3A_360 = arith.constant 0 : i32
      %dma_start3A_361 = arith.constant 0 : i32
      %dma_start3A_362 = tpu.memref_slice %arg5[%dma_start3A_351, %dma_start3A_360, %dma_start3A_361] : memref<2x512x32xf32, #tpu.memory_space<vmem>> -> memref<1x512x32xf32, #tpu.memory_space<vmem>>
      %dma_start3A_363 = tpu.memref_squeeze %dma_start3A_362 : memref<1x512x32xf32, #tpu.memory_space<vmem>> -> memref<512x32xf32, #tpu.memory_space<vmem>>
      tpu.enqueue_dma source(%dma_start3A_363 : memref<512x32xf32, #tpu.memory_space<vmem>>) target(%dma_start3A_359 : memref<512x32xf32, #tpu.memory_space<hbm>>) target_semaphore(%arg7 : memref<!tpu.dma_semaphore, #tpu.memory_space<semaphore_mem>>)
      %add3A_364 = arith.constant 2 : i32
      %add3A_365 = arith.addi %mul3A_143, %add3A_364 : i32
      %lt3A = arith.constant 62 : i32
      %lt3A_366 = arith.cmpi slt, %add3A_365, %lt3A : i32
      %convert_element_type3A_367 = arith.extui %lt3A_366 : i1 to i32
      %cond3A_368 = arith.constant 0 : i32
      %cond3A_369 = arith.cmpi ne, %convert_element_type3A_367, %cond3A_368 : i32
      scf.if %cond3A_369 {
        %add3A_490 = arith.constant 2 : i32
        %add3A_491 = arith.addi %mul3A_143, %add3A_490 : i32
        %mul3A_492 = arith.constant 32 : i32
        %mul3A_493 = arith.muli %add3A_491, %mul3A_492 : i32
        %add3A_494 = arith.addi %add3A, %mul3A_493 : i32
        %mul3A_495 = arith.constant 4 : i32
        %mul3A_496 = arith.muli %add3A_494, %mul3A_495 : i32
        %dma_start3A_497 = arith.constant 0 : i32
        %dma_start3A_498 = arith.constant 0 : i32
        %dma_start3A_499 = arith.constant 0 : i32
        %dma_start3A_500 = arith.constant 0 : i32
        %dma_start3A_501 = arith.constant 0 : i32
        %dma_start3A_502 = arith.constant 0 : i32
        %dma_start3A_503 = tpu.memref_slice %arg4[%dma_start3A_498, %dma_start3A_499, %dma_start3A_500, %dma_start3A_501, %dma_start3A_502] : memref<2x4x4x8x128xf32, #tpu.memory_space<vmem>> -> memref<1x1x4x8x128xf32, #tpu.memory_space<vmem>>
        %dma_start3A_504 = tpu.memref_squeeze %dma_start3A_503 : memref<1x1x4x8x128xf32, #tpu.memory_space<vmem>> -> memref<4x8x128xf32, #tpu.memory_space<vmem>>
        %dma_start3A_505 = arith.constant 0 : i32
        %dma_start3A_506 = arith.constant 0 : i32
        %dma_start3A_507 = tpu.memref_slice %arg2[%dma_start3A_497, %mul3A_496, %dma_start3A_505, %dma_start3A_506] : memref<4x7936x8x128xf32, #tpu.memory_space<hbm>> -> memref<1x4x8x128xf32, #tpu.memory_space<hbm>>
        %dma_start3A_508 = tpu.memref_squeeze %dma_start3A_507 : memref<1x4x8x128xf32, #tpu.memory_space<hbm>> -> memref<4x8x128xf32, #tpu.memory_space<hbm>>
        %dma_start3A_509 = arith.constant 0 : i32
        %dma_start3A_510 = arith.constant 0 : i32
        %dma_start3A_511 = arith.constant 0 : i32
        %dma_start3A_512 = tpu.memref_slice %arg4[%dma_start3A_498, %dma_start3A_499, %dma_start3A_509, %dma_start3A_510, %dma_start3A_511] : memref<2x4x4x8x128xf32, #tpu.memory_space<vmem>> -> memref<1x1x4x8x128xf32, #tpu.memory_space<vmem>>
        %dma_start3A_513 = tpu.memref_squeeze %dma_start3A_512 : memref<1x1x4x8x128xf32, #tpu.memory_space<vmem>> -> memref<4x8x128xf32, #tpu.memory_space<vmem>>
        %dma_start3A_514 = arith.constant 0 : i32
        %dma_start3A_515 = arith.constant 0 : i32
        %dma_start3A_516 = tpu.memref_slice %arg2[%dma_start3A_497, %mul3A_496, %dma_start3A_514, %dma_start3A_515] : memref<4x7936x8x128xf32, #tpu.memory_space<hbm>> -> memref<1x4x8x128xf32, #tpu.memory_space<hbm>>
        %dma_start3A_517 = tpu.memref_squeeze %dma_start3A_516 : memref<1x4x8x128xf32, #tpu.memory_space<hbm>> -> memref<4x8x128xf32, #tpu.memory_space<hbm>>
        tpu.enqueue_dma source(%dma_start3A_517 : memref<4x8x128xf32, #tpu.memory_space<hbm>>) target(%dma_start3A_513 : memref<4x8x128xf32, #tpu.memory_space<vmem>>) target_semaphore(%arg6 : memref<!tpu.dma_semaphore, #tpu.memory_space<semaphore_mem>>)
        %mul3A_518 = arith.constant 32 : i32
        %mul3A_519 = arith.muli %add3A_491, %mul3A_518 : i32
        %add3A_520 = arith.addi %add3A, %mul3A_519 : i32
        %mul3A_521 = arith.constant 4 : i32
        %mul3A_522 = arith.muli %add3A_520, %mul3A_521 : i32
        %dma_start3A_523 = arith.constant 1 : i32
        %dma_start3A_524 = arith.constant 0 : i32
        %dma_start3A_525 = arith.constant 1 : i32
        %dma_start3A_526 = arith.constant 0 : i32
        %dma_start3A_527 = arith.constant 0 : i32
        %dma_start3A_528 = arith.constant 0 : i32
        %dma_start3A_529 = tpu.memref_slice %arg4[%dma_start3A_524, %dma_start3A_525, %dma_start3A_526, %dma_start3A_527, %dma_start3A_528] : memref<2x4x4x8x128xf32, #tpu.memory_space<vmem>> -> memref<1x1x4x8x128xf32, #tpu.memory_space<vmem>>
        %dma_start3A_530 = tpu.memref_squeeze %dma_start3A_529 : memref<1x1x4x8x128xf32, #tpu.memory_space<vmem>> -> memref<4x8x128xf32, #tpu.memory_space<vmem>>
        %dma_start3A_531 = arith.constant 0 : i32
        %dma_start3A_532 = arith.constant 0 : i32
        %dma_start3A_533 = tpu.memref_slice %arg2[%dma_start3A_523, %mul3A_522, %dma_start3A_531, %dma_start3A_532] : memref<4x7936x8x128xf32, #tpu.memory_space<hbm>> -> memref<1x4x8x128xf32, #tpu.memory_space<hbm>>
        %dma_start3A_534 = tpu.memref_squeeze %dma_start3A_533 : memref<1x4x8x128xf32, #tpu.memory_space<hbm>> -> memref<4x8x128xf32, #tpu.memory_space<hbm>>
        %dma_start3A_535 = arith.constant 0 : i32
        %dma_start3A_536 = arith.constant 0 : i32
        %dma_start3A_537 = arith.constant 0 : i32
        %dma_start3A_538 = tpu.memref_slice %arg4[%dma_start3A_524, %dma_start3A_525, %dma_start3A_535, %dma_start3A_536, %dma_start3A_537] : memref<2x4x4x8x128xf32, #tpu.memory_space<vmem>> -> memref<1x1x4x8x128xf32, #tpu.memory_space<vmem>>
        %dma_start3A_539 = tpu.memref_squeeze %dma_start3A_538 : memref<1x1x4x8x128xf32, #tpu.memory_space<vmem>> -> memref<4x8x128xf32, #tpu.memory_space<vmem>>
        %dma_start3A_540 = arith.constant 0 : i32
        %dma_start3A_541 = arith.constant 0 : i32
        %dma_start3A_542 = tpu.memref_slice %arg2[%dma_start3A_523, %mul3A_522, %dma_start3A_540, %dma_start3A_541] : memref<4x7936x8x128xf32, #tpu.memory_space<hbm>> -> memref<1x4x8x128xf32, #tpu.memory_space<hbm>>
        %dma_start3A_543 = tpu.memref_squeeze %dma_start3A_542 : memref<1x4x8x128xf32, #tpu.memory_space<hbm>> -> memref<4x8x128xf32, #tpu.memory_space<hbm>>
        tpu.enqueue_dma source(%dma_start3A_543 : memref<4x8x128xf32, #tpu.memory_space<hbm>>) target(%dma_start3A_539 : memref<4x8x128xf32, #tpu.memory_space<vmem>>) target_semaphore(%arg6 : memref<!tpu.dma_semaphore, #tpu.memory_space<semaphore_mem>>)
        %mul3A_544 = arith.constant 32 : i32
        %mul3A_545 = arith.muli %add3A_491, %mul3A_544 : i32
        %add3A_546 = arith.addi %add3A, %mul3A_545 : i32
        %mul3A_547 = arith.constant 4 : i32
        %mul3A_548 = arith.muli %add3A_546, %mul3A_547 : i32
        %dma_start3A_549 = arith.constant 2 : i32
        %dma_start3A_550 = arith.constant 0 : i32
        %dma_start3A_551 = arith.constant 2 : i32
        %dma_start3A_552 = arith.constant 0 : i32
        %dma_start3A_553 = arith.constant 0 : i32
        %dma_start3A_554 = arith.constant 0 : i32
        %dma_start3A_555 = tpu.memref_slice %arg4[%dma_start3A_550, %dma_start3A_551, %dma_start3A_552, %dma_start3A_553, %dma_start3A_554] : memref<2x4x4x8x128xf32, #tpu.memory_space<vmem>> -> memref<1x1x4x8x128xf32, #tpu.memory_space<vmem>>
        %dma_start3A_556 = tpu.memref_squeeze %dma_start3A_555 : memref<1x1x4x8x128xf32, #tpu.memory_space<vmem>> -> memref<4x8x128xf32, #tpu.memory_space<vmem>>
        %dma_start3A_557 = arith.constant 0 : i32
        %dma_start3A_558 = arith.constant 0 : i32
        %dma_start3A_559 = tpu.memref_slice %arg2[%dma_start3A_549, %mul3A_548, %dma_start3A_557, %dma_start3A_558] : memref<4x7936x8x128xf32, #tpu.memory_space<hbm>> -> memref<1x4x8x128xf32, #tpu.memory_space<hbm>>
        %dma_start3A_560 = tpu.memref_squeeze %dma_start3A_559 : memref<1x4x8x128xf32, #tpu.memory_space<hbm>> -> memref<4x8x128xf32, #tpu.memory_space<hbm>>
        %dma_start3A_561 = arith.constant 0 : i32
        %dma_start3A_562 = arith.constant 0 : i32
        %dma_start3A_563 = arith.constant 0 : i32
        %dma_start3A_564 = tpu.memref_slice %arg4[%dma_start3A_550, %dma_start3A_551, %dma_start3A_561, %dma_start3A_562, %dma_start3A_563] : memref<2x4x4x8x128xf32, #tpu.memory_space<vmem>> -> memref<1x1x4x8x128xf32, #tpu.memory_space<vmem>>
        %dma_start3A_565 = tpu.memref_squeeze %dma_start3A_564 : memref<1x1x4x8x128xf32, #tpu.memory_space<vmem>> -> memref<4x8x128xf32, #tpu.memory_space<vmem>>
        %dma_start3A_566 = arith.constant 0 : i32
        %dma_start3A_567 = arith.constant 0 : i32
        %dma_start3A_568 = tpu.memref_slice %arg2[%dma_start3A_549, %mul3A_548, %dma_start3A_566, %dma_start3A_567] : memref<4x7936x8x128xf32, #tpu.memory_space<hbm>> -> memref<1x4x8x128xf32, #tpu.memory_space<hbm>>
        %dma_start3A_569 = tpu.memref_squeeze %dma_start3A_568 : memref<1x4x8x128xf32, #tpu.memory_space<hbm>> -> memref<4x8x128xf32, #tpu.memory_space<hbm>>
        tpu.enqueue_dma source(%dma_start3A_569 : memref<4x8x128xf32, #tpu.memory_space<hbm>>) target(%dma_start3A_565 : memref<4x8x128xf32, #tpu.memory_space<vmem>>) target_semaphore(%arg6 : memref<!tpu.dma_semaphore, #tpu.memory_space<semaphore_mem>>)
        %mul3A_570 = arith.constant 32 : i32
        %mul3A_571 = arith.muli %add3A_491, %mul3A_570 : i32
        %add3A_572 = arith.addi %add3A, %mul3A_571 : i32
        %mul3A_573 = arith.constant 4 : i32
        %mul3A_574 = arith.muli %add3A_572, %mul3A_573 : i32
        %dma_start3A_575 = arith.constant 3 : i32
        %dma_start3A_576 = arith.constant 0 : i32
        %dma_start3A_577 = arith.constant 3 : i32
        %dma_start3A_578 = arith.constant 0 : i32
        %dma_start3A_579 = arith.constant 0 : i32
        %dma_start3A_580 = arith.constant 0 : i32
        %dma_start3A_581 = tpu.memref_slice %arg4[%dma_start3A_576, %dma_start3A_577, %dma_start3A_578, %dma_start3A_579, %dma_start3A_580] : memref<2x4x4x8x128xf32, #tpu.memory_space<vmem>> -> memref<1x1x4x8x128xf32, #tpu.memory_space<vmem>>
        %dma_start3A_582 = tpu.memref_squeeze %dma_start3A_581 : memref<1x1x4x8x128xf32, #tpu.memory_space<vmem>> -> memref<4x8x128xf32, #tpu.memory_space<vmem>>
        %dma_start3A_583 = arith.constant 0 : i32
        %dma_start3A_584 = arith.constant 0 : i32
        %dma_start3A_585 = tpu.memref_slice %arg2[%dma_start3A_575, %mul3A_574, %dma_start3A_583, %dma_start3A_584] : memref<4x7936x8x128xf32, #tpu.memory_space<hbm>> -> memref<1x4x8x128xf32, #tpu.memory_space<hbm>>
        %dma_start3A_586 = tpu.memref_squeeze %dma_start3A_585 : memref<1x4x8x128xf32, #tpu.memory_space<hbm>> -> memref<4x8x128xf32, #tpu.memory_space<hbm>>
        %dma_start3A_587 = arith.constant 0 : i32
        %dma_start3A_588 = arith.constant 0 : i32
        %dma_start3A_589 = arith.constant 0 : i32
        %dma_start3A_590 = tpu.memref_slice %arg4[%dma_start3A_576, %dma_start3A_577, %dma_start3A_587, %dma_start3A_588, %dma_start3A_589] : memref<2x4x4x8x128xf32, #tpu.memory_space<vmem>> -> memref<1x1x4x8x128xf32, #tpu.memory_space<vmem>>
        %dma_start3A_591 = tpu.memref_squeeze %dma_start3A_590 : memref<1x1x4x8x128xf32, #tpu.memory_space<vmem>> -> memref<4x8x128xf32, #tpu.memory_space<vmem>>
        %dma_start3A_592 = arith.constant 0 : i32
        %dma_start3A_593 = arith.constant 0 : i32
        %dma_start3A_594 = tpu.memref_slice %arg2[%dma_start3A_575, %mul3A_574, %dma_start3A_592, %dma_start3A_593] : memref<4x7936x8x128xf32, #tpu.memory_space<hbm>> -> memref<1x4x8x128xf32, #tpu.memory_space<hbm>>
        %dma_start3A_595 = tpu.memref_squeeze %dma_start3A_594 : memref<1x4x8x128xf32, #tpu.memory_space<hbm>> -> memref<4x8x128xf32, #tpu.memory_space<hbm>>
        tpu.enqueue_dma source(%dma_start3A_595 : memref<4x8x128xf32, #tpu.memory_space<hbm>>) target(%dma_start3A_591 : memref<4x8x128xf32, #tpu.memory_space<vmem>>) target_semaphore(%arg6 : memref<!tpu.dma_semaphore, #tpu.memory_space<semaphore_mem>>)
      } else {
      }
      %add3A_370 = arith.constant 1 : i32
      %add3A_371 = arith.addi %mul3A_143, %add3A_370 : i32
      %ge3A_372 = arith.constant 2 : i32
      %ge3A_373 = arith.cmpi sge, %add3A_371, %ge3A_372 : i32
      %convert_element_type3A_374 = arith.extui %ge3A_373 : i1 to i32
      %cond3A_375 = arith.constant 0 : i32
      %cond3A_376 = arith.cmpi ne, %convert_element_type3A_374, %cond3A_375 : i32
      scf.if %cond3A_376 {
        %sub3A = arith.constant 2 : i32
        %sub3A_490 = arith.subi %add3A_371, %sub3A : i32
        %mul3A_491 = arith.constant 32 : i32
        %mul3A_492 = arith.muli %sub3A_490, %mul3A_491 : i32
        %add3A_493 = arith.addi %add3A, %mul3A_492 : i32
        %mul3A_494 = arith.constant 512 : i32
        %mul3A_495 = arith.muli %add3A_493, %mul3A_494 : i32
        %dma_wait3A_496 = arith.constant 1 : i32
        %dma_wait3A_497 = arith.constant 0 : i32
        %dma_wait3A_498 = arith.constant 0 : i32
        %dma_wait3A_499 = tpu.memref_slice %arg5[%dma_wait3A_496, %dma_wait3A_497, %dma_wait3A_498] : memref<2x512x32xf32, #tpu.memory_space<vmem>> -> memref<1x512x32xf32, #tpu.memory_space<vmem>>
        %dma_wait3A_500 = tpu.memref_squeeze %dma_wait3A_499 : memref<1x512x32xf32, #tpu.memory_space<vmem>> -> memref<512x32xf32, #tpu.memory_space<vmem>>
        %dma_wait3A_501 = arith.constant 0 : i32
        %dma_wait3A_502 = tpu.memref_slice %arg3[%mul3A_495, %dma_wait3A_501] : memref<1015808x32xf32, #tpu.memory_space<hbm>> -> memref<512x32xf32, #tpu.memory_space<hbm>>
        %dma_wait3A_503 = arith.constant 0 : i32
        %dma_wait3A_504 = tpu.memref_slice %arg3[%mul3A_495, %dma_wait3A_503] : memref<1015808x32xf32, #tpu.memory_space<hbm>> -> memref<512x32xf32, #tpu.memory_space<hbm>>
        %dma_wait3A_505 = arith.constant 0 : i32
        %dma_wait3A_506 = arith.constant 0 : i32
        %dma_wait3A_507 = tpu.memref_slice %arg5[%dma_wait3A_496, %dma_wait3A_505, %dma_wait3A_506] : memref<2x512x32xf32, #tpu.memory_space<vmem>> -> memref<1x512x32xf32, #tpu.memory_space<vmem>>
        %dma_wait3A_508 = tpu.memref_squeeze %dma_wait3A_507 : memref<1x512x32xf32, #tpu.memory_space<vmem>> -> memref<512x32xf32, #tpu.memory_space<vmem>>
        tpu.wait_dma2 semaphore(%arg7 : memref<!tpu.dma_semaphore, #tpu.memory_space<semaphore_mem>>) src(%dma_wait3A_508 : memref<512x32xf32, #tpu.memory_space<vmem>>) dst(%dma_wait3A_504 : memref<512x32xf32, #tpu.memory_space<hbm>>)
      } else {
      }
      %dma_wait3A_377 = arith.constant 0 : i32
      %dma_wait3A_378 = arith.constant 1 : i32
      %dma_wait3A_379 = arith.constant 0 : i32
      %dma_wait3A_380 = arith.constant 0 : i32
      %dma_wait3A_381 = arith.constant 0 : i32
      %dma_wait3A_382 = arith.constant 0 : i32
      %dma_wait3A_383 = tpu.memref_slice %arg4[%dma_wait3A_378, %dma_wait3A_379, %dma_wait3A_380, %dma_wait3A_381, %dma_wait3A_382] : memref<2x4x4x8x128xf32, #tpu.memory_space<vmem>> -> memref<1x1x4x8x128xf32, #tpu.memory_space<vmem>>
      %dma_wait3A_384 = tpu.memref_squeeze %dma_wait3A_383 : memref<1x1x4x8x128xf32, #tpu.memory_space<vmem>> -> memref<4x8x128xf32, #tpu.memory_space<vmem>>
      %dma_wait3A_385 = arith.constant 0 : i32
      %dma_wait3A_386 = arith.constant 0 : i32
      %dma_wait3A_387 = arith.constant 0 : i32
      %dma_wait3A_388 = tpu.memref_slice %arg2[%dma_wait3A_377, %dma_wait3A_385, %dma_wait3A_386, %dma_wait3A_387] : memref<4x7936x8x128xf32, #tpu.memory_space<hbm>> -> memref<1x4x8x128xf32, #tpu.memory_space<hbm>>
      %dma_wait3A_389 = tpu.memref_squeeze %dma_wait3A_388 : memref<1x4x8x128xf32, #tpu.memory_space<hbm>> -> memref<4x8x128xf32, #tpu.memory_space<hbm>>
      %dma_wait3A_390 = arith.constant 0 : i32
      %dma_wait3A_391 = arith.constant 0 : i32
      %dma_wait3A_392 = arith.constant 0 : i32
      %dma_wait3A_393 = tpu.memref_slice %arg4[%dma_wait3A_378, %dma_wait3A_379, %dma_wait3A_390, %dma_wait3A_391, %dma_wait3A_392] : memref<2x4x4x8x128xf32, #tpu.memory_space<vmem>> -> memref<1x1x4x8x128xf32, #tpu.memory_space<vmem>>
      %dma_wait3A_394 = tpu.memref_squeeze %dma_wait3A_393 : memref<1x1x4x8x128xf32, #tpu.memory_space<vmem>> -> memref<4x8x128xf32, #tpu.memory_space<vmem>>
      %dma_wait3A_395 = arith.constant 0 : i32
      %dma_wait3A_396 = arith.constant 0 : i32
      %dma_wait3A_397 = arith.constant 0 : i32
      %dma_wait3A_398 = tpu.memref_slice %arg2[%dma_wait3A_377, %dma_wait3A_395, %dma_wait3A_396, %dma_wait3A_397] : memref<4x7936x8x128xf32, #tpu.memory_space<hbm>> -> memref<1x4x8x128xf32, #tpu.memory_space<hbm>>
      %dma_wait3A_399 = tpu.memref_squeeze %dma_wait3A_398 : memref<1x4x8x128xf32, #tpu.memory_space<hbm>> -> memref<4x8x128xf32, #tpu.memory_space<hbm>>
      tpu.wait_dma2 semaphore(%arg6 : memref<!tpu.dma_semaphore, #tpu.memory_space<semaphore_mem>>) src(%dma_wait3A_399 : memref<4x8x128xf32, #tpu.memory_space<hbm>>) dst(%dma_wait3A_394 : memref<4x8x128xf32, #tpu.memory_space<vmem>>)
      %dma_wait3A_400 = arith.constant 1 : i32
      %dma_wait3A_401 = arith.constant 1 : i32
      %dma_wait3A_402 = arith.constant 1 : i32
      %dma_wait3A_403 = arith.constant 0 : i32
      %dma_wait3A_404 = arith.constant 0 : i32
      %dma_wait3A_405 = arith.constant 0 : i32
      %dma_wait3A_406 = tpu.memref_slice %arg4[%dma_wait3A_401, %dma_wait3A_402, %dma_wait3A_403, %dma_wait3A_404, %dma_wait3A_405] : memref<2x4x4x8x128xf32, #tpu.memory_space<vmem>> -> memref<1x1x4x8x128xf32, #tpu.memory_space<vmem>>
      %dma_wait3A_407 = tpu.memref_squeeze %dma_wait3A_406 : memref<1x1x4x8x128xf32, #tpu.memory_space<vmem>> -> memref<4x8x128xf32, #tpu.memory_space<vmem>>
      %dma_wait3A_408 = arith.constant 0 : i32
      %dma_wait3A_409 = arith.constant 0 : i32
      %dma_wait3A_410 = arith.constant 0 : i32
      %dma_wait3A_411 = tpu.memref_slice %arg2[%dma_wait3A_400, %dma_wait3A_408, %dma_wait3A_409, %dma_wait3A_410] : memref<4x7936x8x128xf32, #tpu.memory_space<hbm>> -> memref<1x4x8x128xf32, #tpu.memory_space<hbm>>
      %dma_wait3A_412 = tpu.memref_squeeze %dma_wait3A_411 : memref<1x4x8x128xf32, #tpu.memory_space<hbm>> -> memref<4x8x128xf32, #tpu.memory_space<hbm>>
      %dma_wait3A_413 = arith.constant 0 : i32
      %dma_wait3A_414 = arith.constant 0 : i32
      %dma_wait3A_415 = arith.constant 0 : i32
      %dma_wait3A_416 = tpu.memref_slice %arg4[%dma_wait3A_401, %dma_wait3A_402, %dma_wait3A_413, %dma_wait3A_414, %dma_wait3A_415] : memref<2x4x4x8x128xf32, #tpu.memory_space<vmem>> -> memref<1x1x4x8x128xf32, #tpu.memory_space<vmem>>
      %dma_wait3A_417 = tpu.memref_squeeze %dma_wait3A_416 : memref<1x1x4x8x128xf32, #tpu.memory_space<vmem>> -> memref<4x8x128xf32, #tpu.memory_space<vmem>>
      %dma_wait3A_418 = arith.constant 0 : i32
      %dma_wait3A_419 = arith.constant 0 : i32
      %dma_wait3A_420 = arith.constant 0 : i32
      %dma_wait3A_421 = tpu.memref_slice %arg2[%dma_wait3A_400, %dma_wait3A_418, %dma_wait3A_419, %dma_wait3A_420] : memref<4x7936x8x128xf32, #tpu.memory_space<hbm>> -> memref<1x4x8x128xf32, #tpu.memory_space<hbm>>
      %dma_wait3A_422 = tpu.memref_squeeze %dma_wait3A_421 : memref<1x4x8x128xf32, #tpu.memory_space<hbm>> -> memref<4x8x128xf32, #tpu.memory_space<hbm>>
      tpu.wait_dma2 semaphore(%arg6 : memref<!tpu.dma_semaphore, #tpu.memory_space<semaphore_mem>>) src(%dma_wait3A_422 : memref<4x8x128xf32, #tpu.memory_space<hbm>>) dst(%dma_wait3A_417 : memref<4x8x128xf32, #tpu.memory_space<vmem>>)
      %dma_wait3A_423 = arith.constant 2 : i32
      %dma_wait3A_424 = arith.constant 1 : i32
      %dma_wait3A_425 = arith.constant 2 : i32
      %dma_wait3A_426 = arith.constant 0 : i32
      %dma_wait3A_427 = arith.constant 0 : i32
      %dma_wait3A_428 = arith.constant 0 : i32
      %dma_wait3A_429 = tpu.memref_slice %arg4[%dma_wait3A_424, %dma_wait3A_425, %dma_wait3A_426, %dma_wait3A_427, %dma_wait3A_428] : memref<2x4x4x8x128xf32, #tpu.memory_space<vmem>> -> memref<1x1x4x8x128xf32, #tpu.memory_space<vmem>>
      %dma_wait3A_430 = tpu.memref_squeeze %dma_wait3A_429 : memref<1x1x4x8x128xf32, #tpu.memory_space<vmem>> -> memref<4x8x128xf32, #tpu.memory_space<vmem>>
      %dma_wait3A_431 = arith.constant 0 : i32
      %dma_wait3A_432 = arith.constant 0 : i32
      %dma_wait3A_433 = arith.constant 0 : i32
      %dma_wait3A_434 = tpu.memref_slice %arg2[%dma_wait3A_423, %dma_wait3A_431, %dma_wait3A_432, %dma_wait3A_433] : memref<4x7936x8x128xf32, #tpu.memory_space<hbm>> -> memref<1x4x8x128xf32, #tpu.memory_space<hbm>>
      %dma_wait3A_435 = tpu.memref_squeeze %dma_wait3A_434 : memref<1x4x8x128xf32, #tpu.memory_space<hbm>> -> memref<4x8x128xf32, #tpu.memory_space<hbm>>
      %dma_wait3A_436 = arith.constant 0 : i32
      %dma_wait3A_437 = arith.constant 0 : i32
      %dma_wait3A_438 = arith.constant 0 : i32
      %dma_wait3A_439 = tpu.memref_slice %arg4[%dma_wait3A_424, %dma_wait3A_425, %dma_wait3A_436, %dma_wait3A_437, %dma_wait3A_438] : memref<2x4x4x8x128xf32, #tpu.memory_space<vmem>> -> memref<1x1x4x8x128xf32, #tpu.memory_space<vmem>>
      %dma_wait3A_440 = tpu.memref_squeeze %dma_wait3A_439 : memref<1x1x4x8x128xf32, #tpu.memory_space<vmem>> -> memref<4x8x128xf32, #tpu.memory_space<vmem>>
      %dma_wait3A_441 = arith.constant 0 : i32
      %dma_wait3A_442 = arith.constant 0 : i32
      %dma_wait3A_443 = arith.constant 0 : i32
      %dma_wait3A_444 = tpu.memref_slice %arg2[%dma_wait3A_423, %dma_wait3A_441, %dma_wait3A_442, %dma_wait3A_443] : memref<4x7936x8x128xf32, #tpu.memory_space<hbm>> -> memref<1x4x8x128xf32, #tpu.memory_space<hbm>>
      %dma_wait3A_445 = tpu.memref_squeeze %dma_wait3A_444 : memref<1x4x8x128xf32, #tpu.memory_space<hbm>> -> memref<4x8x128xf32, #tpu.memory_space<hbm>>
      tpu.wait_dma2 semaphore(%arg6 : memref<!tpu.dma_semaphore, #tpu.memory_space<semaphore_mem>>) src(%dma_wait3A_445 : memref<4x8x128xf32, #tpu.memory_space<hbm>>) dst(%dma_wait3A_440 : memref<4x8x128xf32, #tpu.memory_space<vmem>>)
      %dma_wait3A_446 = arith.constant 3 : i32
      %dma_wait3A_447 = arith.constant 1 : i32
      %dma_wait3A_448 = arith.constant 3 : i32
      %dma_wait3A_449 = arith.constant 0 : i32
      %dma_wait3A_450 = arith.constant 0 : i32
      %dma_wait3A_451 = arith.constant 0 : i32
      %dma_wait3A_452 = tpu.memref_slice %arg4[%dma_wait3A_447, %dma_wait3A_448, %dma_wait3A_449, %dma_wait3A_450, %dma_wait3A_451] : memref<2x4x4x8x128xf32, #tpu.memory_space<vmem>> -> memref<1x1x4x8x128xf32, #tpu.memory_space<vmem>>
      %dma_wait3A_453 = tpu.memref_squeeze %dma_wait3A_452 : memref<1x1x4x8x128xf32, #tpu.memory_space<vmem>> -> memref<4x8x128xf32, #tpu.memory_space<vmem>>
      %dma_wait3A_454 = arith.constant 0 : i32
      %dma_wait3A_455 = arith.constant 0 : i32
      %dma_wait3A_456 = arith.constant 0 : i32
      %dma_wait3A_457 = tpu.memref_slice %arg2[%dma_wait3A_446, %dma_wait3A_454, %dma_wait3A_455, %dma_wait3A_456] : memref<4x7936x8x128xf32, #tpu.memory_space<hbm>> -> memref<1x4x8x128xf32, #tpu.memory_space<hbm>>
      %dma_wait3A_458 = tpu.memref_squeeze %dma_wait3A_457 : memref<1x4x8x128xf32, #tpu.memory_space<hbm>> -> memref<4x8x128xf32, #tpu.memory_space<hbm>>
      %dma_wait3A_459 = arith.constant 0 : i32
      %dma_wait3A_460 = arith.constant 0 : i32
      %dma_wait3A_461 = arith.constant 0 : i32
      %dma_wait3A_462 = tpu.memref_slice %arg4[%dma_wait3A_447, %dma_wait3A_448, %dma_wait3A_459, %dma_wait3A_460, %dma_wait3A_461] : memref<2x4x4x8x128xf32, #tpu.memory_space<vmem>> -> memref<1x1x4x8x128xf32, #tpu.memory_space<vmem>>
      %dma_wait3A_463 = tpu.memref_squeeze %dma_wait3A_462 : memref<1x1x4x8x128xf32, #tpu.memory_space<vmem>> -> memref<4x8x128xf32, #tpu.memory_space<vmem>>
      %dma_wait3A_464 = arith.constant 0 : i32
      %dma_wait3A_465 = arith.constant 0 : i32
      %dma_wait3A_466 = arith.constant 0 : i32
      %dma_wait3A_467 = tpu.memref_slice %arg2[%dma_wait3A_446, %dma_wait3A_464, %dma_wait3A_465, %dma_wait3A_466] : memref<4x7936x8x128xf32, #tpu.memory_space<hbm>> -> memref<1x4x8x128xf32, #tpu.memory_space<hbm>>
      %dma_wait3A_468 = tpu.memref_squeeze %dma_wait3A_467 : memref<1x4x8x128xf32, #tpu.memory_space<hbm>> -> memref<4x8x128xf32, #tpu.memory_space<hbm>>
      tpu.wait_dma2 semaphore(%arg6 : memref<!tpu.dma_semaphore, #tpu.memory_space<semaphore_mem>>) src(%dma_wait3A_468 : memref<4x8x128xf32, #tpu.memory_space<hbm>>) dst(%dma_wait3A_463 : memref<4x8x128xf32, #tpu.memory_space<vmem>>)
      %parallel_loop3A_469 = arith.constant 0 : i32
      %parallel_loop3A_470 = arith.constant 1024 : i32
      %parallel_loop3A_471 = arith.constant 1 : i32
      scf.for %parallel_loop3A_490 = %parallel_loop3A_469 to %parallel_loop3A_470 step %parallel_loop3A_471  : i32 {
        %parallel_loop3A_491 = arith.constant 5 : i32
        %parallel_loop3A_492 = arith.shrsi %parallel_loop3A_490, %parallel_loop3A_491 : i32
        %parallel_loop3A_493 = arith.constant 16 : i32
        %parallel_loop3A_494 = arith.muli %parallel_loop3A_492, %parallel_loop3A_493 : i32
        %parallel_loop3A_495 = arith.constant 31 : i32
        %parallel_loop3A_496 = arith.andi %parallel_loop3A_490, %parallel_loop3A_495 : i32
        %parallel_loop3A_497 = arith.constant 127 : i32
        %parallel_loop3A_498 = arith.andi %parallel_loop3A_494, %parallel_loop3A_497 : i32
        %parallel_loop3A_499 = vector.broadcast %parallel_loop3A_498 : i32 to vector<16xi32>
        %parallel_loop3A_500 = arith.addi %iota3A, %parallel_loop3A_499 : vector<16xi32>
        %parallel_loop3A_501 = vector.broadcast %parallel_loop3A_496 : i32 to vector<16xi32>
        %parallel_loop3A_502 = arith.addi %iota3A, %parallel_loop3A_501 : vector<16xi32>
        %parallel_loop3A_503 = arith.constant 31 : i32
        %parallel_loop3A_504 = vector.broadcast %parallel_loop3A_503 : i32 to vector<16xi32>
        %parallel_loop3A_505 = arith.andi %parallel_loop3A_502, %parallel_loop3A_504 : vector<16xi32>
        %parallel_loop3A_506 = arith.constant 8 : i32
        %parallel_loop3A_507 = arith.shrsi %parallel_loop3A_490, %parallel_loop3A_506 : i32
        %parallel_loop3A_508 = vector.broadcast %parallel_loop3A_507 : i32 to vector<16xi32>
        %parallel_loop3A_509 = arith.constant 3 : i32
        %parallel_loop3A_510 = vector.broadcast %parallel_loop3A_509 : i32 to vector<16xi32>
        %parallel_loop3A_511 = arith.shrsi %parallel_loop3A_505, %parallel_loop3A_510 : vector<16xi32>
        %parallel_loop3A_512 = arith.constant 7 : i32
        %parallel_loop3A_513 = vector.broadcast %parallel_loop3A_512 : i32 to vector<16xi32>
        %parallel_loop3A_514 = arith.andi %parallel_loop3A_505, %parallel_loop3A_513 : vector<16xi32>
        %parallel_loop3A_515 = arith.constant 1 : i32
        %parallel_loop3A_516 = arith.constant 0 : i32
        %parallel_loop3A_517 = arith.constant 0 : i32
        %parallel_loop3A_518 = arith.constant 0 : i32
        %parallel_loop3A_519 = arith.constant 0 : i32
        %parallel_loop3A_520 = tpu.memref_slice %arg4[%parallel_loop3A_515, %parallel_loop3A_516, %parallel_loop3A_517, %parallel_loop3A_518, %parallel_loop3A_519] : memref<2x4x4x8x128xf32, #tpu.memory_space<vmem>> -> memref<1x4x4x8x128xf32, #tpu.memory_space<vmem>>
        %parallel_loop3A_521 = tpu.memref_squeeze %parallel_loop3A_520 : memref<1x4x4x8x128xf32, #tpu.memory_space<vmem>> -> memref<4x4x8x128xf32, #tpu.memory_space<vmem>>
        %parallel_loop3A_522 = tpu.vector_load_idx %parallel_loop3A_521[%parallel_loop3A_511, %parallel_loop3A_508, %parallel_loop3A_514, %parallel_loop3A_500] : memref<4x4x8x128xf32, #tpu.memory_space<vmem>>[vector<16xi32>, vector<16xi32>, vector<16xi32>, vector<16xi32>], vector<16xf32>,
        %parallel_loop3A_523 = vector.broadcast %parallel_loop3A_494 : i32 to vector<16xi32>
        %parallel_loop3A_524 = arith.addi %iota3A, %parallel_loop3A_523 : vector<16xi32>
        %parallel_loop3A_525 = arith.constant 5.65685415 : f32
        %parallel_loop3A_526 = vector.broadcast %parallel_loop3A_525 : f32 to vector<16xf32>
        %parallel_loop3A_527 = arith.mulf %parallel_loop3A_522, %parallel_loop3A_526 : vector<16xf32>
        %parallel_loop3A_528 = arith.constant 1 : i32
        %parallel_loop3A_529 = arith.constant 0 : i32
        %parallel_loop3A_530 = arith.constant 0 : i32
        %parallel_loop3A_531 = tpu.memref_slice %arg5[%parallel_loop3A_528, %parallel_loop3A_529, %parallel_loop3A_530] : memref<2x512x32xf32, #tpu.memory_space<vmem>> -> memref<1x512x32xf32, #tpu.memory_space<vmem>>
        %parallel_loop3A_532 = tpu.memref_squeeze %parallel_loop3A_531 : memref<1x512x32xf32, #tpu.memory_space<vmem>> -> memref<512x32xf32, #tpu.memory_space<vmem>>
        tpu.vector_store_idx %parallel_loop3A_532[%parallel_loop3A_524, %parallel_loop3A_505], %parallel_loop3A_527 : memref<512x32xf32, #tpu.memory_space<vmem>>[vector<16xi32>, vector<16xi32>], vector<16xf32>,
      } {sc.loop_unroll_factor = 16 : i64, sc.parallel_access}
      %mul3A_472 = arith.constant 32 : i32
      %mul3A_473 = arith.muli %add3A_371, %mul3A_472 : i32
      %add3A_474 = arith.addi %add3A, %mul3A_473 : i32
      %mul3A_475 = arith.constant 512 : i32
      %mul3A_476 = arith.muli %add3A_474, %mul3A_475 : i32
      %dma_start3A_477 = arith.constant 1 : i32
      %dma_start3A_478 = arith.constant 0 : i32
      %dma_start3A_479 = arith.constant 0 : i32
      %dma_start3A_480 = tpu.memref_slice %arg5[%dma_start3A_477, %dma_start3A_478, %dma_start3A_479] : memref<2x512x32xf32, #tpu.memory_space<vmem>> -> memref<1x512x32xf32, #tpu.memory_space<vmem>>
      %dma_start3A_481 = tpu.memref_squeeze %dma_start3A_480 : memref<1x512x32xf32, #tpu.memory_space<vmem>> -> memref<512x32xf32, #tpu.memory_space<vmem>>
      %dma_start3A_482 = arith.constant 0 : i32
      %dma_start3A_483 = tpu.memref_slice %arg3[%mul3A_476, %dma_start3A_482] : memref<1015808x32xf32, #tpu.memory_space<hbm>> -> memref<512x32xf32, #tpu.memory_space<hbm>>
      %dma_start3A_484 = arith.constant 0 : i32
      %dma_start3A_485 = tpu.memref_slice %arg3[%mul3A_476, %dma_start3A_484] : memref<1015808x32xf32, #tpu.memory_space<hbm>> -> memref<512x32xf32, #tpu.memory_space<hbm>>
      %dma_start3A_486 = arith.constant 0 : i32
      %dma_start3A_487 = arith.constant 0 : i32
      %dma_start3A_488 = tpu.memref_slice %arg5[%dma_start3A_477, %dma_start3A_486, %dma_start3A_487] : memref<2x512x32xf32, #tpu.memory_space<vmem>> -> memref<1x512x32xf32, #tpu.memory_space<vmem>>
      %dma_start3A_489 = tpu.memref_squeeze %dma_start3A_488 : memref<1x512x32xf32, #tpu.memory_space<vmem>> -> memref<512x32xf32, #tpu.memory_space<vmem>>
      tpu.enqueue_dma source(%dma_start3A_489 : memref<512x32xf32, #tpu.memory_space<vmem>>) target(%dma_start3A_485 : memref<512x32xf32, #tpu.memory_space<hbm>>) target_semaphore(%arg7 : memref<!tpu.dma_semaphore, #tpu.memory_space<semaphore_mem>>)
    }
    %scan3A_103 = arith.constant 31 : i32
    %add3A_104 = arith.constant 1920 : i32
    %add3A_105 = arith.addi %add3A, %add3A_104 : i32
    %mul3A_106 = arith.constant 512 : i32
    %mul3A_107 = arith.muli %add3A_105, %mul3A_106 : i32
    %dma_wait3A = arith.constant 0 : i32
    %dma_wait3A_108 = arith.constant 0 : i32
    %dma_wait3A_109 = arith.constant 0 : i32
    %dma_wait3A_110 = tpu.memref_slice %arg5[%dma_wait3A, %dma_wait3A_108, %dma_wait3A_109] : memref<2x512x32xf32, #tpu.memory_space<vmem>> -> memref<1x512x32xf32, #tpu.memory_space<vmem>>
    %dma_wait3A_111 = tpu.memref_squeeze %dma_wait3A_110 : memref<1x512x32xf32, #tpu.memory_space<vmem>> -> memref<512x32xf32, #tpu.memory_space<vmem>>
    %dma_wait3A_112 = arith.constant 0 : i32
    %dma_wait3A_113 = tpu.memref_slice %arg3[%mul3A_107, %dma_wait3A_112] : memref<1015808x32xf32, #tpu.memory_space<hbm>> -> memref<512x32xf32, #tpu.memory_space<hbm>>
    %dma_wait3A_114 = arith.constant 0 : i32
    %dma_wait3A_115 = tpu.memref_slice %arg3[%mul3A_107, %dma_wait3A_114] : memref<1015808x32xf32, #tpu.memory_space<hbm>> -> memref<512x32xf32, #tpu.memory_space<hbm>>
    %dma_wait3A_116 = arith.constant 0 : i32
    %dma_wait3A_117 = arith.constant 0 : i32
    %dma_wait3A_118 = tpu.memref_slice %arg5[%dma_wait3A, %dma_wait3A_116, %dma_wait3A_117] : memref<2x512x32xf32, #tpu.memory_space<vmem>> -> memref<1x512x32xf32, #tpu.memory_space<vmem>>
    %dma_wait3A_119 = tpu.memref_squeeze %dma_wait3A_118 : memref<1x512x32xf32, #tpu.memory_space<vmem>> -> memref<512x32xf32, #tpu.memory_space<vmem>>
    tpu.wait_dma2 semaphore(%arg7 : memref<!tpu.dma_semaphore, #tpu.memory_space<semaphore_mem>>) src(%dma_wait3A_119 : memref<512x32xf32, #tpu.memory_space<vmem>>) dst(%dma_wait3A_115 : memref<512x32xf32, #tpu.memory_space<hbm>>)
    %add3A_120 = arith.constant 1952 : i32
    %add3A_121 = arith.addi %add3A, %add3A_120 : i32
    %mul3A_122 = arith.constant 512 : i32
    %mul3A_123 = arith.muli %add3A_121, %mul3A_122 : i32
    %dma_wait3A_124 = arith.constant 1 : i32
    %dma_wait3A_125 = arith.constant 0 : i32
    %dma_wait3A_126 = arith.constant 0 : i32
    %dma_wait3A_127 = tpu.memref_slice %arg5[%dma_wait3A_124, %dma_wait3A_125, %dma_wait3A_126] : memref<2x512x32xf32, #tpu.memory_space<vmem>> -> memref<1x512x32xf32, #tpu.memory_space<vmem>>
    %dma_wait3A_128 = tpu.memref_squeeze %dma_wait3A_127 : memref<1x512x32xf32, #tpu.memory_space<vmem>> -> memref<512x32xf32, #tpu.memory_space<vmem>>
    %dma_wait3A_129 = arith.constant 0 : i32
    %dma_wait3A_130 = tpu.memref_slice %arg3[%mul3A_123, %dma_wait3A_129] : memref<1015808x32xf32, #tpu.memory_space<hbm>> -> memref<512x32xf32, #tpu.memory_space<hbm>>
    %dma_wait3A_131 = arith.constant 0 : i32
    %dma_wait3A_132 = tpu.memref_slice %arg3[%mul3A_123, %dma_wait3A_131] : memref<1015808x32xf32, #tpu.memory_space<hbm>> -> memref<512x32xf32, #tpu.memory_space<hbm>>
    %dma_wait3A_133 = arith.constant 0 : i32
    %dma_wait3A_134 = arith.constant 0 : i32
    %dma_wait3A_135 = tpu.memref_slice %arg5[%dma_wait3A_124, %dma_wait3A_133, %dma_wait3A_134] : memref<2x512x32xf32, #tpu.memory_space<vmem>> -> memref<1x512x32xf32, #tpu.memory_space<vmem>>
    %dma_wait3A_136 = tpu.memref_squeeze %dma_wait3A_135 : memref<1x512x32xf32, #tpu.memory_space<vmem>> -> memref<512x32xf32, #tpu.memory_space<vmem>>
    tpu.wait_dma2 semaphore(%arg7 : memref<!tpu.dma_semaphore, #tpu.memory_space<semaphore_mem>>) src(%dma_wait3A_136 : memref<512x32xf32, #tpu.memory_space<vmem>>) dst(%dma_wait3A_132 : memref<512x32xf32, #tpu.memory_space<hbm>>)
    return
  }
}

#map = affine_map<(d0, d1) -> (0, 0, 0, 0)>
#map1 = affine_map<(d0, d1) -> (0, 0)>
#map2 = affine_map<(d0, d1) -> (0, 0, 0, 0, 0)>
module attributes {stable_mosaic.version = 14 : i64} {
  func.func @_body(%arg0: i32, %arg1: i32, %arg2: memref<25x32x8x128xi32, #tpu.memory_space<hbm>>, %arg3: memref<1015808x32xf32, #tpu.memory_space<hbm>>, %arg4: memref<200x4x32x8x128xf32, #tpu.memory_space<hbm>>, %arg5: memref<2x8x128xi32, #tpu.memory_space<vmem>>, %arg6: memref<2x8x128x32xf32, #tpu.memory_space<vmem>>, %arg7: memref<2x4x4x8x128xf32, #tpu.memory_space<vmem>>, %arg8: memref<!tpu.dma_semaphore, #tpu.memory_space<semaphore_mem>>, %arg9: memref<!tpu.dma_semaphore, #tpu.memory_space<semaphore_mem>>) attributes {dimension_semantics = [#tpu.dimension_semantics<core_parallel>, #tpu.dimension_semantics<subcore_parallel>], iteration_bounds = array<i64: 2, 16>, scalar_prefetch = 0 : i64, scratch_operands = 5 : i64, tpu.core_type = #tpu.core_type<sc_vector_subcore>, window_params = [{transform_indices = #map}, {transform_indices = #map1}, {transform_indices = #map2}]} {
    %mul3A = arith.constant 2 : i32
    %mul3A_0 = arith.muli %arg1, %mul3A : i32
    %add3A = arith.addi %mul3A_0, %arg0 : i32
    %iota3A = tpu.iota {dimensions = array<i32: 0>} : vector<16xi32>
    %run_scoped3A = arith.constant 0 : i32
    %run_scoped3A_1 = arith.constant 0 : i32
    "tpu.region"() ({
      %run_scoped3A_166 = tpu.sem_alloc : memref<!tpu.dma_semaphore, #tpu.memory_space<semaphore_mem>>
      %dma_start3A_167 = arith.constant 0 : i32
      %dma_start3A_168 = arith.constant 0 : i32
      %dma_start3A_169 = tpu.memref_slice %arg5[%run_scoped3A_1, %dma_start3A_167, %dma_start3A_168] : memref<2x8x128xi32, #tpu.memory_space<vmem>> -> memref<1x8x128xi32, #tpu.memory_space<vmem>>
      %dma_start3A_170 = tpu.memref_squeeze %dma_start3A_169 : memref<1x8x128xi32, #tpu.memory_space<vmem>> -> memref<8x128xi32, #tpu.memory_space<vmem>>
      %dma_start3A_171 = arith.constant 0 : i32
      %dma_start3A_172 = arith.constant 0 : i32
      %dma_start3A_173 = tpu.memref_slice %arg2[%run_scoped3A, %add3A, %dma_start3A_171, %dma_start3A_172] : memref<25x32x8x128xi32, #tpu.memory_space<hbm>> -> memref<1x1x8x128xi32, #tpu.memory_space<hbm>>
      %dma_start3A_174 = tpu.memref_squeeze %dma_start3A_173 : memref<1x1x8x128xi32, #tpu.memory_space<hbm>> -> memref<8x128xi32, #tpu.memory_space<hbm>>
      %dma_start3A_175 = arith.constant 0 : i32
      %dma_start3A_176 = arith.constant 0 : i32
      %dma_start3A_177 = tpu.memref_slice %arg5[%run_scoped3A_1, %dma_start3A_175, %dma_start3A_176] : memref<2x8x128xi32, #tpu.memory_space<vmem>> -> memref<1x8x128xi32, #tpu.memory_space<vmem>>
      %dma_start3A_178 = tpu.memref_squeeze %dma_start3A_177 : memref<1x8x128xi32, #tpu.memory_space<vmem>> -> memref<8x128xi32, #tpu.memory_space<vmem>>
      %dma_start3A_179 = arith.constant 0 : i32
      %dma_start3A_180 = arith.constant 0 : i32
      %dma_start3A_181 = tpu.memref_slice %arg2[%run_scoped3A, %add3A, %dma_start3A_179, %dma_start3A_180] : memref<25x32x8x128xi32, #tpu.memory_space<hbm>> -> memref<1x1x8x128xi32, #tpu.memory_space<hbm>>
      %dma_start3A_182 = tpu.memref_squeeze %dma_start3A_181 : memref<1x1x8x128xi32, #tpu.memory_space<hbm>> -> memref<8x128xi32, #tpu.memory_space<hbm>>
      tpu.enqueue_dma source(%dma_start3A_182 : memref<8x128xi32, #tpu.memory_space<hbm>>) target(%dma_start3A_178 : memref<8x128xi32, #tpu.memory_space<vmem>>) target_semaphore(%run_scoped3A_166 : memref<!tpu.dma_semaphore, #tpu.memory_space<semaphore_mem>>)
      %dma_wait3A_183 = arith.constant 0 : i32
      %dma_wait3A_184 = arith.constant 0 : i32
      %dma_wait3A_185 = tpu.memref_slice %arg5[%run_scoped3A_1, %dma_wait3A_183, %dma_wait3A_184] : memref<2x8x128xi32, #tpu.memory_space<vmem>> -> memref<1x8x128xi32, #tpu.memory_space<vmem>>
      %dma_wait3A_186 = tpu.memref_squeeze %dma_wait3A_185 : memref<1x8x128xi32, #tpu.memory_space<vmem>> -> memref<8x128xi32, #tpu.memory_space<vmem>>
      %dma_wait3A_187 = arith.constant 0 : i32
      %dma_wait3A_188 = arith.constant 0 : i32
      %dma_wait3A_189 = tpu.memref_slice %arg2[%run_scoped3A, %add3A, %dma_wait3A_187, %dma_wait3A_188] : memref<25x32x8x128xi32, #tpu.memory_space<hbm>> -> memref<1x1x8x128xi32, #tpu.memory_space<hbm>>
      %dma_wait3A_190 = tpu.memref_squeeze %dma_wait3A_189 : memref<1x1x8x128xi32, #tpu.memory_space<hbm>> -> memref<8x128xi32, #tpu.memory_space<hbm>>
      %dma_wait3A_191 = arith.constant 0 : i32
      %dma_wait3A_192 = arith.constant 0 : i32
      %dma_wait3A_193 = tpu.memref_slice %arg5[%run_scoped3A_1, %dma_wait3A_191, %dma_wait3A_192] : memref<2x8x128xi32, #tpu.memory_space<vmem>> -> memref<1x8x128xi32, #tpu.memory_space<vmem>>
      %dma_wait3A_194 = tpu.memref_squeeze %dma_wait3A_193 : memref<1x8x128xi32, #tpu.memory_space<vmem>> -> memref<8x128xi32, #tpu.memory_space<vmem>>
      %dma_wait3A_195 = arith.constant 0 : i32
      %dma_wait3A_196 = arith.constant 0 : i32
      %dma_wait3A_197 = tpu.memref_slice %arg2[%run_scoped3A, %add3A, %dma_wait3A_195, %dma_wait3A_196] : memref<25x32x8x128xi32, #tpu.memory_space<hbm>> -> memref<1x1x8x128xi32, #tpu.memory_space<hbm>>
      %dma_wait3A_198 = tpu.memref_squeeze %dma_wait3A_197 : memref<1x1x8x128xi32, #tpu.memory_space<hbm>> -> memref<8x128xi32, #tpu.memory_space<hbm>>
      tpu.wait_dma2 semaphore(%run_scoped3A_166 : memref<!tpu.dma_semaphore, #tpu.memory_space<semaphore_mem>>) src(%dma_wait3A_198 : memref<8x128xi32, #tpu.memory_space<hbm>>) dst(%dma_wait3A_194 : memref<8x128xi32, #tpu.memory_space<vmem>>)
      tpu.yield
    }) : () -> ()
    %dma_start3A = arith.constant 0 : i32
    %dma_start3A_2 = arith.constant 0 : i32
    %dma_start3A_3 = arith.constant 0 : i32
    %dma_start3A_4 = arith.constant 0 : i32
    %dma_start3A_5 = arith.constant 0 : i32
    %dma_start3A_6 = arith.constant 0 : i32
    %dma_start3A_7 = tpu.memref_slice %arg6[%dma_start3A_3, %dma_start3A_4, %dma_start3A_5, %dma_start3A_6] : memref<2x8x128x32xf32, #tpu.memory_space<vmem>> -> memref<1x1x128x32xf32, #tpu.memory_space<vmem>>
    %dma_start3A_8 = tpu.memref_squeeze %dma_start3A_7 : memref<1x1x128x32xf32, #tpu.memory_space<vmem>> -> memref<128x32xf32, #tpu.memory_space<vmem>>
    %dma_start3A_9 = arith.constant 0 : i32
    %dma_start3A_10 = tpu.memref_slice %arg5[%dma_start3A, %dma_start3A_2, %dma_start3A_9] : memref<2x8x128xi32, #tpu.memory_space<vmem>> -> memref<1x1x128xi32, #tpu.memory_space<vmem>>
    %dma_start3A_11 = tpu.memref_squeeze %dma_start3A_10 : memref<1x1x128xi32, #tpu.memory_space<vmem>> -> memref<128xi32, #tpu.memory_space<vmem>>
    %dma_start3A_12 = arith.constant 0 : i32
    %dma_start3A_13 = arith.constant 0 : i32
    %dma_start3A_14 = tpu.memref_slice %arg3[%dma_start3A_12, %dma_start3A_13] : memref<1015808x32xf32, #tpu.memory_space<hbm>> -> memref<1015808x32xf32, #tpu.memory_space<hbm>>
    tpu.enqueue_indirect_dma source(%dma_start3A_14 : memref<1015808x32xf32, #tpu.memory_space<hbm>>) target(%dma_start3A_8 : memref<128x32xf32, #tpu.memory_space<vmem>>) offsets(%dma_start3A_11 : memref<128xi32, #tpu.memory_space<vmem>>) semaphore(%arg8 : memref<!tpu.dma_semaphore, #tpu.memory_space<semaphore_mem>>)
    %dma_start3A_15 = arith.constant 0 : i32
    %dma_start3A_16 = arith.constant 1 : i32
    %dma_start3A_17 = arith.constant 0 : i32
    %dma_start3A_18 = arith.constant 1 : i32
    %dma_start3A_19 = arith.constant 0 : i32
    %dma_start3A_20 = arith.constant 0 : i32
    %dma_start3A_21 = tpu.memref_slice %arg6[%dma_start3A_17, %dma_start3A_18, %dma_start3A_19, %dma_start3A_20] : memref<2x8x128x32xf32, #tpu.memory_space<vmem>> -> memref<1x1x128x32xf32, #tpu.memory_space<vmem>>
    %dma_start3A_22 = tpu.memref_squeeze %dma_start3A_21 : memref<1x1x128x32xf32, #tpu.memory_space<vmem>> -> memref<128x32xf32, #tpu.memory_space<vmem>>
    %dma_start3A_23 = arith.constant 0 : i32
    %dma_start3A_24 = tpu.memref_slice %arg5[%dma_start3A_15, %dma_start3A_16, %dma_start3A_23] : memref<2x8x128xi32, #tpu.memory_space<vmem>> -> memref<1x1x128xi32, #tpu.memory_space<vmem>>
    %dma_start3A_25 = tpu.memref_squeeze %dma_start3A_24 : memref<1x1x128xi32, #tpu.memory_space<vmem>> -> memref<128xi32, #tpu.memory_space<vmem>>
    %dma_start3A_26 = arith.constant 0 : i32
    %dma_start3A_27 = arith.constant 0 : i32
    %dma_start3A_28 = tpu.memref_slice %arg3[%dma_start3A_26, %dma_start3A_27] : memref<1015808x32xf32, #tpu.memory_space<hbm>> -> memref<1015808x32xf32, #tpu.memory_space<hbm>>
    tpu.enqueue_indirect_dma source(%dma_start3A_28 : memref<1015808x32xf32, #tpu.memory_space<hbm>>) target(%dma_start3A_22 : memref<128x32xf32, #tpu.memory_space<vmem>>) offsets(%dma_start3A_25 : memref<128xi32, #tpu.memory_space<vmem>>) semaphore(%arg8 : memref<!tpu.dma_semaphore, #tpu.memory_space<semaphore_mem>>)
    %dma_start3A_29 = arith.constant 0 : i32
    %dma_start3A_30 = arith.constant 2 : i32
    %dma_start3A_31 = arith.constant 0 : i32
    %dma_start3A_32 = arith.constant 2 : i32
    %dma_start3A_33 = arith.constant 0 : i32
    %dma_start3A_34 = arith.constant 0 : i32
    %dma_start3A_35 = tpu.memref_slice %arg6[%dma_start3A_31, %dma_start3A_32, %dma_start3A_33, %dma_start3A_34] : memref<2x8x128x32xf32, #tpu.memory_space<vmem>> -> memref<1x1x128x32xf32, #tpu.memory_space<vmem>>
    %dma_start3A_36 = tpu.memref_squeeze %dma_start3A_35 : memref<1x1x128x32xf32, #tpu.memory_space<vmem>> -> memref<128x32xf32, #tpu.memory_space<vmem>>
    %dma_start3A_37 = arith.constant 0 : i32
    %dma_start3A_38 = tpu.memref_slice %arg5[%dma_start3A_29, %dma_start3A_30, %dma_start3A_37] : memref<2x8x128xi32, #tpu.memory_space<vmem>> -> memref<1x1x128xi32, #tpu.memory_space<vmem>>
    %dma_start3A_39 = tpu.memref_squeeze %dma_start3A_38 : memref<1x1x128xi32, #tpu.memory_space<vmem>> -> memref<128xi32, #tpu.memory_space<vmem>>
    %dma_start3A_40 = arith.constant 0 : i32
    %dma_start3A_41 = arith.constant 0 : i32
    %dma_start3A_42 = tpu.memref_slice %arg3[%dma_start3A_40, %dma_start3A_41] : memref<1015808x32xf32, #tpu.memory_space<hbm>> -> memref<1015808x32xf32, #tpu.memory_space<hbm>>
    tpu.enqueue_indirect_dma source(%dma_start3A_42 : memref<1015808x32xf32, #tpu.memory_space<hbm>>) target(%dma_start3A_36 : memref<128x32xf32, #tpu.memory_space<vmem>>) offsets(%dma_start3A_39 : memref<128xi32, #tpu.memory_space<vmem>>) semaphore(%arg8 : memref<!tpu.dma_semaphore, #tpu.memory_space<semaphore_mem>>)
    %dma_start3A_43 = arith.constant 0 : i32
    %dma_start3A_44 = arith.constant 3 : i32
    %dma_start3A_45 = arith.constant 0 : i32
    %dma_start3A_46 = arith.constant 3 : i32
    %dma_start3A_47 = arith.constant 0 : i32
    %dma_start3A_48 = arith.constant 0 : i32
    %dma_start3A_49 = tpu.memref_slice %arg6[%dma_start3A_45, %dma_start3A_46, %dma_start3A_47, %dma_start3A_48] : memref<2x8x128x32xf32, #tpu.memory_space<vmem>> -> memref<1x1x128x32xf32, #tpu.memory_space<vmem>>
    %dma_start3A_50 = tpu.memref_squeeze %dma_start3A_49 : memref<1x1x128x32xf32, #tpu.memory_space<vmem>> -> memref<128x32xf32, #tpu.memory_space<vmem>>
    %dma_start3A_51 = arith.constant 0 : i32
    %dma_start3A_52 = tpu.memref_slice %arg5[%dma_start3A_43, %dma_start3A_44, %dma_start3A_51] : memref<2x8x128xi32, #tpu.memory_space<vmem>> -> memref<1x1x128xi32, #tpu.memory_space<vmem>>
    %dma_start3A_53 = tpu.memref_squeeze %dma_start3A_52 : memref<1x1x128xi32, #tpu.memory_space<vmem>> -> memref<128xi32, #tpu.memory_space<vmem>>
    %dma_start3A_54 = arith.constant 0 : i32
    %dma_start3A_55 = arith.constant 0 : i32
    %dma_start3A_56 = tpu.memref_slice %arg3[%dma_start3A_54, %dma_start3A_55] : memref<1015808x32xf32, #tpu.memory_space<hbm>> -> memref<1015808x32xf32, #tpu.memory_space<hbm>>
    tpu.enqueue_indirect_dma source(%dma_start3A_56 : memref<1015808x32xf32, #tpu.memory_space<hbm>>) target(%dma_start3A_50 : memref<128x32xf32, #tpu.memory_space<vmem>>) offsets(%dma_start3A_53 : memref<128xi32, #tpu.memory_space<vmem>>) semaphore(%arg8 : memref<!tpu.dma_semaphore, #tpu.memory_space<semaphore_mem>>)
    %dma_start3A_57 = arith.constant 0 : i32
    %dma_start3A_58 = arith.constant 4 : i32
    %dma_start3A_59 = arith.constant 0 : i32
    %dma_start3A_60 = arith.constant 4 : i32
    %dma_start3A_61 = arith.constant 0 : i32
    %dma_start3A_62 = arith.constant 0 : i32
    %dma_start3A_63 = tpu.memref_slice %arg6[%dma_start3A_59, %dma_start3A_60, %dma_start3A_61, %dma_start3A_62] : memref<2x8x128x32xf32, #tpu.memory_space<vmem>> -> memref<1x1x128x32xf32, #tpu.memory_space<vmem>>
    %dma_start3A_64 = tpu.memref_squeeze %dma_start3A_63 : memref<1x1x128x32xf32, #tpu.memory_space<vmem>> -> memref<128x32xf32, #tpu.memory_space<vmem>>
    %dma_start3A_65 = arith.constant 0 : i32
    %dma_start3A_66 = tpu.memref_slice %arg5[%dma_start3A_57, %dma_start3A_58, %dma_start3A_65] : memref<2x8x128xi32, #tpu.memory_space<vmem>> -> memref<1x1x128xi32, #tpu.memory_space<vmem>>
    %dma_start3A_67 = tpu.memref_squeeze %dma_start3A_66 : memref<1x1x128xi32, #tpu.memory_space<vmem>> -> memref<128xi32, #tpu.memory_space<vmem>>
    %dma_start3A_68 = arith.constant 0 : i32
    %dma_start3A_69 = arith.constant 0 : i32
    %dma_start3A_70 = tpu.memref_slice %arg3[%dma_start3A_68, %dma_start3A_69] : memref<1015808x32xf32, #tpu.memory_space<hbm>> -> memref<1015808x32xf32, #tpu.memory_space<hbm>>
    tpu.enqueue_indirect_dma source(%dma_start3A_70 : memref<1015808x32xf32, #tpu.memory_space<hbm>>) target(%dma_start3A_64 : memref<128x32xf32, #tpu.memory_space<vmem>>) offsets(%dma_start3A_67 : memref<128xi32, #tpu.memory_space<vmem>>) semaphore(%arg8 : memref<!tpu.dma_semaphore, #tpu.memory_space<semaphore_mem>>)
    %dma_start3A_71 = arith.constant 0 : i32
    %dma_start3A_72 = arith.constant 5 : i32
    %dma_start3A_73 = arith.constant 0 : i32
    %dma_start3A_74 = arith.constant 5 : i32
    %dma_start3A_75 = arith.constant 0 : i32
    %dma_start3A_76 = arith.constant 0 : i32
    %dma_start3A_77 = tpu.memref_slice %arg6[%dma_start3A_73, %dma_start3A_74, %dma_start3A_75, %dma_start3A_76] : memref<2x8x128x32xf32, #tpu.memory_space<vmem>> -> memref<1x1x128x32xf32, #tpu.memory_space<vmem>>
    %dma_start3A_78 = tpu.memref_squeeze %dma_start3A_77 : memref<1x1x128x32xf32, #tpu.memory_space<vmem>> -> memref<128x32xf32, #tpu.memory_space<vmem>>
    %dma_start3A_79 = arith.constant 0 : i32
    %dma_start3A_80 = tpu.memref_slice %arg5[%dma_start3A_71, %dma_start3A_72, %dma_start3A_79] : memref<2x8x128xi32, #tpu.memory_space<vmem>> -> memref<1x1x128xi32, #tpu.memory_space<vmem>>
    %dma_start3A_81 = tpu.memref_squeeze %dma_start3A_80 : memref<1x1x128xi32, #tpu.memory_space<vmem>> -> memref<128xi32, #tpu.memory_space<vmem>>
    %dma_start3A_82 = arith.constant 0 : i32
    %dma_start3A_83 = arith.constant 0 : i32
    %dma_start3A_84 = tpu.memref_slice %arg3[%dma_start3A_82, %dma_start3A_83] : memref<1015808x32xf32, #tpu.memory_space<hbm>> -> memref<1015808x32xf32, #tpu.memory_space<hbm>>
    tpu.enqueue_indirect_dma source(%dma_start3A_84 : memref<1015808x32xf32, #tpu.memory_space<hbm>>) target(%dma_start3A_78 : memref<128x32xf32, #tpu.memory_space<vmem>>) offsets(%dma_start3A_81 : memref<128xi32, #tpu.memory_space<vmem>>) semaphore(%arg8 : memref<!tpu.dma_semaphore, #tpu.memory_space<semaphore_mem>>)
    %dma_start3A_85 = arith.constant 0 : i32
    %dma_start3A_86 = arith.constant 6 : i32
    %dma_start3A_87 = arith.constant 0 : i32
    %dma_start3A_88 = arith.constant 6 : i32
    %dma_start3A_89 = arith.constant 0 : i32
    %dma_start3A_90 = arith.constant 0 : i32
    %dma_start3A_91 = tpu.memref_slice %arg6[%dma_start3A_87, %dma_start3A_88, %dma_start3A_89, %dma_start3A_90] : memref<2x8x128x32xf32, #tpu.memory_space<vmem>> -> memref<1x1x128x32xf32, #tpu.memory_space<vmem>>
    %dma_start3A_92 = tpu.memref_squeeze %dma_start3A_91 : memref<1x1x128x32xf32, #tpu.memory_space<vmem>> -> memref<128x32xf32, #tpu.memory_space<vmem>>
    %dma_start3A_93 = arith.constant 0 : i32
    %dma_start3A_94 = tpu.memref_slice %arg5[%dma_start3A_85, %dma_start3A_86, %dma_start3A_93] : memref<2x8x128xi32, #tpu.memory_space<vmem>> -> memref<1x1x128xi32, #tpu.memory_space<vmem>>
    %dma_start3A_95 = tpu.memref_squeeze %dma_start3A_94 : memref<1x1x128xi32, #tpu.memory_space<vmem>> -> memref<128xi32, #tpu.memory_space<vmem>>
    %dma_start3A_96 = arith.constant 0 : i32
    %dma_start3A_97 = arith.constant 0 : i32
    %dma_start3A_98 = tpu.memref_slice %arg3[%dma_start3A_96, %dma_start3A_97] : memref<1015808x32xf32, #tpu.memory_space<hbm>> -> memref<1015808x32xf32, #tpu.memory_space<hbm>>
    tpu.enqueue_indirect_dma source(%dma_start3A_98 : memref<1015808x32xf32, #tpu.memory_space<hbm>>) target(%dma_start3A_92 : memref<128x32xf32, #tpu.memory_space<vmem>>) offsets(%dma_start3A_95 : memref<128xi32, #tpu.memory_space<vmem>>) semaphore(%arg8 : memref<!tpu.dma_semaphore, #tpu.memory_space<semaphore_mem>>)
    %dma_start3A_99 = arith.constant 0 : i32
    %dma_start3A_100 = arith.constant 7 : i32
    %dma_start3A_101 = arith.constant 0 : i32
    %dma_start3A_102 = arith.constant 7 : i32
    %dma_start3A_103 = arith.constant 0 : i32
    %dma_start3A_104 = arith.constant 0 : i32
    %dma_start3A_105 = tpu.memref_slice %arg6[%dma_start3A_101, %dma_start3A_102, %dma_start3A_103, %dma_start3A_104] : memref<2x8x128x32xf32, #tpu.memory_space<vmem>> -> memref<1x1x128x32xf32, #tpu.memory_space<vmem>>
    %dma_start3A_106 = tpu.memref_squeeze %dma_start3A_105 : memref<1x1x128x32xf32, #tpu.memory_space<vmem>> -> memref<128x32xf32, #tpu.memory_space<vmem>>
    %dma_start3A_107 = arith.constant 0 : i32
    %dma_start3A_108 = tpu.memref_slice %arg5[%dma_start3A_99, %dma_start3A_100, %dma_start3A_107] : memref<2x8x128xi32, #tpu.memory_space<vmem>> -> memref<1x1x128xi32, #tpu.memory_space<vmem>>
    %dma_start3A_109 = tpu.memref_squeeze %dma_start3A_108 : memref<1x1x128xi32, #tpu.memory_space<vmem>> -> memref<128xi32, #tpu.memory_space<vmem>>
    %dma_start3A_110 = arith.constant 0 : i32
    %dma_start3A_111 = arith.constant 0 : i32
    %dma_start3A_112 = tpu.memref_slice %arg3[%dma_start3A_110, %dma_start3A_111] : memref<1015808x32xf32, #tpu.memory_space<hbm>> -> memref<1015808x32xf32, #tpu.memory_space<hbm>>
    tpu.enqueue_indirect_dma source(%dma_start3A_112 : memref<1015808x32xf32, #tpu.memory_space<hbm>>) target(%dma_start3A_106 : memref<128x32xf32, #tpu.memory_space<vmem>>) offsets(%dma_start3A_109 : memref<128xi32, #tpu.memory_space<vmem>>) semaphore(%arg8 : memref<!tpu.dma_semaphore, #tpu.memory_space<semaphore_mem>>)
    %scan3A = arith.constant 0 : i32
    %scan3A_113 = arith.constant 13 : i32
    %scan3A_114 = arith.addi %scan3A, %scan3A_113 : i32
    %scan3A_115 = arith.constant 1 : i32
    scf.for %scan3A_166 = %scan3A to %scan3A_114 step %scan3A_115  : i32 {
      %mul3A_167 = arith.constant 1 : i32
      %mul3A_168 = arith.muli %scan3A_166, %mul3A_167 : i32
      %add3A_169 = arith.constant 0 : i32
      %add3A_170 = arith.addi %add3A_169, %mul3A_168 : i32
      %mul3A_171 = arith.constant 2 : i32
      %mul3A_172 = arith.muli %mul3A_171, %add3A_170 : i32
      %add3A_173 = arith.constant 1 : i32
      %add3A_174 = arith.addi %mul3A_172, %add3A_173 : i32
      %lt3A = arith.constant 25 : i32
      %lt3A_175 = arith.cmpi slt, %add3A_174, %lt3A : i32
      %convert_element_type3A = arith.extui %lt3A_175 : i1 to i32
      %cond3A = arith.constant 0 : i32
      %cond3A_176 = arith.cmpi ne, %convert_element_type3A, %cond3A : i32
      scf.if %cond3A_176 {
        %add3A_257 = arith.constant 1 : i32
        %add3A_258 = arith.addi %mul3A_172, %add3A_257 : i32
        %run_scoped3A_259 = arith.constant 1 : i32
        "tpu.region"() ({
          %run_scoped3A_372 = tpu.sem_alloc : memref<!tpu.dma_semaphore, #tpu.memory_space<semaphore_mem>>
          %dma_start3A_373 = arith.constant 0 : i32
          %dma_start3A_374 = arith.constant 0 : i32
          %dma_start3A_375 = tpu.memref_slice %arg5[%run_scoped3A_259, %dma_start3A_373, %dma_start3A_374] : memref<2x8x128xi32, #tpu.memory_space<vmem>> -> memref<1x8x128xi32, #tpu.memory_space<vmem>>
          %dma_start3A_376 = tpu.memref_squeeze %dma_start3A_375 : memref<1x8x128xi32, #tpu.memory_space<vmem>> -> memref<8x128xi32, #tpu.memory_space<vmem>>
          %dma_start3A_377 = arith.constant 0 : i32
          %dma_start3A_378 = arith.constant 0 : i32
          %dma_start3A_379 = tpu.memref_slice %arg2[%add3A_258, %add3A, %dma_start3A_377, %dma_start3A_378] : memref<25x32x8x128xi32, #tpu.memory_space<hbm>> -> memref<1x1x8x128xi32, #tpu.memory_space<hbm>>
          %dma_start3A_380 = tpu.memref_squeeze %dma_start3A_379 : memref<1x1x8x128xi32, #tpu.memory_space<hbm>> -> memref<8x128xi32, #tpu.memory_space<hbm>>
          %dma_start3A_381 = arith.constant 0 : i32
          %dma_start3A_382 = arith.constant 0 : i32
          %dma_start3A_383 = tpu.memref_slice %arg5[%run_scoped3A_259, %dma_start3A_381, %dma_start3A_382] : memref<2x8x128xi32, #tpu.memory_space<vmem>> -> memref<1x8x128xi32, #tpu.memory_space<vmem>>
          %dma_start3A_384 = tpu.memref_squeeze %dma_start3A_383 : memref<1x8x128xi32, #tpu.memory_space<vmem>> -> memref<8x128xi32, #tpu.memory_space<vmem>>
          %dma_start3A_385 = arith.constant 0 : i32
          %dma_start3A_386 = arith.constant 0 : i32
          %dma_start3A_387 = tpu.memref_slice %arg2[%add3A_258, %add3A, %dma_start3A_385, %dma_start3A_386] : memref<25x32x8x128xi32, #tpu.memory_space<hbm>> -> memref<1x1x8x128xi32, #tpu.memory_space<hbm>>
          %dma_start3A_388 = tpu.memref_squeeze %dma_start3A_387 : memref<1x1x8x128xi32, #tpu.memory_space<hbm>> -> memref<8x128xi32, #tpu.memory_space<hbm>>
          tpu.enqueue_dma source(%dma_start3A_388 : memref<8x128xi32, #tpu.memory_space<hbm>>) target(%dma_start3A_384 : memref<8x128xi32, #tpu.memory_space<vmem>>) target_semaphore(%run_scoped3A_372 : memref<!tpu.dma_semaphore, #tpu.memory_space<semaphore_mem>>)
          %dma_wait3A_389 = arith.constant 0 : i32
          %dma_wait3A_390 = arith.constant 0 : i32
          %dma_wait3A_391 = tpu.memref_slice %arg5[%run_scoped3A_259, %dma_wait3A_389, %dma_wait3A_390] : memref<2x8x128xi32, #tpu.memory_space<vmem>> -> memref<1x8x128xi32, #tpu.memory_space<vmem>>
          %dma_wait3A_392 = tpu.memref_squeeze %dma_wait3A_391 : memref<1x8x128xi32, #tpu.memory_space<vmem>> -> memref<8x128xi32, #tpu.memory_space<vmem>>
          %dma_wait3A_393 = arith.constant 0 : i32
          %dma_wait3A_394 = arith.constant 0 : i32
          %dma_wait3A_395 = tpu.memref_slice %arg2[%add3A_258, %add3A, %dma_wait3A_393, %dma_wait3A_394] : memref<25x32x8x128xi32, #tpu.memory_space<hbm>> -> memref<1x1x8x128xi32, #tpu.memory_space<hbm>>
          %dma_wait3A_396 = tpu.memref_squeeze %dma_wait3A_395 : memref<1x1x8x128xi32, #tpu.memory_space<hbm>> -> memref<8x128xi32, #tpu.memory_space<hbm>>
          %dma_wait3A_397 = arith.constant 0 : i32
          %dma_wait3A_398 = arith.constant 0 : i32
          %dma_wait3A_399 = tpu.memref_slice %arg5[%run_scoped3A_259, %dma_wait3A_397, %dma_wait3A_398] : memref<2x8x128xi32, #tpu.memory_space<vmem>> -> memref<1x8x128xi32, #tpu.memory_space<vmem>>
          %dma_wait3A_400 = tpu.memref_squeeze %dma_wait3A_399 : memref<1x8x128xi32, #tpu.memory_space<vmem>> -> memref<8x128xi32, #tpu.memory_space<vmem>>
          %dma_wait3A_401 = arith.constant 0 : i32
          %dma_wait3A_402 = arith.constant 0 : i32
          %dma_wait3A_403 = tpu.memref_slice %arg2[%add3A_258, %add3A, %dma_wait3A_401, %dma_wait3A_402] : memref<25x32x8x128xi32, #tpu.memory_space<hbm>> -> memref<1x1x8x128xi32, #tpu.memory_space<hbm>>
          %dma_wait3A_404 = tpu.memref_squeeze %dma_wait3A_403 : memref<1x1x8x128xi32, #tpu.memory_space<hbm>> -> memref<8x128xi32, #tpu.memory_space<hbm>>
          tpu.wait_dma2 semaphore(%run_scoped3A_372 : memref<!tpu.dma_semaphore, #tpu.memory_space<semaphore_mem>>) src(%dma_wait3A_404 : memref<8x128xi32, #tpu.memory_space<hbm>>) dst(%dma_wait3A_400 : memref<8x128xi32, #tpu.memory_space<vmem>>)
          tpu.yield
        }) : () -> ()
        %dma_start3A_260 = arith.constant 1 : i32
        %dma_start3A_261 = arith.constant 0 : i32
        %dma_start3A_262 = arith.constant 1 : i32
        %dma_start3A_263 = arith.constant 0 : i32
        %dma_start3A_264 = arith.constant 0 : i32
        %dma_start3A_265 = arith.constant 0 : i32
        %dma_start3A_266 = tpu.memref_slice %arg6[%dma_start3A_262, %dma_start3A_263, %dma_start3A_264, %dma_start3A_265] : memref<2x8x128x32xf32, #tpu.memory_space<vmem>> -> memref<1x1x128x32xf32, #tpu.memory_space<vmem>>
        %dma_start3A_267 = tpu.memref_squeeze %dma_start3A_266 : memref<1x1x128x32xf32, #tpu.memory_space<vmem>> -> memref<128x32xf32, #tpu.memory_space<vmem>>
        %dma_start3A_268 = arith.constant 0 : i32
        %dma_start3A_269 = tpu.memref_slice %arg5[%dma_start3A_260, %dma_start3A_261, %dma_start3A_268] : memref<2x8x128xi32, #tpu.memory_space<vmem>> -> memref<1x1x128xi32, #tpu.memory_space<vmem>>
        %dma_start3A_270 = tpu.memref_squeeze %dma_start3A_269 : memref<1x1x128xi32, #tpu.memory_space<vmem>> -> memref<128xi32, #tpu.memory_space<vmem>>
        %dma_start3A_271 = arith.constant 0 : i32
        %dma_start3A_272 = arith.constant 0 : i32
        %dma_start3A_273 = tpu.memref_slice %arg3[%dma_start3A_271, %dma_start3A_272] : memref<1015808x32xf32, #tpu.memory_space<hbm>> -> memref<1015808x32xf32, #tpu.memory_space<hbm>>
        tpu.enqueue_indirect_dma source(%dma_start3A_273 : memref<1015808x32xf32, #tpu.memory_space<hbm>>) target(%dma_start3A_267 : memref<128x32xf32, #tpu.memory_space<vmem>>) offsets(%dma_start3A_270 : memref<128xi32, #tpu.memory_space<vmem>>) semaphore(%arg8 : memref<!tpu.dma_semaphore, #tpu.memory_space<semaphore_mem>>)
        %dma_start3A_274 = arith.constant 1 : i32
        %dma_start3A_275 = arith.constant 1 : i32
        %dma_start3A_276 = arith.constant 1 : i32
        %dma_start3A_277 = arith.constant 1 : i32
        %dma_start3A_278 = arith.constant 0 : i32
        %dma_start3A_279 = arith.constant 0 : i32
        %dma_start3A_280 = tpu.memref_slice %arg6[%dma_start3A_276, %dma_start3A_277, %dma_start3A_278, %dma_start3A_279] : memref<2x8x128x32xf32, #tpu.memory_space<vmem>> -> memref<1x1x128x32xf32, #tpu.memory_space<vmem>>
        %dma_start3A_281 = tpu.memref_squeeze %dma_start3A_280 : memref<1x1x128x32xf32, #tpu.memory_space<vmem>> -> memref<128x32xf32, #tpu.memory_space<vmem>>
        %dma_start3A_282 = arith.constant 0 : i32
        %dma_start3A_283 = tpu.memref_slice %arg5[%dma_start3A_274, %dma_start3A_275, %dma_start3A_282] : memref<2x8x128xi32, #tpu.memory_space<vmem>> -> memref<1x1x128xi32, #tpu.memory_space<vmem>>
        %dma_start3A_284 = tpu.memref_squeeze %dma_start3A_283 : memref<1x1x128xi32, #tpu.memory_space<vmem>> -> memref<128xi32, #tpu.memory_space<vmem>>
        %dma_start3A_285 = arith.constant 0 : i32
        %dma_start3A_286 = arith.constant 0 : i32
        %dma_start3A_287 = tpu.memref_slice %arg3[%dma_start3A_285, %dma_start3A_286] : memref<1015808x32xf32, #tpu.memory_space<hbm>> -> memref<1015808x32xf32, #tpu.memory_space<hbm>>
        tpu.enqueue_indirect_dma source(%dma_start3A_287 : memref<1015808x32xf32, #tpu.memory_space<hbm>>) target(%dma_start3A_281 : memref<128x32xf32, #tpu.memory_space<vmem>>) offsets(%dma_start3A_284 : memref<128xi32, #tpu.memory_space<vmem>>) semaphore(%arg8 : memref<!tpu.dma_semaphore, #tpu.memory_space<semaphore_mem>>)
        %dma_start3A_288 = arith.constant 1 : i32
        %dma_start3A_289 = arith.constant 2 : i32
        %dma_start3A_290 = arith.constant 1 : i32
        %dma_start3A_291 = arith.constant 2 : i32
        %dma_start3A_292 = arith.constant 0 : i32
        %dma_start3A_293 = arith.constant 0 : i32
        %dma_start3A_294 = tpu.memref_slice %arg6[%dma_start3A_290, %dma_start3A_291, %dma_start3A_292, %dma_start3A_293] : memref<2x8x128x32xf32, #tpu.memory_space<vmem>> -> memref<1x1x128x32xf32, #tpu.memory_space<vmem>>
        %dma_start3A_295 = tpu.memref_squeeze %dma_start3A_294 : memref<1x1x128x32xf32, #tpu.memory_space<vmem>> -> memref<128x32xf32, #tpu.memory_space<vmem>>
        %dma_start3A_296 = arith.constant 0 : i32
        %dma_start3A_297 = tpu.memref_slice %arg5[%dma_start3A_288, %dma_start3A_289, %dma_start3A_296] : memref<2x8x128xi32, #tpu.memory_space<vmem>> -> memref<1x1x128xi32, #tpu.memory_space<vmem>>
        %dma_start3A_298 = tpu.memref_squeeze %dma_start3A_297 : memref<1x1x128xi32, #tpu.memory_space<vmem>> -> memref<128xi32, #tpu.memory_space<vmem>>
        %dma_start3A_299 = arith.constant 0 : i32
        %dma_start3A_300 = arith.constant 0 : i32
        %dma_start3A_301 = tpu.memref_slice %arg3[%dma_start3A_299, %dma_start3A_300] : memref<1015808x32xf32, #tpu.memory_space<hbm>> -> memref<1015808x32xf32, #tpu.memory_space<hbm>>
        tpu.enqueue_indirect_dma source(%dma_start3A_301 : memref<1015808x32xf32, #tpu.memory_space<hbm>>) target(%dma_start3A_295 : memref<128x32xf32, #tpu.memory_space<vmem>>) offsets(%dma_start3A_298 : memref<128xi32, #tpu.memory_space<vmem>>) semaphore(%arg8 : memref<!tpu.dma_semaphore, #tpu.memory_space<semaphore_mem>>)
        %dma_start3A_302 = arith.constant 1 : i32
        %dma_start3A_303 = arith.constant 3 : i32
        %dma_start3A_304 = arith.constant 1 : i32
        %dma_start3A_305 = arith.constant 3 : i32
        %dma_start3A_306 = arith.constant 0 : i32
        %dma_start3A_307 = arith.constant 0 : i32
        %dma_start3A_308 = tpu.memref_slice %arg6[%dma_start3A_304, %dma_start3A_305, %dma_start3A_306, %dma_start3A_307] : memref<2x8x128x32xf32, #tpu.memory_space<vmem>> -> memref<1x1x128x32xf32, #tpu.memory_space<vmem>>
        %dma_start3A_309 = tpu.memref_squeeze %dma_start3A_308 : memref<1x1x128x32xf32, #tpu.memory_space<vmem>> -> memref<128x32xf32, #tpu.memory_space<vmem>>
        %dma_start3A_310 = arith.constant 0 : i32
        %dma_start3A_311 = tpu.memref_slice %arg5[%dma_start3A_302, %dma_start3A_303, %dma_start3A_310] : memref<2x8x128xi32, #tpu.memory_space<vmem>> -> memref<1x1x128xi32, #tpu.memory_space<vmem>>
        %dma_start3A_312 = tpu.memref_squeeze %dma_start3A_311 : memref<1x1x128xi32, #tpu.memory_space<vmem>> -> memref<128xi32, #tpu.memory_space<vmem>>
        %dma_start3A_313 = arith.constant 0 : i32
        %dma_start3A_314 = arith.constant 0 : i32
        %dma_start3A_315 = tpu.memref_slice %arg3[%dma_start3A_313, %dma_start3A_314] : memref<1015808x32xf32, #tpu.memory_space<hbm>> -> memref<1015808x32xf32, #tpu.memory_space<hbm>>
        tpu.enqueue_indirect_dma source(%dma_start3A_315 : memref<1015808x32xf32, #tpu.memory_space<hbm>>) target(%dma_start3A_309 : memref<128x32xf32, #tpu.memory_space<vmem>>) offsets(%dma_start3A_312 : memref<128xi32, #tpu.memory_space<vmem>>) semaphore(%arg8 : memref<!tpu.dma_semaphore, #tpu.memory_space<semaphore_mem>>)
        %dma_start3A_316 = arith.constant 1 : i32
        %dma_start3A_317 = arith.constant 4 : i32
        %dma_start3A_318 = arith.constant 1 : i32
        %dma_start3A_319 = arith.constant 4 : i32
        %dma_start3A_320 = arith.constant 0 : i32
        %dma_start3A_321 = arith.constant 0 : i32
        %dma_start3A_322 = tpu.memref_slice %arg6[%dma_start3A_318, %dma_start3A_319, %dma_start3A_320, %dma_start3A_321] : memref<2x8x128x32xf32, #tpu.memory_space<vmem>> -> memref<1x1x128x32xf32, #tpu.memory_space<vmem>>
        %dma_start3A_323 = tpu.memref_squeeze %dma_start3A_322 : memref<1x1x128x32xf32, #tpu.memory_space<vmem>> -> memref<128x32xf32, #tpu.memory_space<vmem>>
        %dma_start3A_324 = arith.constant 0 : i32
        %dma_start3A_325 = tpu.memref_slice %arg5[%dma_start3A_316, %dma_start3A_317, %dma_start3A_324] : memref<2x8x128xi32, #tpu.memory_space<vmem>> -> memref<1x1x128xi32, #tpu.memory_space<vmem>>
        %dma_start3A_326 = tpu.memref_squeeze %dma_start3A_325 : memref<1x1x128xi32, #tpu.memory_space<vmem>> -> memref<128xi32, #tpu.memory_space<vmem>>
        %dma_start3A_327 = arith.constant 0 : i32
        %dma_start3A_328 = arith.constant 0 : i32
        %dma_start3A_329 = tpu.memref_slice %arg3[%dma_start3A_327, %dma_start3A_328] : memref<1015808x32xf32, #tpu.memory_space<hbm>> -> memref<1015808x32xf32, #tpu.memory_space<hbm>>
        tpu.enqueue_indirect_dma source(%dma_start3A_329 : memref<1015808x32xf32, #tpu.memory_space<hbm>>) target(%dma_start3A_323 : memref<128x32xf32, #tpu.memory_space<vmem>>) offsets(%dma_start3A_326 : memref<128xi32, #tpu.memory_space<vmem>>) semaphore(%arg8 : memref<!tpu.dma_semaphore, #tpu.memory_space<semaphore_mem>>)
        %dma_start3A_330 = arith.constant 1 : i32
        %dma_start3A_331 = arith.constant 5 : i32
        %dma_start3A_332 = arith.constant 1 : i32
        %dma_start3A_333 = arith.constant 5 : i32
        %dma_start3A_334 = arith.constant 0 : i32
        %dma_start3A_335 = arith.constant 0 : i32
        %dma_start3A_336 = tpu.memref_slice %arg6[%dma_start3A_332, %dma_start3A_333, %dma_start3A_334, %dma_start3A_335] : memref<2x8x128x32xf32, #tpu.memory_space<vmem>> -> memref<1x1x128x32xf32, #tpu.memory_space<vmem>>
        %dma_start3A_337 = tpu.memref_squeeze %dma_start3A_336 : memref<1x1x128x32xf32, #tpu.memory_space<vmem>> -> memref<128x32xf32, #tpu.memory_space<vmem>>
        %dma_start3A_338 = arith.constant 0 : i32
        %dma_start3A_339 = tpu.memref_slice %arg5[%dma_start3A_330, %dma_start3A_331, %dma_start3A_338] : memref<2x8x128xi32, #tpu.memory_space<vmem>> -> memref<1x1x128xi32, #tpu.memory_space<vmem>>
        %dma_start3A_340 = tpu.memref_squeeze %dma_start3A_339 : memref<1x1x128xi32, #tpu.memory_space<vmem>> -> memref<128xi32, #tpu.memory_space<vmem>>
        %dma_start3A_341 = arith.constant 0 : i32
        %dma_start3A_342 = arith.constant 0 : i32
        %dma_start3A_343 = tpu.memref_slice %arg3[%dma_start3A_341, %dma_start3A_342] : memref<1015808x32xf32, #tpu.memory_space<hbm>> -> memref<1015808x32xf32, #tpu.memory_space<hbm>>
        tpu.enqueue_indirect_dma source(%dma_start3A_343 : memref<1015808x32xf32, #tpu.memory_space<hbm>>) target(%dma_start3A_337 : memref<128x32xf32, #tpu.memory_space<vmem>>) offsets(%dma_start3A_340 : memref<128xi32, #tpu.memory_space<vmem>>) semaphore(%arg8 : memref<!tpu.dma_semaphore, #tpu.memory_space<semaphore_mem>>)
        %dma_start3A_344 = arith.constant 1 : i32
        %dma_start3A_345 = arith.constant 6 : i32
        %dma_start3A_346 = arith.constant 1 : i32
        %dma_start3A_347 = arith.constant 6 : i32
        %dma_start3A_348 = arith.constant 0 : i32
        %dma_start3A_349 = arith.constant 0 : i32
        %dma_start3A_350 = tpu.memref_slice %arg6[%dma_start3A_346, %dma_start3A_347, %dma_start3A_348, %dma_start3A_349] : memref<2x8x128x32xf32, #tpu.memory_space<vmem>> -> memref<1x1x128x32xf32, #tpu.memory_space<vmem>>
        %dma_start3A_351 = tpu.memref_squeeze %dma_start3A_350 : memref<1x1x128x32xf32, #tpu.memory_space<vmem>> -> memref<128x32xf32, #tpu.memory_space<vmem>>
        %dma_start3A_352 = arith.constant 0 : i32
        %dma_start3A_353 = tpu.memref_slice %arg5[%dma_start3A_344, %dma_start3A_345, %dma_start3A_352] : memref<2x8x128xi32, #tpu.memory_space<vmem>> -> memref<1x1x128xi32, #tpu.memory_space<vmem>>
        %dma_start3A_354 = tpu.memref_squeeze %dma_start3A_353 : memref<1x1x128xi32, #tpu.memory_space<vmem>> -> memref<128xi32, #tpu.memory_space<vmem>>
        %dma_start3A_355 = arith.constant 0 : i32
        %dma_start3A_356 = arith.constant 0 : i32
        %dma_start3A_357 = tpu.memref_slice %arg3[%dma_start3A_355, %dma_start3A_356] : memref<1015808x32xf32, #tpu.memory_space<hbm>> -> memref<1015808x32xf32, #tpu.memory_space<hbm>>
        tpu.enqueue_indirect_dma source(%dma_start3A_357 : memref<1015808x32xf32, #tpu.memory_space<hbm>>) target(%dma_start3A_351 : memref<128x32xf32, #tpu.memory_space<vmem>>) offsets(%dma_start3A_354 : memref<128xi32, #tpu.memory_space<vmem>>) semaphore(%arg8 : memref<!tpu.dma_semaphore, #tpu.memory_space<semaphore_mem>>)
        %dma_start3A_358 = arith.constant 1 : i32
        %dma_start3A_359 = arith.constant 7 : i32
        %dma_start3A_360 = arith.constant 1 : i32
        %dma_start3A_361 = arith.constant 7 : i32
        %dma_start3A_362 = arith.constant 0 : i32
        %dma_start3A_363 = arith.constant 0 : i32
        %dma_start3A_364 = tpu.memref_slice %arg6[%dma_start3A_360, %dma_start3A_361, %dma_start3A_362, %dma_start3A_363] : memref<2x8x128x32xf32, #tpu.memory_space<vmem>> -> memref<1x1x128x32xf32, #tpu.memory_space<vmem>>
        %dma_start3A_365 = tpu.memref_squeeze %dma_start3A_364 : memref<1x1x128x32xf32, #tpu.memory_space<vmem>> -> memref<128x32xf32, #tpu.memory_space<vmem>>
        %dma_start3A_366 = arith.constant 0 : i32
        %dma_start3A_367 = tpu.memref_slice %arg5[%dma_start3A_358, %dma_start3A_359, %dma_start3A_366] : memref<2x8x128xi32, #tpu.memory_space<vmem>> -> memref<1x1x128xi32, #tpu.memory_space<vmem>>
        %dma_start3A_368 = tpu.memref_squeeze %dma_start3A_367 : memref<1x1x128xi32, #tpu.memory_space<vmem>> -> memref<128xi32, #tpu.memory_space<vmem>>
        %dma_start3A_369 = arith.constant 0 : i32
        %dma_start3A_370 = arith.constant 0 : i32
        %dma_start3A_371 = tpu.memref_slice %arg3[%dma_start3A_369, %dma_start3A_370] : memref<1015808x32xf32, #tpu.memory_space<hbm>> -> memref<1015808x32xf32, #tpu.memory_space<hbm>>
        tpu.enqueue_indirect_dma source(%dma_start3A_371 : memref<1015808x32xf32, #tpu.memory_space<hbm>>) target(%dma_start3A_365 : memref<128x32xf32, #tpu.memory_space<vmem>>) offsets(%dma_start3A_368 : memref<128xi32, #tpu.memory_space<vmem>>) semaphore(%arg8 : memref<!tpu.dma_semaphore, #tpu.memory_space<semaphore_mem>>)
      } else {
      }
      %gt3A = arith.constant 0 : i32
      %gt3A_177 = arith.cmpi sgt, %mul3A_172, %gt3A : i32
      %convert_element_type3A_178 = arith.extui %gt3A_177 : i1 to i32
      %cond3A_179 = arith.constant 0 : i32
      %cond3A_180 = arith.cmpi ne, %convert_element_type3A_178, %cond3A_179 : i32
      scf.if %cond3A_180 {
        %sub3A = arith.constant 1 : i32
        %sub3A_257 = arith.subi %mul3A_172, %sub3A : i32
        %mul3A_258 = arith.constant 8 : i32
        %mul3A_259 = arith.muli %mul3A_258, %sub3A_257 : i32
        %add3A_260 = arith.constant 0 : i32
        %add3A_261 = arith.addi %mul3A_259, %add3A_260 : i32
        %dma_wait3A_262 = arith.constant 0 : i32
        %dma_wait3A_263 = arith.constant 0 : i32
        %dma_wait3A_264 = arith.constant 0 : i32
        %dma_wait3A_265 = arith.constant 0 : i32
        %dma_wait3A_266 = arith.constant 0 : i32
        %dma_wait3A_267 = tpu.memref_slice %arg7[%dma_wait3A_262, %dma_wait3A_263, %dma_wait3A_264, %dma_wait3A_265, %dma_wait3A_266] : memref<2x4x4x8x128xf32, #tpu.memory_space<vmem>> -> memref<1x4x4x8x128xf32, #tpu.memory_space<vmem>>
        %dma_wait3A_268 = tpu.memref_squeeze %dma_wait3A_267 : memref<1x4x4x8x128xf32, #tpu.memory_space<vmem>> -> memref<4x4x8x128xf32, #tpu.memory_space<vmem>>
        %dma_wait3A_269 = arith.constant 0 : i32
        %dma_wait3A_270 = arith.constant 0 : i32
        %dma_wait3A_271 = arith.constant 0 : i32
        %dma_wait3A_272 = tpu.memref_slice %arg4[%add3A_261, %dma_wait3A_269, %add3A, %dma_wait3A_270, %dma_wait3A_271] : memref<200x4x32x8x128xf32, #tpu.memory_space<hbm>> -> memref<4x4x1x8x128xf32, #tpu.memory_space<hbm>>
        %dma_wait3A_273 = tpu.memref_squeeze %dma_wait3A_272 : memref<4x4x1x8x128xf32, #tpu.memory_space<hbm>> -> memref<4x4x8x128xf32, #tpu.memory_space<hbm>>
        %dma_wait3A_274 = arith.constant 0 : i32
        %dma_wait3A_275 = arith.constant 0 : i32
        %dma_wait3A_276 = arith.constant 0 : i32
        %dma_wait3A_277 = tpu.memref_slice %arg4[%add3A_261, %dma_wait3A_274, %add3A, %dma_wait3A_275, %dma_wait3A_276] : memref<200x4x32x8x128xf32, #tpu.memory_space<hbm>> -> memref<4x4x1x8x128xf32, #tpu.memory_space<hbm>>
        %dma_wait3A_278 = tpu.memref_squeeze %dma_wait3A_277 : memref<4x4x1x8x128xf32, #tpu.memory_space<hbm>> -> memref<4x4x8x128xf32, #tpu.memory_space<hbm>>
        %dma_wait3A_279 = arith.constant 0 : i32
        %dma_wait3A_280 = arith.constant 0 : i32
        %dma_wait3A_281 = arith.constant 0 : i32
        %dma_wait3A_282 = arith.constant 0 : i32
        %dma_wait3A_283 = tpu.memref_slice %arg7[%dma_wait3A_262, %dma_wait3A_279, %dma_wait3A_280, %dma_wait3A_281, %dma_wait3A_282] : memref<2x4x4x8x128xf32, #tpu.memory_space<vmem>> -> memref<1x4x4x8x128xf32, #tpu.memory_space<vmem>>
        %dma_wait3A_284 = tpu.memref_squeeze %dma_wait3A_283 : memref<1x4x4x8x128xf32, #tpu.memory_space<vmem>> -> memref<4x4x8x128xf32, #tpu.memory_space<vmem>>
        tpu.wait_dma2 semaphore(%arg9 : memref<!tpu.dma_semaphore, #tpu.memory_space<semaphore_mem>>) src(%dma_wait3A_284 : memref<4x4x8x128xf32, #tpu.memory_space<vmem>>) dst(%dma_wait3A_278 : memref<4x4x8x128xf32, #tpu.memory_space<hbm>>)
      } else {
      }
      %scan3A_181 = arith.constant 0 : i32
      %scan3A_182 = arith.constant 4 : i32
      %scan3A_183 = arith.addi %scan3A_181, %scan3A_182 : i32
      %scan3A_184 = arith.constant 1 : i32
      scf.for %scan3A_257 = %scan3A_181 to %scan3A_183 step %scan3A_184  : i32 {
        %mul3A_258 = arith.constant 1 : i32
        %mul3A_259 = arith.muli %scan3A_257, %mul3A_258 : i32
        %add3A_260 = arith.constant 0 : i32
        %add3A_261 = arith.addi %add3A_260, %mul3A_259 : i32
        %add3A_262 = arith.constant 0 : i32
        %add3A_263 = arith.addi %add3A_262, %add3A_261 : i32
        %dma_wait3A_264 = arith.constant 0 : i32
        %dma_wait3A_265 = arith.constant 0 : i32
        %dma_wait3A_266 = arith.constant 0 : i32
        %dma_wait3A_267 = arith.constant 0 : i32
        %dma_wait3A_268 = tpu.memref_slice %arg6[%dma_wait3A_265, %add3A_263, %dma_wait3A_266, %dma_wait3A_267] : memref<2x8x128x32xf32, #tpu.memory_space<vmem>> -> memref<1x1x128x32xf32, #tpu.memory_space<vmem>>
        %dma_wait3A_269 = tpu.memref_squeeze %dma_wait3A_268 : memref<1x1x128x32xf32, #tpu.memory_space<vmem>> -> memref<128x32xf32, #tpu.memory_space<vmem>>
        %dma_wait3A_270 = arith.constant 0 : i32
        %dma_wait3A_271 = tpu.memref_slice %arg5[%dma_wait3A_264, %add3A_263, %dma_wait3A_270] : memref<2x8x128xi32, #tpu.memory_space<vmem>> -> memref<1x1x128xi32, #tpu.memory_space<vmem>>
        %dma_wait3A_272 = tpu.memref_squeeze %dma_wait3A_271 : memref<1x1x128xi32, #tpu.memory_space<vmem>> -> memref<128xi32, #tpu.memory_space<vmem>>
        %dma_wait3A_273 = arith.constant 0 : i32
        %dma_wait3A_274 = arith.constant 0 : i32
        %dma_wait3A_275 = tpu.memref_slice %arg3[%dma_wait3A_273, %dma_wait3A_274] : memref<1015808x32xf32, #tpu.memory_space<hbm>> -> memref<1015808x32xf32, #tpu.memory_space<hbm>>
        tpu.wait_indirect_dma semaphore(%arg8 : memref<!tpu.dma_semaphore, #tpu.memory_space<semaphore_mem>>) src(%dma_wait3A_275 : memref<1015808x32xf32, #tpu.memory_space<hbm>>) dst(%dma_wait3A_269 : memref<128x32xf32, #tpu.memory_space<vmem>>)
        %parallel_loop3A = arith.constant 0 : i32
        %parallel_loop3A_276 = arith.constant 256 : i32
        %parallel_loop3A_277 = arith.constant 1 : i32
        %parallel_loop3A_278 = arith.constant 0 : i32
        scf.for %parallel_loop3A_279 = %parallel_loop3A to %parallel_loop3A_276 step %parallel_loop3A_277  : i32 {
          %parallel_loop3A_280 = arith.constant 5 : i32
          %parallel_loop3A_281 = arith.shrsi %parallel_loop3A_279, %parallel_loop3A_280 : i32
          %parallel_loop3A_282 = arith.constant 16 : i32
          %parallel_loop3A_283 = arith.muli %parallel_loop3A_281, %parallel_loop3A_282 : i32
          %parallel_loop3A_284 = arith.constant 31 : i32
          %parallel_loop3A_285 = arith.andi %parallel_loop3A_279, %parallel_loop3A_284 : i32
          %parallel_loop3A_286 = vector.broadcast %parallel_loop3A_283 : i32 to vector<16xi32>
          %parallel_loop3A_287 = arith.addi %iota3A, %parallel_loop3A_286 : vector<16xi32>
          %parallel_loop3A_288 = vector.broadcast %parallel_loop3A_285 : i32 to vector<16xi32>
          %parallel_loop3A_289 = arith.addi %iota3A, %parallel_loop3A_288 : vector<16xi32>
          %parallel_loop3A_290 = arith.constant 31 : i32
          %parallel_loop3A_291 = vector.broadcast %parallel_loop3A_290 : i32 to vector<16xi32>
          %parallel_loop3A_292 = arith.andi %parallel_loop3A_289, %parallel_loop3A_291 : vector<16xi32>
          %parallel_loop3A_293 = arith.constant 0 : i32
          %parallel_loop3A_294 = arith.constant 0 : i32
          %parallel_loop3A_295 = tpu.memref_slice %arg6[%parallel_loop3A_278, %add3A_263, %parallel_loop3A_293, %parallel_loop3A_294] : memref<2x8x128x32xf32, #tpu.memory_space<vmem>> -> memref<1x1x128x32xf32, #tpu.memory_space<vmem>>
          %parallel_loop3A_296 = tpu.memref_squeeze %parallel_loop3A_295 : memref<1x1x128x32xf32, #tpu.memory_space<vmem>> -> memref<128x32xf32, #tpu.memory_space<vmem>>
          %parallel_loop3A_297 = tpu.vector_load_idx %parallel_loop3A_296[%parallel_loop3A_287, %parallel_loop3A_292] : memref<128x32xf32, #tpu.memory_space<vmem>>[vector<16xi32>, vector<16xi32>], vector<16xf32>,
          %parallel_loop3A_298 = arith.constant 3 : i32
          %parallel_loop3A_299 = vector.broadcast %parallel_loop3A_298 : i32 to vector<16xi32>
          %parallel_loop3A_300 = arith.shrsi %parallel_loop3A_292, %parallel_loop3A_299 : vector<16xi32>
          %parallel_loop3A_301 = arith.constant 7 : i32
          %parallel_loop3A_302 = vector.broadcast %parallel_loop3A_301 : i32 to vector<16xi32>
          %parallel_loop3A_303 = arith.andi %parallel_loop3A_292, %parallel_loop3A_302 : vector<16xi32>
          %parallel_loop3A_304 = arith.constant 0 : i32
          %parallel_loop3A_305 = arith.constant 0 : i32
          %parallel_loop3A_306 = arith.constant 0 : i32
          %parallel_loop3A_307 = arith.constant 0 : i32
          %parallel_loop3A_308 = tpu.memref_slice %arg7[%parallel_loop3A_304, %add3A_261, %parallel_loop3A_305, %parallel_loop3A_306, %parallel_loop3A_307] : memref<2x4x4x8x128xf32, #tpu.memory_space<vmem>> -> memref<1x1x4x8x128xf32, #tpu.memory_space<vmem>>
          %parallel_loop3A_309 = tpu.memref_squeeze %parallel_loop3A_308 : memref<1x1x4x8x128xf32, #tpu.memory_space<vmem>> -> memref<4x8x128xf32, #tpu.memory_space<vmem>>
          tpu.vector_store_idx %parallel_loop3A_309[%parallel_loop3A_300, %parallel_loop3A_303, %parallel_loop3A_287], %parallel_loop3A_297 : memref<4x8x128xf32, #tpu.memory_space<vmem>>[vector<16xi32>, vector<16xi32>, vector<16xi32>], vector<16xf32>,
        } {sc.loop_unroll_factor = 16 : i64, sc.parallel_access}
      }
      %scan3A_185 = arith.constant 4 : i32
      %mul3A_186 = arith.constant 8 : i32
      %mul3A_187 = arith.muli %mul3A_186, %mul3A_172 : i32
      %add3A_188 = arith.constant 0 : i32
      %add3A_189 = arith.addi %mul3A_187, %add3A_188 : i32
      %dma_start3A_190 = arith.constant 0 : i32
      %dma_start3A_191 = arith.constant 0 : i32
      %dma_start3A_192 = arith.constant 0 : i32
      %dma_start3A_193 = arith.constant 0 : i32
      %dma_start3A_194 = arith.constant 0 : i32
      %dma_start3A_195 = tpu.memref_slice %arg7[%dma_start3A_190, %dma_start3A_191, %dma_start3A_192, %dma_start3A_193, %dma_start3A_194] : memref<2x4x4x8x128xf32, #tpu.memory_space<vmem>> -> memref<1x4x4x8x128xf32, #tpu.memory_space<vmem>>
      %dma_start3A_196 = tpu.memref_squeeze %dma_start3A_195 : memref<1x4x4x8x128xf32, #tpu.memory_space<vmem>> -> memref<4x4x8x128xf32, #tpu.memory_space<vmem>>
      %dma_start3A_197 = arith.constant 0 : i32
      %dma_start3A_198 = arith.constant 0 : i32
      %dma_start3A_199 = arith.constant 0 : i32
      %dma_start3A_200 = tpu.memref_slice %arg4[%add3A_189, %dma_start3A_197, %add3A, %dma_start3A_198, %dma_start3A_199] : memref<200x4x32x8x128xf32, #tpu.memory_space<hbm>> -> memref<4x4x1x8x128xf32, #tpu.memory_space<hbm>>
      %dma_start3A_201 = tpu.memref_squeeze %dma_start3A_200 : memref<4x4x1x8x128xf32, #tpu.memory_space<hbm>> -> memref<4x4x8x128xf32, #tpu.memory_space<hbm>>
      %dma_start3A_202 = arith.constant 0 : i32
      %dma_start3A_203 = arith.constant 0 : i32
      %dma_start3A_204 = arith.constant 0 : i32
      %dma_start3A_205 = tpu.memref_slice %arg4[%add3A_189, %dma_start3A_202, %add3A, %dma_start3A_203, %dma_start3A_204] : memref<200x4x32x8x128xf32, #tpu.memory_space<hbm>> -> memref<4x4x1x8x128xf32, #tpu.memory_space<hbm>>
      %dma_start3A_206 = tpu.memref_squeeze %dma_start3A_205 : memref<4x4x1x8x128xf32, #tpu.memory_space<hbm>> -> memref<4x4x8x128xf32, #tpu.memory_space<hbm>>
      %dma_start3A_207 = arith.constant 0 : i32
      %dma_start3A_208 = arith.constant 0 : i32
      %dma_start3A_209 = arith.constant 0 : i32
      %dma_start3A_210 = arith.constant 0 : i32
      %dma_start3A_211 = tpu.memref_slice %arg7[%dma_start3A_190, %dma_start3A_207, %dma_start3A_208, %dma_start3A_209, %dma_start3A_210] : memref<2x4x4x8x128xf32, #tpu.memory_space<vmem>> -> memref<1x4x4x8x128xf32, #tpu.memory_space<vmem>>
      %dma_start3A_212 = tpu.memref_squeeze %dma_start3A_211 : memref<1x4x4x8x128xf32, #tpu.memory_space<vmem>> -> memref<4x4x8x128xf32, #tpu.memory_space<vmem>>
      tpu.enqueue_dma source(%dma_start3A_212 : memref<4x4x8x128xf32, #tpu.memory_space<vmem>>) target(%dma_start3A_206 : memref<4x4x8x128xf32, #tpu.memory_space<hbm>>) target_semaphore(%arg9 : memref<!tpu.dma_semaphore, #tpu.memory_space<semaphore_mem>>)
      %gt3A_213 = arith.constant 0 : i32
      %gt3A_214 = arith.cmpi sgt, %mul3A_172, %gt3A_213 : i32
      %convert_element_type3A_215 = arith.extui %gt3A_214 : i1 to i32
      %cond3A_216 = arith.constant 0 : i32
      %cond3A_217 = arith.cmpi ne, %convert_element_type3A_215, %cond3A_216 : i32
      scf.if %cond3A_217 {
        %sub3A = arith.constant 1 : i32
        %sub3A_257 = arith.subi %mul3A_172, %sub3A : i32
        %mul3A_258 = arith.constant 8 : i32
        %mul3A_259 = arith.muli %mul3A_258, %sub3A_257 : i32
        %add3A_260 = arith.constant 4 : i32
        %add3A_261 = arith.addi %mul3A_259, %add3A_260 : i32
        %dma_wait3A_262 = arith.constant 1 : i32
        %dma_wait3A_263 = arith.constant 0 : i32
        %dma_wait3A_264 = arith.constant 0 : i32
        %dma_wait3A_265 = arith.constant 0 : i32
        %dma_wait3A_266 = arith.constant 0 : i32
        %dma_wait3A_267 = tpu.memref_slice %arg7[%dma_wait3A_262, %dma_wait3A_263, %dma_wait3A_264, %dma_wait3A_265, %dma_wait3A_266] : memref<2x4x4x8x128xf32, #tpu.memory_space<vmem>> -> memref<1x4x4x8x128xf32, #tpu.memory_space<vmem>>
        %dma_wait3A_268 = tpu.memref_squeeze %dma_wait3A_267 : memref<1x4x4x8x128xf32, #tpu.memory_space<vmem>> -> memref<4x4x8x128xf32, #tpu.memory_space<vmem>>
        %dma_wait3A_269 = arith.constant 0 : i32
        %dma_wait3A_270 = arith.constant 0 : i32
        %dma_wait3A_271 = arith.constant 0 : i32
        %dma_wait3A_272 = tpu.memref_slice %arg4[%add3A_261, %dma_wait3A_269, %add3A, %dma_wait3A_270, %dma_wait3A_271] : memref<200x4x32x8x128xf32, #tpu.memory_space<hbm>> -> memref<4x4x1x8x128xf32, #tpu.memory_space<hbm>>
        %dma_wait3A_273 = tpu.memref_squeeze %dma_wait3A_272 : memref<4x4x1x8x128xf32, #tpu.memory_space<hbm>> -> memref<4x4x8x128xf32, #tpu.memory_space<hbm>>
        %dma_wait3A_274 = arith.constant 0 : i32
        %dma_wait3A_275 = arith.constant 0 : i32
        %dma_wait3A_276 = arith.constant 0 : i32
        %dma_wait3A_277 = tpu.memref_slice %arg4[%add3A_261, %dma_wait3A_274, %add3A, %dma_wait3A_275, %dma_wait3A_276] : memref<200x4x32x8x128xf32, #tpu.memory_space<hbm>> -> memref<4x4x1x8x128xf32, #tpu.memory_space<hbm>>
        %dma_wait3A_278 = tpu.memref_squeeze %dma_wait3A_277 : memref<4x4x1x8x128xf32, #tpu.memory_space<hbm>> -> memref<4x4x8x128xf32, #tpu.memory_space<hbm>>
        %dma_wait3A_279 = arith.constant 0 : i32
        %dma_wait3A_280 = arith.constant 0 : i32
        %dma_wait3A_281 = arith.constant 0 : i32
        %dma_wait3A_282 = arith.constant 0 : i32
        %dma_wait3A_283 = tpu.memref_slice %arg7[%dma_wait3A_262, %dma_wait3A_279, %dma_wait3A_280, %dma_wait3A_281, %dma_wait3A_282] : memref<2x4x4x8x128xf32, #tpu.memory_space<vmem>> -> memref<1x4x4x8x128xf32, #tpu.memory_space<vmem>>
        %dma_wait3A_284 = tpu.memref_squeeze %dma_wait3A_283 : memref<1x4x4x8x128xf32, #tpu.memory_space<vmem>> -> memref<4x4x8x128xf32, #tpu.memory_space<vmem>>
        tpu.wait_dma2 semaphore(%arg9 : memref<!tpu.dma_semaphore, #tpu.memory_space<semaphore_mem>>) src(%dma_wait3A_284 : memref<4x4x8x128xf32, #tpu.memory_space<vmem>>) dst(%dma_wait3A_278 : memref<4x4x8x128xf32, #tpu.memory_space<hbm>>)
      } else {
      }
      %scan3A_218 = arith.constant 0 : i32
      %scan3A_219 = arith.constant 4 : i32
      %scan3A_220 = arith.addi %scan3A_218, %scan3A_219 : i32
      %scan3A_221 = arith.constant 1 : i32
      scf.for %scan3A_257 = %scan3A_218 to %scan3A_220 step %scan3A_221  : i32 {
        %mul3A_258 = arith.constant 1 : i32
        %mul3A_259 = arith.muli %scan3A_257, %mul3A_258 : i32
        %add3A_260 = arith.constant 0 : i32
        %add3A_261 = arith.addi %add3A_260, %mul3A_259 : i32
        %add3A_262 = arith.constant 4 : i32
        %add3A_263 = arith.addi %add3A_262, %add3A_261 : i32
        %dma_wait3A_264 = arith.constant 0 : i32
        %dma_wait3A_265 = arith.constant 0 : i32
        %dma_wait3A_266 = arith.constant 0 : i32
        %dma_wait3A_267 = arith.constant 0 : i32
        %dma_wait3A_268 = tpu.memref_slice %arg6[%dma_wait3A_265, %add3A_263, %dma_wait3A_266, %dma_wait3A_267] : memref<2x8x128x32xf32, #tpu.memory_space<vmem>> -> memref<1x1x128x32xf32, #tpu.memory_space<vmem>>
        %dma_wait3A_269 = tpu.memref_squeeze %dma_wait3A_268 : memref<1x1x128x32xf32, #tpu.memory_space<vmem>> -> memref<128x32xf32, #tpu.memory_space<vmem>>
        %dma_wait3A_270 = arith.constant 0 : i32
        %dma_wait3A_271 = tpu.memref_slice %arg5[%dma_wait3A_264, %add3A_263, %dma_wait3A_270] : memref<2x8x128xi32, #tpu.memory_space<vmem>> -> memref<1x1x128xi32, #tpu.memory_space<vmem>>
        %dma_wait3A_272 = tpu.memref_squeeze %dma_wait3A_271 : memref<1x1x128xi32, #tpu.memory_space<vmem>> -> memref<128xi32, #tpu.memory_space<vmem>>
        %dma_wait3A_273 = arith.constant 0 : i32
        %dma_wait3A_274 = arith.constant 0 : i32
        %dma_wait3A_275 = tpu.memref_slice %arg3[%dma_wait3A_273, %dma_wait3A_274] : memref<1015808x32xf32, #tpu.memory_space<hbm>> -> memref<1015808x32xf32, #tpu.memory_space<hbm>>
        tpu.wait_indirect_dma semaphore(%arg8 : memref<!tpu.dma_semaphore, #tpu.memory_space<semaphore_mem>>) src(%dma_wait3A_275 : memref<1015808x32xf32, #tpu.memory_space<hbm>>) dst(%dma_wait3A_269 : memref<128x32xf32, #tpu.memory_space<vmem>>)
        %parallel_loop3A = arith.constant 0 : i32
        %parallel_loop3A_276 = arith.constant 256 : i32
        %parallel_loop3A_277 = arith.constant 1 : i32
        %parallel_loop3A_278 = arith.constant 0 : i32
        scf.for %parallel_loop3A_279 = %parallel_loop3A to %parallel_loop3A_276 step %parallel_loop3A_277  : i32 {
          %parallel_loop3A_280 = arith.constant 5 : i32
          %parallel_loop3A_281 = arith.shrsi %parallel_loop3A_279, %parallel_loop3A_280 : i32
          %parallel_loop3A_282 = arith.constant 16 : i32
          %parallel_loop3A_283 = arith.muli %parallel_loop3A_281, %parallel_loop3A_282 : i32
          %parallel_loop3A_284 = arith.constant 31 : i32
          %parallel_loop3A_285 = arith.andi %parallel_loop3A_279, %parallel_loop3A_284 : i32
          %parallel_loop3A_286 = vector.broadcast %parallel_loop3A_283 : i32 to vector<16xi32>
          %parallel_loop3A_287 = arith.addi %iota3A, %parallel_loop3A_286 : vector<16xi32>
          %parallel_loop3A_288 = vector.broadcast %parallel_loop3A_285 : i32 to vector<16xi32>
          %parallel_loop3A_289 = arith.addi %iota3A, %parallel_loop3A_288 : vector<16xi32>
          %parallel_loop3A_290 = arith.constant 31 : i32
          %parallel_loop3A_291 = vector.broadcast %parallel_loop3A_290 : i32 to vector<16xi32>
          %parallel_loop3A_292 = arith.andi %parallel_loop3A_289, %parallel_loop3A_291 : vector<16xi32>
          %parallel_loop3A_293 = arith.constant 0 : i32
          %parallel_loop3A_294 = arith.constant 0 : i32
          %parallel_loop3A_295 = tpu.memref_slice %arg6[%parallel_loop3A_278, %add3A_263, %parallel_loop3A_293, %parallel_loop3A_294] : memref<2x8x128x32xf32, #tpu.memory_space<vmem>> -> memref<1x1x128x32xf32, #tpu.memory_space<vmem>>
          %parallel_loop3A_296 = tpu.memref_squeeze %parallel_loop3A_295 : memref<1x1x128x32xf32, #tpu.memory_space<vmem>> -> memref<128x32xf32, #tpu.memory_space<vmem>>
          %parallel_loop3A_297 = tpu.vector_load_idx %parallel_loop3A_296[%parallel_loop3A_287, %parallel_loop3A_292] : memref<128x32xf32, #tpu.memory_space<vmem>>[vector<16xi32>, vector<16xi32>], vector<16xf32>,
          %parallel_loop3A_298 = arith.constant 3 : i32
          %parallel_loop3A_299 = vector.broadcast %parallel_loop3A_298 : i32 to vector<16xi32>
          %parallel_loop3A_300 = arith.shrsi %parallel_loop3A_292, %parallel_loop3A_299 : vector<16xi32>
          %parallel_loop3A_301 = arith.constant 7 : i32
          %parallel_loop3A_302 = vector.broadcast %parallel_loop3A_301 : i32 to vector<16xi32>
          %parallel_loop3A_303 = arith.andi %parallel_loop3A_292, %parallel_loop3A_302 : vector<16xi32>
          %parallel_loop3A_304 = arith.constant 1 : i32
          %parallel_loop3A_305 = arith.constant 0 : i32
          %parallel_loop3A_306 = arith.constant 0 : i32
          %parallel_loop3A_307 = arith.constant 0 : i32
          %parallel_loop3A_308 = tpu.memref_slice %arg7[%parallel_loop3A_304, %add3A_261, %parallel_loop3A_305, %parallel_loop3A_306, %parallel_loop3A_307] : memref<2x4x4x8x128xf32, #tpu.memory_space<vmem>> -> memref<1x1x4x8x128xf32, #tpu.memory_space<vmem>>
          %parallel_loop3A_309 = tpu.memref_squeeze %parallel_loop3A_308 : memref<1x1x4x8x128xf32, #tpu.memory_space<vmem>> -> memref<4x8x128xf32, #tpu.memory_space<vmem>>
          tpu.vector_store_idx %parallel_loop3A_309[%parallel_loop3A_300, %parallel_loop3A_303, %parallel_loop3A_287], %parallel_loop3A_297 : memref<4x8x128xf32, #tpu.memory_space<vmem>>[vector<16xi32>, vector<16xi32>, vector<16xi32>], vector<16xf32>,
        } {sc.loop_unroll_factor = 16 : i64, sc.parallel_access}
      }
      %scan3A_222 = arith.constant 4 : i32
      %mul3A_223 = arith.constant 8 : i32
      %mul3A_224 = arith.muli %mul3A_223, %mul3A_172 : i32
      %add3A_225 = arith.constant 4 : i32
      %add3A_226 = arith.addi %mul3A_224, %add3A_225 : i32
      %dma_start3A_227 = arith.constant 1 : i32
      %dma_start3A_228 = arith.constant 0 : i32
      %dma_start3A_229 = arith.constant 0 : i32
      %dma_start3A_230 = arith.constant 0 : i32
      %dma_start3A_231 = arith.constant 0 : i32
      %dma_start3A_232 = tpu.memref_slice %arg7[%dma_start3A_227, %dma_start3A_228, %dma_start3A_229, %dma_start3A_230, %dma_start3A_231] : memref<2x4x4x8x128xf32, #tpu.memory_space<vmem>> -> memref<1x4x4x8x128xf32, #tpu.memory_space<vmem>>
      %dma_start3A_233 = tpu.memref_squeeze %dma_start3A_232 : memref<1x4x4x8x128xf32, #tpu.memory_space<vmem>> -> memref<4x4x8x128xf32, #tpu.memory_space<vmem>>
      %dma_start3A_234 = arith.constant 0 : i32
      %dma_start3A_235 = arith.constant 0 : i32
      %dma_start3A_236 = arith.constant 0 : i32
      %dma_start3A_237 = tpu.memref_slice %arg4[%add3A_226, %dma_start3A_234, %add3A, %dma_start3A_235, %dma_start3A_236] : memref<200x4x32x8x128xf32, #tpu.memory_space<hbm>> -> memref<4x4x1x8x128xf32, #tpu.memory_space<hbm>>
      %dma_start3A_238 = tpu.memref_squeeze %dma_start3A_237 : memref<4x4x1x8x128xf32, #tpu.memory_space<hbm>> -> memref<4x4x8x128xf32, #tpu.memory_space<hbm>>
      %dma_start3A_239 = arith.constant 0 : i32
      %dma_start3A_240 = arith.constant 0 : i32
      %dma_start3A_241 = arith.constant 0 : i32
      %dma_start3A_242 = tpu.memref_slice %arg4[%add3A_226, %dma_start3A_239, %add3A, %dma_start3A_240, %dma_start3A_241] : memref<200x4x32x8x128xf32, #tpu.memory_space<hbm>> -> memref<4x4x1x8x128xf32, #tpu.memory_space<hbm>>
      %dma_start3A_243 = tpu.memref_squeeze %dma_start3A_242 : memref<4x4x1x8x128xf32, #tpu.memory_space<hbm>> -> memref<4x4x8x128xf32, #tpu.memory_space<hbm>>
      %dma_start3A_244 = arith.constant 0 : i32
      %dma_start3A_245 = arith.constant 0 : i32
      %dma_start3A_246 = arith.constant 0 : i32
      %dma_start3A_247 = arith.constant 0 : i32
      %dma_start3A_248 = tpu.memref_slice %arg7[%dma_start3A_227, %dma_start3A_244, %dma_start3A_245, %dma_start3A_246, %dma_start3A_247] : memref<2x4x4x8x128xf32, #tpu.memory_space<vmem>> -> memref<1x4x4x8x128xf32, #tpu.memory_space<vmem>>
      %dma_start3A_249 = tpu.memref_squeeze %dma_start3A_248 : memref<1x4x4x8x128xf32, #tpu.memory_space<vmem>> -> memref<4x4x8x128xf32, #tpu.memory_space<vmem>>
      tpu.enqueue_dma source(%dma_start3A_249 : memref<4x4x8x128xf32, #tpu.memory_space<vmem>>) target(%dma_start3A_243 : memref<4x4x8x128xf32, #tpu.memory_space<hbm>>) target_semaphore(%arg9 : memref<!tpu.dma_semaphore, #tpu.memory_space<semaphore_mem>>)
      %add3A_250 = arith.constant 1 : i32
      %add3A_251 = arith.addi %mul3A_172, %add3A_250 : i32
      %lt3A_252 = arith.constant 25 : i32
      %lt3A_253 = arith.cmpi slt, %add3A_251, %lt3A_252 : i32
      %convert_element_type3A_254 = arith.extui %lt3A_253 : i1 to i32
      %cond3A_255 = arith.constant 0 : i32
      %cond3A_256 = arith.cmpi ne, %convert_element_type3A_254, %cond3A_255 : i32
      scf.if %cond3A_256 {
        %add3A_257 = arith.constant 2 : i32
        %add3A_258 = arith.addi %mul3A_172, %add3A_257 : i32
        %lt3A_259 = arith.constant 25 : i32
        %lt3A_260 = arith.cmpi slt, %add3A_258, %lt3A_259 : i32
        %convert_element_type3A_261 = arith.extui %lt3A_260 : i1 to i32
        %cond3A_262 = arith.constant 0 : i32
        %cond3A_263 = arith.cmpi ne, %convert_element_type3A_261, %cond3A_262 : i32
        scf.if %cond3A_263 {
          %add3A_340 = arith.constant 2 : i32
          %add3A_341 = arith.addi %mul3A_172, %add3A_340 : i32
          %run_scoped3A_342 = arith.constant 0 : i32
          "tpu.region"() ({
            %run_scoped3A_455 = tpu.sem_alloc : memref<!tpu.dma_semaphore, #tpu.memory_space<semaphore_mem>>
            %dma_start3A_456 = arith.constant 0 : i32
            %dma_start3A_457 = arith.constant 0 : i32
            %dma_start3A_458 = tpu.memref_slice %arg5[%run_scoped3A_342, %dma_start3A_456, %dma_start3A_457] : memref<2x8x128xi32, #tpu.memory_space<vmem>> -> memref<1x8x128xi32, #tpu.memory_space<vmem>>
            %dma_start3A_459 = tpu.memref_squeeze %dma_start3A_458 : memref<1x8x128xi32, #tpu.memory_space<vmem>> -> memref<8x128xi32, #tpu.memory_space<vmem>>
            %dma_start3A_460 = arith.constant 0 : i32
            %dma_start3A_461 = arith.constant 0 : i32
            %dma_start3A_462 = tpu.memref_slice %arg2[%add3A_341, %add3A, %dma_start3A_460, %dma_start3A_461] : memref<25x32x8x128xi32, #tpu.memory_space<hbm>> -> memref<1x1x8x128xi32, #tpu.memory_space<hbm>>
            %dma_start3A_463 = tpu.memref_squeeze %dma_start3A_462 : memref<1x1x8x128xi32, #tpu.memory_space<hbm>> -> memref<8x128xi32, #tpu.memory_space<hbm>>
            %dma_start3A_464 = arith.constant 0 : i32
            %dma_start3A_465 = arith.constant 0 : i32
            %dma_start3A_466 = tpu.memref_slice %arg5[%run_scoped3A_342, %dma_start3A_464, %dma_start3A_465] : memref<2x8x128xi32, #tpu.memory_space<vmem>> -> memref<1x8x128xi32, #tpu.memory_space<vmem>>
            %dma_start3A_467 = tpu.memref_squeeze %dma_start3A_466 : memref<1x8x128xi32, #tpu.memory_space<vmem>> -> memref<8x128xi32, #tpu.memory_space<vmem>>
            %dma_start3A_468 = arith.constant 0 : i32
            %dma_start3A_469 = arith.constant 0 : i32
            %dma_start3A_470 = tpu.memref_slice %arg2[%add3A_341, %add3A, %dma_start3A_468, %dma_start3A_469] : memref<25x32x8x128xi32, #tpu.memory_space<hbm>> -> memref<1x1x8x128xi32, #tpu.memory_space<hbm>>
            %dma_start3A_471 = tpu.memref_squeeze %dma_start3A_470 : memref<1x1x8x128xi32, #tpu.memory_space<hbm>> -> memref<8x128xi32, #tpu.memory_space<hbm>>
            tpu.enqueue_dma source(%dma_start3A_471 : memref<8x128xi32, #tpu.memory_space<hbm>>) target(%dma_start3A_467 : memref<8x128xi32, #tpu.memory_space<vmem>>) target_semaphore(%run_scoped3A_455 : memref<!tpu.dma_semaphore, #tpu.memory_space<semaphore_mem>>)
            %dma_wait3A_472 = arith.constant 0 : i32
            %dma_wait3A_473 = arith.constant 0 : i32
            %dma_wait3A_474 = tpu.memref_slice %arg5[%run_scoped3A_342, %dma_wait3A_472, %dma_wait3A_473] : memref<2x8x128xi32, #tpu.memory_space<vmem>> -> memref<1x8x128xi32, #tpu.memory_space<vmem>>
            %dma_wait3A_475 = tpu.memref_squeeze %dma_wait3A_474 : memref<1x8x128xi32, #tpu.memory_space<vmem>> -> memref<8x128xi32, #tpu.memory_space<vmem>>
            %dma_wait3A_476 = arith.constant 0 : i32
            %dma_wait3A_477 = arith.constant 0 : i32
            %dma_wait3A_478 = tpu.memref_slice %arg2[%add3A_341, %add3A, %dma_wait3A_476, %dma_wait3A_477] : memref<25x32x8x128xi32, #tpu.memory_space<hbm>> -> memref<1x1x8x128xi32, #tpu.memory_space<hbm>>
            %dma_wait3A_479 = tpu.memref_squeeze %dma_wait3A_478 : memref<1x1x8x128xi32, #tpu.memory_space<hbm>> -> memref<8x128xi32, #tpu.memory_space<hbm>>
            %dma_wait3A_480 = arith.constant 0 : i32
            %dma_wait3A_481 = arith.constant 0 : i32
            %dma_wait3A_482 = tpu.memref_slice %arg5[%run_scoped3A_342, %dma_wait3A_480, %dma_wait3A_481] : memref<2x8x128xi32, #tpu.memory_space<vmem>> -> memref<1x8x128xi32, #tpu.memory_space<vmem>>
            %dma_wait3A_483 = tpu.memref_squeeze %dma_wait3A_482 : memref<1x8x128xi32, #tpu.memory_space<vmem>> -> memref<8x128xi32, #tpu.memory_space<vmem>>
            %dma_wait3A_484 = arith.constant 0 : i32
            %dma_wait3A_485 = arith.constant 0 : i32
            %dma_wait3A_486 = tpu.memref_slice %arg2[%add3A_341, %add3A, %dma_wait3A_484, %dma_wait3A_485] : memref<25x32x8x128xi32, #tpu.memory_space<hbm>> -> memref<1x1x8x128xi32, #tpu.memory_space<hbm>>
            %dma_wait3A_487 = tpu.memref_squeeze %dma_wait3A_486 : memref<1x1x8x128xi32, #tpu.memory_space<hbm>> -> memref<8x128xi32, #tpu.memory_space<hbm>>
            tpu.wait_dma2 semaphore(%run_scoped3A_455 : memref<!tpu.dma_semaphore, #tpu.memory_space<semaphore_mem>>) src(%dma_wait3A_487 : memref<8x128xi32, #tpu.memory_space<hbm>>) dst(%dma_wait3A_483 : memref<8x128xi32, #tpu.memory_space<vmem>>)
            tpu.yield
          }) : () -> ()
          %dma_start3A_343 = arith.constant 0 : i32
          %dma_start3A_344 = arith.constant 0 : i32
          %dma_start3A_345 = arith.constant 0 : i32
          %dma_start3A_346 = arith.constant 0 : i32
          %dma_start3A_347 = arith.constant 0 : i32
          %dma_start3A_348 = arith.constant 0 : i32
          %dma_start3A_349 = tpu.memref_slice %arg6[%dma_start3A_345, %dma_start3A_346, %dma_start3A_347, %dma_start3A_348] : memref<2x8x128x32xf32, #tpu.memory_space<vmem>> -> memref<1x1x128x32xf32, #tpu.memory_space<vmem>>
          %dma_start3A_350 = tpu.memref_squeeze %dma_start3A_349 : memref<1x1x128x32xf32, #tpu.memory_space<vmem>> -> memref<128x32xf32, #tpu.memory_space<vmem>>
          %dma_start3A_351 = arith.constant 0 : i32
          %dma_start3A_352 = tpu.memref_slice %arg5[%dma_start3A_343, %dma_start3A_344, %dma_start3A_351] : memref<2x8x128xi32, #tpu.memory_space<vmem>> -> memref<1x1x128xi32, #tpu.memory_space<vmem>>
          %dma_start3A_353 = tpu.memref_squeeze %dma_start3A_352 : memref<1x1x128xi32, #tpu.memory_space<vmem>> -> memref<128xi32, #tpu.memory_space<vmem>>
          %dma_start3A_354 = arith.constant 0 : i32
          %dma_start3A_355 = arith.constant 0 : i32
          %dma_start3A_356 = tpu.memref_slice %arg3[%dma_start3A_354, %dma_start3A_355] : memref<1015808x32xf32, #tpu.memory_space<hbm>> -> memref<1015808x32xf32, #tpu.memory_space<hbm>>
          tpu.enqueue_indirect_dma source(%dma_start3A_356 : memref<1015808x32xf32, #tpu.memory_space<hbm>>) target(%dma_start3A_350 : memref<128x32xf32, #tpu.memory_space<vmem>>) offsets(%dma_start3A_353 : memref<128xi32, #tpu.memory_space<vmem>>) semaphore(%arg8 : memref<!tpu.dma_semaphore, #tpu.memory_space<semaphore_mem>>)
          %dma_start3A_357 = arith.constant 0 : i32
          %dma_start3A_358 = arith.constant 1 : i32
          %dma_start3A_359 = arith.constant 0 : i32
          %dma_start3A_360 = arith.constant 1 : i32
          %dma_start3A_361 = arith.constant 0 : i32
          %dma_start3A_362 = arith.constant 0 : i32
          %dma_start3A_363 = tpu.memref_slice %arg6[%dma_start3A_359, %dma_start3A_360, %dma_start3A_361, %dma_start3A_362] : memref<2x8x128x32xf32, #tpu.memory_space<vmem>> -> memref<1x1x128x32xf32, #tpu.memory_space<vmem>>
          %dma_start3A_364 = tpu.memref_squeeze %dma_start3A_363 : memref<1x1x128x32xf32, #tpu.memory_space<vmem>> -> memref<128x32xf32, #tpu.memory_space<vmem>>
          %dma_start3A_365 = arith.constant 0 : i32
          %dma_start3A_366 = tpu.memref_slice %arg5[%dma_start3A_357, %dma_start3A_358, %dma_start3A_365] : memref<2x8x128xi32, #tpu.memory_space<vmem>> -> memref<1x1x128xi32, #tpu.memory_space<vmem>>
          %dma_start3A_367 = tpu.memref_squeeze %dma_start3A_366 : memref<1x1x128xi32, #tpu.memory_space<vmem>> -> memref<128xi32, #tpu.memory_space<vmem>>
          %dma_start3A_368 = arith.constant 0 : i32
          %dma_start3A_369 = arith.constant 0 : i32
          %dma_start3A_370 = tpu.memref_slice %arg3[%dma_start3A_368, %dma_start3A_369] : memref<1015808x32xf32, #tpu.memory_space<hbm>> -> memref<1015808x32xf32, #tpu.memory_space<hbm>>
          tpu.enqueue_indirect_dma source(%dma_start3A_370 : memref<1015808x32xf32, #tpu.memory_space<hbm>>) target(%dma_start3A_364 : memref<128x32xf32, #tpu.memory_space<vmem>>) offsets(%dma_start3A_367 : memref<128xi32, #tpu.memory_space<vmem>>) semaphore(%arg8 : memref<!tpu.dma_semaphore, #tpu.memory_space<semaphore_mem>>)
          %dma_start3A_371 = arith.constant 0 : i32
          %dma_start3A_372 = arith.constant 2 : i32
          %dma_start3A_373 = arith.constant 0 : i32
          %dma_start3A_374 = arith.constant 2 : i32
          %dma_start3A_375 = arith.constant 0 : i32
          %dma_start3A_376 = arith.constant 0 : i32
          %dma_start3A_377 = tpu.memref_slice %arg6[%dma_start3A_373, %dma_start3A_374, %dma_start3A_375, %dma_start3A_376] : memref<2x8x128x32xf32, #tpu.memory_space<vmem>> -> memref<1x1x128x32xf32, #tpu.memory_space<vmem>>
          %dma_start3A_378 = tpu.memref_squeeze %dma_start3A_377 : memref<1x1x128x32xf32, #tpu.memory_space<vmem>> -> memref<128x32xf32, #tpu.memory_space<vmem>>
          %dma_start3A_379 = arith.constant 0 : i32
          %dma_start3A_380 = tpu.memref_slice %arg5[%dma_start3A_371, %dma_start3A_372, %dma_start3A_379] : memref<2x8x128xi32, #tpu.memory_space<vmem>> -> memref<1x1x128xi32, #tpu.memory_space<vmem>>
          %dma_start3A_381 = tpu.memref_squeeze %dma_start3A_380 : memref<1x1x128xi32, #tpu.memory_space<vmem>> -> memref<128xi32, #tpu.memory_space<vmem>>
          %dma_start3A_382 = arith.constant 0 : i32
          %dma_start3A_383 = arith.constant 0 : i32
          %dma_start3A_384 = tpu.memref_slice %arg3[%dma_start3A_382, %dma_start3A_383] : memref<1015808x32xf32, #tpu.memory_space<hbm>> -> memref<1015808x32xf32, #tpu.memory_space<hbm>>
          tpu.enqueue_indirect_dma source(%dma_start3A_384 : memref<1015808x32xf32, #tpu.memory_space<hbm>>) target(%dma_start3A_378 : memref<128x32xf32, #tpu.memory_space<vmem>>) offsets(%dma_start3A_381 : memref<128xi32, #tpu.memory_space<vmem>>) semaphore(%arg8 : memref<!tpu.dma_semaphore, #tpu.memory_space<semaphore_mem>>)
          %dma_start3A_385 = arith.constant 0 : i32
          %dma_start3A_386 = arith.constant 3 : i32
          %dma_start3A_387 = arith.constant 0 : i32
          %dma_start3A_388 = arith.constant 3 : i32
          %dma_start3A_389 = arith.constant 0 : i32
          %dma_start3A_390 = arith.constant 0 : i32
          %dma_start3A_391 = tpu.memref_slice %arg6[%dma_start3A_387, %dma_start3A_388, %dma_start3A_389, %dma_start3A_390] : memref<2x8x128x32xf32, #tpu.memory_space<vmem>> -> memref<1x1x128x32xf32, #tpu.memory_space<vmem>>
          %dma_start3A_392 = tpu.memref_squeeze %dma_start3A_391 : memref<1x1x128x32xf32, #tpu.memory_space<vmem>> -> memref<128x32xf32, #tpu.memory_space<vmem>>
          %dma_start3A_393 = arith.constant 0 : i32
          %dma_start3A_394 = tpu.memref_slice %arg5[%dma_start3A_385, %dma_start3A_386, %dma_start3A_393] : memref<2x8x128xi32, #tpu.memory_space<vmem>> -> memref<1x1x128xi32, #tpu.memory_space<vmem>>
          %dma_start3A_395 = tpu.memref_squeeze %dma_start3A_394 : memref<1x1x128xi32, #tpu.memory_space<vmem>> -> memref<128xi32, #tpu.memory_space<vmem>>
          %dma_start3A_396 = arith.constant 0 : i32
          %dma_start3A_397 = arith.constant 0 : i32
          %dma_start3A_398 = tpu.memref_slice %arg3[%dma_start3A_396, %dma_start3A_397] : memref<1015808x32xf32, #tpu.memory_space<hbm>> -> memref<1015808x32xf32, #tpu.memory_space<hbm>>
          tpu.enqueue_indirect_dma source(%dma_start3A_398 : memref<1015808x32xf32, #tpu.memory_space<hbm>>) target(%dma_start3A_392 : memref<128x32xf32, #tpu.memory_space<vmem>>) offsets(%dma_start3A_395 : memref<128xi32, #tpu.memory_space<vmem>>) semaphore(%arg8 : memref<!tpu.dma_semaphore, #tpu.memory_space<semaphore_mem>>)
          %dma_start3A_399 = arith.constant 0 : i32
          %dma_start3A_400 = arith.constant 4 : i32
          %dma_start3A_401 = arith.constant 0 : i32
          %dma_start3A_402 = arith.constant 4 : i32
          %dma_start3A_403 = arith.constant 0 : i32
          %dma_start3A_404 = arith.constant 0 : i32
          %dma_start3A_405 = tpu.memref_slice %arg6[%dma_start3A_401, %dma_start3A_402, %dma_start3A_403, %dma_start3A_404] : memref<2x8x128x32xf32, #tpu.memory_space<vmem>> -> memref<1x1x128x32xf32, #tpu.memory_space<vmem>>
          %dma_start3A_406 = tpu.memref_squeeze %dma_start3A_405 : memref<1x1x128x32xf32, #tpu.memory_space<vmem>> -> memref<128x32xf32, #tpu.memory_space<vmem>>
          %dma_start3A_407 = arith.constant 0 : i32
          %dma_start3A_408 = tpu.memref_slice %arg5[%dma_start3A_399, %dma_start3A_400, %dma_start3A_407] : memref<2x8x128xi32, #tpu.memory_space<vmem>> -> memref<1x1x128xi32, #tpu.memory_space<vmem>>
          %dma_start3A_409 = tpu.memref_squeeze %dma_start3A_408 : memref<1x1x128xi32, #tpu.memory_space<vmem>> -> memref<128xi32, #tpu.memory_space<vmem>>
          %dma_start3A_410 = arith.constant 0 : i32
          %dma_start3A_411 = arith.constant 0 : i32
          %dma_start3A_412 = tpu.memref_slice %arg3[%dma_start3A_410, %dma_start3A_411] : memref<1015808x32xf32, #tpu.memory_space<hbm>> -> memref<1015808x32xf32, #tpu.memory_space<hbm>>
          tpu.enqueue_indirect_dma source(%dma_start3A_412 : memref<1015808x32xf32, #tpu.memory_space<hbm>>) target(%dma_start3A_406 : memref<128x32xf32, #tpu.memory_space<vmem>>) offsets(%dma_start3A_409 : memref<128xi32, #tpu.memory_space<vmem>>) semaphore(%arg8 : memref<!tpu.dma_semaphore, #tpu.memory_space<semaphore_mem>>)
          %dma_start3A_413 = arith.constant 0 : i32
          %dma_start3A_414 = arith.constant 5 : i32
          %dma_start3A_415 = arith.constant 0 : i32
          %dma_start3A_416 = arith.constant 5 : i32
          %dma_start3A_417 = arith.constant 0 : i32
          %dma_start3A_418 = arith.constant 0 : i32
          %dma_start3A_419 = tpu.memref_slice %arg6[%dma_start3A_415, %dma_start3A_416, %dma_start3A_417, %dma_start3A_418] : memref<2x8x128x32xf32, #tpu.memory_space<vmem>> -> memref<1x1x128x32xf32, #tpu.memory_space<vmem>>
          %dma_start3A_420 = tpu.memref_squeeze %dma_start3A_419 : memref<1x1x128x32xf32, #tpu.memory_space<vmem>> -> memref<128x32xf32, #tpu.memory_space<vmem>>
          %dma_start3A_421 = arith.constant 0 : i32
          %dma_start3A_422 = tpu.memref_slice %arg5[%dma_start3A_413, %dma_start3A_414, %dma_start3A_421] : memref<2x8x128xi32, #tpu.memory_space<vmem>> -> memref<1x1x128xi32, #tpu.memory_space<vmem>>
          %dma_start3A_423 = tpu.memref_squeeze %dma_start3A_422 : memref<1x1x128xi32, #tpu.memory_space<vmem>> -> memref<128xi32, #tpu.memory_space<vmem>>
          %dma_start3A_424 = arith.constant 0 : i32
          %dma_start3A_425 = arith.constant 0 : i32
          %dma_start3A_426 = tpu.memref_slice %arg3[%dma_start3A_424, %dma_start3A_425] : memref<1015808x32xf32, #tpu.memory_space<hbm>> -> memref<1015808x32xf32, #tpu.memory_space<hbm>>
          tpu.enqueue_indirect_dma source(%dma_start3A_426 : memref<1015808x32xf32, #tpu.memory_space<hbm>>) target(%dma_start3A_420 : memref<128x32xf32, #tpu.memory_space<vmem>>) offsets(%dma_start3A_423 : memref<128xi32, #tpu.memory_space<vmem>>) semaphore(%arg8 : memref<!tpu.dma_semaphore, #tpu.memory_space<semaphore_mem>>)
          %dma_start3A_427 = arith.constant 0 : i32
          %dma_start3A_428 = arith.constant 6 : i32
          %dma_start3A_429 = arith.constant 0 : i32
          %dma_start3A_430 = arith.constant 6 : i32
          %dma_start3A_431 = arith.constant 0 : i32
          %dma_start3A_432 = arith.constant 0 : i32
          %dma_start3A_433 = tpu.memref_slice %arg6[%dma_start3A_429, %dma_start3A_430, %dma_start3A_431, %dma_start3A_432] : memref<2x8x128x32xf32, #tpu.memory_space<vmem>> -> memref<1x1x128x32xf32, #tpu.memory_space<vmem>>
          %dma_start3A_434 = tpu.memref_squeeze %dma_start3A_433 : memref<1x1x128x32xf32, #tpu.memory_space<vmem>> -> memref<128x32xf32, #tpu.memory_space<vmem>>
          %dma_start3A_435 = arith.constant 0 : i32
          %dma_start3A_436 = tpu.memref_slice %arg5[%dma_start3A_427, %dma_start3A_428, %dma_start3A_435] : memref<2x8x128xi32, #tpu.memory_space<vmem>> -> memref<1x1x128xi32, #tpu.memory_space<vmem>>
          %dma_start3A_437 = tpu.memref_squeeze %dma_start3A_436 : memref<1x1x128xi32, #tpu.memory_space<vmem>> -> memref<128xi32, #tpu.memory_space<vmem>>
          %dma_start3A_438 = arith.constant 0 : i32
          %dma_start3A_439 = arith.constant 0 : i32
          %dma_start3A_440 = tpu.memref_slice %arg3[%dma_start3A_438, %dma_start3A_439] : memref<1015808x32xf32, #tpu.memory_space<hbm>> -> memref<1015808x32xf32, #tpu.memory_space<hbm>>
          tpu.enqueue_indirect_dma source(%dma_start3A_440 : memref<1015808x32xf32, #tpu.memory_space<hbm>>) target(%dma_start3A_434 : memref<128x32xf32, #tpu.memory_space<vmem>>) offsets(%dma_start3A_437 : memref<128xi32, #tpu.memory_space<vmem>>) semaphore(%arg8 : memref<!tpu.dma_semaphore, #tpu.memory_space<semaphore_mem>>)
          %dma_start3A_441 = arith.constant 0 : i32
          %dma_start3A_442 = arith.constant 7 : i32
          %dma_start3A_443 = arith.constant 0 : i32
          %dma_start3A_444 = arith.constant 7 : i32
          %dma_start3A_445 = arith.constant 0 : i32
          %dma_start3A_446 = arith.constant 0 : i32
          %dma_start3A_447 = tpu.memref_slice %arg6[%dma_start3A_443, %dma_start3A_444, %dma_start3A_445, %dma_start3A_446] : memref<2x8x128x32xf32, #tpu.memory_space<vmem>> -> memref<1x1x128x32xf32, #tpu.memory_space<vmem>>
          %dma_start3A_448 = tpu.memref_squeeze %dma_start3A_447 : memref<1x1x128x32xf32, #tpu.memory_space<vmem>> -> memref<128x32xf32, #tpu.memory_space<vmem>>
          %dma_start3A_449 = arith.constant 0 : i32
          %dma_start3A_450 = tpu.memref_slice %arg5[%dma_start3A_441, %dma_start3A_442, %dma_start3A_449] : memref<2x8x128xi32, #tpu.memory_space<vmem>> -> memref<1x1x128xi32, #tpu.memory_space<vmem>>
          %dma_start3A_451 = tpu.memref_squeeze %dma_start3A_450 : memref<1x1x128xi32, #tpu.memory_space<vmem>> -> memref<128xi32, #tpu.memory_space<vmem>>
          %dma_start3A_452 = arith.constant 0 : i32
          %dma_start3A_453 = arith.constant 0 : i32
          %dma_start3A_454 = tpu.memref_slice %arg3[%dma_start3A_452, %dma_start3A_453] : memref<1015808x32xf32, #tpu.memory_space<hbm>> -> memref<1015808x32xf32, #tpu.memory_space<hbm>>
          tpu.enqueue_indirect_dma source(%dma_start3A_454 : memref<1015808x32xf32, #tpu.memory_space<hbm>>) target(%dma_start3A_448 : memref<128x32xf32, #tpu.memory_space<vmem>>) offsets(%dma_start3A_451 : memref<128xi32, #tpu.memory_space<vmem>>) semaphore(%arg8 : memref<!tpu.dma_semaphore, #tpu.memory_space<semaphore_mem>>)
        } else {
        }
        %add3A_264 = arith.constant 1 : i32
        %add3A_265 = arith.addi %mul3A_172, %add3A_264 : i32
        %gt3A_266 = arith.constant 0 : i32
        %gt3A_267 = arith.cmpi sgt, %add3A_265, %gt3A_266 : i32
        %convert_element_type3A_268 = arith.extui %gt3A_267 : i1 to i32
        %cond3A_269 = arith.constant 0 : i32
        %cond3A_270 = arith.cmpi ne, %convert_element_type3A_268, %cond3A_269 : i32
        scf.if %cond3A_270 {
          %sub3A = arith.constant 1 : i32
          %sub3A_340 = arith.subi %add3A_265, %sub3A : i32
          %mul3A_341 = arith.constant 8 : i32
          %mul3A_342 = arith.muli %mul3A_341, %sub3A_340 : i32
          %add3A_343 = arith.constant 0 : i32
          %add3A_344 = arith.addi %mul3A_342, %add3A_343 : i32
          %dma_wait3A_345 = arith.constant 0 : i32
          %dma_wait3A_346 = arith.constant 0 : i32
          %dma_wait3A_347 = arith.constant 0 : i32
          %dma_wait3A_348 = arith.constant 0 : i32
          %dma_wait3A_349 = arith.constant 0 : i32
          %dma_wait3A_350 = tpu.memref_slice %arg7[%dma_wait3A_345, %dma_wait3A_346, %dma_wait3A_347, %dma_wait3A_348, %dma_wait3A_349] : memref<2x4x4x8x128xf32, #tpu.memory_space<vmem>> -> memref<1x4x4x8x128xf32, #tpu.memory_space<vmem>>
          %dma_wait3A_351 = tpu.memref_squeeze %dma_wait3A_350 : memref<1x4x4x8x128xf32, #tpu.memory_space<vmem>> -> memref<4x4x8x128xf32, #tpu.memory_space<vmem>>
          %dma_wait3A_352 = arith.constant 0 : i32
          %dma_wait3A_353 = arith.constant 0 : i32
          %dma_wait3A_354 = arith.constant 0 : i32
          %dma_wait3A_355 = tpu.memref_slice %arg4[%add3A_344, %dma_wait3A_352, %add3A, %dma_wait3A_353, %dma_wait3A_354] : memref<200x4x32x8x128xf32, #tpu.memory_space<hbm>> -> memref<4x4x1x8x128xf32, #tpu.memory_space<hbm>>
          %dma_wait3A_356 = tpu.memref_squeeze %dma_wait3A_355 : memref<4x4x1x8x128xf32, #tpu.memory_space<hbm>> -> memref<4x4x8x128xf32, #tpu.memory_space<hbm>>
          %dma_wait3A_357 = arith.constant 0 : i32
          %dma_wait3A_358 = arith.constant 0 : i32
          %dma_wait3A_359 = arith.constant 0 : i32
          %dma_wait3A_360 = tpu.memref_slice %arg4[%add3A_344, %dma_wait3A_357, %add3A, %dma_wait3A_358, %dma_wait3A_359] : memref<200x4x32x8x128xf32, #tpu.memory_space<hbm>> -> memref<4x4x1x8x128xf32, #tpu.memory_space<hbm>>
          %dma_wait3A_361 = tpu.memref_squeeze %dma_wait3A_360 : memref<4x4x1x8x128xf32, #tpu.memory_space<hbm>> -> memref<4x4x8x128xf32, #tpu.memory_space<hbm>>
          %dma_wait3A_362 = arith.constant 0 : i32
          %dma_wait3A_363 = arith.constant 0 : i32
          %dma_wait3A_364 = arith.constant 0 : i32
          %dma_wait3A_365 = arith.constant 0 : i32
          %dma_wait3A_366 = tpu.memref_slice %arg7[%dma_wait3A_345, %dma_wait3A_362, %dma_wait3A_363, %dma_wait3A_364, %dma_wait3A_365] : memref<2x4x4x8x128xf32, #tpu.memory_space<vmem>> -> memref<1x4x4x8x128xf32, #tpu.memory_space<vmem>>
          %dma_wait3A_367 = tpu.memref_squeeze %dma_wait3A_366 : memref<1x4x4x8x128xf32, #tpu.memory_space<vmem>> -> memref<4x4x8x128xf32, #tpu.memory_space<vmem>>
          tpu.wait_dma2 semaphore(%arg9 : memref<!tpu.dma_semaphore, #tpu.memory_space<semaphore_mem>>) src(%dma_wait3A_367 : memref<4x4x8x128xf32, #tpu.memory_space<vmem>>) dst(%dma_wait3A_361 : memref<4x4x8x128xf32, #tpu.memory_space<hbm>>)
        } else {
        }
        %scan3A_271 = arith.constant 0 : i32
        %scan3A_272 = arith.constant 4 : i32
        %scan3A_273 = arith.addi %scan3A_271, %scan3A_272 : i32
        %scan3A_274 = arith.constant 1 : i32
        scf.for %scan3A_340 = %scan3A_271 to %scan3A_273 step %scan3A_274  : i32 {
          %mul3A_341 = arith.constant 1 : i32
          %mul3A_342 = arith.muli %scan3A_340, %mul3A_341 : i32
          %add3A_343 = arith.constant 0 : i32
          %add3A_344 = arith.addi %add3A_343, %mul3A_342 : i32
          %add3A_345 = arith.constant 0 : i32
          %add3A_346 = arith.addi %add3A_345, %add3A_344 : i32
          %dma_wait3A_347 = arith.constant 1 : i32
          %dma_wait3A_348 = arith.constant 1 : i32
          %dma_wait3A_349 = arith.constant 0 : i32
          %dma_wait3A_350 = arith.constant 0 : i32
          %dma_wait3A_351 = tpu.memref_slice %arg6[%dma_wait3A_348, %add3A_346, %dma_wait3A_349, %dma_wait3A_350] : memref<2x8x128x32xf32, #tpu.memory_space<vmem>> -> memref<1x1x128x32xf32, #tpu.memory_space<vmem>>
          %dma_wait3A_352 = tpu.memref_squeeze %dma_wait3A_351 : memref<1x1x128x32xf32, #tpu.memory_space<vmem>> -> memref<128x32xf32, #tpu.memory_space<vmem>>
          %dma_wait3A_353 = arith.constant 0 : i32
          %dma_wait3A_354 = tpu.memref_slice %arg5[%dma_wait3A_347, %add3A_346, %dma_wait3A_353] : memref<2x8x128xi32, #tpu.memory_space<vmem>> -> memref<1x1x128xi32, #tpu.memory_space<vmem>>
          %dma_wait3A_355 = tpu.memref_squeeze %dma_wait3A_354 : memref<1x1x128xi32, #tpu.memory_space<vmem>> -> memref<128xi32, #tpu.memory_space<vmem>>
          %dma_wait3A_356 = arith.constant 0 : i32
          %dma_wait3A_357 = arith.constant 0 : i32
          %dma_wait3A_358 = tpu.memref_slice %arg3[%dma_wait3A_356, %dma_wait3A_357] : memref<1015808x32xf32, #tpu.memory_space<hbm>> -> memref<1015808x32xf32, #tpu.memory_space<hbm>>
          tpu.wait_indirect_dma semaphore(%arg8 : memref<!tpu.dma_semaphore, #tpu.memory_space<semaphore_mem>>) src(%dma_wait3A_358 : memref<1015808x32xf32, #tpu.memory_space<hbm>>) dst(%dma_wait3A_352 : memref<128x32xf32, #tpu.memory_space<vmem>>)
          %parallel_loop3A = arith.constant 0 : i32
          %parallel_loop3A_359 = arith.constant 256 : i32
          %parallel_loop3A_360 = arith.constant 1 : i32
          %parallel_loop3A_361 = arith.constant 1 : i32
          scf.for %parallel_loop3A_362 = %parallel_loop3A to %parallel_loop3A_359 step %parallel_loop3A_360  : i32 {
            %parallel_loop3A_363 = arith.constant 5 : i32
            %parallel_loop3A_364 = arith.shrsi %parallel_loop3A_362, %parallel_loop3A_363 : i32
            %parallel_loop3A_365 = arith.constant 16 : i32
            %parallel_loop3A_366 = arith.muli %parallel_loop3A_364, %parallel_loop3A_365 : i32
            %parallel_loop3A_367 = arith.constant 31 : i32
            %parallel_loop3A_368 = arith.andi %parallel_loop3A_362, %parallel_loop3A_367 : i32
            %parallel_loop3A_369 = vector.broadcast %parallel_loop3A_366 : i32 to vector<16xi32>
            %parallel_loop3A_370 = arith.addi %iota3A, %parallel_loop3A_369 : vector<16xi32>
            %parallel_loop3A_371 = vector.broadcast %parallel_loop3A_368 : i32 to vector<16xi32>
            %parallel_loop3A_372 = arith.addi %iota3A, %parallel_loop3A_371 : vector<16xi32>
            %parallel_loop3A_373 = arith.constant 31 : i32
            %parallel_loop3A_374 = vector.broadcast %parallel_loop3A_373 : i32 to vector<16xi32>
            %parallel_loop3A_375 = arith.andi %parallel_loop3A_372, %parallel_loop3A_374 : vector<16xi32>
            %parallel_loop3A_376 = arith.constant 0 : i32
            %parallel_loop3A_377 = arith.constant 0 : i32
            %parallel_loop3A_378 = tpu.memref_slice %arg6[%parallel_loop3A_361, %add3A_346, %parallel_loop3A_376, %parallel_loop3A_377] : memref<2x8x128x32xf32, #tpu.memory_space<vmem>> -> memref<1x1x128x32xf32, #tpu.memory_space<vmem>>
            %parallel_loop3A_379 = tpu.memref_squeeze %parallel_loop3A_378 : memref<1x1x128x32xf32, #tpu.memory_space<vmem>> -> memref<128x32xf32, #tpu.memory_space<vmem>>
            %parallel_loop3A_380 = tpu.vector_load_idx %parallel_loop3A_379[%parallel_loop3A_370, %parallel_loop3A_375] : memref<128x32xf32, #tpu.memory_space<vmem>>[vector<16xi32>, vector<16xi32>], vector<16xf32>,
            %parallel_loop3A_381 = arith.constant 3 : i32
            %parallel_loop3A_382 = vector.broadcast %parallel_loop3A_381 : i32 to vector<16xi32>
            %parallel_loop3A_383 = arith.shrsi %parallel_loop3A_375, %parallel_loop3A_382 : vector<16xi32>
            %parallel_loop3A_384 = arith.constant 7 : i32
            %parallel_loop3A_385 = vector.broadcast %parallel_loop3A_384 : i32 to vector<16xi32>
            %parallel_loop3A_386 = arith.andi %parallel_loop3A_375, %parallel_loop3A_385 : vector<16xi32>
            %parallel_loop3A_387 = arith.constant 0 : i32
            %parallel_loop3A_388 = arith.constant 0 : i32
            %parallel_loop3A_389 = arith.constant 0 : i32
            %parallel_loop3A_390 = arith.constant 0 : i32
            %parallel_loop3A_391 = tpu.memref_slice %arg7[%parallel_loop3A_387, %add3A_344, %parallel_loop3A_388, %parallel_loop3A_389, %parallel_loop3A_390] : memref<2x4x4x8x128xf32, #tpu.memory_space<vmem>> -> memref<1x1x4x8x128xf32, #tpu.memory_space<vmem>>
            %parallel_loop3A_392 = tpu.memref_squeeze %parallel_loop3A_391 : memref<1x1x4x8x128xf32, #tpu.memory_space<vmem>> -> memref<4x8x128xf32, #tpu.memory_space<vmem>>
            tpu.vector_store_idx %parallel_loop3A_392[%parallel_loop3A_383, %parallel_loop3A_386, %parallel_loop3A_370], %parallel_loop3A_380 : memref<4x8x128xf32, #tpu.memory_space<vmem>>[vector<16xi32>, vector<16xi32>, vector<16xi32>], vector<16xf32>,
          } {sc.loop_unroll_factor = 16 : i64, sc.parallel_access}
        }
        %scan3A_275 = arith.constant 4 : i32
        %mul3A_276 = arith.constant 8 : i32
        %mul3A_277 = arith.muli %mul3A_276, %add3A_265 : i32
        %add3A_278 = arith.constant 0 : i32
        %add3A_279 = arith.addi %mul3A_277, %add3A_278 : i32
        %dma_start3A_280 = arith.constant 0 : i32
        %dma_start3A_281 = arith.constant 0 : i32
        %dma_start3A_282 = arith.constant 0 : i32
        %dma_start3A_283 = arith.constant 0 : i32
        %dma_start3A_284 = arith.constant 0 : i32
        %dma_start3A_285 = tpu.memref_slice %arg7[%dma_start3A_280, %dma_start3A_281, %dma_start3A_282, %dma_start3A_283, %dma_start3A_284] : memref<2x4x4x8x128xf32, #tpu.memory_space<vmem>> -> memref<1x4x4x8x128xf32, #tpu.memory_space<vmem>>
        %dma_start3A_286 = tpu.memref_squeeze %dma_start3A_285 : memref<1x4x4x8x128xf32, #tpu.memory_space<vmem>> -> memref<4x4x8x128xf32, #tpu.memory_space<vmem>>
        %dma_start3A_287 = arith.constant 0 : i32
        %dma_start3A_288 = arith.constant 0 : i32
        %dma_start3A_289 = arith.constant 0 : i32
        %dma_start3A_290 = tpu.memref_slice %arg4[%add3A_279, %dma_start3A_287, %add3A, %dma_start3A_288, %dma_start3A_289] : memref<200x4x32x8x128xf32, #tpu.memory_space<hbm>> -> memref<4x4x1x8x128xf32, #tpu.memory_space<hbm>>
        %dma_start3A_291 = tpu.memref_squeeze %dma_start3A_290 : memref<4x4x1x8x128xf32, #tpu.memory_space<hbm>> -> memref<4x4x8x128xf32, #tpu.memory_space<hbm>>
        %dma_start3A_292 = arith.constant 0 : i32
        %dma_start3A_293 = arith.constant 0 : i32
        %dma_start3A_294 = arith.constant 0 : i32
        %dma_start3A_295 = tpu.memref_slice %arg4[%add3A_279, %dma_start3A_292, %add3A, %dma_start3A_293, %dma_start3A_294] : memref<200x4x32x8x128xf32, #tpu.memory_space<hbm>> -> memref<4x4x1x8x128xf32, #tpu.memory_space<hbm>>
        %dma_start3A_296 = tpu.memref_squeeze %dma_start3A_295 : memref<4x4x1x8x128xf32, #tpu.memory_space<hbm>> -> memref<4x4x8x128xf32, #tpu.memory_space<hbm>>
        %dma_start3A_297 = arith.constant 0 : i32
        %dma_start3A_298 = arith.constant 0 : i32
        %dma_start3A_299 = arith.constant 0 : i32
        %dma_start3A_300 = arith.constant 0 : i32
        %dma_start3A_301 = tpu.memref_slice %arg7[%dma_start3A_280, %dma_start3A_297, %dma_start3A_298, %dma_start3A_299, %dma_start3A_300] : memref<2x4x4x8x128xf32, #tpu.memory_space<vmem>> -> memref<1x4x4x8x128xf32, #tpu.memory_space<vmem>>
        %dma_start3A_302 = tpu.memref_squeeze %dma_start3A_301 : memref<1x4x4x8x128xf32, #tpu.memory_space<vmem>> -> memref<4x4x8x128xf32, #tpu.memory_space<vmem>>
        tpu.enqueue_dma source(%dma_start3A_302 : memref<4x4x8x128xf32, #tpu.memory_space<vmem>>) target(%dma_start3A_296 : memref<4x4x8x128xf32, #tpu.memory_space<hbm>>) target_semaphore(%arg9 : memref<!tpu.dma_semaphore, #tpu.memory_space<semaphore_mem>>)
        %gt3A_303 = arith.constant 0 : i32
        %gt3A_304 = arith.cmpi sgt, %add3A_265, %gt3A_303 : i32
        %convert_element_type3A_305 = arith.extui %gt3A_304 : i1 to i32
        %cond3A_306 = arith.constant 0 : i32
        %cond3A_307 = arith.cmpi ne, %convert_element_type3A_305, %cond3A_306 : i32
        scf.if %cond3A_307 {
          %sub3A = arith.constant 1 : i32
          %sub3A_340 = arith.subi %add3A_265, %sub3A : i32
          %mul3A_341 = arith.constant 8 : i32
          %mul3A_342 = arith.muli %mul3A_341, %sub3A_340 : i32
          %add3A_343 = arith.constant 4 : i32
          %add3A_344 = arith.addi %mul3A_342, %add3A_343 : i32
          %dma_wait3A_345 = arith.constant 1 : i32
          %dma_wait3A_346 = arith.constant 0 : i32
          %dma_wait3A_347 = arith.constant 0 : i32
          %dma_wait3A_348 = arith.constant 0 : i32
          %dma_wait3A_349 = arith.constant 0 : i32
          %dma_wait3A_350 = tpu.memref_slice %arg7[%dma_wait3A_345, %dma_wait3A_346, %dma_wait3A_347, %dma_wait3A_348, %dma_wait3A_349] : memref<2x4x4x8x128xf32, #tpu.memory_space<vmem>> -> memref<1x4x4x8x128xf32, #tpu.memory_space<vmem>>
          %dma_wait3A_351 = tpu.memref_squeeze %dma_wait3A_350 : memref<1x4x4x8x128xf32, #tpu.memory_space<vmem>> -> memref<4x4x8x128xf32, #tpu.memory_space<vmem>>
          %dma_wait3A_352 = arith.constant 0 : i32
          %dma_wait3A_353 = arith.constant 0 : i32
          %dma_wait3A_354 = arith.constant 0 : i32
          %dma_wait3A_355 = tpu.memref_slice %arg4[%add3A_344, %dma_wait3A_352, %add3A, %dma_wait3A_353, %dma_wait3A_354] : memref<200x4x32x8x128xf32, #tpu.memory_space<hbm>> -> memref<4x4x1x8x128xf32, #tpu.memory_space<hbm>>
          %dma_wait3A_356 = tpu.memref_squeeze %dma_wait3A_355 : memref<4x4x1x8x128xf32, #tpu.memory_space<hbm>> -> memref<4x4x8x128xf32, #tpu.memory_space<hbm>>
          %dma_wait3A_357 = arith.constant 0 : i32
          %dma_wait3A_358 = arith.constant 0 : i32
          %dma_wait3A_359 = arith.constant 0 : i32
          %dma_wait3A_360 = tpu.memref_slice %arg4[%add3A_344, %dma_wait3A_357, %add3A, %dma_wait3A_358, %dma_wait3A_359] : memref<200x4x32x8x128xf32, #tpu.memory_space<hbm>> -> memref<4x4x1x8x128xf32, #tpu.memory_space<hbm>>
          %dma_wait3A_361 = tpu.memref_squeeze %dma_wait3A_360 : memref<4x4x1x8x128xf32, #tpu.memory_space<hbm>> -> memref<4x4x8x128xf32, #tpu.memory_space<hbm>>
          %dma_wait3A_362 = arith.constant 0 : i32
          %dma_wait3A_363 = arith.constant 0 : i32
          %dma_wait3A_364 = arith.constant 0 : i32
          %dma_wait3A_365 = arith.constant 0 : i32
          %dma_wait3A_366 = tpu.memref_slice %arg7[%dma_wait3A_345, %dma_wait3A_362, %dma_wait3A_363, %dma_wait3A_364, %dma_wait3A_365] : memref<2x4x4x8x128xf32, #tpu.memory_space<vmem>> -> memref<1x4x4x8x128xf32, #tpu.memory_space<vmem>>
          %dma_wait3A_367 = tpu.memref_squeeze %dma_wait3A_366 : memref<1x4x4x8x128xf32, #tpu.memory_space<vmem>> -> memref<4x4x8x128xf32, #tpu.memory_space<vmem>>
          tpu.wait_dma2 semaphore(%arg9 : memref<!tpu.dma_semaphore, #tpu.memory_space<semaphore_mem>>) src(%dma_wait3A_367 : memref<4x4x8x128xf32, #tpu.memory_space<vmem>>) dst(%dma_wait3A_361 : memref<4x4x8x128xf32, #tpu.memory_space<hbm>>)
        } else {
        }
        %scan3A_308 = arith.constant 0 : i32
        %scan3A_309 = arith.constant 4 : i32
        %scan3A_310 = arith.addi %scan3A_308, %scan3A_309 : i32
        %scan3A_311 = arith.constant 1 : i32
        scf.for %scan3A_340 = %scan3A_308 to %scan3A_310 step %scan3A_311  : i32 {
          %mul3A_341 = arith.constant 1 : i32
          %mul3A_342 = arith.muli %scan3A_340, %mul3A_341 : i32
          %add3A_343 = arith.constant 0 : i32
          %add3A_344 = arith.addi %add3A_343, %mul3A_342 : i32
          %add3A_345 = arith.constant 4 : i32
          %add3A_346 = arith.addi %add3A_345, %add3A_344 : i32
          %dma_wait3A_347 = arith.constant 1 : i32
          %dma_wait3A_348 = arith.constant 1 : i32
          %dma_wait3A_349 = arith.constant 0 : i32
          %dma_wait3A_350 = arith.constant 0 : i32
          %dma_wait3A_351 = tpu.memref_slice %arg6[%dma_wait3A_348, %add3A_346, %dma_wait3A_349, %dma_wait3A_350] : memref<2x8x128x32xf32, #tpu.memory_space<vmem>> -> memref<1x1x128x32xf32, #tpu.memory_space<vmem>>
          %dma_wait3A_352 = tpu.memref_squeeze %dma_wait3A_351 : memref<1x1x128x32xf32, #tpu.memory_space<vmem>> -> memref<128x32xf32, #tpu.memory_space<vmem>>
          %dma_wait3A_353 = arith.constant 0 : i32
          %dma_wait3A_354 = tpu.memref_slice %arg5[%dma_wait3A_347, %add3A_346, %dma_wait3A_353] : memref<2x8x128xi32, #tpu.memory_space<vmem>> -> memref<1x1x128xi32, #tpu.memory_space<vmem>>
          %dma_wait3A_355 = tpu.memref_squeeze %dma_wait3A_354 : memref<1x1x128xi32, #tpu.memory_space<vmem>> -> memref<128xi32, #tpu.memory_space<vmem>>
          %dma_wait3A_356 = arith.constant 0 : i32
          %dma_wait3A_357 = arith.constant 0 : i32
          %dma_wait3A_358 = tpu.memref_slice %arg3[%dma_wait3A_356, %dma_wait3A_357] : memref<1015808x32xf32, #tpu.memory_space<hbm>> -> memref<1015808x32xf32, #tpu.memory_space<hbm>>
          tpu.wait_indirect_dma semaphore(%arg8 : memref<!tpu.dma_semaphore, #tpu.memory_space<semaphore_mem>>) src(%dma_wait3A_358 : memref<1015808x32xf32, #tpu.memory_space<hbm>>) dst(%dma_wait3A_352 : memref<128x32xf32, #tpu.memory_space<vmem>>)
          %parallel_loop3A = arith.constant 0 : i32
          %parallel_loop3A_359 = arith.constant 256 : i32
          %parallel_loop3A_360 = arith.constant 1 : i32
          %parallel_loop3A_361 = arith.constant 1 : i32
          scf.for %parallel_loop3A_362 = %parallel_loop3A to %parallel_loop3A_359 step %parallel_loop3A_360  : i32 {
            %parallel_loop3A_363 = arith.constant 5 : i32
            %parallel_loop3A_364 = arith.shrsi %parallel_loop3A_362, %parallel_loop3A_363 : i32
            %parallel_loop3A_365 = arith.constant 16 : i32
            %parallel_loop3A_366 = arith.muli %parallel_loop3A_364, %parallel_loop3A_365 : i32
            %parallel_loop3A_367 = arith.constant 31 : i32
            %parallel_loop3A_368 = arith.andi %parallel_loop3A_362, %parallel_loop3A_367 : i32
            %parallel_loop3A_369 = vector.broadcast %parallel_loop3A_366 : i32 to vector<16xi32>
            %parallel_loop3A_370 = arith.addi %iota3A, %parallel_loop3A_369 : vector<16xi32>
            %parallel_loop3A_371 = vector.broadcast %parallel_loop3A_368 : i32 to vector<16xi32>
            %parallel_loop3A_372 = arith.addi %iota3A, %parallel_loop3A_371 : vector<16xi32>
            %parallel_loop3A_373 = arith.constant 31 : i32
            %parallel_loop3A_374 = vector.broadcast %parallel_loop3A_373 : i32 to vector<16xi32>
            %parallel_loop3A_375 = arith.andi %parallel_loop3A_372, %parallel_loop3A_374 : vector<16xi32>
            %parallel_loop3A_376 = arith.constant 0 : i32
            %parallel_loop3A_377 = arith.constant 0 : i32
            %parallel_loop3A_378 = tpu.memref_slice %arg6[%parallel_loop3A_361, %add3A_346, %parallel_loop3A_376, %parallel_loop3A_377] : memref<2x8x128x32xf32, #tpu.memory_space<vmem>> -> memref<1x1x128x32xf32, #tpu.memory_space<vmem>>
            %parallel_loop3A_379 = tpu.memref_squeeze %parallel_loop3A_378 : memref<1x1x128x32xf32, #tpu.memory_space<vmem>> -> memref<128x32xf32, #tpu.memory_space<vmem>>
            %parallel_loop3A_380 = tpu.vector_load_idx %parallel_loop3A_379[%parallel_loop3A_370, %parallel_loop3A_375] : memref<128x32xf32, #tpu.memory_space<vmem>>[vector<16xi32>, vector<16xi32>], vector<16xf32>,
            %parallel_loop3A_381 = arith.constant 3 : i32
            %parallel_loop3A_382 = vector.broadcast %parallel_loop3A_381 : i32 to vector<16xi32>
            %parallel_loop3A_383 = arith.shrsi %parallel_loop3A_375, %parallel_loop3A_382 : vector<16xi32>
            %parallel_loop3A_384 = arith.constant 7 : i32
            %parallel_loop3A_385 = vector.broadcast %parallel_loop3A_384 : i32 to vector<16xi32>
            %parallel_loop3A_386 = arith.andi %parallel_loop3A_375, %parallel_loop3A_385 : vector<16xi32>
            %parallel_loop3A_387 = arith.constant 1 : i32
            %parallel_loop3A_388 = arith.constant 0 : i32
            %parallel_loop3A_389 = arith.constant 0 : i32
            %parallel_loop3A_390 = arith.constant 0 : i32
            %parallel_loop3A_391 = tpu.memref_slice %arg7[%parallel_loop3A_387, %add3A_344, %parallel_loop3A_388, %parallel_loop3A_389, %parallel_loop3A_390] : memref<2x4x4x8x128xf32, #tpu.memory_space<vmem>> -> memref<1x1x4x8x128xf32, #tpu.memory_space<vmem>>
            %parallel_loop3A_392 = tpu.memref_squeeze %parallel_loop3A_391 : memref<1x1x4x8x128xf32, #tpu.memory_space<vmem>> -> memref<4x8x128xf32, #tpu.memory_space<vmem>>
            tpu.vector_store_idx %parallel_loop3A_392[%parallel_loop3A_383, %parallel_loop3A_386, %parallel_loop3A_370], %parallel_loop3A_380 : memref<4x8x128xf32, #tpu.memory_space<vmem>>[vector<16xi32>, vector<16xi32>, vector<16xi32>], vector<16xf32>,
          } {sc.loop_unroll_factor = 16 : i64, sc.parallel_access}
        }
        %scan3A_312 = arith.constant 4 : i32
        %mul3A_313 = arith.constant 8 : i32
        %mul3A_314 = arith.muli %mul3A_313, %add3A_265 : i32
        %add3A_315 = arith.constant 4 : i32
        %add3A_316 = arith.addi %mul3A_314, %add3A_315 : i32
        %dma_start3A_317 = arith.constant 1 : i32
        %dma_start3A_318 = arith.constant 0 : i32
        %dma_start3A_319 = arith.constant 0 : i32
        %dma_start3A_320 = arith.constant 0 : i32
        %dma_start3A_321 = arith.constant 0 : i32
        %dma_start3A_322 = tpu.memref_slice %arg7[%dma_start3A_317, %dma_start3A_318, %dma_start3A_319, %dma_start3A_320, %dma_start3A_321] : memref<2x4x4x8x128xf32, #tpu.memory_space<vmem>> -> memref<1x4x4x8x128xf32, #tpu.memory_space<vmem>>
        %dma_start3A_323 = tpu.memref_squeeze %dma_start3A_322 : memref<1x4x4x8x128xf32, #tpu.memory_space<vmem>> -> memref<4x4x8x128xf32, #tpu.memory_space<vmem>>
        %dma_start3A_324 = arith.constant 0 : i32
        %dma_start3A_325 = arith.constant 0 : i32
        %dma_start3A_326 = arith.constant 0 : i32
        %dma_start3A_327 = tpu.memref_slice %arg4[%add3A_316, %dma_start3A_324, %add3A, %dma_start3A_325, %dma_start3A_326] : memref<200x4x32x8x128xf32, #tpu.memory_space<hbm>> -> memref<4x4x1x8x128xf32, #tpu.memory_space<hbm>>
        %dma_start3A_328 = tpu.memref_squeeze %dma_start3A_327 : memref<4x4x1x8x128xf32, #tpu.memory_space<hbm>> -> memref<4x4x8x128xf32, #tpu.memory_space<hbm>>
        %dma_start3A_329 = arith.constant 0 : i32
        %dma_start3A_330 = arith.constant 0 : i32
        %dma_start3A_331 = arith.constant 0 : i32
        %dma_start3A_332 = tpu.memref_slice %arg4[%add3A_316, %dma_start3A_329, %add3A, %dma_start3A_330, %dma_start3A_331] : memref<200x4x32x8x128xf32, #tpu.memory_space<hbm>> -> memref<4x4x1x8x128xf32, #tpu.memory_space<hbm>>
        %dma_start3A_333 = tpu.memref_squeeze %dma_start3A_332 : memref<4x4x1x8x128xf32, #tpu.memory_space<hbm>> -> memref<4x4x8x128xf32, #tpu.memory_space<hbm>>
        %dma_start3A_334 = arith.constant 0 : i32
        %dma_start3A_335 = arith.constant 0 : i32
        %dma_start3A_336 = arith.constant 0 : i32
        %dma_start3A_337 = arith.constant 0 : i32
        %dma_start3A_338 = tpu.memref_slice %arg7[%dma_start3A_317, %dma_start3A_334, %dma_start3A_335, %dma_start3A_336, %dma_start3A_337] : memref<2x4x4x8x128xf32, #tpu.memory_space<vmem>> -> memref<1x4x4x8x128xf32, #tpu.memory_space<vmem>>
        %dma_start3A_339 = tpu.memref_squeeze %dma_start3A_338 : memref<1x4x4x8x128xf32, #tpu.memory_space<vmem>> -> memref<4x4x8x128xf32, #tpu.memory_space<vmem>>
        tpu.enqueue_dma source(%dma_start3A_339 : memref<4x4x8x128xf32, #tpu.memory_space<vmem>>) target(%dma_start3A_333 : memref<4x4x8x128xf32, #tpu.memory_space<hbm>>) target_semaphore(%arg9 : memref<!tpu.dma_semaphore, #tpu.memory_space<semaphore_mem>>)
      } else {
      }
    }
    %scan3A_116 = arith.constant 13 : i32
    %dma_wait3A = arith.constant 0 : i32
    %dma_wait3A_117 = arith.constant 0 : i32
    %dma_wait3A_118 = arith.constant 0 : i32
    %dma_wait3A_119 = arith.constant 0 : i32
    %dma_wait3A_120 = arith.constant 0 : i32
    %dma_wait3A_121 = tpu.memref_slice %arg7[%dma_wait3A, %dma_wait3A_117, %dma_wait3A_118, %dma_wait3A_119, %dma_wait3A_120] : memref<2x4x4x8x128xf32, #tpu.memory_space<vmem>> -> memref<1x4x4x8x128xf32, #tpu.memory_space<vmem>>
    %dma_wait3A_122 = tpu.memref_squeeze %dma_wait3A_121 : memref<1x4x4x8x128xf32, #tpu.memory_space<vmem>> -> memref<4x4x8x128xf32, #tpu.memory_space<vmem>>
    %dma_wait3A_123 = arith.constant 192 : i32
    %dma_wait3A_124 = arith.constant 0 : i32
    %dma_wait3A_125 = arith.constant 0 : i32
    %dma_wait3A_126 = arith.constant 0 : i32
    %dma_wait3A_127 = tpu.memref_slice %arg4[%dma_wait3A_123, %dma_wait3A_124, %add3A, %dma_wait3A_125, %dma_wait3A_126] : memref<200x4x32x8x128xf32, #tpu.memory_space<hbm>> -> memref<4x4x1x8x128xf32, #tpu.memory_space<hbm>>
    %dma_wait3A_128 = tpu.memref_squeeze %dma_wait3A_127 : memref<4x4x1x8x128xf32, #tpu.memory_space<hbm>> -> memref<4x4x8x128xf32, #tpu.memory_space<hbm>>
    %dma_wait3A_129 = arith.constant 192 : i32
    %dma_wait3A_130 = arith.constant 0 : i32
    %dma_wait3A_131 = arith.constant 0 : i32
    %dma_wait3A_132 = arith.constant 0 : i32
    %dma_wait3A_133 = tpu.memref_slice %arg4[%dma_wait3A_129, %dma_wait3A_130, %add3A, %dma_wait3A_131, %dma_wait3A_132] : memref<200x4x32x8x128xf32, #tpu.memory_space<hbm>> -> memref<4x4x1x8x128xf32, #tpu.memory_space<hbm>>
    %dma_wait3A_134 = tpu.memref_squeeze %dma_wait3A_133 : memref<4x4x1x8x128xf32, #tpu.memory_space<hbm>> -> memref<4x4x8x128xf32, #tpu.memory_space<hbm>>
    %dma_wait3A_135 = arith.constant 0 : i32
    %dma_wait3A_136 = arith.constant 0 : i32
    %dma_wait3A_137 = arith.constant 0 : i32
    %dma_wait3A_138 = arith.constant 0 : i32
    %dma_wait3A_139 = tpu.memref_slice %arg7[%dma_wait3A, %dma_wait3A_135, %dma_wait3A_136, %dma_wait3A_137, %dma_wait3A_138] : memref<2x4x4x8x128xf32, #tpu.memory_space<vmem>> -> memref<1x4x4x8x128xf32, #tpu.memory_space<vmem>>
    %dma_wait3A_140 = tpu.memref_squeeze %dma_wait3A_139 : memref<1x4x4x8x128xf32, #tpu.memory_space<vmem>> -> memref<4x4x8x128xf32, #tpu.memory_space<vmem>>
    tpu.wait_dma2 semaphore(%arg9 : memref<!tpu.dma_semaphore, #tpu.memory_space<semaphore_mem>>) src(%dma_wait3A_140 : memref<4x4x8x128xf32, #tpu.memory_space<vmem>>) dst(%dma_wait3A_134 : memref<4x4x8x128xf32, #tpu.memory_space<hbm>>)
    %dma_wait3A_141 = arith.constant 1 : i32
    %dma_wait3A_142 = arith.constant 0 : i32
    %dma_wait3A_143 = arith.constant 0 : i32
    %dma_wait3A_144 = arith.constant 0 : i32
    %dma_wait3A_145 = arith.constant 0 : i32
    %dma_wait3A_146 = tpu.memref_slice %arg7[%dma_wait3A_141, %dma_wait3A_142, %dma_wait3A_143, %dma_wait3A_144, %dma_wait3A_145] : memref<2x4x4x8x128xf32, #tpu.memory_space<vmem>> -> memref<1x4x4x8x128xf32, #tpu.memory_space<vmem>>
    %dma_wait3A_147 = tpu.memref_squeeze %dma_wait3A_146 : memref<1x4x4x8x128xf32, #tpu.memory_space<vmem>> -> memref<4x4x8x128xf32, #tpu.memory_space<vmem>>
    %dma_wait3A_148 = arith.constant 196 : i32
    %dma_wait3A_149 = arith.constant 0 : i32
    %dma_wait3A_150 = arith.constant 0 : i32
    %dma_wait3A_151 = arith.constant 0 : i32
    %dma_wait3A_152 = tpu.memref_slice %arg4[%dma_wait3A_148, %dma_wait3A_149, %add3A, %dma_wait3A_150, %dma_wait3A_151] : memref<200x4x32x8x128xf32, #tpu.memory_space<hbm>> -> memref<4x4x1x8x128xf32, #tpu.memory_space<hbm>>
    %dma_wait3A_153 = tpu.memref_squeeze %dma_wait3A_152 : memref<4x4x1x8x128xf32, #tpu.memory_space<hbm>> -> memref<4x4x8x128xf32, #tpu.memory_space<hbm>>
    %dma_wait3A_154 = arith.constant 196 : i32
    %dma_wait3A_155 = arith.constant 0 : i32
    %dma_wait3A_156 = arith.constant 0 : i32
    %dma_wait3A_157 = arith.constant 0 : i32
    %dma_wait3A_158 = tpu.memref_slice %arg4[%dma_wait3A_154, %dma_wait3A_155, %add3A, %dma_wait3A_156, %dma_wait3A_157] : memref<200x4x32x8x128xf32, #tpu.memory_space<hbm>> -> memref<4x4x1x8x128xf32, #tpu.memory_space<hbm>>
    %dma_wait3A_159 = tpu.memref_squeeze %dma_wait3A_158 : memref<4x4x1x8x128xf32, #tpu.memory_space<hbm>> -> memref<4x4x8x128xf32, #tpu.memory_space<hbm>>
    %dma_wait3A_160 = arith.constant 0 : i32
    %dma_wait3A_161 = arith.constant 0 : i32
    %dma_wait3A_162 = arith.constant 0 : i32
    %dma_wait3A_163 = arith.constant 0 : i32
    %dma_wait3A_164 = tpu.memref_slice %arg7[%dma_wait3A_141, %dma_wait3A_160, %dma_wait3A_161, %dma_wait3A_162, %dma_wait3A_163] : memref<2x4x4x8x128xf32, #tpu.memory_space<vmem>> -> memref<1x4x4x8x128xf32, #tpu.memory_space<vmem>>
    %dma_wait3A_165 = tpu.memref_squeeze %dma_wait3A_164 : memref<1x4x4x8x128xf32, #tpu.memory_space<vmem>> -> memref<4x4x8x128xf32, #tpu.memory_space<vmem>>
    tpu.wait_dma2 semaphore(%arg9 : memref<!tpu.dma_semaphore, #tpu.memory_space<semaphore_mem>>) src(%dma_wait3A_165 : memref<4x4x8x128xf32, #tpu.memory_space<vmem>>) dst(%dma_wait3A_159 : memref<4x4x8x128xf32, #tpu.memory_space<hbm>>)
    return
  }
}

</mosaic_0001>

<sc_bundles>
// kernel: _run.4.cloned.1.call-start
scs
__scs_entry_jumppad:
0x0: {  	(pc) =	sbr.rel $0x88, $3  }
0x1: {  	(tag) =	ssettag $0x0;
	lr =	simm.s32 $0x1  }
0x2: {  	[smem:$0x3F9F] =	sst lr;
	_ =	strace $0xD0000000  }
0x3: {  	_ = 	snop  }
0x4: {  	_ = 	snop  }
0x5: {  	_ = 	snop  }
0x6: {  	_ = 	snop  }
0x7: {  	_ = 	snop  }
__scs_overlays_trampoline_lowered:
0x8: {  	[smem:$0x3FAE] =	sst s0  }
0x9: {  	[smem:$0x3FAF] =	sst s1  }
0xa: {  	[smem:$0x3FB0] =	sst s2  }
0xb: {  	[smem:$0x3FB1] =	sst s3  }
0xc: {  	[smem:$0x3FB2] =	sst s4  }
0xd: {  	[smem:$0x3FB3] =	sst s5  }
0xe: {  	[smem:$0x3FB4] =	sst s6  }
0xf: {  	[smem:$0x3FB5] =	sst s7  }
0x10: {  	[smem:$0x3FB6] =	sst s8  }
0x11: {  	[smem:$0x3FB7] =	sst s9;
	s0 =	simm.s32 @!p0 $0x0  }
0x12: {  	s1 =	sld [smem:$0x3F9D];
	s0 =	simm.s32 @p0 $0x1  }
0x13: {  	[smem:$0x3FB8] =	sst s0;
	s0 =	simm.s32 @!p1 $0x0  }
0x14: {  	s2 =	sld [smem:$0x3F9C];
	s0 =	simm.s32 @p1 $0x1  }
0x15: {  	[smem:$0x3FB9] =	sst s0;
	s0 =	simm.s32 @!p2 $0x0  }
0x16: {  	s3 =	sld [smem:$0x3FDB];
	s0 =	simm.s32 @p2 $0x1  }
0x17: {  	s4 =	simm.s32 $0x1BF5;
	[smem:$0x3FBB] =	sst s0  }
0x18: {  	s0 =	sld [smem:$0x3F9E];
	_ =	swait.ge [sflag:s4], $0x0  }
0x19: {  	s7 =	sld [smem:$0x3F9F]  }
0x1a: {  	s8 =	sadd.s32 $0xFFFFE003, lr  }
0x1b: {  	s9 =	sadd.s32 $0xFFFFFEF7, lr;
	s5 =	simm.s32 $0xFFFFFFFF;
	p2 =	slt.u32 s8, $0xFFFFF086  }
0x1c: {  	p1 =	slt.u32 s9, $0xF7A;
	s5 =	simm.s32 @!p2 $0x0  }
0x1d: {  	s5 =	simm.s32 @p1 $0x1;
	p0 =	seq.s32 s7, s2  }
0x1e: {  	s7 =	smul.u32 @!p0 $0xF7A, s2;
	p2 =	seq.s32 @!p0 s5, $0x0  }
0x1f: {  	s9 =	smul.u32 $0xF7A, s1;
	s8 =	simm.s32 @!p0 $0x1BF5;
	p2 =	por !p2, p0  }
0x20: {  	[sflag:s8] =	ssyncset.s32 @!p0 $0xFFFFF086;
	s6 =	sadd.s32 @!p0 s3, s7;
	s7 =	simm.s32 @!p0 $0x108  }
0x21: {  	s3 =	sadd.s32 s3, s9;
	s6 =	sadd.s32 @!p0 $0x88, s6;
	s7 =	simm.s32 @p2 $0x1082  }
0x22: {  	[simem:s7], [sflag:s8] =	dma.local @!p0 [hbm:s6], $0xF7A  }
0x23: {  	s9 =	sor.u32 $0xD0000000, s2;
	s6 =	simm.s32 $0x108;
	_ =	swait.ge @!p0 [sflag:s8], $0x0  }
0x24: {  	s3 =	sadd.s32 $0x88, s3;
	s6 =	simm.s32 @!p1 $0x1082;
	[sflag:s4] =	ssyncset.s32 $0xFFFFF086  }
0x25: {  	[simem:s6], [sflag:s4] =	dma.local [hbm:s3], $0xF7A  }
0x26: {  	[smem:$0x3F9F] =	sst s1;
	(tag) =	ssettag s2;
	_ =	strace s9  }
0x27: {  	s1 =	sld [smem:$0x3FAF]  }
0x28: {  	s2 =	sld [smem:$0x3FB0]  }
0x29: {  	s4 =	sld [smem:$0x3FB2]  }
0x2a: {  	p0 =	seq.s32 s5, $0x0;
	s5 =	sld [smem:$0x3FB3]  }
0x2b: {  	s6 =	sld [smem:$0x3FB4]  }
0x2c: {  	s7 =	sld [smem:$0x3FB5]  }
0x2d: {  	s3 =	simm.s32 $0x108;
	s8 =	sld [smem:$0x3FB6]  }
0x2e: {  	s3 =	simm.s32 @!p0 $0x1082;
	s9 =	sld [smem:$0x3FB7]  }
0x2f: {  	lr =	sadd.s32 s0, s3;
	s0 =	sld [smem:$0x3FAE]  }
0x30: {  	s3 =	sld [smem:$0x3FB1]  }
0x31: {  	[smem:$0x3FBA] =	sst s10  }
0x32: {  	s10 =	sld [smem:$0x3FB8];
	_ =	sdelay $0x3  }
0x33: {  	p0 =	seq.s32 s10, $0x1;
	s10 =	sld [smem:$0x3FBA];
	_ =	sdelay $0x3  }
0x34: {  	[smem:$0x3FBA] =	sst s10  }
0x35: {  	s10 =	sld [smem:$0x3FB9];
	_ =	sdelay $0x3  }
0x36: {  	p1 =	seq.s32 s10, $0x1;
	s10 =	sld [smem:$0x3FBA];
	_ =	sdelay $0x3  }
0x37: {  	[smem:$0x3FBA] =	sst s10  }
0x38: {  	s10 =	sld [smem:$0x3FBB]  }
0x39: {  	_ = 	snop;
	(pc) =	sbr.ind lr, $3  }
0x3a: {  	_ = 	snop  }
0x3b: {  	_ = 	snop  }
0x3c: {  	p2 =	seq.s32 s10, $0x1;
	s10 =	sld [smem:$0x3FBA]  }
0x3d: {  	_ =	shalt  }
0x3e: {  	_ =	shalt  }
0x3f: {  	_ =	shalt  }
0x40: {  	_ =	shalt  }
0x41: {  	_ =	shalt  }
0x42: {  	_ =	shalt  }
0x43: {  	_ =	shalt  }
0x44: {  	_ =	shalt  }
0x45: {  	_ =	shalt  }
0x46: {  	_ =	shalt  }
0x47: {  	_ =	shalt  }
0x48: {  	_ =	shalt  }
0x49: {  	_ =	shalt  }
0x4a: {  	_ =	shalt  }
0x4b: {  	_ =	shalt  }
0x4c: {  	_ =	shalt  }
0x4d: {  	_ =	shalt  }
0x4e: {  	_ =	shalt  }
0x4f: {  	_ =	shalt  }
0x50: {  	_ =	shalt  }
0x51: {  	_ =	shalt  }
0x52: {  	_ =	shalt  }
0x53: {  	_ =	shalt  }
0x54: {  	_ =	shalt  }
0x55: {  	_ =	shalt  }
0x56: {  	_ =	shalt  }
0x57: {  	_ =	shalt  }
0x58: {  	_ =	shalt  }
0x59: {  	_ =	shalt  }
0x5a: {  	_ =	shalt  }
0x5b: {  	_ =	shalt  }
0x5c: {  	_ =	shalt  }
0x5d: {  	_ =	shalt  }
0x5e: {  	_ =	shalt  }
0x5f: {  	_ =	shalt  }
0x60: {  	_ =	shalt  }
0x61: {  	_ =	shalt  }
0x62: {  	_ =	shalt  }
0x63: {  	_ =	shalt  }
0x64: {  	_ =	shalt  }
0x65: {  	_ =	shalt  }
0x66: {  	_ =	shalt  }
0x67: {  	_ =	shalt  }
0x68: {  	_ =	shalt  }
0x69: {  	_ =	shalt  }
0x6a: {  	_ =	shalt  }
0x6b: {  	_ =	shalt  }
0x6c: {  	_ =	shalt  }
0x6d: {  	_ =	shalt  }
0x6e: {  	_ =	shalt  }
0x6f: {  	_ =	shalt  }
0x70: {  	_ =	shalt  }
0x71: {  	_ =	shalt  }
0x72: {  	_ =	shalt  }
0x73: {  	_ =	shalt  }
0x74: {  	_ =	shalt  }
0x75: {  	_ =	shalt  }
0x76: {  	_ =	shalt  }
0x77: {  	_ =	shalt  }
0x78: {  	_ =	shalt  }
0x79: {  	_ =	shalt  }
0x7a: {  	_ =	shalt  }
0x7b: {  	_ =	shalt  }
0x7c: {  	_ =	shalt  }
0x7d: {  	_ =	shalt  }
0x7e: {  	_ =	shalt  }
0x7f: {  	_ =	shalt  }
0x80: {  	_ =	shalt  }
0x81: {  	_ =	shalt  }
0x82: {  	_ =	shalt  }
0x83: {  	_ =	shalt  }
0x84: {  	_ =	shalt  }
0x85: {  	_ =	shalt  }
0x86: {  	_ =	shalt  }
0x87: {  	_ =	shalt  }
.Lfunc_end0:
.L_simem_size_0:
called_computation_lowered:
.L_overlay_start_0:
0x88: {  	s2 =	sld [smem:$0x3FD9]  }
0x89: {  	s3 =	sld [smem:$0x3FFE];
	_ =	sdelay $0x1  }
0x8a: {  	s1 =	srdreg.scid  }
0x8b: {  	s0 =	sand.u32 $0x1, s1  }
0x8c: {  	s17 =	sshll.u32 s0, $0xA;
	s2 =	sadd.s32 s3, s2  }
0x8d: {  	s2 =	sadd.s32 s2, s17  }
0x8e: {  	[smem:$0x3FC6] =	sst s2  }
0x8f: {  	_ = 	snop  }
0x90: {  	s2 =	sld [smem:$0x3FC9];
	(tm) =	ssettm $0x1  }
0x91: {  	s18 =	sld [smem:$0x3FFB];
	_ =	sdelay $0x3  }
0x92: {  	_ =	strace s18  }
0x93: {  	s3 =	sld [smem:$0x3FFC];
	_ =	sdelay $0x3  }
0x94: {  	_ =	strace s3  }
0x95: {  	s3 =	sld [smem:$0x3FFD];
	_ =	sdelay $0x3  }
0x96: {  	_ =	strace s3  }
0x97: {  	_ =	strace $0x8FFFFFFF  }
0x98: {  	s19 =	sld [smem:$0x3FDB];
	_ =	sdelay $0x1  }
0x99: {  	s4 =	simm.s32 $_scs_section_size  }
0x9a: {  	s5 =	simm.s32 $_size__tile_overlayer_lowered;
	s6 =	simm.s32 $_tile_overlayer_lowered  }
0x9b: {  	s22 =	simm.s32 $0x1BFF;
	s21 =	sshll.u32 s6, $0x1;
	s3 =	sadd.s32 s4, s19  }
0x9c: {  	s7 =	simm.s32 $0x0;
	s20 =	sshll.u32 s5, $0x1;
	s5 =	sadd.s32 s21, s3  }
0x9d: {  	[timem:s7], [sflag:s22] =	dma.local [hbm:s5], s20  }
0x9e: {  	_ =	swait.ge [sflag:s22], s20  }
0x9f: {  	s4 =	ssub.s32 $0x0, s20;
	[sflag:s22] =	ssyncset.done $0x0  }
0xa0: {  	[sflag:s22] =	ssyncadd.s32 s4;
	_ =	sdelay $0x1  }
0xa1: {  	s23 =	simm.s32 $0x1B8B  }
0xa2: {  	_ =	swait.ge [sflag:s23], $0x1  }
0xa3: {  	[sflag:s23] =	ssyncset.done $0x0  }
0xa4: {  	s25 =	simm.s32 $0x1B8E;
	s24 =	sld [smem:$0x3FFE];
	[sflag:s23] =	ssyncadd.s32 $0xFFFFFFFF  }
0xa5: {  	s26 =	simm.s32 $execute0_lowered;
	[smem:$0x3FD2] =	sst s25  }
0xa6: {  	s5 =	sshll.u32 s26, $0x1;
	_ =	strace $0x80000046;
	[dreg:$0x1] =	wrdreg $0xFFFFFFFF  }
0xa7: {  	s28 =	simm.s32 $_size_execute0_lowered;
	s3 =	sadd.s32 s3, s5;
	[dreg:$0x0] =	wrdreg $0x0  }
0xa8: {  	s5 =	sshll.u32 s28, $0x1;
	[dreg:$0x2] =	wrdreg s3  }
0xa9: {  	[dreg:$0x3] =	wrdreg s5  }
0xaa: {  	[dreg:$0x4] =	wrdreg $0xC0  }
0xab: {  	_ =	task [dreg:s7], $0x5FFFF  }
0xac: {  	[dreg:$0x1] =	wrdreg $0xFFFFFFFF  }
0xad: {  	[dreg:$0x0] =	wrdreg $0x60  }
0xae: {  	[dreg:$0x2] =	wrdreg s2  }
0xaf: {  	[dreg:$0x3] =	wrdreg s24  }
0xb0: {  	[dreg:$0x4] =	wrdreg $0x9  }
0xb1: {  	_ =	task.clear_ibuf [dreg:s7], $0x5FFFF;
	_ =	strace $0x90000046  }
0xb2: {  	s29 =	simm.s32 $0x9;
	_ =	strace $0x80000048  }
0xb3: {  	_ =	swait.ge [sflag:s29], $0x1  }
0xb4: {  	[sflag:s29] =	ssyncadd.s32 $0xFFFFFFFF  }
0xb5: {  	_ =	strace $0x90000048  }
0xb6: {  	_ =	sfence  }
0xb7: {  	s30 =	sld [smem:$0x0];
	_ =	sdelay $0x2  }
0xb8: {  	s31 =	sshll.u32 s1, $0xD;
	s1 =	sshrl.u32 s1, $0x2  }
0xb9: {  	s3 =	sand.u32 $0x4000, s31;
	s1 =	sadd.s32 s1, s30  }
0xba: {  	s0 =	sor.u32 s3, s0;
	s1 =	sshll.u32 s1, $0x11  }
0xbb: {  	s0 =	sor.u32 s1, s0  }
0xbc: {  	s0 =	sadd.s32 $0x8F2B, s0  }
0xbd: {  	[sflag:s0] =	ssyncadd.remote.s32 $0x1  }
0xbe: {  	_ =	sfence.sel $0xFFFF  }
0xbf: {  	[dreg:$0x0] =	wrdreg $0xFFFFFFFF;
	(pc) =	sbr.abs _section_cstart, $3  }
0xc0: {  	[dreg:$0x1] =	wrdreg $0xFFFFFFFF  }
0xc1: {  	_ =	task.clear_ibuf [dreg:s7], $0x2FFFF;
	_ =	strace $0x9FFFFFFF  }
0xc2: {  	(tm) =	ssettm $0x7FFFFFFF  }
0xc3: {  	_ =	shalt  }
tec
execute0_lowered:
.L_overlay_start_1:
0x0: {  	(tag) =	ssettag $0x1  }
0x1: {  	v0 =	vimm.s32 $0x38F;
	vm0 =	vcmask $0x300  }
0x2: {  	vm14 =	vcmask $0x704;
	v0 =	vsel vm0, $0x0, v0  }
0x3: {  	s1 =	rddreg [dreg:$0x0];
	vm15 =	vcmask $0xB08;
	v0 =	vsel vm14, $0x81, v0  }
0x4: {  	s0 =	rddreg [dreg:$0x1];
	vm4 =	vcmask $0xF0C;
	v0 =	vsel vm15, $0x102, v0  }
0x5: {  	vm5 =	vcmask $0x1310;
	s4 =	srdreg.scid;
	s2 =	stileid.u32;
	s3 =	simm.s32 $0x0;
	v0 =	vsel vm4, $0x183, v0  }
0x6: {  	vm6 =	vcmask $0x1714;
	s16 =	simm.s32 $0x4000;
	s17 =	simm.s32 $0x5000;
	s18 =	simm.s32 $0x6000;
	v0 =	vsel vm5, $0x204, v0  }
0x7: {  	vm7 =	vcmask $0x1B18;
	s19 =	simm.s32 $0x7000;
	s20 =	simm.s32 $0x1;
	s21 =	simm.s32 $0x8000;
	v0 =	vsel vm6, $0x285, v0  }
0x8: {  	vm8 =	vcmask $0x1F1C;
	s22 =	simm.s32 $0xC000;
	s4 =	sand.u32 $0x1, s4;
	s5 =	sshll.u32 s2, $0x1;
	v0 =	vsel vm7, $0x306, v0  }
0x9: {  	vm9 =	vcmask $0x2320;
	s23 =	simm.s32 $0x2;
	s24 =	simm.s32 $0x0;
	s10 =	sor.u32 s4, s5;
	v0 =	vsel vm8, $0x387, v0  }
0xa: {  	vm10 =	vcmask $0x2724;
	[smem:$0x7FF] =	sst s3;
	s6 =	ssub.s32 $0x2, s4;
	s7 =	sshll.u32 s10, $0x9;
	v0 =	vsel vm9, $0x8, v0  }
0xb: {  	vm11 =	vcmask $0x2B28;
	_ =	strace $0x80000047;
	s4 =	sadd.s32 $0x800, s0;
	s5 =	sadd.s32 s1, s7;
	v0 =	vsel vm10, $0x89, v0  }
0xc: {  	vm12 =	vcmask $0x2F2C;
	s26 =	sshrl.u32 s6, $0x1;
	s11 =	sshll.u32 s10, $0xC;
	s29 =	sadd.s32 $0xF8000, s5;
	v0 =	vsel vm11, $0x10A, v0  }
0xd: {  	vm13 =	vcmask $0x3330;
	vm14 =	vcmask $0x3734;
	s9 =	sor.u32 $0x20, s10;
	s30 =	sadd.s32 $0x1F0000, s5;
	[dreg:$0x3] =	wrdreg s29;
	v0 =	vsel vm12, $0x18B, v0  }
0xe: {  	vm15 =	vcmask $0x3B38;
	s28 =	ssub.s32 s6, s26;
	s31 =	sadd.s32 $0x2E8000, s5;
	[dreg:$0x4] =	wrdreg s30;
	v1 =	vsel vm13, $0x20C, v0;
	v0 =	vlaneseq.u32  }
0xf: {  	s12 =	sshll.u32 s10, $0xB;
	s0 =	smax.u32 s28, $0x1;
	[dreg:$0x5] =	wrdreg s31;
	v1 =	vsel vm14, $0x28D, v1;
	v4 =	vshrl.u32 v0, $0x3;
	v2 =	vmul.u32 $0x20, v0  }
0x10: {  	s10 =	sor.u32 $0x40000, s11;
	s11 =	sadd.s32 s4, s12;
	[dreg:$0x6] =	wrdreg s0;
	v3 =	vand.u32 $0x7, v0;
	v1 =	vsel vm15, $0x30E, v1;
	v4 =	vmul.u32 $0x8, v4  }
.LBB2_1:
0x11: {  	[tilespmem:s3], [sflag:$0x1] =	stream.linear.gather [hbm4b:s5+s3], $0x1000, $0x38;
	[tilespmem:$0x10000] =	vst v63  }
0x12: {  	s0 =	rddreg [dreg:$0x3];
	s2 =	simm.s32 $0x1000  }
0x13: {  	[tilespmem:s2], [sflag:$0x1] =	stream.linear.gather [hbm4b:s0+s3], $0x1000, $0x38;
	[tilespmem:$0x10000] =	vst v63  }
0x14: {  	s28 =	rddreg [dreg:$0x4];
	s29 =	simm.s32 $0x2000  }
0x15: {  	[tilespmem:s29], [sflag:$0x1] =	stream.linear.gather [hbm4b:s28+s3], $0x1000, $0x38;
	[tilespmem:$0x10000] =	vst v63  }
0x16: {  	s30 =	rddreg [dreg:$0x5];
	s31 =	simm.s32 $0x3000;
	s25 =	simm.s32 $0x0  }
0x17: {  	[tilespmem:s31], [sflag:$0x1] =	stream.linear.gather [hbm4b:s30+s3], $0x1000, $0x38;
	[tilespmem:$0x10000] =	vst v63  }
.LBB2_2:
0x18: {  	s0 =	sshll.u32 s25, $0x6  }
0x19: {  	s26 =	sor.u32 s9, s0  }
0x1a: {  	s0 =	sshll.u32 s26, $0x9  }
0x1b: {  	s28 =	sadd.s32 s1, s0;
	s0 =	sand.u32 $0x1FFFFE00, s0  }
0x1c: {  	[tilespmem:s16], [sflag:$0x1] =	stream.linear.gather [hbm4b:s28+s3], $0x1000, $0x38;
	[tilespmem:$0x10000] =	vst v63  }
0x1d: {  	s0 =	sadd.s32 s1, s0  }
0x1e: {  	s28 =	sadd.s32 $0xF8000, s0  }
0x1f: {  	[tilespmem:s17], [sflag:$0x1] =	stream.linear.gather [hbm4b:s28+s3], $0x1000, $0x38;
	[tilespmem:$0x10000] =	vst v63  }
0x20: {  	s28 =	sadd.s32 $0x1F0000, s0  }
0x21: {  	[tilespmem:s18], [sflag:$0x1] =	stream.linear.gather [hbm4b:s28+s3], $0x1000, $0x38;
	[tilespmem:$0x10000] =	vst v63  }
0x22: {  	p0 =	seq.s32 s25, $0x0;
	s0 =	sadd.s32 $0x2E8000, s0  }
0x23: {  	[tilespmem:s19], [sflag:$0x1] =	stream.linear.gather [hbm4b:s0+s3], $0x1000, $0x38;
	[tilespmem:$0x10000] =	vst v63  }
0x24: {  	s0 =	simm.s32 @!p0 $0x2  }
0x25: {  	_ =	swait.ge @!p0 [sflag:s0], $0x4000  }
0x26: {  	s28 =	simm.s32 $0x0;
	[sflag:s0] =	ssyncset.done @!p0 $0x0  }
0x27: {  	[sflag:s0] =	ssyncadd.s32 @!p0 $0xFFFFC000;
	s0 =	sand.u32 $0x10, s28  }
0x28: {  	s29 =	sor.u32 $0x1, s0;
	s30 =	sor.u32 $0xF, s0  }
0x29: {  	v6 =	vor.u32 s0, v0;
	s31 =	sor.u32 $0x2, s0;
	s7 =	sor.u32 $0x4, s0;
	s12 =	sor.u32 $0x7, s0;
	v7 =	vadd.s32 s29, v0;
	v21 =	vadd.s32 s30, v0  }
0x2a: {  	s14 =	sor.u32 $0x9, s0;
	s6 =	sor.u32 $0xA, s0;
	s15 =	sor.u32 $0xB, s0;
	v8 =	vadd.s32 s31, v0;
	v10 =	vadd.s32 s7, v0;
	v14 =	vadd.s32 s12, v0  }
0x2b: {  	s8 =	simm.s32 $0x0;
	s29 =	sor.u32 $0x3, s0;
	v13 =	vadd.s32 s14, v0;
	v16 =	vadd.s32 s6, v0;
	v17 =	vadd.s32 s15, v0  }
0x2c: {  	s30 =	sand.u32 $0xFFFFFC00, s8;
	v51 =	vshll.u32 v6, $0x9;
	v6 =	vand.u32 $0x18, v6;
	v9 =	vadd.s32 s29, v0  }
0x2d: {  	s7 =	sor.u32 $0xC, s0;
	s8 =	sor.u32 $0xD, s0;
	v5 =	vshll.u32 v21, $0x9;
	v11 =	vshll.u32 v21, $0x7;
	v22 =	vor.u32 s30, v3  }
0x2e: {  	s12 =	sor.u32 $0xE, s0;
	v18 =	vadd.s32 s7, v0;
	v23 =	vshll.u32 v7, $0x9;
	v19 =	vadd.s32 s8, v0  }
0x2f: {  	v15 =	vadd.s32 s12, v0;
	v24 =	vshll.u32 v7, $0x7;
	v25 =	vshll.u32 v8, $0x9  }
0x30: {  	v26 =	vshll.u32 v8, $0x7;
	v29 =	vshll.u32 v10, $0x9;
	v31 =	vshll.u32 v10, $0x7  }
0x31: {  	v21 =	vand.u32 $0x1F, v21;
	v36 =	vshll.u32 v14, $0x9;
	v37 =	vshll.u32 v14, $0x7  }
0x32: {  	v38 =	vshll.u32 v13, $0x9;
	v39 =	vshll.u32 v13, $0x7;
	v40 =	vshll.u32 v16, $0x9  }
0x33: {  	v41 =	vshll.u32 v16, $0x7;
	v42 =	vshll.u32 v17, $0x9;
	v43 =	vshll.u32 v17, $0x7  }
0x34: {  	v52 =	vand.u32 $0x3000, v51;
	v7 =	vand.u32 $0x1F, v7;
	v8 =	vand.u32 $0x1F, v8  }
0x35: {  	v10 =	vand.u32 $0x1F, v10;
	v59 =	vand.u32 $0x1F, v14;
	v61 =	vand.u32 $0x1F, v13  }
0x36: {  	s2 =	sor.u32 $0x5, s0;
	v62 =	vand.u32 $0x1F, v16;
	v5 =	vand.u32 $0x3000, v5;
	v12 =	vand.u32 $0x380, v11  }
0x37: {  	v11 =	vadd.s32 s2, v0;
	v27 =	vshll.u32 v9, $0x9;
	v28 =	vshll.u32 v9, $0x7  }
0x38: {  	v44 =	vshll.u32 v18, $0x9;
	v45 =	vshll.u32 v18, $0x7;
	v46 =	vshll.u32 v19, $0x9  }
0x39: {  	v47 =	vshll.u32 v19, $0x7;
	v48 =	vshll.u32 v15, $0x9;
	v23 =	vand.u32 $0x3000, v23  }
0x3a: {  	v24 =	vand.u32 $0x380, v24;
	v49 =	vshll.u32 v15, $0x7;
	v25 =	vand.u32 $0x3000, v25  }
0x3b: {  	v26 =	vand.u32 $0x380, v26;
	v29 =	vand.u32 $0x3000, v29;
	v31 =	vand.u32 $0x380, v31  }
0x3c: {  	v36 =	vand.u32 $0x3000, v36;
	v37 =	vand.u32 $0x380, v37;
	v38 =	vand.u32 $0x3000, v38  }
0x3d: {  	s29 =	simm.s32 $0x0;
	v39 =	vand.u32 $0x380, v39;
	v40 =	vand.u32 $0x3000, v40;
	v41 =	vand.u32 $0x380, v41  }
0x3e: {  	s13 =	sor.u32 $0x6, s0;
	s31 =	sand.u32 $0x70, s29;
	v42 =	vand.u32 $0x3000, v42;
	v43 =	vand.u32 $0x380, v43;
	v9 =	vand.u32 $0x1F, v9  }
0x3f: {  	s15 =	sand.u32 $0x1F0, s29;
	v5 =	vor.u32 v5, v12;
	v20 =	vor.u32 s31, v4;
	v12 =	vadd.s32 s13, v0  }
0x40: {  	v30 =	vmov s15;
	v32 =	vshll.u32 v11, $0x9;
	v33 =	vshll.u32 v11, $0x7  }
0x41: {  	v27 =	vand.u32 $0x3000, v27;
	v28 =	vand.u32 $0x380, v28;
	v44 =	vand.u32 $0x3000, v44  }
0x42: {  	v45 =	vand.u32 $0x380, v45;
	v46 =	vand.u32 $0x3000, v46;
	v47 =	vand.u32 $0x380, v47  }
0x43: {  	_ =	swait.ge [sflag:s20], $0x1000;
	s0 =	sor.u32 $0x8, s0;
	v48 =	vand.u32 $0x3000, v48;
	v49 =	vand.u32 $0x380, v49;
	v23 =	vor.u32 v23, v24  }
0x44: {  	[sflag:s20] =	ssyncset.done $0x0;
	v24 =	vor.u32 v25, v26;
	v25 =	vadd.s32 s0, v0;
	v63 =	vor.u32 v40, v41  }
0x45: {  	[sflag:s20] =	ssyncadd.s32 $0xFFFFF000;
	v43 =	vor.u32 v42, v43;
	v5 =	vor.u32 v22, v5;
	v30 =	vshll.u32 v30, $0x5  }
0x46: {  	_ =	swait.ge [sflag:s20], $0x1000;
	v35 =	vshll.u32 v12, $0x9;
	v32 =	vand.u32 $0x3000, v32;
	v33 =	vand.u32 $0x380, v33  }
0x47: {  	[sflag:s20] =	ssyncset.done $0x0;
	v26 =	vor.u32 v27, v28;
	v27 =	vor.u32 v29, v31;
	v31 =	vor.u32 v38, v39  }
0x48: {  	[sflag:s20] =	ssyncadd.s32 $0xFFFFF000;
	v44 =	vor.u32 v44, v45;
	v45 =	vshll.u32 v25, $0x9;
	v47 =	vor.u32 v46, v47  }
0x49: {  	s31 =	sor.u32 s30, s31;
	v50 =	vor.u32 v48, v49;
	v23 =	vor.u32 v22, v23;
	v24 =	vor.u32 v22, v24;
	_ =	swait.ge [sflag:s20], $0x1000  }
0x4a: {  	v53 =	vor.u32 s31, v1;
	v5 =	vor.u32 v20, v5;
	v35 =	vand.u32 $0x3000, v35;
	[sflag:s20] =	ssyncset.done $0x0  }
0x4b: {  	v28 =	vor.u32 v32, v33;
	v26 =	vor.u32 v22, v26;
	v27 =	vor.u32 v22, v27;
	[sflag:s20] =	ssyncadd.s32 $0xFFFFF000  }
0x4c: {  	v31 =	vor.u32 v22, v31;
	v32 =	vor.u32 v22, v63;
	v33 =	vor.u32 v22, v43;
	_ =	swait.ge [sflag:s20], $0x1000  }
0x4d: {  	v23 =	vor.u32 v20, v23;
	v24 =	vor.u32 v20, v24;
	v28 =	vor.u32 v22, v28;
	[sflag:s20] =	ssyncset.done $0x0  }
0x4e: {  	v26 =	vor.u32 v20, v26;
	v27 =	vor.u32 v20, v27;
	v54 =	vor.u32 v20, v28;
	[sflag:s20] =	ssyncadd.s32 $0xFFFFF000  }
0x4f: {  	v32 =	vor.u32 v20, v32;
	v34 =	vld.idx.msk [tilespmem:v5+s3+$0x0], $0xffff;
	v5 =	vor.u32 v2, v30;
	v30 =	vshll.u32 v12, $0x7  }
0x50: {  	v31 =	vor.u32 v20, v31;
	v33 =	vor.u32 v20, v33;
	v30 =	vand.u32 $0x380, v30  }
0x51: {  	v21 =	vor.u32 v21, v5;
	v29 =	vor.u32 v35, v30;
	v30 =	vor.u32 v36, v37  }
0x52: {  	v23 =	vld.idx.msk [tilespmem:v23+s3+$0x0], $0xffff;
	v35 =	vor.u32 v22, v44;
	v36 =	vand.u32 $0x3000, v45;
	v29 =	vor.u32 v22, v29  }
0x53: {  	v40 =	vld.idx.msk [tilespmem:v54+s3+$0x0], $0xffff;
	v37 =	vor.u32 v22, v47;
	v30 =	vor.u32 v22, v30;
	v29 =	vor.u32 v20, v29  }
0x54: {  	v22 =	vor.u32 v22, v50;
	v57 =	vor.u32 v36, v53;
	v36 =	vld.idx.msk [tilespmem:v32+s3+$0x0], $0xffff;
	v30 =	vor.u32 v20, v30  }
0x55: {  	v55 =	vor.u32 v20, v35;
	v37 =	vor.u32 v20, v37;
	v56 =	vor.u32 v20, v22;
	v20 =	vld.idx.msk [tilespmem:v24+s3+$0x0], $0xffff  }
0x56: {  	v13 =	vand.u32 $0x1F, v19;
	v58 =	vand.u32 $0x1F, v11;
	v11 =	vand.u32 $0x1F, v15;
	v22 =	vld.idx.msk [tilespmem:v26+s3+$0x0], $0xffff  }
0x57: {  	v60 =	vand.u32 $0x18, v25;
	v63 =	vand.u32 $0x1F, v17;
	v17 =	vand.u32 $0x1F, v18;
	v26 =	vld.idx.msk [tilespmem:v27+s3+$0x0], $0xffff  }
0x58: {  	v28 =	vor.u32 v52, v53;
	v15 =	vor.u32 v8, v5;
	v34 =	vmul.f32 $5.656854150e+00, v34;
	v25 =	vld.idx.msk [tilespmem:v29+s3+$0x0], $0xffff  }
0x59: {  	v32 =	vor.u32 v9, v5;
	v24 =	vor.u32 v3, v5;
	v14 =	vmul.f32 $5.656854150e+00, v23;
	v23 =	vld.idx.msk [tilespmem:v30+s3+$0x0], $0xffff  }
0x5a: {  	v12 =	vand.u32 $0x1F, v12;
	v6 =	vor.u32 v6, v24;
	v19 =	vmul.f32 $5.656854150e+00, v40;
	[tilespmem:v21+s21+$0x0] =	vst.idx.msk $0xffff, v34;
	v30 =	vld.idx.msk [tilespmem:v31+s3+$0x0], $0xffff  }
0x5b: {  	v35 =	vld.idx.msk [tilespmem:v33+s3+$0x0], $0xffff;
	v34 =	vor.u32 v7, v5;
	v7 =	vor.u32 v60, v24;
	v21 =	vor.u32 v61, v5  }
0x5c: {  	v24 =	vor.u32 v62, v5;
	v33 =	vld.idx.msk [tilespmem:v55+s3+$0x0], $0xffff;
	v16 =	vmul.f32 $5.656854150e+00, v20;
	v18 =	vmul.f32 $5.656854150e+00, v22  }
0x5d: {  	v8 =	vld.idx.msk [tilespmem:v37+s3+$0x0], $0xffff;
	v27 =	vmul.f32 $5.656854150e+00, v26;
	v31 =	vor.u32 v10, v5;
	v29 =	vor.u32 v58, v5  }
0x5e: {  	v22 =	vor.u32 v59, v5;
	v9 =	vld.idx.msk [tilespmem:v56+s3+$0x0], $0xffff;
	v20 =	vmul.f32 $5.656854150e+00, v25;
	v25 =	vor.u32 v12, v5  }
0x5f: {  	v10 =	vld.idx.msk [tilespmem:v57+s3+$0x0], $0xffff;
	v23 =	vmul.f32 $5.656854150e+00, v23;
	v26 =	vmul.f32 $5.656854150e+00, v30;
	v30 =	vor.u32 v63, v5  }
.LBB2_3:
0x60: {  	s28 =	sadd.s32 $0x10, s28;
	v12 =	vld.idx.msk [tilespmem:v28+s3+$0x0], $0xffff;
	v36 =	vmul.f32 $5.656854150e+00, v36;
	v37 =	vor.u32 v17, v5;
	v13 =	vor.u32 v13, v5  }
0x61: {  	s0 =	sand.u32 $0x10, s28;
	p0 =	slt.u32 s28, $0x3F0;
	[tilespmem:v34+s21+$0x0] =	vst.idx.msk $0xffff, v14;
	v34 =	vmul.f32 $5.656854150e+00, v35;
	v14 =	vor.u32 v11, v5  }
0x62: {  	v5 =	vmul.f32 $5.656854150e+00, v33;
	v11 =	vor.u32 s0, v0;
	s2 =	sor.u32 $0x1, s0;
	s13 =	sor.u32 $0x2, s0;
	s14 =	sor.u32 $0xF, s0;
	[tilespmem:v15+s21+$0x0] =	vst.idx.msk $0xffff, v16  }
0x63: {  	s15 =	sor.u32 $0x5, s0;
	v15 =	vadd.s32 s2, v0;
	v16 =	vadd.s32 s13, v0;
	s2 =	sor.u32 $0x3, s0;
	s13 =	sor.u32 $0x4, s0;
	v33 =	vadd.s32 s14, v0;
	[tilespmem:v32+s21+$0x0] =	vst.idx.msk $0xffff, v18  }
0x64: {  	s31 =	sor.u32 $0x7, s0;
	s14 =	sshll.u32 s28, $0x2;
	v17 =	vadd.s32 s2, v0;
	s2 =	sor.u32 $0x6, s0;
	v28 =	vshll.u32 v33, $0x9;
	v32 =	vshll.u32 v33, $0x7;
	[tilespmem:v31+s21+$0x0] =	vst.idx.msk $0xffff, v27  }
0x65: {  	s29 =	sadd.s32 $0x8, s29;
	s14 =	sand.u32 $0xFFFFFC00, s14;
	v18 =	vadd.s32 s13, v0;
	s13 =	sor.u32 $0x9, s0;
	v27 =	vand.u32 $0x3000, v28;
	v28 =	vand.u32 $0x380, v32;
	[tilespmem:v29+s21+$0x0] =	vst.idx.msk $0xffff, v19  }
0x66: {  	s30 =	sand.u32 $0x70, s29;
	s6 =	sor.u32 $0xB, s0;
	v29 =	vor.u32 s14, v3;
	v19 =	vadd.s32 s15, v0;
	s15 =	sor.u32 $0xA, s0;
	v27 =	vor.u32 v27, v28;
	[tilespmem:v25+s21+$0x0] =	vst.idx.msk $0xffff, v20  }
0x67: {  	s7 =	sor.u32 $0xD, s0;
	s8 =	sor.u32 $0xE, s0;
	v28 =	vor.u32 s30, v4;
	v20 =	vadd.s32 s2, v0;
	s2 =	sor.u32 $0xC, s0;
	v27 =	vor.u32 v29, v27;
	[tilespmem:v22+s21+$0x0] =	vst.idx.msk $0xffff, v23  }
0x68: {  	s30 =	sor.u32 s14, s30;
	v25 =	vadd.s32 s31, v0;
	s0 =	sor.u32 $0x8, s0;
	v23 =	vadd.s32 s13, v0;
	v31 =	vor.u32 v28, v27;
	[tilespmem:v21+s21+$0x0] =	vst.idx.msk $0xffff, v26  }
0x69: {  	v22 =	vadd.s32 s2, v0;
	v26 =	vadd.s32 s15, v0;
	v27 =	vadd.s32 s6, v0;
	[tilespmem:v24+s21+$0x0] =	vst.idx.msk $0xffff, v36  }
0x6a: {  	v32 =	vshll.u32 v15, $0x9;
	v21 =	vadd.s32 s8, v0;
	v24 =	vadd.s32 s7, v0;
	[tilespmem:v30+s21+$0x0] =	vst.idx.msk $0xffff, v34  }
0x6b: {  	v35 =	vshll.u32 v16, $0x7;
	v30 =	vshll.u32 v15, $0x7;
	v34 =	vshll.u32 v16, $0x9;
	[tilespmem:v37+s21+$0x0] =	vst.idx.msk $0xffff, v5  }
0x6c: {  	v38 =	vshll.u32 v18, $0x9;
	s2 =	sand.u32 $0x1F0, s29;
	v36 =	vshll.u32 v17, $0x9;
	v37 =	vshll.u32 v17, $0x7  }
0x6d: {  	v39 =	vshll.u32 v18, $0x7;
	v40 =	vshll.u32 v19, $0x9;
	v5 =	vmov s2;
	v31 =	vld.idx.msk [tilespmem:v31+s3+$0x0], $0xffff  }
0x6e: {  	v41 =	vshll.u32 v19, $0x7;
	v42 =	vshll.u32 v20, $0x9;
	v5 =	vshll.u32 v5, $0x5  }
0x6f: {  	v33 =	vand.u32 $0x1F, v33;
	v43 =	vshll.u32 v20, $0x7;
	v5 =	vor.u32 v2, v5  }
0x70: {  	v44 =	vshll.u32 v25, $0x9;
	v45 =	vshll.u32 v25, $0x7;
	v33 =	vor.u32 v33, v5  }
0x71: {  	v46 =	vshll.u32 v23, $0x9;
	v47 =	vshll.u32 v23, $0x7;
	v48 =	vshll.u32 v26, $0x9  }
0x72: {  	v49 =	vshll.u32 v26, $0x7;
	v50 =	vshll.u32 v27, $0x9;
	v51 =	vshll.u32 v27, $0x7  }
0x73: {  	v52 =	vshll.u32 v22, $0x9;
	v53 =	vshll.u32 v22, $0x7;
	v31 =	vmul.f32 $5.656854150e+00, v31  }
0x74: {  	v56 =	vshll.u32 v21, $0x9;
	v54 =	vshll.u32 v24, $0x9;
	v55 =	vshll.u32 v24, $0x7  }
0x75: {  	v32 =	vand.u32 $0x3000, v32;
	v57 =	vshll.u32 v21, $0x7;
	v30 =	vand.u32 $0x380, v30;
	[tilespmem:v33+s21+$0x0] =	vst.idx.msk $0xffff, v31  }
0x76: {  	v31 =	vand.u32 $0x3000, v34;
	v33 =	vand.u32 $0x380, v35;
	v34 =	vand.u32 $0x3000, v36  }
0x77: {  	v35 =	vand.u32 $0x380, v37;
	v36 =	vand.u32 $0x3000, v38;
	v37 =	vand.u32 $0x380, v39  }
0x78: {  	v38 =	vand.u32 $0x3000, v40;
	v39 =	vand.u32 $0x380, v41;
	v40 =	vand.u32 $0x3000, v42  }
0x79: {  	v41 =	vand.u32 $0x380, v43;
	v42 =	vand.u32 $0x3000, v44;
	v43 =	vand.u32 $0x380, v45  }
0x7a: {  	v44 =	vand.u32 $0x3000, v46;
	v45 =	vand.u32 $0x380, v47;
	v46 =	vand.u32 $0x3000, v48  }
0x7b: {  	v47 =	vand.u32 $0x380, v49;
	v48 =	vand.u32 $0x3000, v50;
	v49 =	vand.u32 $0x380, v51  }
0x7c: {  	v50 =	vand.u32 $0x3000, v52;
	v51 =	vand.u32 $0x380, v53;
	v52 =	vand.u32 $0x3000, v54  }
0x7d: {  	v53 =	vand.u32 $0x380, v55;
	v54 =	vand.u32 $0x3000, v56;
	v55 =	vand.u32 $0x380, v57  }
0x7e: {  	v30 =	vor.u32 v32, v30;
	v32 =	vadd.s32 s0, v0;
	v31 =	vor.u32 v31, v33  }
0x7f: {  	v33 =	vor.u32 v34, v35;
	v34 =	vor.u32 v36, v37;
	v35 =	vor.u32 v38, v39  }
0x80: {  	v36 =	vor.u32 v40, v41;
	v37 =	vor.u32 v42, v43;
	v38 =	vor.u32 v44, v45  }
0x81: {  	v39 =	vor.u32 v46, v47;
	v40 =	vor.u32 v48, v49;
	v41 =	vor.u32 v50, v51  }
0x82: {  	v42 =	vshll.u32 v32, $0x9;
	v43 =	vor.u32 v52, v53;
	v44 =	vor.u32 v54, v55  }
0x83: {  	v30 =	vor.u32 v29, v30;
	v45 =	vshll.u32 v11, $0x9;
	v31 =	vor.u32 v29, v31  }
0x84: {  	v33 =	vor.u32 v29, v33;
	v34 =	vor.u32 v29, v34;
	v35 =	vor.u32 v29, v35  }
0x85: {  	v36 =	vor.u32 v29, v36;
	v37 =	vor.u32 v29, v37;
	v38 =	vor.u32 v29, v38  }
0x86: {  	v39 =	vor.u32 v29, v39;
	v40 =	vor.u32 v29, v40;
	v41 =	vor.u32 v29, v41  }
0x87: {  	v42 =	vand.u32 $0x3000, v42;
	v43 =	vor.u32 v29, v43;
	v29 =	vor.u32 v29, v44  }
0x88: {  	v30 =	vor.u32 v28, v30;
	v44 =	vand.u32 $0x3000, v45;
	v45 =	vor.u32 s30, v1  }
0x89: {  	v31 =	vor.u32 v28, v31;
	v33 =	vor.u32 v28, v33;
	v34 =	vor.u32 v28, v34  }
0x8a: {  	v35 =	vor.u32 v28, v35;
	v36 =	vor.u32 v28, v36;
	v37 =	vor.u32 v28, v37  }
0x8b: {  	v38 =	vor.u32 v28, v38;
	v39 =	vor.u32 v28, v39;
	v40 =	vor.u32 v28, v40  }
0x8c: {  	v41 =	vor.u32 v28, v41;
	v43 =	vor.u32 v28, v43;
	v46 =	vor.u32 v28, v29  }
0x8d: {  	v8 =	vmul.f32 $5.656854150e+00, v8;
	v28 =	vor.u32 v44, v45;
	v29 =	vld.idx.msk [tilespmem:v30+s3+$0x0], $0xffff;
	v30 =	vor.u32 v42, v45  }
0x8e: {  	v9 =	vmul.f32 $5.656854150e+00, v9;
	v10 =	vmul.f32 $5.656854150e+00, v10;
	v42 =	vor.u32 v3, v5;
	v31 =	vld.idx.msk [tilespmem:v31+s3+$0x0], $0xffff  }
0x8f: {  	v12 =	vmul.f32 $5.656854150e+00, v12;
	v15 =	vand.u32 $0x1F, v15;
	v44 =	vand.u32 $0x1F, v16;
	v33 =	vld.idx.msk [tilespmem:v33+s3+$0x0], $0xffff;
	[tilespmem:v13+s21+$0x0] =	vst.idx.msk $0xffff, v8  }
0x90: {  	v47 =	vand.u32 $0x1F, v18;
	v48 =	vand.u32 $0x1F, v19;
	v8 =	vand.u32 $0x1F, v17;
	v45 =	vld.idx.msk [tilespmem:v34+s3+$0x0], $0xffff;
	[tilespmem:v14+s21+$0x0] =	vst.idx.msk $0xffff, v9  }
0x91: {  	v49 =	vand.u32 $0x1F, v20;
	v50 =	vand.u32 $0x1F, v25;
	v51 =	vand.u32 $0x18, v32;
	v9 =	vld.idx.msk [tilespmem:v35+s3+$0x0], $0xffff;
	[tilespmem:v7+s21+$0x0] =	vst.idx.msk $0xffff, v10  }
0x92: {  	v52 =	vand.u32 $0x1F, v26;
	v53 =	vand.u32 $0x1F, v27;
	v10 =	vand.u32 $0x1F, v23;
	v7 =	vld.idx.msk [tilespmem:v36+s3+$0x0], $0xffff;
	[tilespmem:v6+s21+$0x0] =	vst.idx.msk $0xffff, v12  }
0x93: {  	v17 =	vand.u32 $0x1F, v22;
	v13 =	vand.u32 $0x1F, v24;
	v14 =	vmul.f32 $5.656854150e+00, v29;
	v12 =	vld.idx.msk [tilespmem:v37+s3+$0x0], $0xffff  }
0x94: {  	v6 =	vand.u32 $0x18, v11;
	v11 =	vand.u32 $0x1F, v21;
	v16 =	vmul.f32 $5.656854150e+00, v31;
	v24 =	vld.idx.msk [tilespmem:v38+s3+$0x0], $0xffff  }
0x95: {  	v34 =	vor.u32 v15, v5;
	v6 =	vor.u32 v6, v42;
	v18 =	vmul.f32 $5.656854150e+00, v33;
	v36 =	vld.idx.msk [tilespmem:v39+s3+$0x0], $0xffff  }
.Ltmp0:
0x96: {  	v15 =	vor.u32 v44, v5;
	v32 =	vor.u32 v8, v5;
	v27 =	vmul.f32 $5.656854150e+00, v45;
	v35 =	vld.idx.msk [tilespmem:v40+s3+$0x0], $0xffff;
	(pc) =	sbr.rel @p0 .LBB2_3-.Ltmp0, $4  }
0x97: {  	v29 =	vor.u32 v48, v5;
	v31 =	vor.u32 v47, v5;
	v19 =	vmul.f32 $5.656854150e+00, v9;
	v33 =	vld.idx.msk [tilespmem:v41+s3+$0x0], $0xffff  }
0x98: {  	v25 =	vor.u32 v49, v5;
	v22 =	vor.u32 v50, v5;
	v20 =	vmul.f32 $5.656854150e+00, v7;
	v8 =	vld.idx.msk [tilespmem:v43+s3+$0x0], $0xffff  }
0x99: {  	v21 =	vor.u32 v10, v5;
	v7 =	vor.u32 v51, v42;
	v23 =	vmul.f32 $5.656854150e+00, v12;
	v9 =	vld.idx.msk [tilespmem:v46+s3+$0x0], $0xffff  }
0x9a: {  	v26 =	vmul.f32 $5.656854150e+00, v24;
	v24 =	vor.u32 v52, v5;
	v10 =	vld.idx.msk [tilespmem:v30+s3+$0x0], $0xffff;
	v30 =	vor.u32 v53, v5  }
0x9b: {  	_ =	sdelay $0x3  }
0x9c: {  	[tilespmem:v34+s21+$0x0] =	vst.idx.msk $0xffff, v14  }
0x9d: {  	[tilespmem:v15+s21+$0x0] =	vst.idx.msk $0xffff, v16  }
0x9e: {  	[tilespmem:v32+s21+$0x0] =	vst.idx.msk $0xffff, v18  }
0x9f: {  	[tilespmem:v31+s21+$0x0] =	vst.idx.msk $0xffff, v27  }
0xa0: {  	[tilespmem:v29+s21+$0x0] =	vst.idx.msk $0xffff, v19  }
0xa1: {  	v12 =	vor.u32 v17, v5;
	[tilespmem:v25+s21+$0x0] =	vst.idx.msk $0xffff, v20  }
0xa2: {  	v14 =	vmul.f32 $5.656854150e+00, v36;
	v13 =	vor.u32 v13, v5;
	[tilespmem:v22+s21+$0x0] =	vst.idx.msk $0xffff, v23  }
0xa3: {  	v15 =	vld.idx.msk [tilespmem:v28+s3+$0x0], $0xffff;
	v16 =	vmul.f32 $5.656854150e+00, v35;
	v5 =	vor.u32 v11, v5;
	[tilespmem:v21+s21+$0x0] =	vst.idx.msk $0xffff, v26  }
0xa4: {  	v11 =	vmul.f32 $5.656854150e+00, v33;
	[tilespmem:v24+s21+$0x0] =	vst.idx.msk $0xffff, v14  }
0xa5: {  	[tilespmem:v30+s21+$0x0] =	vst.idx.msk $0xffff, v16;
	v8 =	vmul.f32 $5.656854150e+00, v8  }
0xa6: {  	v9 =	vmul.f32 $5.656854150e+00, v9;
	[tilespmem:v12+s21+$0x0] =	vst.idx.msk $0xffff, v11  }
0xa7: {  	v10 =	vmul.f32 $5.656854150e+00, v10;
	[tilespmem:v13+s21+$0x0] =	vst.idx.msk $0xffff, v8  }
0xa8: {  	v8 =	vmul.f32 $5.656854150e+00, v15;
	[tilespmem:v5+s21+$0x0] =	vst.idx.msk $0xffff, v9  }
0xa9: {  	s0 =	sshll.u32 s25, $0x11;
	[tilespmem:v7+s21+$0x0] =	vst.idx.msk $0xffff, v10  }
0xaa: {  	p0 =	seq.s32 s25, $0x1E;
	s0 =	sadd.s32 s0, s11;
	[tilespmem:v6+s21+$0x0] =	vst.idx.msk $0xffff, v8  }
0xab: {  	[hbm4b:s0+s3] =	stream.linear.scatter [tilespmem:s21], [sflag:$0x2], $0x4000, $0x38;
	[tilespmem:$0x10000] =	vst v63  }
0xac: {  	s0 =	sshll.u32 @!p0 s25, $0x12  }
0xad: {  	s0 =	sadd.s32 @!p0 s10, s0  }
0xae: {  	s28 =	simm.s32 $0x0;
	s0 =	sshrl.u32 @!p0 s0, $0x3  }
0xaf: {  	s31 =	simm.s32 $0x0;
	s2 =	simm.s32 @!p0 $0x0;
	s0 =	sadd.s32 @!p0 s1, s0  }
0xb0: {  	[tilespmem:s2], [sflag:$0x1] =	stream.linear.gather @!p0 [hbm4b:s0+s2], $0x1000, $0x38;
	[tilespmem:$0x10000] =	vst v63  }
0xb1: {  	s29 =	simm.s32 $0x0;
	s7 =	simm.s32 @!p0 $0x1000;
	s6 =	sadd.s32 @!p0 $0xF8000, s0  }
0xb2: {  	[tilespmem:s7], [sflag:$0x1] =	stream.linear.gather @!p0 [hbm4b:s6+s2], $0x1000, $0x38;
	[tilespmem:$0x10000] =	vst v63  }
0xb3: {  	s30 =	sand.u32 $0xFFFFFC00, s31;
	s6 =	sadd.s32 @!p0 $0x1F0000, s0;
	s7 =	simm.s32 @!p0 $0x2000  }
0xb4: {  	[tilespmem:s7], [sflag:$0x1] =	stream.linear.gather @!p0 [hbm4b:s6+s2], $0x1000, $0x38;
	[tilespmem:$0x10000] =	vst v63  }
0xb5: {  	s31 =	sand.u32 $0x70, s29;
	s0 =	sadd.s32 @!p0 $0x2E8000, s0;
	s6 =	simm.s32 @!p0 $0x3000  }
0xb6: {  	[tilespmem:s6], [sflag:$0x1] =	stream.linear.gather @!p0 [hbm4b:s0+s2], $0x1000, $0x38;
	[tilespmem:$0x10000] =	vst v63  }
0xb7: {  	v20 =	vor.u32 s31, v4;
	s31 =	sor.u32 s30, s31;
	s0 =	sand.u32 $0x10, s28  }
0xb8: {  	v22 =	vor.u32 s30, v3;
	v53 =	vor.u32 s31, v1;
	s8 =	sor.u32 $0x1, s0;
	s12 =	sor.u32 $0xF, s0  }
0xb9: {  	v6 =	vor.u32 s0, v0;
	s13 =	sor.u32 $0x2, s0;
	s14 =	sor.u32 $0x3, s0;
	s15 =	sor.u32 $0x4, s0;
	v7 =	vadd.s32 s8, v0;
	v21 =	vadd.s32 s12, v0  }
0xba: {  	v8 =	vadd.s32 s13, v0;
	v9 =	vadd.s32 s14, v0;
	v10 =	vadd.s32 s15, v0  }
0xbb: {  	s13 =	sor.u32 $0x7, s0;
	s14 =	sor.u32 $0x9, s0;
	v51 =	vshll.u32 v6, $0x9;
	v6 =	vand.u32 $0x18, v6;
	v5 =	vshll.u32 v21, $0x9  }
0xbc: {  	s15 =	sor.u32 $0xA, s0;
	v11 =	vshll.u32 v21, $0x7;
	v14 =	vadd.s32 s13, v0;
	v13 =	vadd.s32 s14, v0  }
0xbd: {  	v16 =	vadd.s32 s15, v0;
	v23 =	vshll.u32 v7, $0x9;
	v24 =	vshll.u32 v7, $0x7  }
0xbe: {  	v25 =	vshll.u32 v8, $0x9;
	v26 =	vshll.u32 v8, $0x7;
	v27 =	vshll.u32 v9, $0x9  }
0xbf: {  	v28 =	vshll.u32 v9, $0x7;
	v29 =	vshll.u32 v10, $0x9;
	v31 =	vshll.u32 v10, $0x7  }
0xc0: {  	v21 =	vand.u32 $0x1F, v21;
	v52 =	vand.u32 $0x3000, v51;
	v7 =	vand.u32 $0x1F, v7  }
0xc1: {  	s8 =	sor.u32 $0x5, s0;
	v8 =	vand.u32 $0x1F, v8;
	v9 =	vand.u32 $0x1F, v9;
	v10 =	vand.u32 $0x1F, v10  }
0xc2: {  	s13 =	sor.u32 $0xD, s0;
	s14 =	sor.u32 $0xE, s0;
	s15 =	sand.u32 $0x1F0, s29;
	v5 =	vand.u32 $0x3000, v5;
	v12 =	vand.u32 $0x380, v11;
	v11 =	vadd.s32 s8, v0  }
0xc3: {  	v19 =	vadd.s32 s13, v0;
	v15 =	vadd.s32 s14, v0;
	v30 =	vmov s15  }
0xc4: {  	v62 =	vshll.u32 v14, $0x9;
	v37 =	vshll.u32 v14, $0x7;
	v38 =	vshll.u32 v13, $0x9  }
0xc5: {  	v39 =	vshll.u32 v13, $0x7;
	v40 =	vshll.u32 v16, $0x9;
	v41 =	vshll.u32 v16, $0x7  }
0xc6: {  	v23 =	vand.u32 $0x3000, v23;
	v24 =	vand.u32 $0x380, v24;
	v25 =	vand.u32 $0x3000, v25  }
0xc7: {  	v26 =	vand.u32 $0x380, v26;
	v27 =	vand.u32 $0x3000, v27;
	v28 =	vand.u32 $0x380, v28  }
0xc8: {  	s12 =	sor.u32 $0x6, s0;
	s8 =	sor.u32 $0xB, s0;
	v29 =	vand.u32 $0x3000, v29;
	v31 =	vand.u32 $0x380, v31;
	v5 =	vor.u32 v5, v12  }
0xc9: {  	v12 =	vadd.s32 s12, v0;
	v17 =	vadd.s32 s8, v0;
	v58 =	vshll.u32 v11, $0x9  }
0xca: {  	v30 =	vshll.u32 v30, $0x5;
	v59 =	vshll.u32 v11, $0x7;
	v46 =	vshll.u32 v19, $0x9  }
0xcb: {  	v47 =	vshll.u32 v19, $0x7;
	v48 =	vshll.u32 v15, $0x9;
	v49 =	vshll.u32 v15, $0x7  }
0xcc: {  	v36 =	vand.u32 $0x3000, v62;
	v37 =	vand.u32 $0x380, v37;
	v38 =	vand.u32 $0x3000, v38  }
0xcd: {  	p1 =	seq.s32 @!p0 s25, $0x0;
	v39 =	vand.u32 $0x380, v39;
	v40 =	vand.u32 $0x3000, v40;
	v41 =	vand.u32 $0x380, v41  }
0xce: {  	p0 =	por p0, !p1;
	v23 =	vor.u32 v23, v24;
	v24 =	vor.u32 v25, v26;
	v26 =	vor.u32 v27, v28  }
0xcf: {  	_ =	swait.ge @p0 [sflag:s23], $0x4000;
	s12 =	sor.u32 $0xC, s0;
	v27 =	vor.u32 v29, v31;
	v62 =	vand.u32 $0x1F, v16;
	v5 =	vor.u32 v22, v5  }
0xd0: {  	[sflag:s23] =	ssyncset.done @p0 $0x0;
	v18 =	vadd.s32 s12, v0;
	v61 =	vshll.u32 v12, $0x9;
	v42 =	vshll.u32 v17, $0x9  }
0xd1: {  	[sflag:s23] =	ssyncadd.s32 @p0 $0xFFFFC000;
	v43 =	vshll.u32 v17, $0x7;
	v32 =	vand.u32 $0x3000, v58;
	v33 =	vand.u32 $0x380, v59  }
0xd2: {  	_ =	swait.ge [sflag:s20], $0x1000;
	s0 =	sor.u32 $0x8, s0;
	v46 =	vand.u32 $0x3000, v46;
	v47 =	vand.u32 $0x380, v47;
	v48 =	vand.u32 $0x3000, v48  }
0xd3: {  	[sflag:s20] =	ssyncset.done $0x0;
	v49 =	vand.u32 $0x380, v49;
	v25 =	vadd.s32 s0, v0;
	v31 =	vor.u32 v38, v39  }
0xd4: {  	[sflag:s20] =	ssyncadd.s32 $0xFFFFF000;
	v63 =	vor.u32 v40, v41;
	v23 =	vor.u32 v22, v23;
	v24 =	vor.u32 v22, v24  }
0xd5: {  	v26 =	vor.u32 v22, v26;
	v27 =	vor.u32 v22, v27;
	v58 =	vand.u32 $0x1F, v11;
	_ =	swait.ge [sflag:s20], $0x1000  }
0xd6: {  	v59 =	vand.u32 $0x1F, v14;
	v5 =	vor.u32 v20, v5;
	v44 =	vshll.u32 v18, $0x9;
	[sflag:s20] =	ssyncset.done $0x0  }
0xd7: {  	v45 =	vshll.u32 v18, $0x7;
	v35 =	vand.u32 $0x3000, v61;
	v42 =	vand.u32 $0x3000, v42;
	[sflag:s20] =	ssyncadd.s32 $0xFFFFF000  }
0xd8: {  	v43 =	vand.u32 $0x380, v43;
	v28 =	vor.u32 v32, v33;
	v47 =	vor.u32 v46, v47;
	_ =	swait.ge [sflag:s20], $0x1000  }
0xd9: {  	v50 =	vor.u32 v48, v49;
	v31 =	vor.u32 v22, v31;
	v32 =	vor.u32 v22, v63;
	[sflag:s20] =	ssyncset.done $0x0  }
0xda: {  	v23 =	vor.u32 v20, v23;
	v24 =	vor.u32 v20, v24;
	v26 =	vor.u32 v20, v26;
	[sflag:s20] =	ssyncadd.s32 $0xFFFFF000  }
0xdb: {  	v27 =	vor.u32 v20, v27;
	v44 =	vand.u32 $0x3000, v44;
	v45 =	vand.u32 $0x380, v45;
	_ =	swait.ge [sflag:s20], $0x1000  }
0xdc: {  	v43 =	vor.u32 v42, v43;
	v28 =	vor.u32 v22, v28;
	v31 =	vor.u32 v20, v31;
	[sflag:s20] =	ssyncset.done $0x0  }
0xdd: {  	v32 =	vor.u32 v20, v32;
	v44 =	vor.u32 v44, v45;
	v54 =	vor.u32 v20, v28;
	[sflag:s20] =	ssyncadd.s32 $0xFFFFF000  }
0xde: {  	v33 =	vor.u32 v22, v43;
	v60 =	vld.idx.msk [tilespmem:v5+s16+$0x0], $0xffff;
	v5 =	vor.u32 v2, v30;
	v30 =	vshll.u32 v12, $0x7  }
0xdf: {  	v45 =	vshll.u32 v25, $0x9;
	v33 =	vor.u32 v20, v33;
	v30 =	vand.u32 $0x380, v30  }
0xe0: {  	v21 =	vor.u32 v21, v5;
	v29 =	vor.u32 v35, v30;
	v30 =	vor.u32 v36, v37  }
0xe1: {  	v23 =	vld.idx.msk [tilespmem:v23+s16+$0x0], $0xffff;
	v35 =	vor.u32 v22, v44;
	v36 =	vand.u32 $0x3000, v45;
	v29 =	vor.u32 v22, v29  }
0xe2: {  	v40 =	vld.idx.msk [tilespmem:v54+s16+$0x0], $0xffff;
	v37 =	vor.u32 v22, v47;
	v30 =	vor.u32 v22, v30;
	v29 =	vor.u32 v20, v29  }
0xe3: {  	v22 =	vor.u32 v22, v50;
	v57 =	vor.u32 v36, v53;
	v36 =	vld.idx.msk [tilespmem:v32+s16+$0x0], $0xffff;
	v30 =	vor.u32 v20, v30  }
0xe4: {  	v55 =	vor.u32 v20, v35;
	v37 =	vor.u32 v20, v37;
	v56 =	vor.u32 v20, v22;
	v20 =	vld.idx.msk [tilespmem:v24+s16+$0x0], $0xffff  }
0xe5: {  	v11 =	vand.u32 $0x1F, v15;
	v61 =	vand.u32 $0x1F, v13;
	v63 =	vand.u32 $0x1F, v17;
	v22 =	vld.idx.msk [tilespmem:v26+s16+$0x0], $0xffff  }
0xe6: {  	v17 =	vand.u32 $0x1F, v18;
	v13 =	vand.u32 $0x1F, v19;
	v28 =	vor.u32 v52, v53;
	v26 =	vld.idx.msk [tilespmem:v27+s16+$0x0], $0xffff  }
0xe7: {  	v15 =	vor.u32 v8, v5;
	v34 =	vmul.f32 $5.656854150e+00, v60;
	v60 =	vand.u32 $0x18, v25;
	v25 =	vld.idx.msk [tilespmem:v29+s16+$0x0], $0xffff  }
0xe8: {  	v32 =	vor.u32 v9, v5;
	v24 =	vor.u32 v3, v5;
	v14 =	vmul.f32 $5.656854150e+00, v23;
	v23 =	vld.idx.msk [tilespmem:v30+s16+$0x0], $0xffff  }
0xe9: {  	v12 =	vand.u32 $0x1F, v12;
	v6 =	vor.u32 v6, v24;
	v19 =	vmul.f32 $5.656854150e+00, v40;
	[tilespmem:v21+s22+$0x0] =	vst.idx.msk $0xffff, v34;
	v30 =	vld.idx.msk [tilespmem:v31+s16+$0x0], $0xffff  }
0xea: {  	v35 =	vld.idx.msk [tilespmem:v33+s16+$0x0], $0xffff;
	v34 =	vor.u32 v7, v5;
	v7 =	vor.u32 v60, v24;
	v21 =	vor.u32 v61, v5  }
0xeb: {  	v24 =	vor.u32 v62, v5;
	v33 =	vld.idx.msk [tilespmem:v55+s16+$0x0], $0xffff;
	v16 =	vmul.f32 $5.656854150e+00, v20;
	v18 =	vmul.f32 $5.656854150e+00, v22  }
0xec: {  	v8 =	vld.idx.msk [tilespmem:v37+s16+$0x0], $0xffff;
	v27 =	vmul.f32 $5.656854150e+00, v26;
	v31 =	vor.u32 v10, v5;
	v29 =	vor.u32 v58, v5  }
0xed: {  	v22 =	vor.u32 v59, v5;
	v9 =	vld.idx.msk [tilespmem:v56+s16+$0x0], $0xffff;
	v20 =	vmul.f32 $5.656854150e+00, v25;
	v25 =	vor.u32 v12, v5  }
0xee: {  	v10 =	vld.idx.msk [tilespmem:v57+s16+$0x0], $0xffff;
	v23 =	vmul.f32 $5.656854150e+00, v23;
	v26 =	vmul.f32 $5.656854150e+00, v30;
	v30 =	vor.u32 v63, v5  }
.LBB2_5:
0xef: {  	s28 =	sadd.s32 $0x10, s28;
	v12 =	vld.idx.msk [tilespmem:v28+s16+$0x0], $0xffff;
	v36 =	vmul.f32 $5.656854150e+00, v36;
	v37 =	vor.u32 v17, v5;
	v13 =	vor.u32 v13, v5  }
0xf0: {  	s0 =	sand.u32 $0x10, s28;
	p0 =	slt.u32 s28, $0x3F0;
	[tilespmem:v34+s22+$0x0] =	vst.idx.msk $0xffff, v14;
	v34 =	vmul.f32 $5.656854150e+00, v35;
	v14 =	vor.u32 v11, v5  }
0xf1: {  	v5 =	vmul.f32 $5.656854150e+00, v33;
	v11 =	vor.u32 s0, v0;
	s2 =	sor.u32 $0x1, s0;
	s6 =	sor.u32 $0x2, s0;
	s7 =	sor.u32 $0xF, s0;
	[tilespmem:v15+s22+$0x0] =	vst.idx.msk $0xffff, v16  }
0xf2: {  	s8 =	sor.u32 $0x5, s0;
	v15 =	vadd.s32 s2, v0;
	v16 =	vadd.s32 s6, v0;
	s2 =	sor.u32 $0x3, s0;
	s6 =	sor.u32 $0x4, s0;
	v33 =	vadd.s32 s7, v0;
	[tilespmem:v32+s22+$0x0] =	vst.idx.msk $0xffff, v18  }
0xf3: {  	s13 =	sor.u32 $0x7, s0;
	s7 =	sshll.u32 s28, $0x2;
	v17 =	vadd.s32 s2, v0;
	s2 =	sor.u32 $0x6, s0;
	v28 =	vshll.u32 v33, $0x9;
	v32 =	vshll.u32 v33, $0x7;
	[tilespmem:v31+s22+$0x0] =	vst.idx.msk $0xffff, v27  }
0xf4: {  	s29 =	sadd.s32 $0x8, s29;
	s7 =	sand.u32 $0xFFFFFC00, s7;
	v18 =	vadd.s32 s6, v0;
	s6 =	sor.u32 $0x9, s0;
	v27 =	vand.u32 $0x3000, v28;
	v28 =	vand.u32 $0x380, v32;
	[tilespmem:v29+s22+$0x0] =	vst.idx.msk $0xffff, v19  }
0xf5: {  	s14 =	sand.u32 $0x70, s29;
	s15 =	sor.u32 $0xB, s0;
	v29 =	vor.u32 s7, v3;
	v19 =	vadd.s32 s8, v0;
	s8 =	sor.u32 $0xA, s0;
	v27 =	vor.u32 v27, v28;
	[tilespmem:v25+s22+$0x0] =	vst.idx.msk $0xffff, v20  }
0xf6: {  	s31 =	sor.u32 $0xD, s0;
	s12 =	sor.u32 $0xE, s0;
	v28 =	vor.u32 s14, v4;
	v20 =	vadd.s32 s2, v0;
	s2 =	sor.u32 $0xC, s0;
	v27 =	vor.u32 v29, v27;
	[tilespmem:v22+s22+$0x0] =	vst.idx.msk $0xffff, v23  }
0xf7: {  	s30 =	sor.u32 s7, s14;
	v25 =	vadd.s32 s13, v0;
	s0 =	sor.u32 $0x8, s0;
	v23 =	vadd.s32 s6, v0;
	v31 =	vor.u32 v28, v27;
	[tilespmem:v21+s22+$0x0] =	vst.idx.msk $0xffff, v26  }
0xf8: {  	v22 =	vadd.s32 s2, v0;
	v26 =	vadd.s32 s8, v0;
	v27 =	vadd.s32 s15, v0;
	[tilespmem:v24+s22+$0x0] =	vst.idx.msk $0xffff, v36  }
0xf9: {  	v32 =	vshll.u32 v15, $0x9;
	v21 =	vadd.s32 s12, v0;
	v24 =	vadd.s32 s31, v0;
	[tilespmem:v30+s22+$0x0] =	vst.idx.msk $0xffff, v34  }
0xfa: {  	v35 =	vshll.u32 v16, $0x7;
	v30 =	vshll.u32 v15, $0x7;
	v34 =	vshll.u32 v16, $0x9;
	[tilespmem:v37+s22+$0x0] =	vst.idx.msk $0xffff, v5  }
0xfb: {  	v38 =	vshll.u32 v18, $0x9;
	s2 =	sand.u32 $0x1F0, s29;
	v36 =	vshll.u32 v17, $0x9;
	v37 =	vshll.u32 v17, $0x7  }
0xfc: {  	v39 =	vshll.u32 v18, $0x7;
	v40 =	vshll.u32 v19, $0x9;
	v5 =	vmov s2;
	v31 =	vld.idx.msk [tilespmem:v31+s16+$0x0], $0xffff  }
0xfd: {  	v41 =	vshll.u32 v19, $0x7;
	v42 =	vshll.u32 v20, $0x9;
	v5 =	vshll.u32 v5, $0x5  }
0xfe: {  	v33 =	vand.u32 $0x1F, v33;
	v43 =	vshll.u32 v20, $0x7;
	v5 =	vor.u32 v2, v5  }
0xff: {  	v44 =	vshll.u32 v25, $0x9;
	v45 =	vshll.u32 v25, $0x7;
	v33 =	vor.u32 v33, v5  }
0x100: {  	v46 =	vshll.u32 v23, $0x9;
	v47 =	vshll.u32 v23, $0x7;
	v48 =	vshll.u32 v26, $0x9  }
0x101: {  	v49 =	vshll.u32 v26, $0x7;
	v50 =	vshll.u32 v27, $0x9;
	v51 =	vshll.u32 v27, $0x7  }
0x102: {  	v52 =	vshll.u32 v22, $0x9;
	v53 =	vshll.u32 v22, $0x7;
	v31 =	vmul.f32 $5.656854150e+00, v31  }
0x103: {  	v56 =	vshll.u32 v21, $0x9;
	v54 =	vshll.u32 v24, $0x9;
	v55 =	vshll.u32 v24, $0x7  }
0x104: {  	v32 =	vand.u32 $0x3000, v32;
	v57 =	vshll.u32 v21, $0x7;
	v30 =	vand.u32 $0x380, v30;
	[tilespmem:v33+s22+$0x0] =	vst.idx.msk $0xffff, v31  }
0x105: {  	v31 =	vand.u32 $0x3000, v34;
	v33 =	vand.u32 $0x380, v35;
	v34 =	vand.u32 $0x3000, v36  }
0x106: {  	v35 =	vand.u32 $0x380, v37;
	v36 =	vand.u32 $0x3000, v38;
	v37 =	vand.u32 $0x380, v39  }
0x107: {  	v38 =	vand.u32 $0x3000, v40;
	v39 =	vand.u32 $0x380, v41;
	v40 =	vand.u32 $0x3000, v42  }
0x108: {  	v41 =	vand.u32 $0x380, v43;
	v42 =	vand.u32 $0x3000, v44;
	v43 =	vand.u32 $0x380, v45  }
0x109: {  	v44 =	vand.u32 $0x3000, v46;
	v45 =	vand.u32 $0x380, v47;
	v46 =	vand.u32 $0x3000, v48  }
0x10a: {  	v47 =	vand.u32 $0x380, v49;
	v48 =	vand.u32 $0x3000, v50;
	v49 =	vand.u32 $0x380, v51  }
0x10b: {  	v50 =	vand.u32 $0x3000, v52;
	v51 =	vand.u32 $0x380, v53;
	v52 =	vand.u32 $0x3000, v54  }
0x10c: {  	v53 =	vand.u32 $0x380, v55;
	v54 =	vand.u32 $0x3000, v56;
	v55 =	vand.u32 $0x380, v57  }
0x10d: {  	v30 =	vor.u32 v32, v30;
	v32 =	vadd.s32 s0, v0;
	v31 =	vor.u32 v31, v33  }
0x10e: {  	v33 =	vor.u32 v34, v35;
	v34 =	vor.u32 v36, v37;
	v35 =	vor.u32 v38, v39  }
0x10f: {  	v36 =	vor.u32 v40, v41;
	v37 =	vor.u32 v42, v43;
	v38 =	vor.u32 v44, v45  }
0x110: {  	v39 =	vor.u32 v46, v47;
	v40 =	vor.u32 v48, v49;
	v41 =	vor.u32 v50, v51  }
0x111: {  	v42 =	vshll.u32 v32, $0x9;
	v43 =	vor.u32 v52, v53;
	v44 =	vor.u32 v54, v55  }
0x112: {  	v30 =	vor.u32 v29, v30;
	v45 =	vshll.u32 v11, $0x9;
	v31 =	vor.u32 v29, v31  }
0x113: {  	v33 =	vor.u32 v29, v33;
	v34 =	vor.u32 v29, v34;
	v35 =	vor.u32 v29, v35  }
0x114: {  	v36 =	vor.u32 v29, v36;
	v37 =	vor.u32 v29, v37;
	v38 =	vor.u32 v29, v38  }
0x115: {  	v39 =	vor.u32 v29, v39;
	v40 =	vor.u32 v29, v40;
	v41 =	vor.u32 v29, v41  }
0x116: {  	v42 =	vand.u32 $0x3000, v42;
	v43 =	vor.u32 v29, v43;
	v29 =	vor.u32 v29, v44  }
0x117: {  	v30 =	vor.u32 v28, v30;
	v44 =	vand.u32 $0x3000, v45;
	v45 =	vor.u32 s30, v1  }
0x118: {  	v31 =	vor.u32 v28, v31;
	v33 =	vor.u32 v28, v33;
	v34 =	vor.u32 v28, v34  }
0x119: {  	v35 =	vor.u32 v28, v35;
	v36 =	vor.u32 v28, v36;
	v37 =	vor.u32 v28, v37  }
0x11a: {  	v38 =	vor.u32 v28, v38;
	v39 =	vor.u32 v28, v39;
	v40 =	vor.u32 v28, v40  }
0x11b: {  	v41 =	vor.u32 v28, v41;
	v43 =	vor.u32 v28, v43;
	v46 =	vor.u32 v28, v29  }
0x11c: {  	v8 =	vmul.f32 $5.656854150e+00, v8;
	v28 =	vor.u32 v44, v45;
	v29 =	vld.idx.msk [tilespmem:v30+s16+$0x0], $0xffff;
	v30 =	vor.u32 v42, v45  }
0x11d: {  	v9 =	vmul.f32 $5.656854150e+00, v9;
	v10 =	vmul.f32 $5.656854150e+00, v10;
	v42 =	vor.u32 v3, v5;
	v31 =	vld.idx.msk [tilespmem:v31+s16+$0x0], $0xffff  }
0x11e: {  	v12 =	vmul.f32 $5.656854150e+00, v12;
	v15 =	vand.u32 $0x1F, v15;
	v44 =	vand.u32 $0x1F, v16;
	v33 =	vld.idx.msk [tilespmem:v33+s16+$0x0], $0xffff;
	[tilespmem:v13+s22+$0x0] =	vst.idx.msk $0xffff, v8  }
0x11f: {  	v47 =	vand.u32 $0x1F, v18;
	v48 =	vand.u32 $0x1F, v19;
	v8 =	vand.u32 $0x1F, v17;
	v45 =	vld.idx.msk [tilespmem:v34+s16+$0x0], $0xffff;
	[tilespmem:v14+s22+$0x0] =	vst.idx.msk $0xffff, v9  }
0x120: {  	v49 =	vand.u32 $0x1F, v20;
	v50 =	vand.u32 $0x1F, v25;
	v51 =	vand.u32 $0x18, v32;
	v9 =	vld.idx.msk [tilespmem:v35+s16+$0x0], $0xffff;
	[tilespmem:v7+s22+$0x0] =	vst.idx.msk $0xffff, v10  }
0x121: {  	v52 =	vand.u32 $0x1F, v26;
	v53 =	vand.u32 $0x1F, v27;
	v10 =	vand.u32 $0x1F, v23;
	v7 =	vld.idx.msk [tilespmem:v36+s16+$0x0], $0xffff;
	[tilespmem:v6+s22+$0x0] =	vst.idx.msk $0xffff, v12  }
0x122: {  	v17 =	vand.u32 $0x1F, v22;
	v13 =	vand.u32 $0x1F, v24;
	v14 =	vmul.f32 $5.656854150e+00, v29;
	v12 =	vld.idx.msk [tilespmem:v37+s16+$0x0], $0xffff  }
0x123: {  	v6 =	vand.u32 $0x18, v11;
	v11 =	vand.u32 $0x1F, v21;
	v16 =	vmul.f32 $5.656854150e+00, v31;
	v24 =	vld.idx.msk [tilespmem:v38+s16+$0x0], $0xffff  }
0x124: {  	v34 =	vor.u32 v15, v5;
	v6 =	vor.u32 v6, v42;
	v18 =	vmul.f32 $5.656854150e+00, v33;
	v36 =	vld.idx.msk [tilespmem:v39+s16+$0x0], $0xffff  }
.Ltmp1:
0x125: {  	v15 =	vor.u32 v44, v5;
	v32 =	vor.u32 v8, v5;
	v27 =	vmul.f32 $5.656854150e+00, v45;
	v35 =	vld.idx.msk [tilespmem:v40+s16+$0x0], $0xffff;
	(pc) =	sbr.rel @p0 .LBB2_5-.Ltmp1, $4  }
0x126: {  	v29 =	vor.u32 v48, v5;
	v31 =	vor.u32 v47, v5;
	v19 =	vmul.f32 $5.656854150e+00, v9;
	v33 =	vld.idx.msk [tilespmem:v41+s16+$0x0], $0xffff  }
0x127: {  	v25 =	vor.u32 v49, v5;
	v22 =	vor.u32 v50, v5;
	v20 =	vmul.f32 $5.656854150e+00, v7;
	v8 =	vld.idx.msk [tilespmem:v43+s16+$0x0], $0xffff  }
0x128: {  	v21 =	vor.u32 v10, v5;
	v7 =	vor.u32 v51, v42;
	v23 =	vmul.f32 $5.656854150e+00, v12;
	v9 =	vld.idx.msk [tilespmem:v46+s16+$0x0], $0xffff  }
0x129: {  	v26 =	vmul.f32 $5.656854150e+00, v24;
	v24 =	vor.u32 v52, v5;
	v10 =	vld.idx.msk [tilespmem:v30+s16+$0x0], $0xffff;
	v30 =	vor.u32 v53, v5  }
0x12a: {  	_ =	sdelay $0x3  }
0x12b: {  	[tilespmem:v34+s22+$0x0] =	vst.idx.msk $0xffff, v14  }
0x12c: {  	[tilespmem:v15+s22+$0x0] =	vst.idx.msk $0xffff, v16  }
0x12d: {  	[tilespmem:v32+s22+$0x0] =	vst.idx.msk $0xffff, v18  }
0x12e: {  	[tilespmem:v31+s22+$0x0] =	vst.idx.msk $0xffff, v27  }
0x12f: {  	[tilespmem:v29+s22+$0x0] =	vst.idx.msk $0xffff, v19  }
0x130: {  	v12 =	vor.u32 v17, v5;
	[tilespmem:v25+s22+$0x0] =	vst.idx.msk $0xffff, v20  }
0x131: {  	v59 =	vmul.f32 $5.656854150e+00, v36;
	v13 =	vor.u32 v13, v5;
	[tilespmem:v22+s22+$0x0] =	vst.idx.msk $0xffff, v23  }
0x132: {  	v60 =	vld.idx.msk [tilespmem:v28+s16+$0x0], $0xffff;
	v61 =	vmul.f32 $5.656854150e+00, v35;
	v5 =	vor.u32 v11, v5;
	[tilespmem:v21+s22+$0x0] =	vst.idx.msk $0xffff, v26  }
0x133: {  	v62 =	vmul.f32 $5.656854150e+00, v33;
	[tilespmem:v24+s22+$0x0] =	vst.idx.msk $0xffff, v59  }
0x134: {  	s25 =	sadd.s32 $0x1, s25;
	[tilespmem:v30+s22+$0x0] =	vst.idx.msk $0xffff, v61;
	v8 =	vmul.f32 $5.656854150e+00, v8  }
0x135: {  	p0 =	sne.s32 s25, $0x1F;
	v9 =	vmul.f32 $5.656854150e+00, v9;
	[tilespmem:v12+s22+$0x0] =	vst.idx.msk $0xffff, v62  }
.Ltmp2:
0x136: {  	v10 =	vmul.f32 $5.656854150e+00, v10;
	[tilespmem:v13+s22+$0x0] =	vst.idx.msk $0xffff, v8;
	(pc) =	sbr.rel @p0 .LBB2_2-.Ltmp2, $4  }
0x137: {  	v63 =	vmul.f32 $5.656854150e+00, v60;
	[tilespmem:v5+s22+$0x0] =	vst.idx.msk $0xffff, v9  }
0x138: {  	s0 =	sshll.u32 s26, $0xB;
	[tilespmem:v7+s22+$0x0] =	vst.idx.msk $0xffff, v10  }
0x139: {  	s0 =	sadd.s32 s4, s0;
	[tilespmem:v6+s22+$0x0] =	vst.idx.msk $0xffff, v63  }
0x13a: {  	[hbm4b:s0+s3] =	stream.linear.scatter [tilespmem:s22], [sflag:$0x2], $0x4000, $0x38;
	[tilespmem:$0x10000] =	vst v63  }
0x13b: {  	_ =	swait.ge [sflag:s23], $0x4000  }
0x13c: {  	[sflag:s23] =	ssyncset.done $0x0  }
0x13d: {  	[sflag:s23] =	ssyncadd.s32 $0xFFFFC000  }
0x13e: {  	_ =	swait.ge [sflag:s23], $0x4000  }
0x13f: {  	s24 =	sadd.s32 $0x1, s24;
	s0 =	rddreg [dreg:$0x6]  }
0x140: {  	p0 =	sne.s32 s24, s0  }
.Ltmp3:
0x141: {  	_ = 	snop;
	(pc) =	sbr.rel @p0 .LBB2_1-.Ltmp3, $3  }
0x142: {  	_ =	sdelay $0x1  }
0x143: {  	[sflag:s23] =	ssyncset.done $0x0  }
0x144: {  	[sflag:s23] =	ssyncadd.s32 $0xFFFFC000  }
0x145: {  	_ =	sfence.sel $0x180000  }
0x146: {  	[bflag:$0x0] =	sbarrier.arrive $0xFFFF  }
0x147: {  	_ =	strace $0x90000047  }
0x148: {  	s0 =	stileid.u32;
	[bflag:$0x2] =	sbarrier.arrive $0xFFFF  }
0x149: {  	p0 =	sne.s32 s0, $0x0;
	s0 =	rddreg [dreg:$0x2]  }
0x14a: {  	s0 =	sadd.s32 @!p0 $0x100000, s0  }
0x14b: {  	[sflag:s0] =	ssyncadd.tile.s32 @!p0 $0x1;
	_ =	shalt  }
.Lfunc_end2:
_tile_overlayer_lowered:
.L_overlay_start_2:
0x14c: {  	(tag) =	ssettag $0x2  }
0x14d: {  	s0 =	rddreg [dreg:$0x0];
	s2 =	stileid.u32  }
0x14e: {  	s1 =	rddreg [dreg:$0x1];
	p0 =	sne.s32 s2, $0x0  }
0x14f: {  	s3 =	rddreg [dreg:$0x2];
	[bflag:$0x3] =	sbarrier.arrive $0xFFFF;
	s2 =	simm.s32 @!p0 $0x1C03  }
0x150: {  	[timem:s3], [sflag:s2] =	dma.local @!p0 [hbm:s0], s1  }
0x151: {  	s0 =	simm.s32 @!p0 $0x3  }
0x152: {  	_ =	swait.ge @!p0 [sflag:s0], s1  }
0x153: {  	s1 =	ssub.s32 @!p0 $0x0, s1;
	[sflag:s0] =	ssyncset.done @!p0 $0x0  }
0x154: {  	[sflag:s0] =	ssyncadd.s32 @!p0 s1  }
0x155: {  	[bflag:$0x3] =	sbarrier.arrive $0xFFFF  }
0x156: {  	_ =	shalt  }

// kernel: _run.7.cloned.1.call-start
scs
__scs_entry_jumppad:
0x0: {  	(pc) =	sbr.rel $0x88, $3  }
0x1: {  	(tag) =	ssettag $0x0;
	lr =	simm.s32 $0x1  }
0x2: {  	[smem:$0x3F9F] =	sst lr;
	_ =	strace $0xD0000000  }
0x3: {  	_ = 	snop  }
0x4: {  	_ = 	snop  }
0x5: {  	_ = 	snop  }
0x6: {  	_ = 	snop  }
0x7: {  	_ = 	snop  }
__scs_overlays_trampoline_lowered:
0x8: {  	[smem:$0x3FAE] =	sst s0  }
0x9: {  	[smem:$0x3FAF] =	sst s1  }
0xa: {  	[smem:$0x3FB0] =	sst s2  }
0xb: {  	[smem:$0x3FB1] =	sst s3  }
0xc: {  	[smem:$0x3FB2] =	sst s4  }
0xd: {  	[smem:$0x3FB3] =	sst s5  }
0xe: {  	[smem:$0x3FB4] =	sst s6  }
0xf: {  	[smem:$0x3FB5] =	sst s7  }
0x10: {  	[smem:$0x3FB6] =	sst s8  }
0x11: {  	[smem:$0x3FB7] =	sst s9;
	s0 =	simm.s32 @!p0 $0x0  }
0x12: {  	s1 =	sld [smem:$0x3F9D];
	s0 =	simm.s32 @p0 $0x1  }
0x13: {  	[smem:$0x3FB8] =	sst s0;
	s0 =	simm.s32 @!p1 $0x0  }
0x14: {  	s2 =	sld [smem:$0x3F9C];
	s0 =	simm.s32 @p1 $0x1  }
0x15: {  	[smem:$0x3FB9] =	sst s0;
	s0 =	simm.s32 @!p2 $0x0  }
0x16: {  	s3 =	sld [smem:$0x3FDB];
	s0 =	simm.s32 @p2 $0x1  }
0x17: {  	s4 =	simm.s32 $0x1BF5;
	[smem:$0x3FBB] =	sst s0  }
0x18: {  	s0 =	sld [smem:$0x3F9E];
	_ =	swait.ge [sflag:s4], $0x0  }
0x19: {  	s7 =	sld [smem:$0x3F9F]  }
0x1a: {  	s8 =	sadd.s32 $0xFFFFE003, lr  }
0x1b: {  	s9 =	sadd.s32 $0xFFFFFEF7, lr;
	s5 =	simm.s32 $0xFFFFFFFF;
	p2 =	slt.u32 s8, $0xFFFFF086  }
0x1c: {  	p1 =	slt.u32 s9, $0xF7A;
	s5 =	simm.s32 @!p2 $0x0  }
0x1d: {  	s5 =	simm.s32 @p1 $0x1;
	p0 =	seq.s32 s7, s2  }
0x1e: {  	s7 =	smul.u32 @!p0 $0xF7A, s2;
	p2 =	seq.s32 @!p0 s5, $0x0  }
0x1f: {  	s9 =	smul.u32 $0xF7A, s1;
	s8 =	simm.s32 @!p0 $0x1BF5;
	p2 =	por !p2, p0  }
0x20: {  	[sflag:s8] =	ssyncset.s32 @!p0 $0xFFFFF086;
	s6 =	sadd.s32 @!p0 s3, s7;
	s7 =	simm.s32 @!p0 $0x108  }
0x21: {  	s3 =	sadd.s32 s3, s9;
	s6 =	sadd.s32 @!p0 $0x88, s6;
	s7 =	simm.s32 @p2 $0x1082  }
0x22: {  	[simem:s7], [sflag:s8] =	dma.local @!p0 [hbm:s6], $0xF7A  }
0x23: {  	s9 =	sor.u32 $0xD0000000, s2;
	s6 =	simm.s32 $0x108;
	_ =	swait.ge @!p0 [sflag:s8], $0x0  }
0x24: {  	s3 =	sadd.s32 $0x88, s3;
	s6 =	simm.s32 @!p1 $0x1082;
	[sflag:s4] =	ssyncset.s32 $0xFFFFF086  }
0x25: {  	[simem:s6], [sflag:s4] =	dma.local [hbm:s3], $0xF7A  }
0x26: {  	[smem:$0x3F9F] =	sst s1;
	(tag) =	ssettag s2;
	_ =	strace s9  }
0x27: {  	s1 =	sld [smem:$0x3FAF]  }
0x28: {  	s2 =	sld [smem:$0x3FB0]  }
0x29: {  	s4 =	sld [smem:$0x3FB2]  }
0x2a: {  	p0 =	seq.s32 s5, $0x0;
	s5 =	sld [smem:$0x3FB3]  }
0x2b: {  	s6 =	sld [smem:$0x3FB4]  }
0x2c: {  	s7 =	sld [smem:$0x3FB5]  }
0x2d: {  	s3 =	simm.s32 $0x108;
	s8 =	sld [smem:$0x3FB6]  }
0x2e: {  	s3 =	simm.s32 @!p0 $0x1082;
	s9 =	sld [smem:$0x3FB7]  }
0x2f: {  	lr =	sadd.s32 s0, s3;
	s0 =	sld [smem:$0x3FAE]  }
0x30: {  	s3 =	sld [smem:$0x3FB1]  }
0x31: {  	[smem:$0x3FBA] =	sst s10  }
0x32: {  	s10 =	sld [smem:$0x3FB8];
	_ =	sdelay $0x3  }
0x33: {  	p0 =	seq.s32 s10, $0x1;
	s10 =	sld [smem:$0x3FBA];
	_ =	sdelay $0x3  }
0x34: {  	[smem:$0x3FBA] =	sst s10  }
0x35: {  	s10 =	sld [smem:$0x3FB9];
	_ =	sdelay $0x3  }
0x36: {  	p1 =	seq.s32 s10, $0x1;
	s10 =	sld [smem:$0x3FBA];
	_ =	sdelay $0x3  }
0x37: {  	[smem:$0x3FBA] =	sst s10  }
0x38: {  	s10 =	sld [smem:$0x3FBB]  }
0x39: {  	_ = 	snop;
	(pc) =	sbr.ind lr, $3  }
0x3a: {  	_ = 	snop  }
0x3b: {  	_ = 	snop  }
0x3c: {  	p2 =	seq.s32 s10, $0x1;
	s10 =	sld [smem:$0x3FBA]  }
0x3d: {  	_ =	shalt  }
0x3e: {  	_ =	shalt  }
0x3f: {  	_ =	shalt  }
0x40: {  	_ =	shalt  }
0x41: {  	_ =	shalt  }
0x42: {  	_ =	shalt  }
0x43: {  	_ =	shalt  }
0x44: {  	_ =	shalt  }
0x45: {  	_ =	shalt  }
0x46: {  	_ =	shalt  }
0x47: {  	_ =	shalt  }
0x48: {  	_ =	shalt  }
0x49: {  	_ =	shalt  }
0x4a: {  	_ =	shalt  }
0x4b: {  	_ =	shalt  }
0x4c: {  	_ =	shalt  }
0x4d: {  	_ =	shalt  }
0x4e: {  	_ =	shalt  }
0x4f: {  	_ =	shalt  }
0x50: {  	_ =	shalt  }
0x51: {  	_ =	shalt  }
0x52: {  	_ =	shalt  }
0x53: {  	_ =	shalt  }
0x54: {  	_ =	shalt  }
0x55: {  	_ =	shalt  }
0x56: {  	_ =	shalt  }
0x57: {  	_ =	shalt  }
0x58: {  	_ =	shalt  }
0x59: {  	_ =	shalt  }
0x5a: {  	_ =	shalt  }
0x5b: {  	_ =	shalt  }
0x5c: {  	_ =	shalt  }
0x5d: {  	_ =	shalt  }
0x5e: {  	_ =	shalt  }
0x5f: {  	_ =	shalt  }
0x60: {  	_ =	shalt  }
0x61: {  	_ =	shalt  }
0x62: {  	_ =	shalt  }
0x63: {  	_ =	shalt  }
0x64: {  	_ =	shalt  }
0x65: {  	_ =	shalt  }
0x66: {  	_ =	shalt  }
0x67: {  	_ =	shalt  }
0x68: {  	_ =	shalt  }
0x69: {  	_ =	shalt  }
0x6a: {  	_ =	shalt  }
0x6b: {  	_ =	shalt  }
0x6c: {  	_ =	shalt  }
0x6d: {  	_ =	shalt  }
0x6e: {  	_ =	shalt  }
0x6f: {  	_ =	shalt  }
0x70: {  	_ =	shalt  }
0x71: {  	_ =	shalt  }
0x72: {  	_ =	shalt  }
0x73: {  	_ =	shalt  }
0x74: {  	_ =	shalt  }
0x75: {  	_ =	shalt  }
0x76: {  	_ =	shalt  }
0x77: {  	_ =	shalt  }
0x78: {  	_ =	shalt  }
0x79: {  	_ =	shalt  }
0x7a: {  	_ =	shalt  }
0x7b: {  	_ =	shalt  }
0x7c: {  	_ =	shalt  }
0x7d: {  	_ =	shalt  }
0x7e: {  	_ =	shalt  }
0x7f: {  	_ =	shalt  }
0x80: {  	_ =	shalt  }
0x81: {  	_ =	shalt  }
0x82: {  	_ =	shalt  }
0x83: {  	_ =	shalt  }
0x84: {  	_ =	shalt  }
0x85: {  	_ =	shalt  }
0x86: {  	_ =	shalt  }
0x87: {  	_ =	shalt  }
.Lfunc_end0:
.L_simem_size_0:
called_computation.1_lowered:
.L_overlay_start_0:
0x88: {  	s2 =	sld [smem:$0x3FD9]  }
0x89: {  	s3 =	sld [smem:$0x3FFE];
	_ =	sdelay $0x1  }
0x8a: {  	s1 =	srdreg.scid  }
0x8b: {  	s0 =	sand.u32 $0x1, s1  }
0x8c: {  	s17 =	sshll.u32 s0, $0xA;
	s2 =	sadd.s32 s3, s2  }
0x8d: {  	s2 =	sadd.s32 s2, s17  }
0x8e: {  	[smem:$0x3FC6] =	sst s2  }
0x8f: {  	_ = 	snop  }
0x90: {  	s2 =	sld [smem:$0x3FC8]  }
0x91: {  	s18 =	sld [smem:$0x3FD0];
	(tm) =	ssettm $0x1  }
0x92: {  	s4 =	sld [smem:$0x3FFB];
	_ =	sdelay $0x3  }
0x93: {  	_ =	strace s4  }
0x94: {  	s4 =	sld [smem:$0x3FFC];
	_ =	sdelay $0x3  }
0x95: {  	_ =	strace s4  }
0x96: {  	s4 =	sld [smem:$0x3FFD];
	_ =	sdelay $0x3  }
0x97: {  	_ =	strace s4  }
0x98: {  	_ =	strace $0x8FFFFFFF  }
0x99: {  	s19 =	sld [smem:$0x3FDB];
	_ =	sdelay $0x1  }
0x9a: {  	s5 =	simm.s32 $_scs_section_size  }
0x9b: {  	s6 =	simm.s32 $_size__tile_overlayer_lowered;
	s7 =	simm.s32 $_tile_overlayer_lowered  }
0x9c: {  	s22 =	simm.s32 $0x1BFF;
	s21 =	sshll.u32 s7, $0x1;
	s4 =	sadd.s32 s5, s19  }
0x9d: {  	s8 =	simm.s32 $0x0;
	s20 =	sshll.u32 s6, $0x1;
	s6 =	sadd.s32 s21, s4  }
0x9e: {  	[timem:s8], [sflag:s22] =	dma.local [hbm:s6], s20  }
0x9f: {  	_ =	swait.ge [sflag:s22], s20  }
0xa0: {  	s5 =	ssub.s32 $0x0, s20;
	[sflag:s22] =	ssyncset.done $0x0  }
0xa1: {  	[sflag:s22] =	ssyncadd.s32 s5;
	_ =	sdelay $0x1  }
0xa2: {  	s23 =	simm.s32 $0x1B8B  }
0xa3: {  	_ =	swait.ge [sflag:s23], $0x1  }
0xa4: {  	[sflag:s23] =	ssyncset.done $0x0  }
0xa5: {  	s25 =	simm.s32 $0x1B8E;
	s24 =	sld [smem:$0x3FFE];
	[sflag:s23] =	ssyncadd.s32 $0xFFFFFFFF  }
0xa6: {  	s26 =	simm.s32 $execute0_lowered;
	[smem:$0x3FD2] =	sst s25  }
0xa7: {  	s6 =	sshll.u32 s26, $0x1;
	_ =	strace $0x80000049;
	[dreg:$0x1] =	wrdreg $0xFFFFFFFF  }
0xa8: {  	s28 =	simm.s32 $_size_execute0_lowered;
	s4 =	sadd.s32 s4, s6;
	[dreg:$0x0] =	wrdreg $0x0  }
0xa9: {  	s6 =	sshll.u32 s28, $0x1;
	[dreg:$0x2] =	wrdreg s4  }
0xaa: {  	[dreg:$0x3] =	wrdreg s6  }
0xab: {  	[dreg:$0x4] =	wrdreg $0xC0  }
0xac: {  	_ =	task [dreg:s8], $0x5FFFF  }
0xad: {  	[dreg:$0x1] =	wrdreg $0xFFFFFFFF  }
0xae: {  	[dreg:$0x0] =	wrdreg $0x60  }
0xaf: {  	[dreg:$0x2] =	wrdreg s2  }
0xb0: {  	[dreg:$0x3] =	wrdreg s24  }
0xb1: {  	[dreg:$0x4] =	wrdreg s18  }
0xb2: {  	[dreg:$0x5] =	wrdreg $0x9  }
0xb3: {  	_ =	task.clear_ibuf [dreg:s8], $0x6FFFF;
	_ =	strace $0x90000049  }
0xb4: {  	s29 =	simm.s32 $0x9;
	_ =	strace $0x8000004B  }
0xb5: {  	_ =	swait.ge [sflag:s29], $0x1  }
0xb6: {  	[sflag:s29] =	ssyncadd.s32 $0xFFFFFFFF  }
0xb7: {  	_ =	strace $0x9000004B  }
0xb8: {  	_ =	sfence  }
0xb9: {  	s30 =	sld [smem:$0x0];
	_ =	sdelay $0x2  }
0xba: {  	s31 =	sshll.u32 s1, $0xD;
	s1 =	sshrl.u32 s1, $0x2  }
0xbb: {  	s3 =	sand.u32 $0x4000, s31;
	s1 =	sadd.s32 s1, s30  }
0xbc: {  	s0 =	sor.u32 s3, s0;
	s1 =	sshll.u32 s1, $0x11  }
0xbd: {  	s0 =	sor.u32 s1, s0  }
0xbe: {  	s0 =	sadd.s32 $0x8F2B, s0  }
0xbf: {  	[sflag:s0] =	ssyncadd.remote.s32 $0x1  }
0xc0: {  	_ =	sfence.sel $0xFFFF  }
0xc1: {  	[dreg:$0x0] =	wrdreg $0xFFFFFFFF;
	(pc) =	sbr.abs _section_cstart, $3  }
0xc2: {  	[dreg:$0x1] =	wrdreg $0xFFFFFFFF  }
0xc3: {  	_ =	task.clear_ibuf [dreg:s8], $0x2FFFF;
	_ =	strace $0x9FFFFFFF  }
0xc4: {  	(tm) =	ssettm $0x7FFFFFFF  }
0xc5: {  	_ =	shalt  }
tec
execute0_lowered:
.L_overlay_start_1:
0x0: {  	(tag) =	ssettag $0x1  }
0x1: {  	s1 =	rddreg [dreg:$0x0]  }
0x2: {  	s0 =	rddreg [dreg:$0x1]  }
0x3: {  	s2 =	rddreg [dreg:$0x2];
	s4 =	simm.s32 $0x0  }
0x4: {  	s3 =	srdreg.scid;
	s5 =	stileid.u32;
	s11 =	simm.s32 $0x3  }
0x5: {  	s12 =	simm.s32 $0x80;
	s28 =	simm.s32 $0x1;
	s29 =	simm.s32 $0x400  }
0x6: {  	s30 =	simm.s32 $0x8000;
	s31 =	simm.s32 $0x10800;
	[smem:$0x7FF] =	sst s4  }
0x7: {  	s3 =	sand.u32 $0x1, s3;
	s5 =	sshll.u32 s5, $0xB;
	s6 =	sadd.s32 $0x800, s0  }
0x8: {  	s9 =	sadd.s32 $0x10000, s2;
	s25 =	ssub.s32 $0x2, s3;
	s3 =	sshll.u32 s3, $0xA  }
.Ltmp0:
0x9: {  	s7 =	sshrl.u32 s25, $0x1;
	s5 =	sor.u32 s3, s5;
	(pc) =	sbr.rel .LBB2_1-.Ltmp0, $4  }
0xa: {  	_ =	strace $0x8000004A;
	s26 =	ssub.s32 s25, s7;
	s3 =	sshrl.u32 s5, $0x3  }
0xb: {  	v0 =	vlaneseq.u32;
	s8 =	sor.u32 $0x10000, s5;
	s7 =	simm.s32 $0x0;
	s3 =	sadd.s32 s1, s3  }
0xc: {  	v1 =	vand.u32 $0x7, v0;
	s0 =	smax.u32 s26, $0x1;
	s26 =	simm.s32 $0x7800;
	[dreg:$0x4] =	wrdreg s3  }
0xd: {  	v3 =	vor.u32 $0x78, v0;
	v2 =	vmul.u32 $0x81, v1;
	[dreg:$0x5] =	wrdreg s0;
	s0 =	simm.s32 $0x14800;
	s3 =	simm.s32 $0x2  }
.LBB2_21:
0xe: {  	_ =	swait.ge [sflag:s3], $0x4000  }
0xf: {  	[sflag:s3] =	ssyncset.done $0x0  }
0x10: {  	[sflag:s3] =	ssyncadd.s32 $0xFFFFC000  }
0x11: {  	_ =	swait.ge [sflag:s3], $0x4000  }
0x12: {  	s7 =	rddreg [dreg:$0x6]  }
0x13: {  	s4 =	rddreg [dreg:$0x5];
	s7 =	sadd.s32 $0x1, s7  }
0x14: {  	p0 =	sne.s32 s7, s4  }
.Ltmp1:
0x15: {  	_ = 	snop;
	(pc) =	sbr.rel @!p0 .LBB2_22-.Ltmp1, $3  }
0x16: {  	_ =	sdelay $0x1  }
0x17: {  	[sflag:s3] =	ssyncset.done $0x0  }
0x18: {  	[sflag:s3] =	ssyncadd.s32 $0xFFFFC000  }
.LBB2_1:
0x19: {  	[dreg:$0x6] =	wrdreg s7  }
0x1a: {  	s4 =	simm.s32 $0x0;
	s10 =	rddreg [dreg:$0x4]  }
0x1b: {  	[tilespmem:s4], [sflag:$0x3] =	stream.linear.gather [hbm4b:s10+s4], $0x400, $0x38;
	[tilespmem:$0x18800] =	vst v63  }
0x1c: {  	_ =	swait.ge [sflag:s11], $0x400  }
0x1d: {  	[sflag:s11] =	ssyncset.done $0x0  }
0x1e: {  	s13 =	simm.s32 $0x800;
	[sflag:s11] =	ssyncadd.s32 $0xFFFFFC00  }
0x1f: {  	[tilespmem:s13], [sflag:$0x1] =	stream.indirect.gather [hbm4b:s6+s12], $0x20, s4, s12, $0xb8;
	[tilespmem:$0x18800] =	vst v63  }
0x20: {  	s14 =	simm.s32 $0x1800  }
0x21: {  	[tilespmem:s14], [sflag:$0x1] =	stream.indirect.gather [hbm4b:s6+s12], $0x20, s12, s12, $0xb8;
	[tilespmem:$0x18800] =	vst v63  }
0x22: {  	s15 =	simm.s32 $0x100;
	s16 =	simm.s32 $0x2800  }
0x23: {  	[tilespmem:s16], [sflag:$0x1] =	stream.indirect.gather [hbm4b:s6+s12], $0x20, s15, s12, $0xb8;
	[tilespmem:$0x18800] =	vst v63  }
0x24: {  	s17 =	simm.s32 $0x180;
	s18 =	simm.s32 $0x3800  }
0x25: {  	[tilespmem:s18], [sflag:$0x1] =	stream.indirect.gather [hbm4b:s6+s12], $0x20, s17, s12, $0xb8;
	[tilespmem:$0x18800] =	vst v63  }
0x26: {  	s19 =	simm.s32 $0x200;
	s20 =	simm.s32 $0x4800  }
0x27: {  	[tilespmem:s20], [sflag:$0x1] =	stream.indirect.gather [hbm4b:s6+s12], $0x20, s19, s12, $0xb8;
	[tilespmem:$0x18800] =	vst v63  }
0x28: {  	s21 =	simm.s32 $0x280;
	s22 =	simm.s32 $0x5800  }
0x29: {  	[tilespmem:s22], [sflag:$0x1] =	stream.indirect.gather [hbm4b:s6+s12], $0x20, s21, s12, $0xb8;
	[tilespmem:$0x18800] =	vst v63  }
.Ltmp2:
0x2a: {  	_ = 	snop;
	(pc) =	sbr.rel .LBB2_2-.Ltmp2, $4  }
0x2b: {  	s23 =	simm.s32 $0x300;
	s24 =	simm.s32 $0x6800  }
0x2c: {  	[tilespmem:s24], [sflag:$0x1] =	stream.indirect.gather [hbm4b:s6+s12], $0x20, s23, s12, $0xb8;
	[tilespmem:$0x18800] =	vst v63  }
0x2d: {  	s25 =	simm.s32 $0x380;
	s7 =	simm.s32 $0x0  }
0x2e: {  	[tilespmem:s26], [sflag:$0x1] =	stream.indirect.gather [hbm4b:s6+s12], $0x20, s25, s12, $0xb8;
	[tilespmem:$0x18800] =	vst v63  }
.LBB2_20:
0x2f: {  	s7 =	sadd.s32 $0x1, s7  }
0x30: {  	p0 =	sne.s32 s7, $0xD  }
.Ltmp3:
0x31: {  	_ = 	snop;
	(pc) =	sbr.rel @!p0 .LBB2_21-.Ltmp3, $1  }
0x32: {  	_ =	sdelay $0x3  }
.LBB2_2:
0x33: {  	s10 =	sshllo.u32 s7, $0x1  }
0x34: {  	p0 =	sgt.u32 s10, $0x18  }
0x35: {  	s4 =	sshll.u32 @!p0 s10, $0xF  }
0x36: {  	s4 =	sor.u32 @!p0 s5, s4  }
0x37: {  	s4 =	sshrl.u32 @!p0 s4, $0x3  }
0x38: {  	s13 =	simm.s32 @!p0 $0x0;
	s14 =	simm.s32 @!p0 $0x400;
	s4 =	sadd.s32 @!p0 s1, s4  }
0x39: {  	[tilespmem:s14], [sflag:$0x3] =	stream.linear.gather @!p0 [hbm4b:s4+s13], $0x400, $0x38;
	[tilespmem:$0x18800] =	vst v63  }
0x3a: {  	s4 =	simm.s32 @!p0 $0x3  }
0x3b: {  	_ =	swait.ge @!p0 [sflag:s4], $0x400  }
0x3c: {  	[sflag:s4] =	ssyncset.done @!p0 $0x0  }
0x3d: {  	s13 =	simm.s32 @!p0 $0x8800;
	[sflag:s4] =	ssyncadd.s32 @!p0 $0xFFFFFC00;
	s4 =	simm.s32 @!p0 $0x80  }
0x3e: {  	[tilespmem:s13], [sflag:$0x1] =	stream.indirect.gather @!p0 [hbm4b:s6+s4], $0x20, s14, s4, $0xb8;
	[tilespmem:$0x18800] =	vst v63  }
0x3f: {  	s13 =	simm.s32 @!p0 $0x480;
	s14 =	simm.s32 @!p0 $0x9800  }
0x40: {  	[tilespmem:s14], [sflag:$0x1] =	stream.indirect.gather @!p0 [hbm4b:s6+s4], $0x20, s13, s4, $0xb8;
	[tilespmem:$0x18800] =	vst v63  }
0x41: {  	s13 =	simm.s32 @!p0 $0x500;
	s14 =	simm.s32 @!p0 $0xA800  }
0x42: {  	[tilespmem:s14], [sflag:$0x1] =	stream.indirect.gather @!p0 [hbm4b:s6+s4], $0x20, s13, s4, $0xb8;
	[tilespmem:$0x18800] =	vst v63  }
0x43: {  	s13 =	simm.s32 @!p0 $0x580;
	s14 =	simm.s32 @!p0 $0xB800  }
0x44: {  	[tilespmem:s14], [sflag:$0x1] =	stream.indirect.gather @!p0 [hbm4b:s6+s4], $0x20, s13, s4, $0xb8;
	[tilespmem:$0x18800] =	vst v63  }
0x45: {  	s13 =	simm.s32 @!p0 $0x600;
	s14 =	simm.s32 @!p0 $0xC800  }
0x46: {  	[tilespmem:s14], [sflag:$0x1] =	stream.indirect.gather @!p0 [hbm4b:s6+s4], $0x20, s13, s4, $0xb8;
	[tilespmem:$0x18800] =	vst v63  }
0x47: {  	s13 =	simm.s32 @!p0 $0x680;
	s14 =	simm.s32 @!p0 $0xD800  }
0x48: {  	[tilespmem:s14], [sflag:$0x1] =	stream.indirect.gather @!p0 [hbm4b:s6+s4], $0x20, s13, s4, $0xb8;
	[tilespmem:$0x18800] =	vst v63  }
0x49: {  	s13 =	simm.s32 @!p0 $0x700;
	s14 =	simm.s32 @!p0 $0xE800  }
0x4a: {  	[tilespmem:s14], [sflag:$0x1] =	stream.indirect.gather @!p0 [hbm4b:s6+s4], $0x20, s13, s4, $0xb8;
	[tilespmem:$0x18800] =	vst v63  }
0x4b: {  	p1 =	seq.s32 s7, $0x0;
	s13 =	simm.s32 @!p0 $0x780;
	s14 =	simm.s32 @!p0 $0xF800  }
0x4c: {  	[tilespmem:s14], [sflag:$0x1] =	stream.indirect.gather @!p0 [hbm4b:s6+s4], $0x20, s13, s4, $0xb8;
	[tilespmem:$0x18800] =	vst v63  }
0x4d: {  	s4 =	simm.s32 @!p1 $0x2  }
0x4e: {  	_ =	swait.ge @!p1 [sflag:s4], $0x4000  }
0x4f: {  	[sflag:s4] =	ssyncset.done @!p1 $0x0  }
0x50: {  	s13 =	simm.s32 $0x0;
	[sflag:s4] =	ssyncadd.s32 @!p1 $0xFFFFC000;
	s4 =	simm.s32 $0x0  }
.LBB2_3:
0x51: {  	s14 =	simm.s32 $0x0  }
0x52: {  	s16 =	sand.u32 $0x70, s4;
	s15 =	sand.u32 $0x10, s14  }
0x53: {  	v10 =	vor.u32 s16, v0;
	v5 =	vor.u32 s15, v0;
	s17 =	sor.u32 $0x1, s15;
	s18 =	sor.u32 $0xF, s15  }
0x54: {  	s21 =	sor.u32 $0x2, s15;
	s22 =	sor.u32 $0x3, s15;
	s23 =	sor.u32 $0x4, s15;
	v7 =	vshll.u32 v10, $0x5;
	v6 =	vadd.s32 s17, v0;
	v4 =	vadd.s32 s18, v0  }
0x55: {  	s24 =	sor.u32 $0x5, s15;
	s19 =	sor.u32 $0x6, s15;
	s20 =	sor.u32 $0x7, s15;
	v9 =	vadd.s32 s21, v0;
	v13 =	vadd.s32 s22, v0;
	v14 =	vadd.s32 s23, v0  }
0x56: {  	s25 =	sor.u32 $0x9, s15;
	v15 =	vadd.s32 s24, v0;
	v16 =	vadd.s32 s19, v0;
	v17 =	vadd.s32 s20, v0  }
0x57: {  	s18 =	sor.u32 $0x8, s15;
	v18 =	vadd.s32 s25, v0;
	v37 =	vand.u32 $0x18, v5;
	v38 =	vor.u32 v1, v7  }
0x58: {  	s21 =	sor.u32 $0xA, s15;
	s22 =	sor.u32 $0xB, s15;
	s23 =	sor.u32 $0xC, s15;
	v5 =	vshll.u32 v5, $0x7;
	v8 =	vand.u32 $0x1F, v4;
	v11 =	vadd.s32 s18, v0  }
0x59: {  	s24 =	sor.u32 $0xD, s15;
	s15 =	sor.u32 $0xE, s15;
	v19 =	vadd.s32 s21, v0;
	v20 =	vadd.s32 s22, v0;
	v21 =	vadd.s32 s23, v0  }
0x5a: {  	v22 =	vadd.s32 s24, v0;
	v12 =	vand.u32 $0x1F, v6;
	v23 =	vadd.s32 s15, v0  }
0x5b: {  	v24 =	vshll.u32 v4, $0x7;
	v4 =	vand.u32 v3, v10;
	v25 =	vand.u32 $0x1F, v9  }
0x5c: {  	v26 =	vand.u32 $0x1F, v13;
	v27 =	vand.u32 $0x1F, v14;
	v28 =	vand.u32 $0x1F, v15  }
0x5d: {  	v29 =	vand.u32 $0x1F, v16;
	v30 =	vand.u32 $0x1F, v17;
	v32 =	vand.u32 $0x1F, v18  }
0x5e: {  	v5 =	vand.u32 $0xC00, v5;
	v62 =	vshll.u32 v6, $0x7;
	v14 =	vshll.u32 v14, $0x7  }
0x5f: {  	v15 =	vshll.u32 v15, $0x7;
	v16 =	vshll.u32 v16, $0x7;
	v17 =	vshll.u32 v17, $0x7  }
0x60: {  	v18 =	vshll.u32 v18, $0x7;
	v8 =	vor.u32 v8, v7;
	v24 =	vand.u32 $0xF80, v24  }
0x61: {  	v31 =	vand.u32 $0x18, v11;
	v33 =	vand.u32 $0x1F, v19;
	v12 =	vor.u32 v12, v7  }
0x62: {  	_ =	swait.ge [sflag:s28], $0x1000;
	v34 =	vand.u32 $0x1F, v20;
	v35 =	vand.u32 $0x1F, v21;
	v25 =	vor.u32 v25, v7  }
0x63: {  	[sflag:s28] =	ssyncset.done $0x0;
	s25 =	sshll.u32 s13, $0xC;
	v36 =	vand.u32 $0x1F, v22;
	v39 =	vand.u32 $0x1F, v23;
	v26 =	vor.u32 v26, v7  }
0x64: {  	[sflag:s28] =	ssyncadd.s32 $0xFFFFF000;
	s15 =	sor.u32 $0x800, s25;
	v40 =	vshll.u32 v11, $0x7;
	v27 =	vor.u32 v27, v7;
	v28 =	vor.u32 v28, v7  }
0x65: {  	v29 =	vor.u32 v29, v7;
	v30 =	vor.u32 v30, v7;
	v32 =	vor.u32 v32, v7;
	v41 =	vld.idx.msk [tilespmem:v8+s15+$0x0], $0xffff  }
0x66: {  	v19 =	vshll.u32 v19, $0x7;
	v20 =	vshll.u32 v20, $0x7;
	v21 =	vshll.u32 v21, $0x7;
	v11 =	vld.idx.msk [tilespmem:v12+s15+$0x0], $0xffff  }
0x67: {  	v22 =	vshll.u32 v22, $0x7;
	v23 =	vshll.u32 v23, $0x7;
	v31 =	vor.u32 v31, v38;
	v12 =	vld.idx.msk [tilespmem:v25+s15+$0x0], $0xffff  }
0x68: {  	v33 =	vor.u32 v33, v7;
	v34 =	vor.u32 v34, v7;
	v25 =	vshll.u32 v9, $0x7;
	v9 =	vld.idx.msk [tilespmem:v26+s15+$0x0], $0xffff  }
0x69: {  	v35 =	vor.u32 v35, v7;
	v36 =	vor.u32 v36, v7;
	v39 =	vor.u32 v39, v7;
	v7 =	vld.idx.msk [tilespmem:v27+s15+$0x0], $0xffff  }
0x6a: {  	v42 =	vand.u32 $0xF80, v14;
	v43 =	vand.u32 $0xF80, v15;
	v44 =	vand.u32 $0xF80, v16;
	v6 =	vld.idx.msk [tilespmem:v28+s15+$0x0], $0xffff  }
0x6b: {  	v45 =	vand.u32 $0xF80, v17;
	v24 =	vor.u32 v24, v4;
	v27 =	vand.u32 $0x78, v10;
	v10 =	vld.idx.msk [tilespmem:v29+s15+$0x0], $0xffff  }
0x6c: {  	v61 =	vand.u32 $0xC00, v40;
	v8 =	vor.u32 v37, v38;
	v26 =	vshll.u32 v13, $0x7;
	v13 =	vld.idx.msk [tilespmem:v30+s15+$0x0], $0xffff  }
0x6d: {  	v38 =	vand.u32 $0xF80, v62;
	v16 =	vld.idx.msk [tilespmem:v32+s15+$0x0], $0xffff;
	v28 =	vand.u32 $0xF80, v18;
	v32 =	vand.u32 $0xF80, v19  }
0x6e: {  	v29 =	vand.u32 $0xF80, v20;
	v30 =	vand.u32 $0xF80, v21;
	v5 =	vor.u32 v27, v5;
	v14 =	vld.idx.msk [tilespmem:v31+s15+$0x0], $0xffff  }
0x6f: {  	v37 =	vor.u32 v61, v27;
	v25 =	vand.u32 $0xF80, v25;
	v63 =	vand.u32 $0xF80, v26;
	v15 =	vld.idx.msk [tilespmem:v33+s15+$0x0], $0xffff  }
0x70: {  	v17 =	vld.idx.msk [tilespmem:v34+s15+$0x0], $0xffff;
	v27 =	vand.u32 $0xF80, v22;
	v26 =	vand.u32 $0xF80, v23;
	v34 =	vor.u32 v38, v4  }
0x71: {  	v18 =	vld.idx.msk [tilespmem:v35+s15+$0x0], $0xffff;
	v23 =	vor.u32 v44, v4;
	v22 =	vor.u32 v45, v4;
	v5 =	vor.u32 v2, v5  }
0x72: {  	s16 =	sadd.s32 $0x10800, s25;
	v19 =	vld.idx.msk [tilespmem:v36+s15+$0x0], $0xffff;
	v21 =	vor.u32 v2, v37;
	v33 =	vor.u32 v25, v4;
	v31 =	vor.u32 v63, v4  }
0x73: {  	s17 =	simm.s32 $0x0;
	v20 =	vld.idx.msk [tilespmem:v39+s15+$0x0], $0xffff;
	v25 =	vor.u32 v42, v4;
	[tilespmem:v24+s16+$0x0] =	vst.idx.msk $0xffff, v41;
	v24 =	vor.u32 v43, v4  }
.LBB2_4:
0x74: {  	s14 =	sadd.s32 $0x10, s14;
	v35 =	vld.idx.msk [tilespmem:v8+s15+$0x0], $0xffff;
	v8 =	vor.u32 v28, v4;
	v28 =	vor.u32 v32, v4;
	v29 =	vor.u32 v29, v4  }
0x75: {  	v30 =	vor.u32 v30, v4;
	v27 =	vor.u32 v27, v4;
	v26 =	vor.u32 v26, v4;
	s17 =	sadd.s32 $0x8, s17;
	s18 =	sand.u32 $0x10, s14;
	p2 =	slt.u32 s14, $0xF0  }
0x76: {  	s19 =	sand.u32 $0x70, s17;
	v32 =	vor.u32 s18, v0;
	s20 =	sor.u32 $0x1, s18;
	s21 =	sor.u32 $0xF, s18;
	[tilespmem:v34+s16+$0x0] =	vst.idx.msk $0xffff, v11  }
0x77: {  	v34 =	vor.u32 s19, v0;
	s19 =	sor.u32 $0x2, s18;
	s22 =	sor.u32 $0x4, s18;
	v36 =	vadd.s32 s20, v0;
	s20 =	sor.u32 $0x3, s18;
	v4 =	vadd.s32 s21, v0;
	[tilespmem:v33+s16+$0x0] =	vst.idx.msk $0xffff, v12  }
0x78: {  	s23 =	sor.u32 $0x7, s18;
	v11 =	vshll.u32 v34, $0x5;
	v33 =	vadd.s32 s19, v0;
	s19 =	sor.u32 $0x5, s18;
	s21 =	sor.u32 $0x6, s18;
	v12 =	vand.u32 $0x1F, v4;
	[tilespmem:v31+s16+$0x0] =	vst.idx.msk $0xffff, v9  }
0x79: {  	s24 =	sor.u32 $0xA, s18;
	v37 =	vadd.s32 s22, v0;
	s22 =	sor.u32 $0x9, s18;
	v31 =	vadd.s32 s20, v0;
	s20 =	sor.u32 $0x8, s18;
	v9 =	vor.u32 v12, v11;
	[tilespmem:v25+s16+$0x0] =	vst.idx.msk $0xffff, v7  }
0x7a: {  	v38 =	vadd.s32 s23, v0;
	s23 =	sor.u32 $0xD, s18;
	v7 =	vadd.s32 s19, v0;
	v25 =	vadd.s32 s21, v0;
	s19 =	sor.u32 $0xB, s18;
	s21 =	sor.u32 $0xC, s18;
	[tilespmem:v24+s16+$0x0] =	vst.idx.msk $0xffff, v6  }
0x7b: {  	v39 =	vadd.s32 s24, v0;
	s18 =	sor.u32 $0xE, s18;
	v6 =	vadd.s32 s20, v0;
	v24 =	vadd.s32 s22, v0;
	[tilespmem:v23+s16+$0x0] =	vst.idx.msk $0xffff, v10  }
0x7c: {  	v40 =	vadd.s32 s23, v0;
	v10 =	vadd.s32 s19, v0;
	v23 =	vadd.s32 s21, v0;
	[tilespmem:v22+s16+$0x0] =	vst.idx.msk $0xffff, v13  }
0x7d: {  	v12 =	vand.u32 $0x1F, v36;
	v13 =	vadd.s32 s18, v0;
	v22 =	vshll.u32 v4, $0x7;
	[tilespmem:v21+s16+$0x0] =	vst.idx.msk $0xffff, v14  }
0x7e: {  	v4 =	vand.u32 v3, v34;
	v14 =	vand.u32 $0x1F, v33;
	v21 =	vand.u32 $0xF80, v22;
	v9 =	vld.idx.msk [tilespmem:v9+s15+$0x0], $0xffff;
	[tilespmem:v8+s16+$0x0] =	vst.idx.msk $0xffff, v16  }
0x7f: {  	v8 =	vand.u32 $0x1F, v31;
	v16 =	vand.u32 $0x1F, v37;
	v21 =	vor.u32 v21, v4;
	[tilespmem:v28+s16+$0x0] =	vst.idx.msk $0xffff, v15  }
0x80: {  	v22 =	vand.u32 $0x1F, v25;
	v15 =	vand.u32 $0x1F, v7;
	v28 =	vand.u32 $0x1F, v38;
	[tilespmem:v29+s16+$0x0] =	vst.idx.msk $0xffff, v17  }
0x81: {  	v41 =	vand.u32 $0x1F, v39;
	v17 =	vand.u32 $0x18, v6;
	v29 =	vand.u32 $0x1F, v24;
	[tilespmem:v30+s16+$0x0] =	vst.idx.msk $0xffff, v18  }
0x82: {  	v42 =	vand.u32 $0x1F, v40;
	v18 =	vand.u32 $0x1F, v10;
	v30 =	vand.u32 $0x1F, v23;
	[tilespmem:v27+s16+$0x0] =	vst.idx.msk $0xffff, v19  }
0x83: {  	v43 =	vand.u32 $0x1F, v13;
	v19 =	vand.u32 $0x18, v32;
	v27 =	vor.u32 v1, v11;
	[tilespmem:v26+s16+$0x0] =	vst.idx.msk $0xffff, v20  }
0x84: {  	v12 =	vor.u32 v12, v11;
	v14 =	vor.u32 v14, v11;
	v6 =	vshll.u32 v6, $0x7;
	[tilespmem:v21+s16+$0x0] =	vst.idx.msk $0xffff, v9  }
0x85: {  	v16 =	vor.u32 v16, v11;
	v15 =	vor.u32 v15, v11;
	v9 =	vor.u32 v8, v11  }
0x86: {  	v20 =	vor.u32 v22, v11;
	v17 =	vor.u32 v17, v27;
	v21 =	vor.u32 v28, v11  }
0x87: {  	v18 =	vor.u32 v18, v11;
	v22 =	vor.u32 v29, v11;
	v26 =	vor.u32 v41, v11  }
0x88: {  	v42 =	vor.u32 v42, v11;
	v43 =	vor.u32 v43, v11;
	v41 =	vor.u32 v30, v11  }
0x89: {  	v8 =	vor.u32 v19, v27;
	v19 =	vshll.u32 v32, $0x7;
	v27 =	vand.u32 $0xC00, v6;
	v11 =	vld.idx.msk [tilespmem:v12+s15+$0x0], $0xffff;
	[tilespmem:v5+s16+$0x0] =	vst.idx.msk $0xffff, v35  }
0x8a: {  	v5 =	vand.u32 $0xC00, v19;
	v19 =	vshll.u32 v36, $0x7;
	v12 =	vld.idx.msk [tilespmem:v14+s15+$0x0], $0xffff;
	v14 =	vshll.u32 v33, $0x7  }
0x8b: {  	v29 =	vshll.u32 v37, $0x7;
	v30 =	vshll.u32 v7, $0x7;
	v28 =	vshll.u32 v31, $0x7;
	v9 =	vld.idx.msk [tilespmem:v9+s15+$0x0], $0xffff  }
0x8c: {  	v24 =	vshll.u32 v24, $0x7;
	v7 =	vld.idx.msk [tilespmem:v16+s15+$0x0], $0xffff;
	v16 =	vshll.u32 v25, $0x7;
	v25 =	vshll.u32 v38, $0x7  }
0x8d: {  	v23 =	vshll.u32 v23, $0x7;
	v31 =	vshll.u32 v39, $0x7;
	v33 =	vshll.u32 v10, $0x7;
	v6 =	vld.idx.msk [tilespmem:v15+s15+$0x0], $0xffff  }
0x8e: {  	v15 =	vand.u32 $0x78, v34;
	v34 =	vshll.u32 v13, $0x7;
	v10 =	vld.idx.msk [tilespmem:v20+s15+$0x0], $0xffff;
	v20 =	vshll.u32 v40, $0x7  }
0x8f: {  	v19 =	vand.u32 $0xF80, v19;
	v5 =	vor.u32 v15, v5;
	v13 =	vld.idx.msk [tilespmem:v21+s15+$0x0], $0xffff;
	v21 =	vor.u32 v27, v15  }
0x90: {  	v37 =	vand.u32 $0xF80, v29;
	v36 =	vand.u32 $0xF80, v28;
	v35 =	vand.u32 $0xF80, v14;
	v14 =	vld.idx.msk [tilespmem:v17+s15+$0x0], $0xffff  }
0x91: {  	v38 =	vand.u32 $0xF80, v30;
	v39 =	vand.u32 $0xF80, v16;
	v40 =	vand.u32 $0xF80, v25;
	v16 =	vld.idx.msk [tilespmem:v22+s15+$0x0], $0xffff  }
.Ltmp4:
0x92: {  	v32 =	vand.u32 $0xF80, v31;
	v28 =	vand.u32 $0xF80, v24;
	v29 =	vand.u32 $0xF80, v33;
	v15 =	vld.idx.msk [tilespmem:v26+s15+$0x0], $0xffff;
	(pc) =	sbr.rel @p2 .LBB2_4-.Ltmp4, $4  }
0x93: {  	v30 =	vand.u32 $0xF80, v23;
	v27 =	vand.u32 $0xF80, v20;
	v26 =	vand.u32 $0xF80, v34;
	v17 =	vld.idx.msk [tilespmem:v18+s15+$0x0], $0xffff  }
0x94: {  	v5 =	vor.u32 v2, v5;
	v21 =	vor.u32 v2, v21;
	v34 =	vor.u32 v19, v4;
	v18 =	vld.idx.msk [tilespmem:v41+s15+$0x0], $0xffff  }
0x95: {  	v31 =	vor.u32 v36, v4;
	v33 =	vor.u32 v35, v4;
	v25 =	vor.u32 v37, v4;
	v19 =	vld.idx.msk [tilespmem:v42+s15+$0x0], $0xffff  }
0x96: {  	v24 =	vor.u32 v38, v4;
	v23 =	vor.u32 v39, v4;
	v22 =	vor.u32 v40, v4;
	v20 =	vld.idx.msk [tilespmem:v43+s15+$0x0], $0xffff  }
0x97: {  	_ =	sdelay $0x3  }
0x98: {  	[tilespmem:v34+s16+$0x0] =	vst.idx.msk $0xffff, v11  }
0x99: {  	[tilespmem:v33+s16+$0x0] =	vst.idx.msk $0xffff, v12  }
0x9a: {  	[tilespmem:v31+s16+$0x0] =	vst.idx.msk $0xffff, v9  }
0x9b: {  	v59 =	vor.u32 v28, v4;
	[tilespmem:v25+s16+$0x0] =	vst.idx.msk $0xffff, v7  }
0x9c: {  	v60 =	vor.u32 v32, v4;
	[tilespmem:v24+s16+$0x0] =	vst.idx.msk $0xffff, v6  }
0x9d: {  	v61 =	vor.u32 v29, v4;
	[tilespmem:v23+s16+$0x0] =	vst.idx.msk $0xffff, v10  }
0x9e: {  	v62 =	vor.u32 v30, v4;
	[tilespmem:v22+s16+$0x0] =	vst.idx.msk $0xffff, v13  }
0x9f: {  	v63 =	vor.u32 v27, v4;
	[tilespmem:v21+s16+$0x0] =	vst.idx.msk $0xffff, v14  }
0xa0: {  	v4 =	vor.u32 v26, v4;
	s13 =	sadd.s32 $0x1, s13;
	[tilespmem:v59+s16+$0x0] =	vst.idx.msk $0xffff, v16  }
0xa1: {  	v8 =	vld.idx.msk [tilespmem:v8+s15+$0x0], $0xffff;
	p2 =	sne.s32 s13, $0x4;
	[tilespmem:v60+s16+$0x0] =	vst.idx.msk $0xffff, v15  }
.Ltmp5:
0xa2: {  	[tilespmem:v61+s16+$0x0] =	vst.idx.msk $0xffff, v17;
	(pc) =	sbr.rel @p2 .LBB2_3-.Ltmp5, $4  }
0xa3: {  	[tilespmem:v62+s16+$0x0] =	vst.idx.msk $0xffff, v18  }
0xa4: {  	[tilespmem:v63+s16+$0x0] =	vst.idx.msk $0xffff, v19  }
0xa5: {  	[tilespmem:v4+s16+$0x0] =	vst.idx.msk $0xffff, v20  }
0xa6: {  	[tilespmem:v5+s16+$0x0] =	vst.idx.msk $0xffff, v8  }
0xa7: {  	s4 =	sshll.u32 s7, $0x15  }
0xa8: {  	s4 =	sor.u32 s5, s4  }
0xa9: {  	s4 =	sshrl.u32 s4, $0x3  }
0xaa: {  	s13 =	sadd.s32 s2, s4  }
0xab: {  	[hbm4b:s13+s29] =	stream.strided.scatter [tilespmem:s31], [sflag:$0x2], $0x4000, s30, s29, $0x38;
	[tilespmem:$0x18800] =	vst v63  }
0xac: {  	s13 =	simm.s32 @!p1 $0x2  }
0xad: {  	_ =	swait.ge @!p1 [sflag:s13], $0x4000  }
0xae: {  	[sflag:s13] =	ssyncset.done @!p1 $0x0  }
0xaf: {  	s14 =	simm.s32 $0x0;
	[sflag:s13] =	ssyncadd.s32 @!p1 $0xFFFFC000;
	s13 =	simm.s32 $0x0  }
.LBB2_7:
0xb0: {  	s15 =	simm.s32 $0x0  }
0xb1: {  	s17 =	sand.u32 $0x70, s13;
	s16 =	sand.u32 $0x10, s15  }
0xb2: {  	v10 =	vor.u32 s17, v0;
	v5 =	vor.u32 s16, v0;
	s18 =	sor.u32 $0x1, s16;
	s19 =	sor.u32 $0xF, s16  }
0xb3: {  	s22 =	sor.u32 $0x4, s16;
	v7 =	vshll.u32 v10, $0x5;
	s23 =	sor.u32 $0x5, s16;
	s20 =	sor.u32 $0x6, s16;
	v6 =	vadd.s32 s18, v0;
	v4 =	vadd.s32 s19, v0  }
0xb4: {  	s21 =	sor.u32 $0x7, s16;
	s24 =	sor.u32 $0x8, s16;
	s25 =	sor.u32 $0x9, s16;
	v14 =	vadd.s32 s22, v0;
	v15 =	vadd.s32 s23, v0;
	v16 =	vadd.s32 s20, v0  }
0xb5: {  	v17 =	vadd.s32 s21, v0;
	v11 =	vadd.s32 s24, v0;
	v18 =	vadd.s32 s25, v0  }
0xb6: {  	s18 =	sor.u32 $0x2, s16;
	s19 =	sor.u32 $0x3, s16;
	v37 =	vand.u32 $0x18, v5;
	v38 =	vor.u32 v1, v7;
	v5 =	vshll.u32 v5, $0x7  }
0xb7: {  	s22 =	sor.u32 $0xA, s16;
	s20 =	sor.u32 $0xB, s16;
	s21 =	sor.u32 $0xC, s16;
	v9 =	vadd.s32 s18, v0;
	v8 =	vand.u32 $0x1F, v4;
	v13 =	vadd.s32 s19, v0  }
0xb8: {  	s23 =	sor.u32 $0xD, s16;
	s16 =	sor.u32 $0xE, s16;
	v19 =	vadd.s32 s22, v0;
	v20 =	vadd.s32 s20, v0;
	v21 =	vadd.s32 s21, v0  }
0xb9: {  	v22 =	vadd.s32 s23, v0;
	v12 =	vand.u32 $0x1F, v6;
	v23 =	vadd.s32 s16, v0  }
0xba: {  	v24 =	vshll.u32 v4, $0x7;
	v4 =	vand.u32 v3, v10;
	v27 =	vand.u32 $0x1F, v14  }
0xbb: {  	v28 =	vand.u32 $0x1F, v15;
	v29 =	vand.u32 $0x1F, v16;
	v30 =	vand.u32 $0x1F, v17  }
0xbc: {  	v31 =	vand.u32 $0x18, v11;
	v32 =	vand.u32 $0x1F, v18;
	v40 =	vshll.u32 v11, $0x7  }
0xbd: {  	v5 =	vand.u32 $0xC00, v5;
	v62 =	vshll.u32 v6, $0x7;
	v14 =	vshll.u32 v14, $0x7  }
0xbe: {  	v15 =	vshll.u32 v15, $0x7;
	v16 =	vshll.u32 v16, $0x7;
	v17 =	vshll.u32 v17, $0x7  }
0xbf: {  	v18 =	vshll.u32 v18, $0x7;
	v8 =	vor.u32 v8, v7;
	v25 =	vand.u32 $0x1F, v9  }
0xc0: {  	v24 =	vand.u32 $0xF80, v24;
	v26 =	vand.u32 $0x1F, v13;
	v12 =	vor.u32 v12, v7  }
0xc1: {  	_ =	swait.ge [sflag:s28], $0x1000;
	s24 =	sshll.u32 s14, $0xC;
	v33 =	vand.u32 $0x1F, v19;
	v34 =	vand.u32 $0x1F, v20;
	v27 =	vor.u32 v27, v7  }
0xc2: {  	[sflag:s28] =	ssyncset.done $0x0;
	s25 =	sand.u32 $0x3FFFF000, s24;
	v35 =	vand.u32 $0x1F, v21;
	v36 =	vand.u32 $0x1F, v22;
	v28 =	vor.u32 v28, v7  }
0xc3: {  	[sflag:s28] =	ssyncadd.s32 $0xFFFFF000;
	v39 =	vand.u32 $0x1F, v23;
	v29 =	vor.u32 v29, v7;
	v30 =	vor.u32 v30, v7;
	s16 =	sadd.s32 $0x4800, s25  }
0xc4: {  	v31 =	vor.u32 v31, v38;
	v32 =	vor.u32 v32, v7;
	v25 =	vor.u32 v25, v7;
	v41 =	vld.idx.msk [tilespmem:v8+s16+$0x0], $0xffff  }
0xc5: {  	v26 =	vor.u32 v26, v7;
	v33 =	vor.u32 v33, v7;
	v34 =	vor.u32 v34, v7;
	v11 =	vld.idx.msk [tilespmem:v12+s16+$0x0], $0xffff  }
0xc6: {  	v35 =	vor.u32 v35, v7;
	v36 =	vor.u32 v36, v7;
	v39 =	vor.u32 v39, v7;
	v7 =	vld.idx.msk [tilespmem:v27+s16+$0x0], $0xffff  }
0xc7: {  	v61 =	vand.u32 $0xC00, v40;
	v19 =	vshll.u32 v19, $0x7;
	v20 =	vshll.u32 v20, $0x7;
	v6 =	vld.idx.msk [tilespmem:v28+s16+$0x0], $0xffff  }
0xc8: {  	v21 =	vshll.u32 v21, $0x7;
	v22 =	vshll.u32 v22, $0x7;
	v27 =	vand.u32 $0x78, v10;
	v10 =	vld.idx.msk [tilespmem:v29+s16+$0x0], $0xffff  }
0xc9: {  	v23 =	vshll.u32 v23, $0x7;
	v42 =	vand.u32 $0xF80, v14;
	v43 =	vand.u32 $0xF80, v15;
	v14 =	vld.idx.msk [tilespmem:v31+s16+$0x0], $0xffff  }
0xca: {  	v44 =	vand.u32 $0xF80, v16;
	v45 =	vand.u32 $0xF80, v17;
	v24 =	vor.u32 v24, v4;
	v16 =	vld.idx.msk [tilespmem:v32+s16+$0x0], $0xffff  }
0xcb: {  	v8 =	vor.u32 v37, v38;
	v38 =	vand.u32 $0xF80, v62;
	v28 =	vand.u32 $0xF80, v18;
	v12 =	vld.idx.msk [tilespmem:v25+s16+$0x0], $0xffff  }
0xcc: {  	v32 =	vand.u32 $0xF80, v19;
	v29 =	vand.u32 $0xF80, v20;
	v25 =	vshll.u32 v9, $0x7;
	v9 =	vld.idx.msk [tilespmem:v26+s16+$0x0], $0xffff  }
0xcd: {  	v26 =	vshll.u32 v13, $0x7;
	v5 =	vor.u32 v27, v5;
	v13 =	vld.idx.msk [tilespmem:v30+s16+$0x0], $0xffff;
	v37 =	vor.u32 v61, v27  }
0xce: {  	v17 =	vld.idx.msk [tilespmem:v34+s16+$0x0], $0xffff;
	v30 =	vand.u32 $0xF80, v21;
	v27 =	vand.u32 $0xF80, v22;
	v34 =	vor.u32 v38, v4  }
0xcf: {  	v15 =	vld.idx.msk [tilespmem:v33+s16+$0x0], $0xffff;
	v22 =	vor.u32 v45, v4;
	v25 =	vand.u32 $0xF80, v25;
	v63 =	vand.u32 $0xF80, v26  }
0xd0: {  	v18 =	vld.idx.msk [tilespmem:v35+s16+$0x0], $0xffff;
	v26 =	vand.u32 $0xF80, v23;
	v5 =	vor.u32 v2, v5;
	v21 =	vor.u32 v2, v37  }
0xd1: {  	s17 =	sadd.s32 $0x14800, s25;
	v19 =	vld.idx.msk [tilespmem:v36+s16+$0x0], $0xffff;
	v23 =	vor.u32 v44, v4;
	v33 =	vor.u32 v25, v4;
	v31 =	vor.u32 v63, v4  }
0xd2: {  	s18 =	simm.s32 $0x0;
	v20 =	vld.idx.msk [tilespmem:v39+s16+$0x0], $0xffff;
	v25 =	vor.u32 v42, v4;
	[tilespmem:v24+s17+$0x0] =	vst.idx.msk $0xffff, v41;
	v24 =	vor.u32 v43, v4  }
.LBB2_8:
0xd3: {  	s15 =	sadd.s32 $0x10, s15;
	v35 =	vld.idx.msk [tilespmem:v8+s16+$0x0], $0xffff;
	v8 =	vor.u32 v28, v4;
	v28 =	vor.u32 v32, v4;
	v29 =	vor.u32 v29, v4  }
0xd4: {  	v30 =	vor.u32 v30, v4;
	v27 =	vor.u32 v27, v4;
	v26 =	vor.u32 v26, v4;
	s18 =	sadd.s32 $0x8, s18;
	s19 =	sand.u32 $0x10, s15;
	p1 =	slt.u32 s15, $0xF0  }
0xd5: {  	s20 =	sand.u32 $0x70, s18;
	v32 =	vor.u32 s19, v0;
	s21 =	sor.u32 $0x1, s19;
	s22 =	sor.u32 $0xF, s19;
	[tilespmem:v34+s17+$0x0] =	vst.idx.msk $0xffff, v11  }
0xd6: {  	v34 =	vor.u32 s20, v0;
	s20 =	sor.u32 $0x2, s19;
	s23 =	sor.u32 $0x4, s19;
	v36 =	vadd.s32 s21, v0;
	s21 =	sor.u32 $0x3, s19;
	v4 =	vadd.s32 s22, v0;
	[tilespmem:v33+s17+$0x0] =	vst.idx.msk $0xffff, v12  }
0xd7: {  	s24 =	sor.u32 $0x7, s19;
	v11 =	vshll.u32 v34, $0x5;
	v33 =	vadd.s32 s20, v0;
	s20 =	sor.u32 $0x5, s19;
	s22 =	sor.u32 $0x6, s19;
	v12 =	vand.u32 $0x1F, v4;
	[tilespmem:v31+s17+$0x0] =	vst.idx.msk $0xffff, v9  }
0xd8: {  	s25 =	sor.u32 $0xA, s19;
	v37 =	vadd.s32 s23, v0;
	s23 =	sor.u32 $0x9, s19;
	v31 =	vadd.s32 s21, v0;
	s21 =	sor.u32 $0x8, s19;
	v9 =	vor.u32 v12, v11;
	[tilespmem:v25+s17+$0x0] =	vst.idx.msk $0xffff, v7  }
0xd9: {  	v38 =	vadd.s32 s24, v0;
	s24 =	sor.u32 $0xD, s19;
	v7 =	vadd.s32 s20, v0;
	v25 =	vadd.s32 s22, v0;
	s20 =	sor.u32 $0xB, s19;
	s22 =	sor.u32 $0xC, s19;
	[tilespmem:v24+s17+$0x0] =	vst.idx.msk $0xffff, v6  }
0xda: {  	v39 =	vadd.s32 s25, v0;
	s19 =	sor.u32 $0xE, s19;
	v6 =	vadd.s32 s21, v0;
	v24 =	vadd.s32 s23, v0;
	[tilespmem:v23+s17+$0x0] =	vst.idx.msk $0xffff, v10  }
0xdb: {  	v40 =	vadd.s32 s24, v0;
	v10 =	vadd.s32 s20, v0;
	v23 =	vadd.s32 s22, v0;
	[tilespmem:v22+s17+$0x0] =	vst.idx.msk $0xffff, v13  }
0xdc: {  	v12 =	vand.u32 $0x1F, v36;
	v13 =	vadd.s32 s19, v0;
	v22 =	vshll.u32 v4, $0x7;
	[tilespmem:v21+s17+$0x0] =	vst.idx.msk $0xffff, v14  }
0xdd: {  	v4 =	vand.u32 v3, v34;
	v14 =	vand.u32 $0x1F, v33;
	v21 =	vand.u32 $0xF80, v22;
	v9 =	vld.idx.msk [tilespmem:v9+s16+$0x0], $0xffff;
	[tilespmem:v8+s17+$0x0] =	vst.idx.msk $0xffff, v16  }
0xde: {  	v8 =	vand.u32 $0x1F, v31;
	v16 =	vand.u32 $0x1F, v37;
	v21 =	vor.u32 v21, v4;
	[tilespmem:v28+s17+$0x0] =	vst.idx.msk $0xffff, v15  }
0xdf: {  	v22 =	vand.u32 $0x1F, v25;
	v15 =	vand.u32 $0x1F, v7;
	v28 =	vand.u32 $0x1F, v38;
	[tilespmem:v29+s17+$0x0] =	vst.idx.msk $0xffff, v17  }
0xe0: {  	v41 =	vand.u32 $0x1F, v39;
	v17 =	vand.u32 $0x18, v6;
	v29 =	vand.u32 $0x1F, v24;
	[tilespmem:v30+s17+$0x0] =	vst.idx.msk $0xffff, v18  }
0xe1: {  	v42 =	vand.u32 $0x1F, v40;
	v18 =	vand.u32 $0x1F, v10;
	v30 =	vand.u32 $0x1F, v23;
	[tilespmem:v27+s17+$0x0] =	vst.idx.msk $0xffff, v19  }
0xe2: {  	v43 =	vand.u32 $0x1F, v13;
	v19 =	vand.u32 $0x18, v32;
	v27 =	vor.u32 v1, v11;
	[tilespmem:v26+s17+$0x0] =	vst.idx.msk $0xffff, v20  }
0xe3: {  	v12 =	vor.u32 v12, v11;
	v14 =	vor.u32 v14, v11;
	v6 =	vshll.u32 v6, $0x7;
	[tilespmem:v21+s17+$0x0] =	vst.idx.msk $0xffff, v9  }
0xe4: {  	v16 =	vor.u32 v16, v11;
	v15 =	vor.u32 v15, v11;
	v9 =	vor.u32 v8, v11  }
0xe5: {  	v20 =	vor.u32 v22, v11;
	v17 =	vor.u32 v17, v27;
	v21 =	vor.u32 v28, v11  }
0xe6: {  	v18 =	vor.u32 v18, v11;
	v22 =	vor.u32 v29, v11;
	v26 =	vor.u32 v41, v11  }
0xe7: {  	v42 =	vor.u32 v42, v11;
	v43 =	vor.u32 v43, v11;
	v41 =	vor.u32 v30, v11  }
0xe8: {  	v8 =	vor.u32 v19, v27;
	v19 =	vshll.u32 v32, $0x7;
	v27 =	vand.u32 $0xC00, v6;
	v11 =	vld.idx.msk [tilespmem:v12+s16+$0x0], $0xffff;
	[tilespmem:v5+s17+$0x0] =	vst.idx.msk $0xffff, v35  }
0xe9: {  	v5 =	vand.u32 $0xC00, v19;
	v19 =	vshll.u32 v36, $0x7;
	v12 =	vld.idx.msk [tilespmem:v14+s16+$0x0], $0xffff;
	v14 =	vshll.u32 v33, $0x7  }
0xea: {  	v29 =	vshll.u32 v37, $0x7;
	v30 =	vshll.u32 v7, $0x7;
	v28 =	vshll.u32 v31, $0x7;
	v9 =	vld.idx.msk [tilespmem:v9+s16+$0x0], $0xffff  }
0xeb: {  	v24 =	vshll.u32 v24, $0x7;
	v7 =	vld.idx.msk [tilespmem:v16+s16+$0x0], $0xffff;
	v16 =	vshll.u32 v25, $0x7;
	v25 =	vshll.u32 v38, $0x7  }
0xec: {  	v23 =	vshll.u32 v23, $0x7;
	v31 =	vshll.u32 v39, $0x7;
	v33 =	vshll.u32 v10, $0x7;
	v6 =	vld.idx.msk [tilespmem:v15+s16+$0x0], $0xffff  }
0xed: {  	v15 =	vand.u32 $0x78, v34;
	v34 =	vshll.u32 v13, $0x7;
	v10 =	vld.idx.msk [tilespmem:v20+s16+$0x0], $0xffff;
	v20 =	vshll.u32 v40, $0x7  }
0xee: {  	v19 =	vand.u32 $0xF80, v19;
	v5 =	vor.u32 v15, v5;
	v13 =	vld.idx.msk [tilespmem:v21+s16+$0x0], $0xffff;
	v21 =	vor.u32 v27, v15  }
0xef: {  	v37 =	vand.u32 $0xF80, v29;
	v36 =	vand.u32 $0xF80, v28;
	v35 =	vand.u32 $0xF80, v14;
	v14 =	vld.idx.msk [tilespmem:v17+s16+$0x0], $0xffff  }
0xf0: {  	v38 =	vand.u32 $0xF80, v30;
	v39 =	vand.u32 $0xF80, v16;
	v40 =	vand.u32 $0xF80, v25;
	v16 =	vld.idx.msk [tilespmem:v22+s16+$0x0], $0xffff  }
.Ltmp6:
0xf1: {  	v32 =	vand.u32 $0xF80, v31;
	v28 =	vand.u32 $0xF80, v24;
	v29 =	vand.u32 $0xF80, v33;
	v15 =	vld.idx.msk [tilespmem:v26+s16+$0x0], $0xffff;
	(pc) =	sbr.rel @p1 .LBB2_8-.Ltmp6, $4  }
0xf2: {  	v30 =	vand.u32 $0xF80, v23;
	v27 =	vand.u32 $0xF80, v20;
	v26 =	vand.u32 $0xF80, v34;
	v17 =	vld.idx.msk [tilespmem:v18+s16+$0x0], $0xffff  }
0xf3: {  	v5 =	vor.u32 v2, v5;
	v21 =	vor.u32 v2, v21;
	v34 =	vor.u32 v19, v4;
	v18 =	vld.idx.msk [tilespmem:v41+s16+$0x0], $0xffff  }
0xf4: {  	v31 =	vor.u32 v36, v4;
	v33 =	vor.u32 v35, v4;
	v25 =	vor.u32 v37, v4;
	v19 =	vld.idx.msk [tilespmem:v42+s16+$0x0], $0xffff  }
0xf5: {  	v24 =	vor.u32 v38, v4;
	v23 =	vor.u32 v39, v4;
	v22 =	vor.u32 v40, v4;
	v20 =	vld.idx.msk [tilespmem:v43+s16+$0x0], $0xffff  }
0xf6: {  	_ =	sdelay $0x3  }
0xf7: {  	[tilespmem:v34+s17+$0x0] =	vst.idx.msk $0xffff, v11  }
0xf8: {  	[tilespmem:v33+s17+$0x0] =	vst.idx.msk $0xffff, v12  }
0xf9: {  	[tilespmem:v31+s17+$0x0] =	vst.idx.msk $0xffff, v9  }
0xfa: {  	v59 =	vor.u32 v28, v4;
	[tilespmem:v25+s17+$0x0] =	vst.idx.msk $0xffff, v7  }
0xfb: {  	v60 =	vor.u32 v32, v4;
	[tilespmem:v24+s17+$0x0] =	vst.idx.msk $0xffff, v6  }
0xfc: {  	v61 =	vor.u32 v29, v4;
	[tilespmem:v23+s17+$0x0] =	vst.idx.msk $0xffff, v10  }
0xfd: {  	v62 =	vor.u32 v30, v4;
	[tilespmem:v22+s17+$0x0] =	vst.idx.msk $0xffff, v13  }
0xfe: {  	v63 =	vor.u32 v27, v4;
	[tilespmem:v21+s17+$0x0] =	vst.idx.msk $0xffff, v14  }
0xff: {  	v4 =	vor.u32 v26, v4;
	s14 =	sadd.s32 $0x1, s14;
	[tilespmem:v59+s17+$0x0] =	vst.idx.msk $0xffff, v16  }
0x100: {  	v8 =	vld.idx.msk [tilespmem:v8+s16+$0x0], $0xffff;
	p1 =	sne.s32 s14, $0x4;
	[tilespmem:v60+s17+$0x0] =	vst.idx.msk $0xffff, v15  }
.Ltmp7:
0x101: {  	[tilespmem:v61+s17+$0x0] =	vst.idx.msk $0xffff, v17;
	(pc) =	sbr.rel @p1 .LBB2_7-.Ltmp7, $4  }
0x102: {  	[tilespmem:v62+s17+$0x0] =	vst.idx.msk $0xffff, v18  }
0x103: {  	[tilespmem:v63+s17+$0x0] =	vst.idx.msk $0xffff, v19  }
0x104: {  	[tilespmem:v4+s17+$0x0] =	vst.idx.msk $0xffff, v20  }
0x105: {  	[tilespmem:v5+s17+$0x0] =	vst.idx.msk $0xffff, v8  }
.Ltmp8:
0x106: {  	(pc) =	sbr.rel @p0 .LBB2_20-.Ltmp8, $3  }
0x107: {  	_ =	sdelay $0x1  }
0x108: {  	s4 =	sadd.s32 s4, s9  }
0x109: {  	[hbm4b:s4+s29] =	stream.strided.scatter [tilespmem:s0], [sflag:$0x2], $0x4000, s30, s29, $0x38;
	[tilespmem:$0x18800] =	vst v63  }
0x10a: {  	s4 =	sshll.u32 s7, $0x10  }
0x10b: {  	s4 =	sadd.s32 s8, s4  }
0x10c: {  	s4 =	sshrl.u32 s4, $0x3  }
0x10d: {  	s13 =	sadd.s32 s1, s4;
	s4 =	simm.s32 $0x0  }
0x10e: {  	[tilespmem:s4], [sflag:$0x3] =	stream.linear.gather [hbm4b:s13+s4], $0x400, $0x38;
	[tilespmem:$0x18800] =	vst v63  }
0x10f: {  	_ =	swait.ge [sflag:s11], $0x400  }
0x110: {  	[sflag:s11] =	ssyncset.done $0x0  }
0x111: {  	s14 =	simm.s32 $0x800;
	[sflag:s11] =	ssyncadd.s32 $0xFFFFFC00  }
0x112: {  	[tilespmem:s14], [sflag:$0x1] =	stream.indirect.gather [hbm4b:s6+s12], $0x20, s4, s12, $0xb8;
	[tilespmem:$0x18800] =	vst v63  }
0x113: {  	s15 =	simm.s32 $0x1800  }
0x114: {  	[tilespmem:s15], [sflag:$0x1] =	stream.indirect.gather [hbm4b:s6+s12], $0x20, s12, s12, $0xb8;
	[tilespmem:$0x18800] =	vst v63  }
0x115: {  	s16 =	simm.s32 $0x100;
	s14 =	simm.s32 $0x2800  }
0x116: {  	[tilespmem:s14], [sflag:$0x1] =	stream.indirect.gather [hbm4b:s6+s12], $0x20, s16, s12, $0xb8;
	[tilespmem:$0x18800] =	vst v63  }
0x117: {  	s17 =	simm.s32 $0x180;
	s18 =	simm.s32 $0x3800  }
0x118: {  	[tilespmem:s18], [sflag:$0x1] =	stream.indirect.gather [hbm4b:s6+s12], $0x20, s17, s12, $0xb8;
	[tilespmem:$0x18800] =	vst v63  }
0x119: {  	s19 =	simm.s32 $0x200;
	s20 =	simm.s32 $0x4800  }
0x11a: {  	[tilespmem:s20], [sflag:$0x1] =	stream.indirect.gather [hbm4b:s6+s12], $0x20, s19, s12, $0xb8;
	[tilespmem:$0x18800] =	vst v63  }
0x11b: {  	s21 =	simm.s32 $0x280;
	s22 =	simm.s32 $0x5800  }
0x11c: {  	[tilespmem:s22], [sflag:$0x1] =	stream.indirect.gather [hbm4b:s6+s12], $0x20, s21, s12, $0xb8;
	[tilespmem:$0x18800] =	vst v63  }
0x11d: {  	s23 =	simm.s32 $0x300;
	s24 =	simm.s32 $0x6800  }
0x11e: {  	[tilespmem:s24], [sflag:$0x1] =	stream.indirect.gather [hbm4b:s6+s12], $0x20, s23, s12, $0xb8;
	[tilespmem:$0x18800] =	vst v63  }
0x11f: {  	s25 =	simm.s32 $0x380  }
0x120: {  	[tilespmem:s26], [sflag:$0x1] =	stream.indirect.gather [hbm4b:s6+s12], $0x20, s25, s12, $0xb8;
	[tilespmem:$0x18800] =	vst v63  }
0x121: {  	_ =	swait.ge [sflag:s3], $0x4000  }
0x122: {  	[sflag:s3] =	ssyncset.done $0x0  }
0x123: {  	s13 =	simm.s32 $0x0;
	[sflag:s3] =	ssyncadd.s32 $0xFFFFC000  }
.LBB2_12:
0x124: {  	s14 =	simm.s32 $0x0  }
0x125: {  	s16 =	sand.u32 $0x70, s4;
	s15 =	sand.u32 $0x10, s14  }
0x126: {  	v10 =	vor.u32 s16, v0;
	v5 =	vor.u32 s15, v0;
	s17 =	sor.u32 $0x1, s15;
	s18 =	sor.u32 $0xF, s15  }
0x127: {  	s21 =	sor.u32 $0x2, s15;
	s22 =	sor.u32 $0x3, s15;
	s23 =	sor.u32 $0x4, s15;
	v7 =	vshll.u32 v10, $0x5;
	v6 =	vadd.s32 s17, v0;
	v4 =	vadd.s32 s18, v0  }
0x128: {  	s24 =	sor.u32 $0x5, s15;
	s19 =	sor.u32 $0x6, s15;
	s20 =	sor.u32 $0x7, s15;
	v9 =	vadd.s32 s21, v0;
	v13 =	vadd.s32 s22, v0;
	v14 =	vadd.s32 s23, v0  }
0x129: {  	s25 =	sor.u32 $0x9, s15;
	v15 =	vadd.s32 s24, v0;
	v16 =	vadd.s32 s19, v0;
	v17 =	vadd.s32 s20, v0  }
0x12a: {  	s18 =	sor.u32 $0x8, s15;
	v18 =	vadd.s32 s25, v0;
	v37 =	vand.u32 $0x18, v5;
	v38 =	vor.u32 v1, v7  }
0x12b: {  	s21 =	sor.u32 $0xA, s15;
	s22 =	sor.u32 $0xB, s15;
	s23 =	sor.u32 $0xC, s15;
	v5 =	vshll.u32 v5, $0x7;
	v8 =	vand.u32 $0x1F, v4;
	v11 =	vadd.s32 s18, v0  }
0x12c: {  	s24 =	sor.u32 $0xD, s15;
	s15 =	sor.u32 $0xE, s15;
	v19 =	vadd.s32 s21, v0;
	v20 =	vadd.s32 s22, v0;
	v21 =	vadd.s32 s23, v0  }
0x12d: {  	v22 =	vadd.s32 s24, v0;
	v12 =	vand.u32 $0x1F, v6;
	v23 =	vadd.s32 s15, v0  }
0x12e: {  	v24 =	vshll.u32 v4, $0x7;
	v4 =	vand.u32 v3, v10;
	v25 =	vand.u32 $0x1F, v9  }
0x12f: {  	v26 =	vand.u32 $0x1F, v13;
	v27 =	vand.u32 $0x1F, v14;
	v28 =	vand.u32 $0x1F, v15  }
0x130: {  	v29 =	vand.u32 $0x1F, v16;
	v30 =	vand.u32 $0x1F, v17;
	v32 =	vand.u32 $0x1F, v18  }
0x131: {  	v5 =	vand.u32 $0xC00, v5;
	v62 =	vshll.u32 v6, $0x7;
	v14 =	vshll.u32 v14, $0x7  }
0x132: {  	v15 =	vshll.u32 v15, $0x7;
	v16 =	vshll.u32 v16, $0x7;
	v17 =	vshll.u32 v17, $0x7  }
0x133: {  	v18 =	vshll.u32 v18, $0x7;
	v8 =	vor.u32 v8, v7;
	v24 =	vand.u32 $0xF80, v24  }
0x134: {  	v31 =	vand.u32 $0x18, v11;
	v33 =	vand.u32 $0x1F, v19;
	v12 =	vor.u32 v12, v7  }
0x135: {  	_ =	swait.ge [sflag:s28], $0x1000;
	v34 =	vand.u32 $0x1F, v20;
	v35 =	vand.u32 $0x1F, v21;
	v25 =	vor.u32 v25, v7  }
0x136: {  	[sflag:s28] =	ssyncset.done $0x0;
	s25 =	sshll.u32 s13, $0xC;
	v36 =	vand.u32 $0x1F, v22;
	v39 =	vand.u32 $0x1F, v23;
	v26 =	vor.u32 v26, v7  }
0x137: {  	[sflag:s28] =	ssyncadd.s32 $0xFFFFF000;
	s15 =	sadd.s32 $0x8800, s25;
	v40 =	vshll.u32 v11, $0x7;
	v27 =	vor.u32 v27, v7;
	v28 =	vor.u32 v28, v7  }
0x138: {  	v29 =	vor.u32 v29, v7;
	v30 =	vor.u32 v30, v7;
	v32 =	vor.u32 v32, v7;
	v41 =	vld.idx.msk [tilespmem:v8+s15+$0x0], $0xffff  }
0x139: {  	v19 =	vshll.u32 v19, $0x7;
	v20 =	vshll.u32 v20, $0x7;
	v21 =	vshll.u32 v21, $0x7;
	v11 =	vld.idx.msk [tilespmem:v12+s15+$0x0], $0xffff  }
0x13a: {  	v22 =	vshll.u32 v22, $0x7;
	v23 =	vshll.u32 v23, $0x7;
	v31 =	vor.u32 v31, v38;
	v12 =	vld.idx.msk [tilespmem:v25+s15+$0x0], $0xffff  }
0x13b: {  	v33 =	vor.u32 v33, v7;
	v34 =	vor.u32 v34, v7;
	v25 =	vshll.u32 v9, $0x7;
	v9 =	vld.idx.msk [tilespmem:v26+s15+$0x0], $0xffff  }
0x13c: {  	v35 =	vor.u32 v35, v7;
	v36 =	vor.u32 v36, v7;
	v39 =	vor.u32 v39, v7;
	v7 =	vld.idx.msk [tilespmem:v27+s15+$0x0], $0xffff  }
0x13d: {  	v42 =	vand.u32 $0xF80, v14;
	v43 =	vand.u32 $0xF80, v15;
	v44 =	vand.u32 $0xF80, v16;
	v6 =	vld.idx.msk [tilespmem:v28+s15+$0x0], $0xffff  }
0x13e: {  	v45 =	vand.u32 $0xF80, v17;
	v24 =	vor.u32 v24, v4;
	v27 =	vand.u32 $0x78, v10;
	v10 =	vld.idx.msk [tilespmem:v29+s15+$0x0], $0xffff  }
0x13f: {  	v61 =	vand.u32 $0xC00, v40;
	v8 =	vor.u32 v37, v38;
	v26 =	vshll.u32 v13, $0x7;
	v13 =	vld.idx.msk [tilespmem:v30+s15+$0x0], $0xffff  }
0x140: {  	v38 =	vand.u32 $0xF80, v62;
	v16 =	vld.idx.msk [tilespmem:v32+s15+$0x0], $0xffff;
	v28 =	vand.u32 $0xF80, v18;
	v32 =	vand.u32 $0xF80, v19  }
0x141: {  	v29 =	vand.u32 $0xF80, v20;
	v30 =	vand.u32 $0xF80, v21;
	v5 =	vor.u32 v27, v5;
	v14 =	vld.idx.msk [tilespmem:v31+s15+$0x0], $0xffff  }
0x142: {  	v37 =	vor.u32 v61, v27;
	v25 =	vand.u32 $0xF80, v25;
	v63 =	vand.u32 $0xF80, v26;
	v15 =	vld.idx.msk [tilespmem:v33+s15+$0x0], $0xffff  }
0x143: {  	v17 =	vld.idx.msk [tilespmem:v34+s15+$0x0], $0xffff;
	v27 =	vand.u32 $0xF80, v22;
	v26 =	vand.u32 $0xF80, v23;
	v34 =	vor.u32 v38, v4  }
0x144: {  	v18 =	vld.idx.msk [tilespmem:v35+s15+$0x0], $0xffff;
	v23 =	vor.u32 v44, v4;
	v22 =	vor.u32 v45, v4;
	v5 =	vor.u32 v2, v5  }
0x145: {  	s16 =	sadd.s32 $0x10800, s25;
	v19 =	vld.idx.msk [tilespmem:v36+s15+$0x0], $0xffff;
	v21 =	vor.u32 v2, v37;
	v33 =	vor.u32 v25, v4;
	v31 =	vor.u32 v63, v4  }
0x146: {  	s17 =	simm.s32 $0x0;
	v20 =	vld.idx.msk [tilespmem:v39+s15+$0x0], $0xffff;
	v25 =	vor.u32 v42, v4;
	[tilespmem:v24+s16+$0x0] =	vst.idx.msk $0xffff, v41;
	v24 =	vor.u32 v43, v4  }
.LBB2_13:
0x147: {  	s14 =	sadd.s32 $0x10, s14;
	v35 =	vld.idx.msk [tilespmem:v8+s15+$0x0], $0xffff;
	v8 =	vor.u32 v28, v4;
	v28 =	vor.u32 v32, v4;
	v29 =	vor.u32 v29, v4  }
0x148: {  	v30 =	vor.u32 v30, v4;
	v27 =	vor.u32 v27, v4;
	v26 =	vor.u32 v26, v4;
	s17 =	sadd.s32 $0x8, s17;
	s18 =	sand.u32 $0x10, s14;
	p0 =	slt.u32 s14, $0xF0  }
0x149: {  	s19 =	sand.u32 $0x70, s17;
	v32 =	vor.u32 s18, v0;
	s20 =	sor.u32 $0x1, s18;
	s21 =	sor.u32 $0xF, s18;
	[tilespmem:v34+s16+$0x0] =	vst.idx.msk $0xffff, v11  }
0x14a: {  	v34 =	vor.u32 s19, v0;
	s19 =	sor.u32 $0x2, s18;
	s22 =	sor.u32 $0x4, s18;
	v36 =	vadd.s32 s20, v0;
	s20 =	sor.u32 $0x3, s18;
	v4 =	vadd.s32 s21, v0;
	[tilespmem:v33+s16+$0x0] =	vst.idx.msk $0xffff, v12  }
0x14b: {  	s23 =	sor.u32 $0x7, s18;
	v11 =	vshll.u32 v34, $0x5;
	v33 =	vadd.s32 s19, v0;
	s19 =	sor.u32 $0x5, s18;
	s21 =	sor.u32 $0x6, s18;
	v12 =	vand.u32 $0x1F, v4;
	[tilespmem:v31+s16+$0x0] =	vst.idx.msk $0xffff, v9  }
0x14c: {  	s24 =	sor.u32 $0xA, s18;
	v37 =	vadd.s32 s22, v0;
	s22 =	sor.u32 $0x9, s18;
	v31 =	vadd.s32 s20, v0;
	s20 =	sor.u32 $0x8, s18;
	v9 =	vor.u32 v12, v11;
	[tilespmem:v25+s16+$0x0] =	vst.idx.msk $0xffff, v7  }
0x14d: {  	v38 =	vadd.s32 s23, v0;
	s23 =	sor.u32 $0xD, s18;
	v7 =	vadd.s32 s19, v0;
	v25 =	vadd.s32 s21, v0;
	s19 =	sor.u32 $0xB, s18;
	s21 =	sor.u32 $0xC, s18;
	[tilespmem:v24+s16+$0x0] =	vst.idx.msk $0xffff, v6  }
0x14e: {  	v39 =	vadd.s32 s24, v0;
	s18 =	sor.u32 $0xE, s18;
	v6 =	vadd.s32 s20, v0;
	v24 =	vadd.s32 s22, v0;
	[tilespmem:v23+s16+$0x0] =	vst.idx.msk $0xffff, v10  }
0x14f: {  	v40 =	vadd.s32 s23, v0;
	v10 =	vadd.s32 s19, v0;
	v23 =	vadd.s32 s21, v0;
	[tilespmem:v22+s16+$0x0] =	vst.idx.msk $0xffff, v13  }
0x150: {  	v12 =	vand.u32 $0x1F, v36;
	v13 =	vadd.s32 s18, v0;
	v22 =	vshll.u32 v4, $0x7;
	[tilespmem:v21+s16+$0x0] =	vst.idx.msk $0xffff, v14  }
0x151: {  	v4 =	vand.u32 v3, v34;
	v14 =	vand.u32 $0x1F, v33;
	v21 =	vand.u32 $0xF80, v22;
	v9 =	vld.idx.msk [tilespmem:v9+s15+$0x0], $0xffff;
	[tilespmem:v8+s16+$0x0] =	vst.idx.msk $0xffff, v16  }
0x152: {  	v8 =	vand.u32 $0x1F, v31;
	v16 =	vand.u32 $0x1F, v37;
	v21 =	vor.u32 v21, v4;
	[tilespmem:v28+s16+$0x0] =	vst.idx.msk $0xffff, v15  }
0x153: {  	v22 =	vand.u32 $0x1F, v25;
	v15 =	vand.u32 $0x1F, v7;
	v28 =	vand.u32 $0x1F, v38;
	[tilespmem:v29+s16+$0x0] =	vst.idx.msk $0xffff, v17  }
0x154: {  	v41 =	vand.u32 $0x1F, v39;
	v17 =	vand.u32 $0x18, v6;
	v29 =	vand.u32 $0x1F, v24;
	[tilespmem:v30+s16+$0x0] =	vst.idx.msk $0xffff, v18  }
0x155: {  	v42 =	vand.u32 $0x1F, v40;
	v18 =	vand.u32 $0x1F, v10;
	v30 =	vand.u32 $0x1F, v23;
	[tilespmem:v27+s16+$0x0] =	vst.idx.msk $0xffff, v19  }
0x156: {  	v43 =	vand.u32 $0x1F, v13;
	v19 =	vand.u32 $0x18, v32;
	v27 =	vor.u32 v1, v11;
	[tilespmem:v26+s16+$0x0] =	vst.idx.msk $0xffff, v20  }
0x157: {  	v12 =	vor.u32 v12, v11;
	v14 =	vor.u32 v14, v11;
	v6 =	vshll.u32 v6, $0x7;
	[tilespmem:v21+s16+$0x0] =	vst.idx.msk $0xffff, v9  }
0x158: {  	v16 =	vor.u32 v16, v11;
	v15 =	vor.u32 v15, v11;
	v9 =	vor.u32 v8, v11  }
0x159: {  	v20 =	vor.u32 v22, v11;
	v17 =	vor.u32 v17, v27;
	v21 =	vor.u32 v28, v11  }
0x15a: {  	v18 =	vor.u32 v18, v11;
	v22 =	vor.u32 v29, v11;
	v26 =	vor.u32 v41, v11  }
0x15b: {  	v42 =	vor.u32 v42, v11;
	v43 =	vor.u32 v43, v11;
	v41 =	vor.u32 v30, v11  }
0x15c: {  	v8 =	vor.u32 v19, v27;
	v19 =	vshll.u32 v32, $0x7;
	v27 =	vand.u32 $0xC00, v6;
	v11 =	vld.idx.msk [tilespmem:v12+s15+$0x0], $0xffff;
	[tilespmem:v5+s16+$0x0] =	vst.idx.msk $0xffff, v35  }
0x15d: {  	v5 =	vand.u32 $0xC00, v19;
	v19 =	vshll.u32 v36, $0x7;
	v12 =	vld.idx.msk [tilespmem:v14+s15+$0x0], $0xffff;
	v14 =	vshll.u32 v33, $0x7  }
0x15e: {  	v29 =	vshll.u32 v37, $0x7;
	v30 =	vshll.u32 v7, $0x7;
	v28 =	vshll.u32 v31, $0x7;
	v9 =	vld.idx.msk [tilespmem:v9+s15+$0x0], $0xffff  }
0x15f: {  	v24 =	vshll.u32 v24, $0x7;
	v7 =	vld.idx.msk [tilespmem:v16+s15+$0x0], $0xffff;
	v16 =	vshll.u32 v25, $0x7;
	v25 =	vshll.u32 v38, $0x7  }
0x160: {  	v23 =	vshll.u32 v23, $0x7;
	v31 =	vshll.u32 v39, $0x7;
	v33 =	vshll.u32 v10, $0x7;
	v6 =	vld.idx.msk [tilespmem:v15+s15+$0x0], $0xffff  }
0x161: {  	v15 =	vand.u32 $0x78, v34;
	v34 =	vshll.u32 v13, $0x7;
	v10 =	vld.idx.msk [tilespmem:v20+s15+$0x0], $0xffff;
	v20 =	vshll.u32 v40, $0x7  }
0x162: {  	v19 =	vand.u32 $0xF80, v19;
	v5 =	vor.u32 v15, v5;
	v13 =	vld.idx.msk [tilespmem:v21+s15+$0x0], $0xffff;
	v21 =	vor.u32 v27, v15  }
0x163: {  	v37 =	vand.u32 $0xF80, v29;
	v36 =	vand.u32 $0xF80, v28;
	v35 =	vand.u32 $0xF80, v14;
	v14 =	vld.idx.msk [tilespmem:v17+s15+$0x0], $0xffff  }
0x164: {  	v38 =	vand.u32 $0xF80, v30;
	v39 =	vand.u32 $0xF80, v16;
	v40 =	vand.u32 $0xF80, v25;
	v16 =	vld.idx.msk [tilespmem:v22+s15+$0x0], $0xffff  }
.Ltmp9:
0x165: {  	v32 =	vand.u32 $0xF80, v31;
	v28 =	vand.u32 $0xF80, v24;
	v29 =	vand.u32 $0xF80, v33;
	v15 =	vld.idx.msk [tilespmem:v26+s15+$0x0], $0xffff;
	(pc) =	sbr.rel @p0 .LBB2_13-.Ltmp9, $4  }
0x166: {  	v30 =	vand.u32 $0xF80, v23;
	v27 =	vand.u32 $0xF80, v20;
	v26 =	vand.u32 $0xF80, v34;
	v17 =	vld.idx.msk [tilespmem:v18+s15+$0x0], $0xffff  }
0x167: {  	v5 =	vor.u32 v2, v5;
	v21 =	vor.u32 v2, v21;
	v34 =	vor.u32 v19, v4;
	v18 =	vld.idx.msk [tilespmem:v41+s15+$0x0], $0xffff  }
0x168: {  	v31 =	vor.u32 v36, v4;
	v33 =	vor.u32 v35, v4;
	v25 =	vor.u32 v37, v4;
	v19 =	vld.idx.msk [tilespmem:v42+s15+$0x0], $0xffff  }
0x169: {  	v24 =	vor.u32 v38, v4;
	v23 =	vor.u32 v39, v4;
	v22 =	vor.u32 v40, v4;
	v20 =	vld.idx.msk [tilespmem:v43+s15+$0x0], $0xffff  }
0x16a: {  	_ =	sdelay $0x3  }
0x16b: {  	[tilespmem:v34+s16+$0x0] =	vst.idx.msk $0xffff, v11  }
0x16c: {  	[tilespmem:v33+s16+$0x0] =	vst.idx.msk $0xffff, v12  }
0x16d: {  	[tilespmem:v31+s16+$0x0] =	vst.idx.msk $0xffff, v9  }
0x16e: {  	v59 =	vor.u32 v28, v4;
	[tilespmem:v25+s16+$0x0] =	vst.idx.msk $0xffff, v7  }
0x16f: {  	v60 =	vor.u32 v32, v4;
	[tilespmem:v24+s16+$0x0] =	vst.idx.msk $0xffff, v6  }
0x170: {  	v61 =	vor.u32 v29, v4;
	[tilespmem:v23+s16+$0x0] =	vst.idx.msk $0xffff, v10  }
0x171: {  	v62 =	vor.u32 v30, v4;
	[tilespmem:v22+s16+$0x0] =	vst.idx.msk $0xffff, v13  }
0x172: {  	v63 =	vor.u32 v27, v4;
	[tilespmem:v21+s16+$0x0] =	vst.idx.msk $0xffff, v14  }
0x173: {  	v4 =	vor.u32 v26, v4;
	s13 =	sadd.s32 $0x1, s13;
	[tilespmem:v59+s16+$0x0] =	vst.idx.msk $0xffff, v16  }
0x174: {  	v8 =	vld.idx.msk [tilespmem:v8+s15+$0x0], $0xffff;
	p0 =	sne.s32 s13, $0x4;
	[tilespmem:v60+s16+$0x0] =	vst.idx.msk $0xffff, v15  }
.Ltmp10:
0x175: {  	[tilespmem:v61+s16+$0x0] =	vst.idx.msk $0xffff, v17;
	(pc) =	sbr.rel @p0 .LBB2_12-.Ltmp10, $4  }
0x176: {  	[tilespmem:v62+s16+$0x0] =	vst.idx.msk $0xffff, v18  }
0x177: {  	[tilespmem:v63+s16+$0x0] =	vst.idx.msk $0xffff, v19  }
0x178: {  	[tilespmem:v4+s16+$0x0] =	vst.idx.msk $0xffff, v20  }
0x179: {  	[tilespmem:v5+s16+$0x0] =	vst.idx.msk $0xffff, v8  }
0x17a: {  	s4 =	sshll.u32 s10, $0x14  }
0x17b: {  	s4 =	sor.u32 s5, s4  }
0x17c: {  	s4 =	sshrl.u32 s4, $0x3  }
0x17d: {  	s25 =	sadd.s32 s2, s4  }
0x17e: {  	[hbm4b:s25+s29] =	stream.strided.scatter [tilespmem:s31], [sflag:$0x2], $0x4000, s30, s29, $0x38;
	[tilespmem:$0x18800] =	vst v63  }
0x17f: {  	_ =	swait.ge [sflag:s3], $0x4000  }
0x180: {  	[sflag:s3] =	ssyncset.done $0x0  }
0x181: {  	s10 =	simm.s32 $0x0;
	s13 =	simm.s32 $0x0;
	[sflag:s3] =	ssyncadd.s32 $0xFFFFC000  }
.LBB2_16:
0x182: {  	s14 =	simm.s32 $0x0  }
0x183: {  	s16 =	sand.u32 $0x70, s10;
	s15 =	sand.u32 $0x10, s14  }
0x184: {  	v10 =	vor.u32 s16, v0;
	v5 =	vor.u32 s15, v0;
	s17 =	sor.u32 $0x1, s15;
	s18 =	sor.u32 $0xF, s15  }
0x185: {  	s20 =	sor.u32 $0x2, s15;
	s21 =	sor.u32 $0x3, s15;
	s22 =	sor.u32 $0x4, s15;
	v7 =	vshll.u32 v10, $0x5;
	v6 =	vadd.s32 s17, v0;
	v4 =	vadd.s32 s18, v0  }
0x186: {  	s23 =	sor.u32 $0x5, s15;
	s19 =	sor.u32 $0x6, s15;
	s24 =	sor.u32 $0x8, s15;
	v9 =	vadd.s32 s20, v0;
	v13 =	vadd.s32 s21, v0;
	v14 =	vadd.s32 s22, v0  }
0x187: {  	s25 =	sor.u32 $0x9, s15;
	v15 =	vadd.s32 s23, v0;
	v16 =	vadd.s32 s19, v0;
	v11 =	vadd.s32 s24, v0  }
0x188: {  	s20 =	sor.u32 $0x7, s15;
	v18 =	vadd.s32 s25, v0;
	v37 =	vand.u32 $0x18, v5;
	v38 =	vor.u32 v1, v7  }
0x189: {  	s21 =	sor.u32 $0xA, s15;
	s22 =	sor.u32 $0xC, s15;
	s23 =	sor.u32 $0xD, s15;
	v5 =	vshll.u32 v5, $0x7;
	v8 =	vand.u32 $0x1F, v4;
	v17 =	vadd.s32 s20, v0  }
0x18a: {  	v19 =	vadd.s32 s21, v0;
	v21 =	vadd.s32 s22, v0;
	v22 =	vadd.s32 s23, v0  }
0x18b: {  	v12 =	vand.u32 $0x1F, v6;
	v24 =	vshll.u32 v4, $0x7;
	v4 =	vand.u32 v3, v10  }
0x18c: {  	v25 =	vand.u32 $0x1F, v9;
	v26 =	vand.u32 $0x1F, v13;
	v27 =	vand.u32 $0x1F, v14  }
0x18d: {  	v28 =	vand.u32 $0x1F, v15;
	v29 =	vand.u32 $0x1F, v16;
	v31 =	vand.u32 $0x18, v11  }
0x18e: {  	v32 =	vand.u32 $0x1F, v18;
	v40 =	vshll.u32 v11, $0x7;
	v5 =	vand.u32 $0xC00, v5  }
0x18f: {  	v62 =	vshll.u32 v6, $0x7;
	v14 =	vshll.u32 v14, $0x7;
	v15 =	vshll.u32 v15, $0x7  }
0x190: {  	s20 =	sor.u32 $0xB, s15;
	s15 =	sor.u32 $0xE, s15;
	v16 =	vshll.u32 v16, $0x7;
	v18 =	vshll.u32 v18, $0x7;
	v8 =	vor.u32 v8, v7  }
0x191: {  	v20 =	vadd.s32 s20, v0;
	v23 =	vadd.s32 s15, v0;
	v24 =	vand.u32 $0xF80, v24  }
0x192: {  	v30 =	vand.u32 $0x1F, v17;
	v33 =	vand.u32 $0x1F, v19;
	v12 =	vor.u32 v12, v7  }
0x193: {  	_ =	swait.ge [sflag:s28], $0x1000;
	s24 =	sshll.u32 s13, $0xC;
	v35 =	vand.u32 $0x1F, v21;
	v36 =	vand.u32 $0x1F, v22;
	v25 =	vor.u32 v25, v7  }
0x194: {  	[sflag:s28] =	ssyncset.done $0x0;
	s25 =	sand.u32 $0x3FFFF000, s24;
	v26 =	vor.u32 v26, v7;
	v27 =	vor.u32 v27, v7;
	v28 =	vor.u32 v28, v7  }
0x195: {  	[sflag:s28] =	ssyncadd.s32 $0xFFFFF000;
	v29 =	vor.u32 v29, v7;
	v31 =	vor.u32 v31, v38;
	s15 =	sadd.s32 $0xC800, s25;
	v32 =	vor.u32 v32, v7  }
0x196: {  	v61 =	vand.u32 $0xC00, v40;
	v17 =	vshll.u32 v17, $0x7;
	v19 =	vshll.u32 v19, $0x7;
	v41 =	vld.idx.msk [tilespmem:v8+s15+$0x0], $0xffff  }
0x197: {  	v21 =	vshll.u32 v21, $0x7;
	v22 =	vshll.u32 v22, $0x7;
	v42 =	vand.u32 $0xF80, v14;
	v11 =	vld.idx.msk [tilespmem:v12+s15+$0x0], $0xffff  }
0x198: {  	v34 =	vand.u32 $0x1F, v20;
	v39 =	vand.u32 $0x1F, v23;
	v30 =	vor.u32 v30, v7;
	v12 =	vld.idx.msk [tilespmem:v25+s15+$0x0], $0xffff  }
0x199: {  	v33 =	vor.u32 v33, v7;
	v35 =	vor.u32 v35, v7;
	v25 =	vshll.u32 v9, $0x7;
	v9 =	vld.idx.msk [tilespmem:v26+s15+$0x0], $0xffff  }
0x19a: {  	v36 =	vor.u32 v36, v7;
	v34 =	vor.u32 v34, v7;
	v39 =	vor.u32 v39, v7;
	v7 =	vld.idx.msk [tilespmem:v27+s15+$0x0], $0xffff  }
0x19b: {  	v43 =	vand.u32 $0xF80, v15;
	v44 =	vand.u32 $0xF80, v16;
	v24 =	vor.u32 v24, v4;
	v6 =	vld.idx.msk [tilespmem:v28+s15+$0x0], $0xffff  }
0x19c: {  	v20 =	vshll.u32 v20, $0x7;
	v23 =	vshll.u32 v23, $0x7;
	v27 =	vand.u32 $0x78, v10;
	v10 =	vld.idx.msk [tilespmem:v29+s15+$0x0], $0xffff  }
0x19d: {  	v45 =	vand.u32 $0xF80, v17;
	v8 =	vor.u32 v37, v38;
	v26 =	vshll.u32 v13, $0x7;
	v14 =	vld.idx.msk [tilespmem:v31+s15+$0x0], $0xffff  }
0x19e: {  	v38 =	vand.u32 $0xF80, v62;
	v16 =	vld.idx.msk [tilespmem:v32+s15+$0x0], $0xffff;
	v28 =	vand.u32 $0xF80, v18;
	v32 =	vand.u32 $0xF80, v19  }
0x19f: {  	v29 =	vand.u32 $0xF80, v20;
	v5 =	vor.u32 v27, v5;
	v13 =	vld.idx.msk [tilespmem:v30+s15+$0x0], $0xffff;
	v37 =	vor.u32 v61, v27  }
0x1a0: {  	v25 =	vand.u32 $0xF80, v25;
	v63 =	vand.u32 $0xF80, v26;
	v15 =	vld.idx.msk [tilespmem:v33+s15+$0x0], $0xffff;
	v30 =	vand.u32 $0xF80, v21  }
0x1a1: {  	v27 =	vand.u32 $0xF80, v22;
	v26 =	vand.u32 $0xF80, v23;
	v18 =	vld.idx.msk [tilespmem:v35+s15+$0x0], $0xffff;
	v23 =	vor.u32 v44, v4  }
0x1a2: {  	v22 =	vor.u32 v45, v4;
	v17 =	vld.idx.msk [tilespmem:v34+s15+$0x0], $0xffff;
	v5 =	vor.u32 v2, v5;
	v34 =	vor.u32 v38, v4  }
0x1a3: {  	s16 =	sadd.s32 $0x14800, s25;
	v19 =	vld.idx.msk [tilespmem:v36+s15+$0x0], $0xffff;
	v21 =	vor.u32 v2, v37;
	v33 =	vor.u32 v25, v4;
	v31 =	vor.u32 v63, v4  }
0x1a4: {  	s17 =	simm.s32 $0x0;
	v25 =	vor.u32 v42, v4;
	v20 =	vld.idx.msk [tilespmem:v39+s15+$0x0], $0xffff;
	[tilespmem:v24+s16+$0x0] =	vst.idx.msk $0xffff, v41;
	v24 =	vor.u32 v43, v4  }
.LBB2_17:
0x1a5: {  	s14 =	sadd.s32 $0x10, s14;
	v35 =	vld.idx.msk [tilespmem:v8+s15+$0x0], $0xffff;
	v8 =	vor.u32 v28, v4;
	v28 =	vor.u32 v32, v4;
	v29 =	vor.u32 v29, v4  }
0x1a6: {  	v30 =	vor.u32 v30, v4;
	v27 =	vor.u32 v27, v4;
	v26 =	vor.u32 v26, v4;
	s17 =	sadd.s32 $0x8, s17;
	s18 =	sand.u32 $0x10, s14;
	p0 =	slt.u32 s14, $0xF0  }
0x1a7: {  	s19 =	sand.u32 $0x70, s17;
	v32 =	vor.u32 s18, v0;
	s20 =	sor.u32 $0x1, s18;
	s21 =	sor.u32 $0xF, s18;
	[tilespmem:v34+s16+$0x0] =	vst.idx.msk $0xffff, v11  }
0x1a8: {  	v34 =	vor.u32 s19, v0;
	s19 =	sor.u32 $0x2, s18;
	s22 =	sor.u32 $0x4, s18;
	v36 =	vadd.s32 s20, v0;
	s20 =	sor.u32 $0x3, s18;
	v4 =	vadd.s32 s21, v0;
	[tilespmem:v33+s16+$0x0] =	vst.idx.msk $0xffff, v12  }
0x1a9: {  	s23 =	sor.u32 $0x7, s18;
	v11 =	vshll.u32 v34, $0x5;
	v33 =	vadd.s32 s19, v0;
	s19 =	sor.u32 $0x5, s18;
	s21 =	sor.u32 $0x6, s18;
	v12 =	vand.u32 $0x1F, v4;
	[tilespmem:v31+s16+$0x0] =	vst.idx.msk $0xffff, v9  }
0x1aa: {  	s24 =	sor.u32 $0xA, s18;
	v37 =	vadd.s32 s22, v0;
	s22 =	sor.u32 $0x9, s18;
	v31 =	vadd.s32 s20, v0;
	s20 =	sor.u32 $0x8, s18;
	v9 =	vor.u32 v12, v11;
	[tilespmem:v25+s16+$0x0] =	vst.idx.msk $0xffff, v7  }
0x1ab: {  	v38 =	vadd.s32 s23, v0;
	s23 =	sor.u32 $0xD, s18;
	v7 =	vadd.s32 s19, v0;
	v25 =	vadd.s32 s21, v0;
	s19 =	sor.u32 $0xB, s18;
	s21 =	sor.u32 $0xC, s18;
	[tilespmem:v24+s16+$0x0] =	vst.idx.msk $0xffff, v6  }
0x1ac: {  	v39 =	vadd.s32 s24, v0;
	s18 =	sor.u32 $0xE, s18;
	v6 =	vadd.s32 s20, v0;
	v24 =	vadd.s32 s22, v0;
	[tilespmem:v23+s16+$0x0] =	vst.idx.msk $0xffff, v10  }
0x1ad: {  	v40 =	vadd.s32 s23, v0;
	v10 =	vadd.s32 s19, v0;
	v23 =	vadd.s32 s21, v0;
	[tilespmem:v22+s16+$0x0] =	vst.idx.msk $0xffff, v13  }
0x1ae: {  	v12 =	vand.u32 $0x1F, v36;
	v13 =	vadd.s32 s18, v0;
	v22 =	vshll.u32 v4, $0x7;
	[tilespmem:v21+s16+$0x0] =	vst.idx.msk $0xffff, v14  }
0x1af: {  	v4 =	vand.u32 v3, v34;
	v14 =	vand.u32 $0x1F, v33;
	v21 =	vand.u32 $0xF80, v22;
	v9 =	vld.idx.msk [tilespmem:v9+s15+$0x0], $0xffff;
	[tilespmem:v8+s16+$0x0] =	vst.idx.msk $0xffff, v16  }
0x1b0: {  	v8 =	vand.u32 $0x1F, v31;
	v16 =	vand.u32 $0x1F, v37;
	v21 =	vor.u32 v21, v4;
	[tilespmem:v28+s16+$0x0] =	vst.idx.msk $0xffff, v15  }
0x1b1: {  	v22 =	vand.u32 $0x1F, v25;
	v15 =	vand.u32 $0x1F, v7;
	v28 =	vand.u32 $0x1F, v38;
	[tilespmem:v29+s16+$0x0] =	vst.idx.msk $0xffff, v17  }
0x1b2: {  	v41 =	vand.u32 $0x1F, v39;
	v17 =	vand.u32 $0x18, v6;
	v29 =	vand.u32 $0x1F, v24;
	[tilespmem:v30+s16+$0x0] =	vst.idx.msk $0xffff, v18  }
0x1b3: {  	v42 =	vand.u32 $0x1F, v40;
	v18 =	vand.u32 $0x1F, v10;
	v30 =	vand.u32 $0x1F, v23;
	[tilespmem:v27+s16+$0x0] =	vst.idx.msk $0xffff, v19  }
0x1b4: {  	v43 =	vand.u32 $0x1F, v13;
	v19 =	vand.u32 $0x18, v32;
	v27 =	vor.u32 v1, v11;
	[tilespmem:v26+s16+$0x0] =	vst.idx.msk $0xffff, v20  }
0x1b5: {  	v12 =	vor.u32 v12, v11;
	v14 =	vor.u32 v14, v11;
	v6 =	vshll.u32 v6, $0x7;
	[tilespmem:v21+s16+$0x0] =	vst.idx.msk $0xffff, v9  }
0x1b6: {  	v16 =	vor.u32 v16, v11;
	v15 =	vor.u32 v15, v11;
	v9 =	vor.u32 v8, v11  }
0x1b7: {  	v20 =	vor.u32 v22, v11;
	v17 =	vor.u32 v17, v27;
	v21 =	vor.u32 v28, v11  }
0x1b8: {  	v18 =	vor.u32 v18, v11;
	v22 =	vor.u32 v29, v11;
	v26 =	vor.u32 v41, v11  }
0x1b9: {  	v42 =	vor.u32 v42, v11;
	v43 =	vor.u32 v43, v11;
	v41 =	vor.u32 v30, v11  }
0x1ba: {  	v8 =	vor.u32 v19, v27;
	v19 =	vshll.u32 v32, $0x7;
	v27 =	vand.u32 $0xC00, v6;
	v11 =	vld.idx.msk [tilespmem:v12+s15+$0x0], $0xffff;
	[tilespmem:v5+s16+$0x0] =	vst.idx.msk $0xffff, v35  }
0x1bb: {  	v5 =	vand.u32 $0xC00, v19;
	v19 =	vshll.u32 v36, $0x7;
	v12 =	vld.idx.msk [tilespmem:v14+s15+$0x0], $0xffff;
	v14 =	vshll.u32 v33, $0x7  }
0x1bc: {  	v29 =	vshll.u32 v37, $0x7;
	v30 =	vshll.u32 v7, $0x7;
	v28 =	vshll.u32 v31, $0x7;
	v9 =	vld.idx.msk [tilespmem:v9+s15+$0x0], $0xffff  }
0x1bd: {  	v24 =	vshll.u32 v24, $0x7;
	v7 =	vld.idx.msk [tilespmem:v16+s15+$0x0], $0xffff;
	v16 =	vshll.u32 v25, $0x7;
	v25 =	vshll.u32 v38, $0x7  }
0x1be: {  	v23 =	vshll.u32 v23, $0x7;
	v31 =	vshll.u32 v39, $0x7;
	v33 =	vshll.u32 v10, $0x7;
	v6 =	vld.idx.msk [tilespmem:v15+s15+$0x0], $0xffff  }
0x1bf: {  	v15 =	vand.u32 $0x78, v34;
	v34 =	vshll.u32 v13, $0x7;
	v10 =	vld.idx.msk [tilespmem:v20+s15+$0x0], $0xffff;
	v20 =	vshll.u32 v40, $0x7  }
0x1c0: {  	v19 =	vand.u32 $0xF80, v19;
	v5 =	vor.u32 v15, v5;
	v13 =	vld.idx.msk [tilespmem:v21+s15+$0x0], $0xffff;
	v21 =	vor.u32 v27, v15  }
0x1c1: {  	v37 =	vand.u32 $0xF80, v29;
	v36 =	vand.u32 $0xF80, v28;
	v35 =	vand.u32 $0xF80, v14;
	v14 =	vld.idx.msk [tilespmem:v17+s15+$0x0], $0xffff  }
0x1c2: {  	v38 =	vand.u32 $0xF80, v30;
	v39 =	vand.u32 $0xF80, v16;
	v40 =	vand.u32 $0xF80, v25;
	v16 =	vld.idx.msk [tilespmem:v22+s15+$0x0], $0xffff  }
.Ltmp11:
0x1c3: {  	v32 =	vand.u32 $0xF80, v31;
	v28 =	vand.u32 $0xF80, v24;
	v29 =	vand.u32 $0xF80, v33;
	v15 =	vld.idx.msk [tilespmem:v26+s15+$0x0], $0xffff;
	(pc) =	sbr.rel @p0 .LBB2_17-.Ltmp11, $4  }
0x1c4: {  	v30 =	vand.u32 $0xF80, v23;
	v27 =	vand.u32 $0xF80, v20;
	v26 =	vand.u32 $0xF80, v34;
	v17 =	vld.idx.msk [tilespmem:v18+s15+$0x0], $0xffff  }
0x1c5: {  	v5 =	vor.u32 v2, v5;
	v21 =	vor.u32 v2, v21;
	v34 =	vor.u32 v19, v4;
	v18 =	vld.idx.msk [tilespmem:v41+s15+$0x0], $0xffff  }
0x1c6: {  	v31 =	vor.u32 v36, v4;
	v33 =	vor.u32 v35, v4;
	v25 =	vor.u32 v37, v4;
	v19 =	vld.idx.msk [tilespmem:v42+s15+$0x0], $0xffff  }
0x1c7: {  	v24 =	vor.u32 v38, v4;
	v23 =	vor.u32 v39, v4;
	v22 =	vor.u32 v40, v4;
	v20 =	vld.idx.msk [tilespmem:v43+s15+$0x0], $0xffff  }
0x1c8: {  	_ =	sdelay $0x3  }
0x1c9: {  	[tilespmem:v34+s16+$0x0] =	vst.idx.msk $0xffff, v11  }
0x1ca: {  	[tilespmem:v33+s16+$0x0] =	vst.idx.msk $0xffff, v12  }
0x1cb: {  	[tilespmem:v31+s16+$0x0] =	vst.idx.msk $0xffff, v9  }
0x1cc: {  	v59 =	vor.u32 v28, v4;
	[tilespmem:v25+s16+$0x0] =	vst.idx.msk $0xffff, v7  }
0x1cd: {  	v60 =	vor.u32 v32, v4;
	[tilespmem:v24+s16+$0x0] =	vst.idx.msk $0xffff, v6  }
0x1ce: {  	v61 =	vor.u32 v29, v4;
	[tilespmem:v23+s16+$0x0] =	vst.idx.msk $0xffff, v10  }
0x1cf: {  	v62 =	vor.u32 v30, v4;
	[tilespmem:v22+s16+$0x0] =	vst.idx.msk $0xffff, v13  }
0x1d0: {  	v63 =	vor.u32 v27, v4;
	[tilespmem:v21+s16+$0x0] =	vst.idx.msk $0xffff, v14  }
0x1d1: {  	v4 =	vor.u32 v26, v4;
	s13 =	sadd.s32 $0x1, s13;
	[tilespmem:v59+s16+$0x0] =	vst.idx.msk $0xffff, v16  }
0x1d2: {  	v8 =	vld.idx.msk [tilespmem:v8+s15+$0x0], $0xffff;
	p0 =	sne.s32 s13, $0x4;
	[tilespmem:v60+s16+$0x0] =	vst.idx.msk $0xffff, v15  }
.Ltmp12:
0x1d3: {  	[tilespmem:v61+s16+$0x0] =	vst.idx.msk $0xffff, v17;
	(pc) =	sbr.rel @p0 .LBB2_16-.Ltmp12, $4  }
0x1d4: {  	[tilespmem:v62+s16+$0x0] =	vst.idx.msk $0xffff, v18  }
0x1d5: {  	[tilespmem:v63+s16+$0x0] =	vst.idx.msk $0xffff, v19  }
0x1d6: {  	[tilespmem:v4+s16+$0x0] =	vst.idx.msk $0xffff, v20  }
0x1d7: {  	[tilespmem:v5+s16+$0x0] =	vst.idx.msk $0xffff, v8  }
.Ltmp13:
0x1d8: {  	(pc) =	sbr.rel .LBB2_20-.Ltmp13, $3  }
0x1d9: {  	_ =	sdelay $0x1  }
0x1da: {  	s4 =	sadd.s32 s4, s9  }
0x1db: {  	[hbm4b:s4+s29] =	stream.strided.scatter [tilespmem:s0], [sflag:$0x2], $0x4000, s30, s29, $0x38;
	[tilespmem:$0x18800] =	vst v63  }
.LBB2_22:
0x1dc: {  	_ =	sfence.sel $0x180000  }
0x1dd: {  	[bflag:$0x0] =	sbarrier.arrive $0xFFFF  }
0x1de: {  	_ =	strace $0x9000004A  }
0x1df: {  	s0 =	stileid.u32;
	[bflag:$0x2] =	sbarrier.arrive $0xFFFF  }
0x1e0: {  	p0 =	sne.s32 s0, $0x0;
	s0 =	rddreg [dreg:$0x3]  }
0x1e1: {  	s0 =	sadd.s32 @!p0 $0x100000, s0  }
0x1e2: {  	[sflag:s0] =	ssyncadd.tile.s32 @!p0 $0x1;
	_ =	shalt  }
.Lfunc_end2:
_tile_overlayer_lowered:
.L_overlay_start_2:
0x1e3: {  	(tag) =	ssettag $0x2  }
0x1e4: {  	s0 =	rddreg [dreg:$0x0];
	s2 =	stileid.u32  }
0x1e5: {  	s1 =	rddreg [dreg:$0x1];
	p0 =	sne.s32 s2, $0x0  }
0x1e6: {  	s3 =	rddreg [dreg:$0x2];
	[bflag:$0x3] =	sbarrier.arrive $0xFFFF;
	s2 =	simm.s32 @!p0 $0x1C03  }
0x1e7: {  	[timem:s3], [sflag:s2] =	dma.local @!p0 [hbm:s0], s1  }
0x1e8: {  	s0 =	simm.s32 @!p0 $0x3  }
0x1e9: {  	_ =	swait.ge @!p0 [sflag:s0], s1  }
0x1ea: {  	s1 =	ssub.s32 @!p0 $0x0, s1;
	[sflag:s0] =	ssyncset.done @!p0 $0x0  }
0x1eb: {  	[sflag:s0] =	ssyncadd.s32 @!p0 s1  }
0x1ec: {  	[bflag:$0x3] =	sbarrier.arrive $0xFFFF  }
0x1ed: {  	_ =	shalt  }

</sc_bundles>
